<compile_context>
chip_gen: v7x
topology: tpu7x:2x2x1
jax: 0.10.2.dev20260603
libtpu: 0.0.44.dev20260713+nightly
codegen_flags: <defaults>
</compile_context>

<pallas_src>
import functools

import jax
import jax.numpy as jnp
from jax import lax
from jax.experimental import pallas as pl
from jax.experimental.pallas import tpu as pltpu
from jax.experimental.pallas import tpu_sc as plsc

KP_EXTENT = 1.2
KS = 15
CIN = 128
COUT = 128
K = 32
N = 10000
NE = N * K

_CHUNK = 80
_NB = 400
_GB = 8


def _sc_gather(idx, feats, px, py, pz, ne_part):
    info = plsc.get_sparse_core_info()
    nw = info.num_cores * info.num_subcores
    per_w = ne_part // nw
    steps = per_w // _CHUNK
    grps = _CHUNK // 16
    mesh = plsc.VectorSubcoreMesh(core_axis_name="c", subcore_axis_name="s")

    @functools.partial(
        pl.kernel,
        mesh=mesh,
        out_type=(
            jax.ShapeDtypeStruct((ne_part, CIN), jnp.float32),
            jax.ShapeDtypeStruct((ne_part,), jnp.float32),
            jax.ShapeDtypeStruct((ne_part,), jnp.float32),
            jax.ShapeDtypeStruct((ne_part,), jnp.float32),
        ),
        scratch_types=[
            pltpu.VMEM((2, _CHUNK), jnp.int32),
            pltpu.VMEM((2 * _CHUNK, CIN), jnp.float32),
            pltpu.VMEM((2, _CHUNK), jnp.float32),
            pltpu.VMEM((2, _CHUNK), jnp.float32),
            pltpu.VMEM((2, _CHUNK), jnp.float32),
            pltpu.SemaphoreType.DMA,
            pltpu.SemaphoreType.DMA,
            pltpu.SemaphoreType.DMA,
            pltpu.SemaphoreType.DMA,
            pltpu.SemaphoreType.DMA,
            pltpu.SemaphoreType.DMA,
            pltpu.SemaphoreType.DMA,
            pltpu.SemaphoreType.DMA,
        ],
    )
    def gather_k(idx_hbm, feat_hbm, px_hbm, py_hbm, pz_hbm,
                 gf_hbm, nx_hbm, ny_hbm, nz_hbm,
                 idx_v, rows_v, nx_v, ny_v, nz_v, *sems):
        wid = lax.axis_index("s") * info.num_cores + lax.axis_index("c")

        def bufs(b):
            return (idx_v.at[b], rows_v.at[pl.ds(b * _CHUNK, _CHUNK)],
                    nx_v.at[b], ny_v.at[b], nz_v.at[b],
                    sems[4 * b], sems[4 * b + 1], sems[4 * b + 2],
                    sems[4 * b + 3])

        def issue(b, c):
            iv, rv, xv, yv, zv, s0, s1, s2, s3 = bufs(b)
            base = wid * per_w + c * _CHUNK
            pltpu.sync_copy(idx_hbm.at[pl.ds(base, _CHUNK)], iv)
            pltpu.async_copy(feat_hbm.at[iv], rv, s0)
            pltpu.async_copy(px_hbm.at[iv], xv, s1)
            pltpu.async_copy(py_hbm.at[iv], yv, s2)
            pltpu.async_copy(pz_hbm.at[iv], zv, s3)

        def drain(b, c):
            iv, rv, xv, yv, zv, s0, s1, s2, s3 = bufs(b)
            base = wid * per_w + c * _CHUNK
            pltpu.make_async_copy(feat_hbm.at[iv], rv, s0).wait()
            pltpu.make_async_copy(px_hbm.at[iv], xv, s1).wait()
            pltpu.make_async_copy(py_hbm.at[iv], yv, s2).wait()
            pltpu.make_async_copy(pz_hbm.at[iv], zv, s3).wait()
            pltpu.sync_copy(rv, gf_hbm.at[pl.ds(base, _CHUNK)])
            pltpu.sync_copy(xv, nx_hbm.at[pl.ds(base, _CHUNK)])
            pltpu.sync_copy(yv, ny_hbm.at[pl.ds(base, _CHUNK)])
            pltpu.sync_copy(zv, nz_hbm.at[pl.ds(base, _CHUNK)])

        issue(0, 0)

        def body(g, carry):
            issue(1, 2 * g + 1)
            drain(0, 2 * g)
            issue(0, 2 * g + 2)
            drain(1, 2 * g + 1)
            return carry

        lax.fori_loop(0, (steps - 1) // 2, body, 0)
        if steps % 2 == 1:
            drain(0, steps - 1)
        else:
            drain(0, steps - 2)
            issue(1, steps - 1)
            drain(1, steps - 1)

    return gather_k(idx, feats, px, py, pz)


def _conv_body(gf_ref, n3_ref, q3_ref, ct_ref, w_ref, o_ref):
    gf = gf_ref[...]
    ct = ct_ref[...]
    e3 = n3_ref[...] - q3_ref[...]
    dot = jnp.dot(ct, e3, preferred_element_type=jnp.float32)
    en = jnp.sum(e3 * e3, axis=0, keepdims=True)
    cn = jnp.sum(ct * ct, axis=1, keepdims=True)
    d2 = en - 2.0 * dot + cn
    mmask = (lax.broadcasted_iota(jnp.int32, (16, 1), 0) < KS).astype(
        jnp.float32)
    wgt = jnp.maximum(
        1.0 - jnp.sqrt(jnp.maximum(d2, 0.0)) * (1.0 / KP_EXTENT),
        0.0) * mmask
    ew = _GB * K
    bd = (lax.broadcasted_iota(jnp.int32, (16 * _GB, ew), 0) % _GB
          == lax.broadcasted_iota(jnp.int32, (16 * _GB, ew), 1) // K
          ).astype(jnp.float32)
    rep = (lax.broadcasted_iota(jnp.int32, (16 * _GB, 16), 0) // _GB
           == lax.broadcasted_iota(jnp.int32, (16 * _GB, 16), 1)
           ).astype(jnp.float32)
    parts = []
    for g in range(_NB // _GB):
        ws = wgt[:, g * ew:(g + 1) * ew]
        lhs = jnp.dot(rep, ws,
                      preferred_element_type=jnp.float32) * bd
        parts.append(jnp.dot(lhs, gf[g * ew:(g + 1) * ew, :],
                             preferred_element_type=jnp.float32))
    r4 = jnp.concatenate(parts, axis=0).reshape(_NB // _GB, 16, _GB, CIN)
    acc = jnp.zeros((_NB, COUT), jnp.float32)
    for m in range(KS):
        am = r4[:, m].reshape(_NB, CIN)
        acc = acc + jnp.dot(am, w_ref[m], preferred_element_type=jnp.float32)
    o_ref[...] = acc


def _bn_body(x_ref, g_ref, b_ref, o_ref):
    xv = x_ref[...]
    mu = jnp.mean(xv, axis=0, keepdims=True)
    xc = xv - mu
    var = jnp.mean(xc * xc, axis=0, keepdims=True)
    y = xc * lax.rsqrt(var + 1e-5) * g_ref[...] + b_ref[...]
    o_ref[...] = jnp.maximum(y, 0.0)


def _tc_conv(G, N3, Q3, Ct, W):
    npts = G.shape[0] // K
    return pl.pallas_call(
        _conv_body,
        grid=(npts // _NB,),
        in_specs=[
            pl.BlockSpec((_NB * K, CIN), lambda i: (i, 0)),
            pl.BlockSpec((3, _NB * K), lambda i: (0, i)),
            pl.BlockSpec((3, _NB * K), lambda i: (0, i)),
            pl.BlockSpec((16, 3), lambda i: (0, 0)),
            pl.BlockSpec((KS, CIN, COUT), lambda i: (0, 0, 0)),
        ],
        out_specs=pl.BlockSpec((_NB, COUT), lambda i: (i, 0)),
        out_shape=jax.ShapeDtypeStruct((npts, COUT), jnp.float32),
    )(G, N3, Q3, Ct, W)


def _tc_bn(x1, gamma, beta):
    return pl.pallas_call(
        _bn_body,
        out_shape=jax.ShapeDtypeStruct((N, COUT), jnp.float32),
    )(x1, gamma, beta)


def kernel(x, pxyz, pknn, kernel_points, weights, gamma, beta):
    feats = x[0, :, 0, :].T
    p = pxyz[0]
    idx = pknn[0].reshape(-1).astype(jnp.int32)
    Q3 = jnp.repeat(p.T, K, axis=1)
    ct = jnp.pad(kernel_points, ((0, 1), (0, 0)))
    e_cut = 192000
    px_, py_, pz_ = p[:, 0], p[:, 1], p[:, 2]
    parts = []
    for lo, hi in ((0, e_cut), (e_cut, NE)):
        G, nx, ny, nz = _sc_gather(idx[lo:hi], feats, px_, py_, pz_, hi - lo)
        N3 = jnp.concatenate([nx[None, :], ny[None, :], nz[None, :]], axis=0)
        parts.append(_tc_conv(G, N3, Q3[:, lo:hi], ct, weights))
    x1 = jnp.concatenate(parts, axis=0)
    y = _tc_bn(x1, gamma[None, :], beta[None, :])
    return y.T.reshape(1, COUT, 1, N)

# --- scband reference (transcript-rebuilt; emitter-appended) ---
"""Pipeline reference for scband-kpclassifier-2516850835757 (READ-ONLY COPY).

The authoritative reference and input builder live on the scoring server;
editing this copy changes nothing except your own understanding.
"""

import jax, jax.numpy as jnp
import numpy as np

KP_EXTENT = 1.2
RADIUS = 0.6
KERNEL_SIZE = 15
C_IN = 128
C_OUT = 128


def setup_inputs(seed: int = 0) -> dict:
    key = jax.random.key(seed)
    ks = jax.random.split(key, 6)
    B, N, K = 1, 10000, 32
    x = jax.random.normal(ks[0], (B, C_IN, 1, N), dtype=jnp.float32)
    pxyz = jax.random.normal(ks[1], (B, N, 3), dtype=jnp.float32) * RADIUS
    pknn = jax.random.randint(ks[2], (B, N, K), 0, N)
    # fixed (non-trainable) kernel point dispositions within the kernel radius
    kernel_points = jax.random.normal(ks[3], (KERNEL_SIZE, 3), dtype=jnp.float32) * (RADIUS / 2.0)
    # learned KPConv weights [kernel_size, in_channels, out_channels]
    weights = jax.random.normal(ks[4], (KERNEL_SIZE, C_IN, C_OUT), dtype=jnp.float32) * (1.0 / np.sqrt(C_IN))
    gamma = jnp.ones((C_OUT,), dtype=jnp.float32)
    beta = jnp.zeros((C_OUT,), dtype=jnp.float32)
    return {"x": x, "pxyz": pxyz, "pknn": pknn, "kernel_points": kernel_points,
            "weights": weights, "gamma": gamma, "beta": beta}


def _kpconv(q_pts, s_pts_in, neighb_inds, feats, kernel_points, weights):
    # Add a fake far-away point for shadow neighbors
    s_pts = jnp.concatenate([s_pts_in, jnp.full((1, 3), 1e6, dtype=s_pts_in.dtype)], axis=0)
    neighbors = s_pts[neighb_inds]                       # [N, K, 3]
    neighbors = neighbors - q_pts[:, None, :]            # center neighborhoods
    differences = neighbors[:, :, None, :] - kernel_points[None, None, :, :]  # [N, K, 15, 3]
    sq_distances = jnp.sum(differences ** 2, axis=3)     # [N, K, 15]
    # linear influence
    all_weights = jnp.clip(1.0 - jnp.sqrt(sq_distances) / KP_EXTENT, 0.0, None)
    all_weights = jnp.transpose(all_weights, (0, 2, 1))  # [N, 15, K]
    # zero feature for shadow neighbors
    xpad = jnp.concatenate([feats, jnp.zeros((1, feats.shape[1]), dtype=feats.dtype)], axis=0)
    neighb_x = xpad[neighb_inds]                         # [N, K, C_in]
    weighted_features = jnp.matmul(all_weights, neighb_x)        # [N, 15, C_in]
    weighted_features = jnp.transpose(weighted_features, (1, 0, 2))  # [15, N, C_in]
    kernel_outputs = jnp.matmul(weighted_features, weights)      # [15, N, C_out]
    return jnp.sum(kernel_outputs, axis=0)               # [N, C_out]


def reference(x, pxyz, pknn, kernel_points, weights, gamma, beta):
    B = x.shape[0]
    res = []
    for i in range(B):
        points = pxyz[i]
        feats = jnp.squeeze(jnp.transpose(x[i], (2, 1, 0)), axis=1)  # [N, C_in]
        out = _kpconv(points, points, pknn[i], feats, kernel_points, weights)
        res.append(jnp.transpose(out, (1, 0))[None, :, None, :])    # [1, C_out, 1, N]
    res = jnp.concatenate(res, axis=0)                   # [B, C_out, 1, N]
    # BatchNorm2d (training mode: batch statistics) + ReLU
    mean = jnp.mean(res, axis=(0, 2, 3), keepdims=True)
    var = jnp.var(res, axis=(0, 2, 3), keepdims=True)
    res = (res - mean) / jnp.sqrt(var + 1e-5)
    res = res * gamma[None, :, None, None] + beta[None, :, None, None]
    return jax.nn.relu(res)

if __name__ == "__main__":
    import jax
    _d = setup_inputs()
    print(jax.jit(kernel)(*tuple(_d.values())))

</pallas_src>

<mosaic_0001>
#map = affine_map<(d0, d1) -> (0)>
#map1 = affine_map<(d0, d1) -> (0, 0)>
module attributes {stable_mosaic.version = 14 : i64} {
  func.func @gather_k(%arg0: i32, %arg1: i32, %arg2: memref<192000xi32, #tpu.memory_space<hbm>>, %arg3: memref<10000x128xf32, #tpu.memory_space<hbm>>, %arg4: memref<10000xf32, #tpu.memory_space<hbm>>, %arg5: memref<10000xf32, #tpu.memory_space<hbm>>, %arg6: memref<10000xf32, #tpu.memory_space<hbm>>, %arg7: memref<192000x128xf32, #tpu.memory_space<hbm>>, %arg8: memref<192000xf32, #tpu.memory_space<hbm>>, %arg9: memref<192000xf32, #tpu.memory_space<hbm>>, %arg10: memref<192000xf32, #tpu.memory_space<hbm>>, %arg11: memref<2x80xi32, #tpu.memory_space<vmem>>, %arg12: memref<160x128xf32, #tpu.memory_space<vmem>>, %arg13: memref<2x80xf32, #tpu.memory_space<vmem>>, %arg14: memref<2x80xf32, #tpu.memory_space<vmem>>, %arg15: memref<2x80xf32, #tpu.memory_space<vmem>>, %arg16: memref<!tpu.dma_semaphore, #tpu.memory_space<semaphore_mem>>, %arg17: memref<!tpu.dma_semaphore, #tpu.memory_space<semaphore_mem>>, %arg18: memref<!tpu.dma_semaphore, #tpu.memory_space<semaphore_mem>>, %arg19: memref<!tpu.dma_semaphore, #tpu.memory_space<semaphore_mem>>, %arg20: memref<!tpu.dma_semaphore, #tpu.memory_space<semaphore_mem>>, %arg21: memref<!tpu.dma_semaphore, #tpu.memory_space<semaphore_mem>>, %arg22: memref<!tpu.dma_semaphore, #tpu.memory_space<semaphore_mem>>, %arg23: memref<!tpu.dma_semaphore, #tpu.memory_space<semaphore_mem>>) attributes {dimension_semantics = [#tpu.dimension_semantics<core_parallel>, #tpu.dimension_semantics<subcore_parallel>], iteration_bounds = array<i64: 2, 16>, scalar_prefetch = 0 : i64, scratch_operands = 13 : i64, tpu.core_type = #tpu.core_type<sc_vector_subcore>, window_params = [{transform_indices = #map}, {transform_indices = #map1}, {transform_indices = #map}, {transform_indices = #map}, {transform_indices = #map}, {transform_indices = #map1}, {transform_indices = #map}, {transform_indices = #map}, {transform_indices = #map}]} {
    %mul3A = arith.constant 2 : i32
    %mul3A_0 = arith.muli %arg1, %mul3A : i32
    %add3A = arith.addi %mul3A_0, %arg0 : i32
    %mul3A_1 = arith.constant 6000 : i32
    %mul3A_2 = arith.muli %add3A, %mul3A_1 : i32
    %add3A_3 = arith.constant 0 : i32
    %add3A_4 = arith.addi %mul3A_2, %add3A_3 : i32
    %run_scoped3A = arith.constant 0 : i32
    "tpu.region"() ({
      %run_scoped3A_95 = tpu.sem_alloc : memref<!tpu.dma_semaphore, #tpu.memory_space<semaphore_mem>>
      %dma_start3A_96 = arith.constant 0 : i32
      %dma_start3A_97 = tpu.memref_slice %arg11[%run_scoped3A, %dma_start3A_96] : memref<2x80xi32, #tpu.memory_space<vmem>> -> memref<1x80xi32, #tpu.memory_space<vmem>>
      %dma_start3A_98 = tpu.memref_squeeze %dma_start3A_97 : memref<1x80xi32, #tpu.memory_space<vmem>> -> memref<80xi32, #tpu.memory_space<vmem>>
      %dma_start3A_99 = tpu.memref_slice %arg2[%add3A_4] : memref<192000xi32, #tpu.memory_space<hbm>> -> memref<80xi32, #tpu.memory_space<hbm>>
      %dma_start3A_100 = arith.constant 0 : i32
      %dma_start3A_101 = tpu.memref_slice %arg11[%run_scoped3A, %dma_start3A_100] : memref<2x80xi32, #tpu.memory_space<vmem>> -> memref<1x80xi32, #tpu.memory_space<vmem>>
      %dma_start3A_102 = tpu.memref_squeeze %dma_start3A_101 : memref<1x80xi32, #tpu.memory_space<vmem>> -> memref<80xi32, #tpu.memory_space<vmem>>
      %dma_start3A_103 = tpu.memref_slice %arg2[%add3A_4] : memref<192000xi32, #tpu.memory_space<hbm>> -> memref<80xi32, #tpu.memory_space<hbm>>
      tpu.enqueue_dma source(%dma_start3A_103 : memref<80xi32, #tpu.memory_space<hbm>>) target(%dma_start3A_102 : memref<80xi32, #tpu.memory_space<vmem>>) target_semaphore(%run_scoped3A_95 : memref<!tpu.dma_semaphore, #tpu.memory_space<semaphore_mem>>)
      %dma_wait3A_104 = arith.constant 0 : i32
      %dma_wait3A_105 = tpu.memref_slice %arg11[%run_scoped3A, %dma_wait3A_104] : memref<2x80xi32, #tpu.memory_space<vmem>> -> memref<1x80xi32, #tpu.memory_space<vmem>>
      %dma_wait3A_106 = tpu.memref_squeeze %dma_wait3A_105 : memref<1x80xi32, #tpu.memory_space<vmem>> -> memref<80xi32, #tpu.memory_space<vmem>>
      %dma_wait3A_107 = tpu.memref_slice %arg2[%add3A_4] : memref<192000xi32, #tpu.memory_space<hbm>> -> memref<80xi32, #tpu.memory_space<hbm>>
      %dma_wait3A_108 = arith.constant 0 : i32
      %dma_wait3A_109 = tpu.memref_slice %arg11[%run_scoped3A, %dma_wait3A_108] : memref<2x80xi32, #tpu.memory_space<vmem>> -> memref<1x80xi32, #tpu.memory_space<vmem>>
      %dma_wait3A_110 = tpu.memref_squeeze %dma_wait3A_109 : memref<1x80xi32, #tpu.memory_space<vmem>> -> memref<80xi32, #tpu.memory_space<vmem>>
      %dma_wait3A_111 = tpu.memref_slice %arg2[%add3A_4] : memref<192000xi32, #tpu.memory_space<hbm>> -> memref<80xi32, #tpu.memory_space<hbm>>
      tpu.wait_dma2 semaphore(%run_scoped3A_95 : memref<!tpu.dma_semaphore, #tpu.memory_space<semaphore_mem>>) src(%dma_wait3A_111 : memref<80xi32, #tpu.memory_space<hbm>>) dst(%dma_wait3A_110 : memref<80xi32, #tpu.memory_space<vmem>>)
      tpu.yield
    }) : () -> ()
    %dma_start3A = arith.constant 0 : i32
    %dma_start3A_5 = arith.constant 0 : i32
    %dma_start3A_6 = arith.constant 0 : i32
    %dma_start3A_7 = tpu.memref_slice %arg12[%dma_start3A_5, %dma_start3A_6] : memref<160x128xf32, #tpu.memory_space<vmem>> -> memref<80x128xf32, #tpu.memory_space<vmem>>
    %dma_start3A_8 = arith.constant 0 : i32
    %dma_start3A_9 = tpu.memref_slice %arg11[%dma_start3A, %dma_start3A_8] : memref<2x80xi32, #tpu.memory_space<vmem>> -> memref<1x80xi32, #tpu.memory_space<vmem>>
    %dma_start3A_10 = tpu.memref_squeeze %dma_start3A_9 : memref<1x80xi32, #tpu.memory_space<vmem>> -> memref<80xi32, #tpu.memory_space<vmem>>
    %dma_start3A_11 = arith.constant 0 : i32
    %dma_start3A_12 = arith.constant 0 : i32
    %dma_start3A_13 = tpu.memref_slice %arg3[%dma_start3A_11, %dma_start3A_12] : memref<10000x128xf32, #tpu.memory_space<hbm>> -> memref<10000x128xf32, #tpu.memory_space<hbm>>
    tpu.enqueue_indirect_dma source(%dma_start3A_13 : memref<10000x128xf32, #tpu.memory_space<hbm>>) target(%dma_start3A_7 : memref<80x128xf32, #tpu.memory_space<vmem>>) offsets(%dma_start3A_10 : memref<80xi32, #tpu.memory_space<vmem>>) semaphore(%arg16 : memref<!tpu.dma_semaphore, #tpu.memory_space<semaphore_mem>>)
    %dma_start3A_14 = arith.constant 0 : i32
    %dma_start3A_15 = arith.constant 0 : i32
    %dma_start3A_16 = arith.constant 0 : i32
    %dma_start3A_17 = tpu.memref_slice %arg13[%dma_start3A_15, %dma_start3A_16] : memref<2x80xf32, #tpu.memory_space<vmem>> -> memref<1x80xf32, #tpu.memory_space<vmem>>
    %dma_start3A_18 = tpu.memref_squeeze %dma_start3A_17 : memref<1x80xf32, #tpu.memory_space<vmem>> -> memref<80xf32, #tpu.memory_space<vmem>>
    %dma_start3A_19 = arith.constant 0 : i32
    %dma_start3A_20 = tpu.memref_slice %arg11[%dma_start3A_14, %dma_start3A_19] : memref<2x80xi32, #tpu.memory_space<vmem>> -> memref<1x80xi32, #tpu.memory_space<vmem>>
    %dma_start3A_21 = tpu.memref_squeeze %dma_start3A_20 : memref<1x80xi32, #tpu.memory_space<vmem>> -> memref<80xi32, #tpu.memory_space<vmem>>
    %dma_start3A_22 = arith.constant 0 : i32
    %dma_start3A_23 = tpu.memref_slice %arg4[%dma_start3A_22] : memref<10000xf32, #tpu.memory_space<hbm>> -> memref<10000xf32, #tpu.memory_space<hbm>>
    tpu.enqueue_indirect_dma source(%dma_start3A_23 : memref<10000xf32, #tpu.memory_space<hbm>>) target(%dma_start3A_18 : memref<80xf32, #tpu.memory_space<vmem>>) offsets(%dma_start3A_21 : memref<80xi32, #tpu.memory_space<vmem>>) semaphore(%arg17 : memref<!tpu.dma_semaphore, #tpu.memory_space<semaphore_mem>>)
    %dma_start3A_24 = arith.constant 0 : i32
    %dma_start3A_25 = arith.constant 0 : i32
    %dma_start3A_26 = arith.constant 0 : i32
    %dma_start3A_27 = tpu.memref_slice %arg14[%dma_start3A_25, %dma_start3A_26] : memref<2x80xf32, #tpu.memory_space<vmem>> -> memref<1x80xf32, #tpu.memory_space<vmem>>
    %dma_start3A_28 = tpu.memref_squeeze %dma_start3A_27 : memref<1x80xf32, #tpu.memory_space<vmem>> -> memref<80xf32, #tpu.memory_space<vmem>>
    %dma_start3A_29 = arith.constant 0 : i32
    %dma_start3A_30 = tpu.memref_slice %arg11[%dma_start3A_24, %dma_start3A_29] : memref<2x80xi32, #tpu.memory_space<vmem>> -> memref<1x80xi32, #tpu.memory_space<vmem>>
    %dma_start3A_31 = tpu.memref_squeeze %dma_start3A_30 : memref<1x80xi32, #tpu.memory_space<vmem>> -> memref<80xi32, #tpu.memory_space<vmem>>
    %dma_start3A_32 = arith.constant 0 : i32
    %dma_start3A_33 = tpu.memref_slice %arg5[%dma_start3A_32] : memref<10000xf32, #tpu.memory_space<hbm>> -> memref<10000xf32, #tpu.memory_space<hbm>>
    tpu.enqueue_indirect_dma source(%dma_start3A_33 : memref<10000xf32, #tpu.memory_space<hbm>>) target(%dma_start3A_28 : memref<80xf32, #tpu.memory_space<vmem>>) offsets(%dma_start3A_31 : memref<80xi32, #tpu.memory_space<vmem>>) semaphore(%arg18 : memref<!tpu.dma_semaphore, #tpu.memory_space<semaphore_mem>>)
    %dma_start3A_34 = arith.constant 0 : i32
    %dma_start3A_35 = arith.constant 0 : i32
    %dma_start3A_36 = arith.constant 0 : i32
    %dma_start3A_37 = tpu.memref_slice %arg15[%dma_start3A_35, %dma_start3A_36] : memref<2x80xf32, #tpu.memory_space<vmem>> -> memref<1x80xf32, #tpu.memory_space<vmem>>
    %dma_start3A_38 = tpu.memref_squeeze %dma_start3A_37 : memref<1x80xf32, #tpu.memory_space<vmem>> -> memref<80xf32, #tpu.memory_space<vmem>>
    %dma_start3A_39 = arith.constant 0 : i32
    %dma_start3A_40 = tpu.memref_slice %arg11[%dma_start3A_34, %dma_start3A_39] : memref<2x80xi32, #tpu.memory_space<vmem>> -> memref<1x80xi32, #tpu.memory_space<vmem>>
    %dma_start3A_41 = tpu.memref_squeeze %dma_start3A_40 : memref<1x80xi32, #tpu.memory_space<vmem>> -> memref<80xi32, #tpu.memory_space<vmem>>
    %dma_start3A_42 = arith.constant 0 : i32
    %dma_start3A_43 = tpu.memref_slice %arg6[%dma_start3A_42] : memref<10000xf32, #tpu.memory_space<hbm>> -> memref<10000xf32, #tpu.memory_space<hbm>>
    tpu.enqueue_indirect_dma source(%dma_start3A_43 : memref<10000xf32, #tpu.memory_space<hbm>>) target(%dma_start3A_38 : memref<80xf32, #tpu.memory_space<vmem>>) offsets(%dma_start3A_41 : memref<80xi32, #tpu.memory_space<vmem>>) semaphore(%arg19 : memref<!tpu.dma_semaphore, #tpu.memory_space<semaphore_mem>>)
    %scan3A = arith.constant 0 : i32
    %scan3A_44 = arith.constant 0 : i32
    %scan3A_45 = arith.constant 37 : i32
    %scan3A_46 = arith.addi %scan3A_44, %scan3A_45 : i32
    %scan3A_47 = arith.constant 1 : i32
    scf.for %scan3A_95 = %scan3A_44 to %scan3A_46 step %scan3A_47  : i32 {
      %mul3A_96 = arith.constant 2 : i32
      %mul3A_97 = arith.muli %mul3A_96, %scan3A_95 : i32
      %add3A_98 = arith.constant 1 : i32
      %add3A_99 = arith.addi %mul3A_97, %add3A_98 : i32
      %mul3A_100 = arith.constant 6000 : i32
      %mul3A_101 = arith.muli %add3A, %mul3A_100 : i32
      %mul3A_102 = arith.constant 80 : i32
      %mul3A_103 = arith.muli %add3A_99, %mul3A_102 : i32
      %add3A_104 = arith.addi %mul3A_101, %mul3A_103 : i32
      %run_scoped3A_105 = arith.constant 1 : i32
      "tpu.region"() ({
        %run_scoped3A_298 = tpu.sem_alloc : memref<!tpu.dma_semaphore, #tpu.memory_space<semaphore_mem>>
        %dma_start3A_299 = arith.constant 0 : i32
        %dma_start3A_300 = tpu.memref_slice %arg11[%run_scoped3A_105, %dma_start3A_299] : memref<2x80xi32, #tpu.memory_space<vmem>> -> memref<1x80xi32, #tpu.memory_space<vmem>>
        %dma_start3A_301 = tpu.memref_squeeze %dma_start3A_300 : memref<1x80xi32, #tpu.memory_space<vmem>> -> memref<80xi32, #tpu.memory_space<vmem>>
        %dma_start3A_302 = tpu.memref_slice %arg2[%add3A_104] : memref<192000xi32, #tpu.memory_space<hbm>> -> memref<80xi32, #tpu.memory_space<hbm>>
        %dma_start3A_303 = arith.constant 0 : i32
        %dma_start3A_304 = tpu.memref_slice %arg11[%run_scoped3A_105, %dma_start3A_303] : memref<2x80xi32, #tpu.memory_space<vmem>> -> memref<1x80xi32, #tpu.memory_space<vmem>>
        %dma_start3A_305 = tpu.memref_squeeze %dma_start3A_304 : memref<1x80xi32, #tpu.memory_space<vmem>> -> memref<80xi32, #tpu.memory_space<vmem>>
        %dma_start3A_306 = tpu.memref_slice %arg2[%add3A_104] : memref<192000xi32, #tpu.memory_space<hbm>> -> memref<80xi32, #tpu.memory_space<hbm>>
        tpu.enqueue_dma source(%dma_start3A_306 : memref<80xi32, #tpu.memory_space<hbm>>) target(%dma_start3A_305 : memref<80xi32, #tpu.memory_space<vmem>>) target_semaphore(%run_scoped3A_298 : memref<!tpu.dma_semaphore, #tpu.memory_space<semaphore_mem>>)
        %dma_wait3A_307 = arith.constant 0 : i32
        %dma_wait3A_308 = tpu.memref_slice %arg11[%run_scoped3A_105, %dma_wait3A_307] : memref<2x80xi32, #tpu.memory_space<vmem>> -> memref<1x80xi32, #tpu.memory_space<vmem>>
        %dma_wait3A_309 = tpu.memref_squeeze %dma_wait3A_308 : memref<1x80xi32, #tpu.memory_space<vmem>> -> memref<80xi32, #tpu.memory_space<vmem>>
        %dma_wait3A_310 = tpu.memref_slice %arg2[%add3A_104] : memref<192000xi32, #tpu.memory_space<hbm>> -> memref<80xi32, #tpu.memory_space<hbm>>
        %dma_wait3A_311 = arith.constant 0 : i32
        %dma_wait3A_312 = tpu.memref_slice %arg11[%run_scoped3A_105, %dma_wait3A_311] : memref<2x80xi32, #tpu.memory_space<vmem>> -> memref<1x80xi32, #tpu.memory_space<vmem>>
        %dma_wait3A_313 = tpu.memref_squeeze %dma_wait3A_312 : memref<1x80xi32, #tpu.memory_space<vmem>> -> memref<80xi32, #tpu.memory_space<vmem>>
        %dma_wait3A_314 = tpu.memref_slice %arg2[%add3A_104] : memref<192000xi32, #tpu.memory_space<hbm>> -> memref<80xi32, #tpu.memory_space<hbm>>
        tpu.wait_dma2 semaphore(%run_scoped3A_298 : memref<!tpu.dma_semaphore, #tpu.memory_space<semaphore_mem>>) src(%dma_wait3A_314 : memref<80xi32, #tpu.memory_space<hbm>>) dst(%dma_wait3A_313 : memref<80xi32, #tpu.memory_space<vmem>>)
        tpu.yield
      }) : () -> ()
      %dma_start3A_106 = arith.constant 1 : i32
      %dma_start3A_107 = arith.constant 80 : i32
      %dma_start3A_108 = arith.constant 0 : i32
      %dma_start3A_109 = tpu.memref_slice %arg12[%dma_start3A_107, %dma_start3A_108] : memref<160x128xf32, #tpu.memory_space<vmem>> -> memref<80x128xf32, #tpu.memory_space<vmem>>
      %dma_start3A_110 = arith.constant 0 : i32
      %dma_start3A_111 = tpu.memref_slice %arg11[%dma_start3A_106, %dma_start3A_110] : memref<2x80xi32, #tpu.memory_space<vmem>> -> memref<1x80xi32, #tpu.memory_space<vmem>>
      %dma_start3A_112 = tpu.memref_squeeze %dma_start3A_111 : memref<1x80xi32, #tpu.memory_space<vmem>> -> memref<80xi32, #tpu.memory_space<vmem>>
      %dma_start3A_113 = arith.constant 0 : i32
      %dma_start3A_114 = arith.constant 0 : i32
      %dma_start3A_115 = tpu.memref_slice %arg3[%dma_start3A_113, %dma_start3A_114] : memref<10000x128xf32, #tpu.memory_space<hbm>> -> memref<10000x128xf32, #tpu.memory_space<hbm>>
      tpu.enqueue_indirect_dma source(%dma_start3A_115 : memref<10000x128xf32, #tpu.memory_space<hbm>>) target(%dma_start3A_109 : memref<80x128xf32, #tpu.memory_space<vmem>>) offsets(%dma_start3A_112 : memref<80xi32, #tpu.memory_space<vmem>>) semaphore(%arg20 : memref<!tpu.dma_semaphore, #tpu.memory_space<semaphore_mem>>)
      %dma_start3A_116 = arith.constant 1 : i32
      %dma_start3A_117 = arith.constant 1 : i32
      %dma_start3A_118 = arith.constant 0 : i32
      %dma_start3A_119 = tpu.memref_slice %arg13[%dma_start3A_117, %dma_start3A_118] : memref<2x80xf32, #tpu.memory_space<vmem>> -> memref<1x80xf32, #tpu.memory_space<vmem>>
      %dma_start3A_120 = tpu.memref_squeeze %dma_start3A_119 : memref<1x80xf32, #tpu.memory_space<vmem>> -> memref<80xf32, #tpu.memory_space<vmem>>
      %dma_start3A_121 = arith.constant 0 : i32
      %dma_start3A_122 = tpu.memref_slice %arg11[%dma_start3A_116, %dma_start3A_121] : memref<2x80xi32, #tpu.memory_space<vmem>> -> memref<1x80xi32, #tpu.memory_space<vmem>>
      %dma_start3A_123 = tpu.memref_squeeze %dma_start3A_122 : memref<1x80xi32, #tpu.memory_space<vmem>> -> memref<80xi32, #tpu.memory_space<vmem>>
      %dma_start3A_124 = arith.constant 0 : i32
      %dma_start3A_125 = tpu.memref_slice %arg4[%dma_start3A_124] : memref<10000xf32, #tpu.memory_space<hbm>> -> memref<10000xf32, #tpu.memory_space<hbm>>
      tpu.enqueue_indirect_dma source(%dma_start3A_125 : memref<10000xf32, #tpu.memory_space<hbm>>) target(%dma_start3A_120 : memref<80xf32, #tpu.memory_space<vmem>>) offsets(%dma_start3A_123 : memref<80xi32, #tpu.memory_space<vmem>>) semaphore(%arg21 : memref<!tpu.dma_semaphore, #tpu.memory_space<semaphore_mem>>)
      %dma_start3A_126 = arith.constant 1 : i32
      %dma_start3A_127 = arith.constant 1 : i32
      %dma_start3A_128 = arith.constant 0 : i32
      %dma_start3A_129 = tpu.memref_slice %arg14[%dma_start3A_127, %dma_start3A_128] : memref<2x80xf32, #tpu.memory_space<vmem>> -> memref<1x80xf32, #tpu.memory_space<vmem>>
      %dma_start3A_130 = tpu.memref_squeeze %dma_start3A_129 : memref<1x80xf32, #tpu.memory_space<vmem>> -> memref<80xf32, #tpu.memory_space<vmem>>
      %dma_start3A_131 = arith.constant 0 : i32
      %dma_start3A_132 = tpu.memref_slice %arg11[%dma_start3A_126, %dma_start3A_131] : memref<2x80xi32, #tpu.memory_space<vmem>> -> memref<1x80xi32, #tpu.memory_space<vmem>>
      %dma_start3A_133 = tpu.memref_squeeze %dma_start3A_132 : memref<1x80xi32, #tpu.memory_space<vmem>> -> memref<80xi32, #tpu.memory_space<vmem>>
      %dma_start3A_134 = arith.constant 0 : i32
      %dma_start3A_135 = tpu.memref_slice %arg5[%dma_start3A_134] : memref<10000xf32, #tpu.memory_space<hbm>> -> memref<10000xf32, #tpu.memory_space<hbm>>
      tpu.enqueue_indirect_dma source(%dma_start3A_135 : memref<10000xf32, #tpu.memory_space<hbm>>) target(%dma_start3A_130 : memref<80xf32, #tpu.memory_space<vmem>>) offsets(%dma_start3A_133 : memref<80xi32, #tpu.memory_space<vmem>>) semaphore(%arg22 : memref<!tpu.dma_semaphore, #tpu.memory_space<semaphore_mem>>)
      %dma_start3A_136 = arith.constant 1 : i32
      %dma_start3A_137 = arith.constant 1 : i32
      %dma_start3A_138 = arith.constant 0 : i32
      %dma_start3A_139 = tpu.memref_slice %arg15[%dma_start3A_137, %dma_start3A_138] : memref<2x80xf32, #tpu.memory_space<vmem>> -> memref<1x80xf32, #tpu.memory_space<vmem>>
      %dma_start3A_140 = tpu.memref_squeeze %dma_start3A_139 : memref<1x80xf32, #tpu.memory_space<vmem>> -> memref<80xf32, #tpu.memory_space<vmem>>
      %dma_start3A_141 = arith.constant 0 : i32
      %dma_start3A_142 = tpu.memref_slice %arg11[%dma_start3A_136, %dma_start3A_141] : memref<2x80xi32, #tpu.memory_space<vmem>> -> memref<1x80xi32, #tpu.memory_space<vmem>>
      %dma_start3A_143 = tpu.memref_squeeze %dma_start3A_142 : memref<1x80xi32, #tpu.memory_space<vmem>> -> memref<80xi32, #tpu.memory_space<vmem>>
      %dma_start3A_144 = arith.constant 0 : i32
      %dma_start3A_145 = tpu.memref_slice %arg6[%dma_start3A_144] : memref<10000xf32, #tpu.memory_space<hbm>> -> memref<10000xf32, #tpu.memory_space<hbm>>
      tpu.enqueue_indirect_dma source(%dma_start3A_145 : memref<10000xf32, #tpu.memory_space<hbm>>) target(%dma_start3A_140 : memref<80xf32, #tpu.memory_space<vmem>>) offsets(%dma_start3A_143 : memref<80xi32, #tpu.memory_space<vmem>>) semaphore(%arg23 : memref<!tpu.dma_semaphore, #tpu.memory_space<semaphore_mem>>)
      %mul3A_146 = arith.constant 2 : i32
      %mul3A_147 = arith.muli %mul3A_146, %scan3A_95 : i32
      %mul3A_148 = arith.constant 6000 : i32
      %mul3A_149 = arith.muli %add3A, %mul3A_148 : i32
      %mul3A_150 = arith.constant 80 : i32
      %mul3A_151 = arith.muli %mul3A_147, %mul3A_150 : i32
      %add3A_152 = arith.addi %mul3A_149, %mul3A_151 : i32
      %dma_wait3A_153 = arith.constant 0 : i32
      %dma_wait3A_154 = arith.constant 0 : i32
      %dma_wait3A_155 = arith.constant 0 : i32
      %dma_wait3A_156 = tpu.memref_slice %arg12[%dma_wait3A_154, %dma_wait3A_155] : memref<160x128xf32, #tpu.memory_space<vmem>> -> memref<80x128xf32, #tpu.memory_space<vmem>>
      %dma_wait3A_157 = arith.constant 0 : i32
      %dma_wait3A_158 = tpu.memref_slice %arg11[%dma_wait3A_153, %dma_wait3A_157] : memref<2x80xi32, #tpu.memory_space<vmem>> -> memref<1x80xi32, #tpu.memory_space<vmem>>
      %dma_wait3A_159 = tpu.memref_squeeze %dma_wait3A_158 : memref<1x80xi32, #tpu.memory_space<vmem>> -> memref<80xi32, #tpu.memory_space<vmem>>
      %dma_wait3A_160 = arith.constant 0 : i32
      %dma_wait3A_161 = arith.constant 0 : i32
      %dma_wait3A_162 = tpu.memref_slice %arg3[%dma_wait3A_160, %dma_wait3A_161] : memref<10000x128xf32, #tpu.memory_space<hbm>> -> memref<10000x128xf32, #tpu.memory_space<hbm>>
      tpu.wait_indirect_dma semaphore(%arg16 : memref<!tpu.dma_semaphore, #tpu.memory_space<semaphore_mem>>) src(%dma_wait3A_162 : memref<10000x128xf32, #tpu.memory_space<hbm>>) dst(%dma_wait3A_156 : memref<80x128xf32, #tpu.memory_space<vmem>>)
      %dma_wait3A_163 = arith.constant 0 : i32
      %dma_wait3A_164 = arith.constant 0 : i32
      %dma_wait3A_165 = arith.constant 0 : i32
      %dma_wait3A_166 = tpu.memref_slice %arg13[%dma_wait3A_164, %dma_wait3A_165] : memref<2x80xf32, #tpu.memory_space<vmem>> -> memref<1x80xf32, #tpu.memory_space<vmem>>
      %dma_wait3A_167 = tpu.memref_squeeze %dma_wait3A_166 : memref<1x80xf32, #tpu.memory_space<vmem>> -> memref<80xf32, #tpu.memory_space<vmem>>
      %dma_wait3A_168 = arith.constant 0 : i32
      %dma_wait3A_169 = tpu.memref_slice %arg11[%dma_wait3A_163, %dma_wait3A_168] : memref<2x80xi32, #tpu.memory_space<vmem>> -> memref<1x80xi32, #tpu.memory_space<vmem>>
      %dma_wait3A_170 = tpu.memref_squeeze %dma_wait3A_169 : memref<1x80xi32, #tpu.memory_space<vmem>> -> memref<80xi32, #tpu.memory_space<vmem>>
      %dma_wait3A_171 = arith.constant 0 : i32
      %dma_wait3A_172 = tpu.memref_slice %arg4[%dma_wait3A_171] : memref<10000xf32, #tpu.memory_space<hbm>> -> memref<10000xf32, #tpu.memory_space<hbm>>
      tpu.wait_indirect_dma semaphore(%arg17 : memref<!tpu.dma_semaphore, #tpu.memory_space<semaphore_mem>>) src(%dma_wait3A_172 : memref<10000xf32, #tpu.memory_space<hbm>>) dst(%dma_wait3A_167 : memref<80xf32, #tpu.memory_space<vmem>>)
      %dma_wait3A_173 = arith.constant 0 : i32
      %dma_wait3A_174 = arith.constant 0 : i32
      %dma_wait3A_175 = arith.constant 0 : i32
      %dma_wait3A_176 = tpu.memref_slice %arg14[%dma_wait3A_174, %dma_wait3A_175] : memref<2x80xf32, #tpu.memory_space<vmem>> -> memref<1x80xf32, #tpu.memory_space<vmem>>
      %dma_wait3A_177 = tpu.memref_squeeze %dma_wait3A_176 : memref<1x80xf32, #tpu.memory_space<vmem>> -> memref<80xf32, #tpu.memory_space<vmem>>
      %dma_wait3A_178 = arith.constant 0 : i32
      %dma_wait3A_179 = tpu.memref_slice %arg11[%dma_wait3A_173, %dma_wait3A_178] : memref<2x80xi32, #tpu.memory_space<vmem>> -> memref<1x80xi32, #tpu.memory_space<vmem>>
      %dma_wait3A_180 = tpu.memref_squeeze %dma_wait3A_179 : memref<1x80xi32, #tpu.memory_space<vmem>> -> memref<80xi32, #tpu.memory_space<vmem>>
      %dma_wait3A_181 = arith.constant 0 : i32
      %dma_wait3A_182 = tpu.memref_slice %arg5[%dma_wait3A_181] : memref<10000xf32, #tpu.memory_space<hbm>> -> memref<10000xf32, #tpu.memory_space<hbm>>
      tpu.wait_indirect_dma semaphore(%arg18 : memref<!tpu.dma_semaphore, #tpu.memory_space<semaphore_mem>>) src(%dma_wait3A_182 : memref<10000xf32, #tpu.memory_space<hbm>>) dst(%dma_wait3A_177 : memref<80xf32, #tpu.memory_space<vmem>>)
      %dma_wait3A_183 = arith.constant 0 : i32
      %dma_wait3A_184 = arith.constant 0 : i32
      %dma_wait3A_185 = arith.constant 0 : i32
      %dma_wait3A_186 = tpu.memref_slice %arg15[%dma_wait3A_184, %dma_wait3A_185] : memref<2x80xf32, #tpu.memory_space<vmem>> -> memref<1x80xf32, #tpu.memory_space<vmem>>
      %dma_wait3A_187 = tpu.memref_squeeze %dma_wait3A_186 : memref<1x80xf32, #tpu.memory_space<vmem>> -> memref<80xf32, #tpu.memory_space<vmem>>
      %dma_wait3A_188 = arith.constant 0 : i32
      %dma_wait3A_189 = tpu.memref_slice %arg11[%dma_wait3A_183, %dma_wait3A_188] : memref<2x80xi32, #tpu.memory_space<vmem>> -> memref<1x80xi32, #tpu.memory_space<vmem>>
      %dma_wait3A_190 = tpu.memref_squeeze %dma_wait3A_189 : memref<1x80xi32, #tpu.memory_space<vmem>> -> memref<80xi32, #tpu.memory_space<vmem>>
      %dma_wait3A_191 = arith.constant 0 : i32
      %dma_wait3A_192 = tpu.memref_slice %arg6[%dma_wait3A_191] : memref<10000xf32, #tpu.memory_space<hbm>> -> memref<10000xf32, #tpu.memory_space<hbm>>
      tpu.wait_indirect_dma semaphore(%arg19 : memref<!tpu.dma_semaphore, #tpu.memory_space<semaphore_mem>>) src(%dma_wait3A_192 : memref<10000xf32, #tpu.memory_space<hbm>>) dst(%dma_wait3A_187 : memref<80xf32, #tpu.memory_space<vmem>>)
      "tpu.region"() ({
        %run_scoped3A_298 = tpu.sem_alloc : memref<!tpu.dma_semaphore, #tpu.memory_space<semaphore_mem>>
        %dma_start3A_299 = arith.constant 0 : i32
        %dma_start3A_300 = arith.constant 0 : i32
        %dma_start3A_301 = tpu.memref_slice %arg12[%dma_start3A_299, %dma_start3A_300] : memref<160x128xf32, #tpu.memory_space<vmem>> -> memref<80x128xf32, #tpu.memory_space<vmem>>
        %dma_start3A_302 = arith.constant 0 : i32
        %dma_start3A_303 = tpu.memref_slice %arg7[%add3A_152, %dma_start3A_302] : memref<192000x128xf32, #tpu.memory_space<hbm>> -> memref<80x128xf32, #tpu.memory_space<hbm>>
        %dma_start3A_304 = arith.constant 0 : i32
        %dma_start3A_305 = tpu.memref_slice %arg7[%add3A_152, %dma_start3A_304] : memref<192000x128xf32, #tpu.memory_space<hbm>> -> memref<80x128xf32, #tpu.memory_space<hbm>>
        %dma_start3A_306 = arith.constant 0 : i32
        %dma_start3A_307 = arith.constant 0 : i32
        %dma_start3A_308 = tpu.memref_slice %arg12[%dma_start3A_306, %dma_start3A_307] : memref<160x128xf32, #tpu.memory_space<vmem>> -> memref<80x128xf32, #tpu.memory_space<vmem>>
        tpu.enqueue_dma source(%dma_start3A_308 : memref<80x128xf32, #tpu.memory_space<vmem>>) target(%dma_start3A_305 : memref<80x128xf32, #tpu.memory_space<hbm>>) target_semaphore(%run_scoped3A_298 : memref<!tpu.dma_semaphore, #tpu.memory_space<semaphore_mem>>)
        %dma_wait3A_309 = arith.constant 0 : i32
        %dma_wait3A_310 = arith.constant 0 : i32
        %dma_wait3A_311 = tpu.memref_slice %arg12[%dma_wait3A_309, %dma_wait3A_310] : memref<160x128xf32, #tpu.memory_space<vmem>> -> memref<80x128xf32, #tpu.memory_space<vmem>>
        %dma_wait3A_312 = arith.constant 0 : i32
        %dma_wait3A_313 = tpu.memref_slice %arg7[%add3A_152, %dma_wait3A_312] : memref<192000x128xf32, #tpu.memory_space<hbm>> -> memref<80x128xf32, #tpu.memory_space<hbm>>
        %dma_wait3A_314 = arith.constant 0 : i32
        %dma_wait3A_315 = tpu.memref_slice %arg7[%add3A_152, %dma_wait3A_314] : memref<192000x128xf32, #tpu.memory_space<hbm>> -> memref<80x128xf32, #tpu.memory_space<hbm>>
        %dma_wait3A_316 = arith.constant 0 : i32
        %dma_wait3A_317 = arith.constant 0 : i32
        %dma_wait3A_318 = tpu.memref_slice %arg12[%dma_wait3A_316, %dma_wait3A_317] : memref<160x128xf32, #tpu.memory_space<vmem>> -> memref<80x128xf32, #tpu.memory_space<vmem>>
        tpu.wait_dma2 semaphore(%run_scoped3A_298 : memref<!tpu.dma_semaphore, #tpu.memory_space<semaphore_mem>>) src(%dma_wait3A_318 : memref<80x128xf32, #tpu.memory_space<vmem>>) dst(%dma_wait3A_315 : memref<80x128xf32, #tpu.memory_space<hbm>>)
        tpu.yield
      }) : () -> ()
      %run_scoped3A_193 = arith.constant 0 : i32
      "tpu.region"() ({
        %run_scoped3A_298 = tpu.sem_alloc : memref<!tpu.dma_semaphore, #tpu.memory_space<semaphore_mem>>
        %dma_start3A_299 = arith.constant 0 : i32
        %dma_start3A_300 = tpu.memref_slice %arg13[%run_scoped3A_193, %dma_start3A_299] : memref<2x80xf32, #tpu.memory_space<vmem>> -> memref<1x80xf32, #tpu.memory_space<vmem>>
        %dma_start3A_301 = tpu.memref_squeeze %dma_start3A_300 : memref<1x80xf32, #tpu.memory_space<vmem>> -> memref<80xf32, #tpu.memory_space<vmem>>
        %dma_start3A_302 = tpu.memref_slice %arg8[%add3A_152] : memref<192000xf32, #tpu.memory_space<hbm>> -> memref<80xf32, #tpu.memory_space<hbm>>
        %dma_start3A_303 = tpu.memref_slice %arg8[%add3A_152] : memref<192000xf32, #tpu.memory_space<hbm>> -> memref<80xf32, #tpu.memory_space<hbm>>
        %dma_start3A_304 = arith.constant 0 : i32
        %dma_start3A_305 = tpu.memref_slice %arg13[%run_scoped3A_193, %dma_start3A_304] : memref<2x80xf32, #tpu.memory_space<vmem>> -> memref<1x80xf32, #tpu.memory_space<vmem>>
        %dma_start3A_306 = tpu.memref_squeeze %dma_start3A_305 : memref<1x80xf32, #tpu.memory_space<vmem>> -> memref<80xf32, #tpu.memory_space<vmem>>
        tpu.enqueue_dma source(%dma_start3A_306 : memref<80xf32, #tpu.memory_space<vmem>>) target(%dma_start3A_303 : memref<80xf32, #tpu.memory_space<hbm>>) target_semaphore(%run_scoped3A_298 : memref<!tpu.dma_semaphore, #tpu.memory_space<semaphore_mem>>)
        %dma_wait3A_307 = arith.constant 0 : i32
        %dma_wait3A_308 = tpu.memref_slice %arg13[%run_scoped3A_193, %dma_wait3A_307] : memref<2x80xf32, #tpu.memory_space<vmem>> -> memref<1x80xf32, #tpu.memory_space<vmem>>
        %dma_wait3A_309 = tpu.memref_squeeze %dma_wait3A_308 : memref<1x80xf32, #tpu.memory_space<vmem>> -> memref<80xf32, #tpu.memory_space<vmem>>
        %dma_wait3A_310 = tpu.memref_slice %arg8[%add3A_152] : memref<192000xf32, #tpu.memory_space<hbm>> -> memref<80xf32, #tpu.memory_space<hbm>>
        %dma_wait3A_311 = tpu.memref_slice %arg8[%add3A_152] : memref<192000xf32, #tpu.memory_space<hbm>> -> memref<80xf32, #tpu.memory_space<hbm>>
        %dma_wait3A_312 = arith.constant 0 : i32
        %dma_wait3A_313 = tpu.memref_slice %arg13[%run_scoped3A_193, %dma_wait3A_312] : memref<2x80xf32, #tpu.memory_space<vmem>> -> memref<1x80xf32, #tpu.memory_space<vmem>>
        %dma_wait3A_314 = tpu.memref_squeeze %dma_wait3A_313 : memref<1x80xf32, #tpu.memory_space<vmem>> -> memref<80xf32, #tpu.memory_space<vmem>>
        tpu.wait_dma2 semaphore(%run_scoped3A_298 : memref<!tpu.dma_semaphore, #tpu.memory_space<semaphore_mem>>) src(%dma_wait3A_314 : memref<80xf32, #tpu.memory_space<vmem>>) dst(%dma_wait3A_311 : memref<80xf32, #tpu.memory_space<hbm>>)
        tpu.yield
      }) : () -> ()
      %run_scoped3A_194 = arith.constant 0 : i32
      "tpu.region"() ({
        %run_scoped3A_298 = tpu.sem_alloc : memref<!tpu.dma_semaphore, #tpu.memory_space<semaphore_mem>>
        %dma_start3A_299 = arith.constant 0 : i32
        %dma_start3A_300 = tpu.memref_slice %arg14[%run_scoped3A_194, %dma_start3A_299] : memref<2x80xf32, #tpu.memory_space<vmem>> -> memref<1x80xf32, #tpu.memory_space<vmem>>
        %dma_start3A_301 = tpu.memref_squeeze %dma_start3A_300 : memref<1x80xf32, #tpu.memory_space<vmem>> -> memref<80xf32, #tpu.memory_space<vmem>>
        %dma_start3A_302 = tpu.memref_slice %arg9[%add3A_152] : memref<192000xf32, #tpu.memory_space<hbm>> -> memref<80xf32, #tpu.memory_space<hbm>>
        %dma_start3A_303 = tpu.memref_slice %arg9[%add3A_152] : memref<192000xf32, #tpu.memory_space<hbm>> -> memref<80xf32, #tpu.memory_space<hbm>>
        %dma_start3A_304 = arith.constant 0 : i32
        %dma_start3A_305 = tpu.memref_slice %arg14[%run_scoped3A_194, %dma_start3A_304] : memref<2x80xf32, #tpu.memory_space<vmem>> -> memref<1x80xf32, #tpu.memory_space<vmem>>
        %dma_start3A_306 = tpu.memref_squeeze %dma_start3A_305 : memref<1x80xf32, #tpu.memory_space<vmem>> -> memref<80xf32, #tpu.memory_space<vmem>>
        tpu.enqueue_dma source(%dma_start3A_306 : memref<80xf32, #tpu.memory_space<vmem>>) target(%dma_start3A_303 : memref<80xf32, #tpu.memory_space<hbm>>) target_semaphore(%run_scoped3A_298 : memref<!tpu.dma_semaphore, #tpu.memory_space<semaphore_mem>>)
        %dma_wait3A_307 = arith.constant 0 : i32
        %dma_wait3A_308 = tpu.memref_slice %arg14[%run_scoped3A_194, %dma_wait3A_307] : memref<2x80xf32, #tpu.memory_space<vmem>> -> memref<1x80xf32, #tpu.memory_space<vmem>>
        %dma_wait3A_309 = tpu.memref_squeeze %dma_wait3A_308 : memref<1x80xf32, #tpu.memory_space<vmem>> -> memref<80xf32, #tpu.memory_space<vmem>>
        %dma_wait3A_310 = tpu.memref_slice %arg9[%add3A_152] : memref<192000xf32, #tpu.memory_space<hbm>> -> memref<80xf32, #tpu.memory_space<hbm>>
        %dma_wait3A_311 = tpu.memref_slice %arg9[%add3A_152] : memref<192000xf32, #tpu.memory_space<hbm>> -> memref<80xf32, #tpu.memory_space<hbm>>
        %dma_wait3A_312 = arith.constant 0 : i32
        %dma_wait3A_313 = tpu.memref_slice %arg14[%run_scoped3A_194, %dma_wait3A_312] : memref<2x80xf32, #tpu.memory_space<vmem>> -> memref<1x80xf32, #tpu.memory_space<vmem>>
        %dma_wait3A_314 = tpu.memref_squeeze %dma_wait3A_313 : memref<1x80xf32, #tpu.memory_space<vmem>> -> memref<80xf32, #tpu.memory_space<vmem>>
        tpu.wait_dma2 semaphore(%run_scoped3A_298 : memref<!tpu.dma_semaphore, #tpu.memory_space<semaphore_mem>>) src(%dma_wait3A_314 : memref<80xf32, #tpu.memory_space<vmem>>) dst(%dma_wait3A_311 : memref<80xf32, #tpu.memory_space<hbm>>)
        tpu.yield
      }) : () -> ()
      %run_scoped3A_195 = arith.constant 0 : i32
      "tpu.region"() ({
        %run_scoped3A_298 = tpu.sem_alloc : memref<!tpu.dma_semaphore, #tpu.memory_space<semaphore_mem>>
        %dma_start3A_299 = arith.constant 0 : i32
        %dma_start3A_300 = tpu.memref_slice %arg15[%run_scoped3A_195, %dma_start3A_299] : memref<2x80xf32, #tpu.memory_space<vmem>> -> memref<1x80xf32, #tpu.memory_space<vmem>>
        %dma_start3A_301 = tpu.memref_squeeze %dma_start3A_300 : memref<1x80xf32, #tpu.memory_space<vmem>> -> memref<80xf32, #tpu.memory_space<vmem>>
        %dma_start3A_302 = tpu.memref_slice %arg10[%add3A_152] : memref<192000xf32, #tpu.memory_space<hbm>> -> memref<80xf32, #tpu.memory_space<hbm>>
        %dma_start3A_303 = tpu.memref_slice %arg10[%add3A_152] : memref<192000xf32, #tpu.memory_space<hbm>> -> memref<80xf32, #tpu.memory_space<hbm>>
        %dma_start3A_304 = arith.constant 0 : i32
        %dma_start3A_305 = tpu.memref_slice %arg15[%run_scoped3A_195, %dma_start3A_304] : memref<2x80xf32, #tpu.memory_space<vmem>> -> memref<1x80xf32, #tpu.memory_space<vmem>>
        %dma_start3A_306 = tpu.memref_squeeze %dma_start3A_305 : memref<1x80xf32, #tpu.memory_space<vmem>> -> memref<80xf32, #tpu.memory_space<vmem>>
        tpu.enqueue_dma source(%dma_start3A_306 : memref<80xf32, #tpu.memory_space<vmem>>) target(%dma_start3A_303 : memref<80xf32, #tpu.memory_space<hbm>>) target_semaphore(%run_scoped3A_298 : memref<!tpu.dma_semaphore, #tpu.memory_space<semaphore_mem>>)
        %dma_wait3A_307 = arith.constant 0 : i32
        %dma_wait3A_308 = tpu.memref_slice %arg15[%run_scoped3A_195, %dma_wait3A_307] : memref<2x80xf32, #tpu.memory_space<vmem>> -> memref<1x80xf32, #tpu.memory_space<vmem>>
        %dma_wait3A_309 = tpu.memref_squeeze %dma_wait3A_308 : memref<1x80xf32, #tpu.memory_space<vmem>> -> memref<80xf32, #tpu.memory_space<vmem>>
        %dma_wait3A_310 = tpu.memref_slice %arg10[%add3A_152] : memref<192000xf32, #tpu.memory_space<hbm>> -> memref<80xf32, #tpu.memory_space<hbm>>
        %dma_wait3A_311 = tpu.memref_slice %arg10[%add3A_152] : memref<192000xf32, #tpu.memory_space<hbm>> -> memref<80xf32, #tpu.memory_space<hbm>>
        %dma_wait3A_312 = arith.constant 0 : i32
        %dma_wait3A_313 = tpu.memref_slice %arg15[%run_scoped3A_195, %dma_wait3A_312] : memref<2x80xf32, #tpu.memory_space<vmem>> -> memref<1x80xf32, #tpu.memory_space<vmem>>
        %dma_wait3A_314 = tpu.memref_squeeze %dma_wait3A_313 : memref<1x80xf32, #tpu.memory_space<vmem>> -> memref<80xf32, #tpu.memory_space<vmem>>
        tpu.wait_dma2 semaphore(%run_scoped3A_298 : memref<!tpu.dma_semaphore, #tpu.memory_space<semaphore_mem>>) src(%dma_wait3A_314 : memref<80xf32, #tpu.memory_space<vmem>>) dst(%dma_wait3A_311 : memref<80xf32, #tpu.memory_space<hbm>>)
        tpu.yield
      }) : () -> ()
      %mul3A_196 = arith.constant 2 : i32
      %mul3A_197 = arith.muli %mul3A_196, %scan3A_95 : i32
      %add3A_198 = arith.constant 2 : i32
      %add3A_199 = arith.addi %mul3A_197, %add3A_198 : i32
      %mul3A_200 = arith.constant 6000 : i32
      %mul3A_201 = arith.muli %add3A, %mul3A_200 : i32
      %mul3A_202 = arith.constant 80 : i32
      %mul3A_203 = arith.muli %add3A_199, %mul3A_202 : i32
      %add3A_204 = arith.addi %mul3A_201, %mul3A_203 : i32
      %run_scoped3A_205 = arith.constant 0 : i32
      "tpu.region"() ({
        %run_scoped3A_298 = tpu.sem_alloc : memref<!tpu.dma_semaphore, #tpu.memory_space<semaphore_mem>>
        %dma_start3A_299 = arith.constant 0 : i32
        %dma_start3A_300 = tpu.memref_slice %arg11[%run_scoped3A_205, %dma_start3A_299] : memref<2x80xi32, #tpu.memory_space<vmem>> -> memref<1x80xi32, #tpu.memory_space<vmem>>
        %dma_start3A_301 = tpu.memref_squeeze %dma_start3A_300 : memref<1x80xi32, #tpu.memory_space<vmem>> -> memref<80xi32, #tpu.memory_space<vmem>>
        %dma_start3A_302 = tpu.memref_slice %arg2[%add3A_204] : memref<192000xi32, #tpu.memory_space<hbm>> -> memref<80xi32, #tpu.memory_space<hbm>>
        %dma_start3A_303 = arith.constant 0 : i32
        %dma_start3A_304 = tpu.memref_slice %arg11[%run_scoped3A_205, %dma_start3A_303] : memref<2x80xi32, #tpu.memory_space<vmem>> -> memref<1x80xi32, #tpu.memory_space<vmem>>
        %dma_start3A_305 = tpu.memref_squeeze %dma_start3A_304 : memref<1x80xi32, #tpu.memory_space<vmem>> -> memref<80xi32, #tpu.memory_space<vmem>>
        %dma_start3A_306 = tpu.memref_slice %arg2[%add3A_204] : memref<192000xi32, #tpu.memory_space<hbm>> -> memref<80xi32, #tpu.memory_space<hbm>>
        tpu.enqueue_dma source(%dma_start3A_306 : memref<80xi32, #tpu.memory_space<hbm>>) target(%dma_start3A_305 : memref<80xi32, #tpu.memory_space<vmem>>) target_semaphore(%run_scoped3A_298 : memref<!tpu.dma_semaphore, #tpu.memory_space<semaphore_mem>>)
        %dma_wait3A_307 = arith.constant 0 : i32
        %dma_wait3A_308 = tpu.memref_slice %arg11[%run_scoped3A_205, %dma_wait3A_307] : memref<2x80xi32, #tpu.memory_space<vmem>> -> memref<1x80xi32, #tpu.memory_space<vmem>>
        %dma_wait3A_309 = tpu.memref_squeeze %dma_wait3A_308 : memref<1x80xi32, #tpu.memory_space<vmem>> -> memref<80xi32, #tpu.memory_space<vmem>>
        %dma_wait3A_310 = tpu.memref_slice %arg2[%add3A_204] : memref<192000xi32, #tpu.memory_space<hbm>> -> memref<80xi32, #tpu.memory_space<hbm>>
        %dma_wait3A_311 = arith.constant 0 : i32
        %dma_wait3A_312 = tpu.memref_slice %arg11[%run_scoped3A_205, %dma_wait3A_311] : memref<2x80xi32, #tpu.memory_space<vmem>> -> memref<1x80xi32, #tpu.memory_space<vmem>>
        %dma_wait3A_313 = tpu.memref_squeeze %dma_wait3A_312 : memref<1x80xi32, #tpu.memory_space<vmem>> -> memref<80xi32, #tpu.memory_space<vmem>>
        %dma_wait3A_314 = tpu.memref_slice %arg2[%add3A_204] : memref<192000xi32, #tpu.memory_space<hbm>> -> memref<80xi32, #tpu.memory_space<hbm>>
        tpu.wait_dma2 semaphore(%run_scoped3A_298 : memref<!tpu.dma_semaphore, #tpu.memory_space<semaphore_mem>>) src(%dma_wait3A_314 : memref<80xi32, #tpu.memory_space<hbm>>) dst(%dma_wait3A_313 : memref<80xi32, #tpu.memory_space<vmem>>)
        tpu.yield
      }) : () -> ()
      %dma_start3A_206 = arith.constant 0 : i32
      %dma_start3A_207 = arith.constant 0 : i32
      %dma_start3A_208 = arith.constant 0 : i32
      %dma_start3A_209 = tpu.memref_slice %arg12[%dma_start3A_207, %dma_start3A_208] : memref<160x128xf32, #tpu.memory_space<vmem>> -> memref<80x128xf32, #tpu.memory_space<vmem>>
      %dma_start3A_210 = arith.constant 0 : i32
      %dma_start3A_211 = tpu.memref_slice %arg11[%dma_start3A_206, %dma_start3A_210] : memref<2x80xi32, #tpu.memory_space<vmem>> -> memref<1x80xi32, #tpu.memory_space<vmem>>
      %dma_start3A_212 = tpu.memref_squeeze %dma_start3A_211 : memref<1x80xi32, #tpu.memory_space<vmem>> -> memref<80xi32, #tpu.memory_space<vmem>>
      %dma_start3A_213 = arith.constant 0 : i32
      %dma_start3A_214 = arith.constant 0 : i32
      %dma_start3A_215 = tpu.memref_slice %arg3[%dma_start3A_213, %dma_start3A_214] : memref<10000x128xf32, #tpu.memory_space<hbm>> -> memref<10000x128xf32, #tpu.memory_space<hbm>>
      tpu.enqueue_indirect_dma source(%dma_start3A_215 : memref<10000x128xf32, #tpu.memory_space<hbm>>) target(%dma_start3A_209 : memref<80x128xf32, #tpu.memory_space<vmem>>) offsets(%dma_start3A_212 : memref<80xi32, #tpu.memory_space<vmem>>) semaphore(%arg16 : memref<!tpu.dma_semaphore, #tpu.memory_space<semaphore_mem>>)
      %dma_start3A_216 = arith.constant 0 : i32
      %dma_start3A_217 = arith.constant 0 : i32
      %dma_start3A_218 = arith.constant 0 : i32
      %dma_start3A_219 = tpu.memref_slice %arg13[%dma_start3A_217, %dma_start3A_218] : memref<2x80xf32, #tpu.memory_space<vmem>> -> memref<1x80xf32, #tpu.memory_space<vmem>>
      %dma_start3A_220 = tpu.memref_squeeze %dma_start3A_219 : memref<1x80xf32, #tpu.memory_space<vmem>> -> memref<80xf32, #tpu.memory_space<vmem>>
      %dma_start3A_221 = arith.constant 0 : i32
      %dma_start3A_222 = tpu.memref_slice %arg11[%dma_start3A_216, %dma_start3A_221] : memref<2x80xi32, #tpu.memory_space<vmem>> -> memref<1x80xi32, #tpu.memory_space<vmem>>
      %dma_start3A_223 = tpu.memref_squeeze %dma_start3A_222 : memref<1x80xi32, #tpu.memory_space<vmem>> -> memref<80xi32, #tpu.memory_space<vmem>>
      %dma_start3A_224 = arith.constant 0 : i32
      %dma_start3A_225 = tpu.memref_slice %arg4[%dma_start3A_224] : memref<10000xf32, #tpu.memory_space<hbm>> -> memref<10000xf32, #tpu.memory_space<hbm>>
      tpu.enqueue_indirect_dma source(%dma_start3A_225 : memref<10000xf32, #tpu.memory_space<hbm>>) target(%dma_start3A_220 : memref<80xf32, #tpu.memory_space<vmem>>) offsets(%dma_start3A_223 : memref<80xi32, #tpu.memory_space<vmem>>) semaphore(%arg17 : memref<!tpu.dma_semaphore, #tpu.memory_space<semaphore_mem>>)
      %dma_start3A_226 = arith.constant 0 : i32
      %dma_start3A_227 = arith.constant 0 : i32
      %dma_start3A_228 = arith.constant 0 : i32
      %dma_start3A_229 = tpu.memref_slice %arg14[%dma_start3A_227, %dma_start3A_228] : memref<2x80xf32, #tpu.memory_space<vmem>> -> memref<1x80xf32, #tpu.memory_space<vmem>>
      %dma_start3A_230 = tpu.memref_squeeze %dma_start3A_229 : memref<1x80xf32, #tpu.memory_space<vmem>> -> memref<80xf32, #tpu.memory_space<vmem>>
      %dma_start3A_231 = arith.constant 0 : i32
      %dma_start3A_232 = tpu.memref_slice %arg11[%dma_start3A_226, %dma_start3A_231] : memref<2x80xi32, #tpu.memory_space<vmem>> -> memref<1x80xi32, #tpu.memory_space<vmem>>
      %dma_start3A_233 = tpu.memref_squeeze %dma_start3A_232 : memref<1x80xi32, #tpu.memory_space<vmem>> -> memref<80xi32, #tpu.memory_space<vmem>>
      %dma_start3A_234 = arith.constant 0 : i32
      %dma_start3A_235 = tpu.memref_slice %arg5[%dma_start3A_234] : memref<10000xf32, #tpu.memory_space<hbm>> -> memref<10000xf32, #tpu.memory_space<hbm>>
      tpu.enqueue_indirect_dma source(%dma_start3A_235 : memref<10000xf32, #tpu.memory_space<hbm>>) target(%dma_start3A_230 : memref<80xf32, #tpu.memory_space<vmem>>) offsets(%dma_start3A_233 : memref<80xi32, #tpu.memory_space<vmem>>) semaphore(%arg18 : memref<!tpu.dma_semaphore, #tpu.memory_space<semaphore_mem>>)
      %dma_start3A_236 = arith.constant 0 : i32
      %dma_start3A_237 = arith.constant 0 : i32
      %dma_start3A_238 = arith.constant 0 : i32
      %dma_start3A_239 = tpu.memref_slice %arg15[%dma_start3A_237, %dma_start3A_238] : memref<2x80xf32, #tpu.memory_space<vmem>> -> memref<1x80xf32, #tpu.memory_space<vmem>>
      %dma_start3A_240 = tpu.memref_squeeze %dma_start3A_239 : memref<1x80xf32, #tpu.memory_space<vmem>> -> memref<80xf32, #tpu.memory_space<vmem>>
      %dma_start3A_241 = arith.constant 0 : i32
      %dma_start3A_242 = tpu.memref_slice %arg11[%dma_start3A_236, %dma_start3A_241] : memref<2x80xi32, #tpu.memory_space<vmem>> -> memref<1x80xi32, #tpu.memory_space<vmem>>
      %dma_start3A_243 = tpu.memref_squeeze %dma_start3A_242 : memref<1x80xi32, #tpu.memory_space<vmem>> -> memref<80xi32, #tpu.memory_space<vmem>>
      %dma_start3A_244 = arith.constant 0 : i32
      %dma_start3A_245 = tpu.memref_slice %arg6[%dma_start3A_244] : memref<10000xf32, #tpu.memory_space<hbm>> -> memref<10000xf32, #tpu.memory_space<hbm>>
      tpu.enqueue_indirect_dma source(%dma_start3A_245 : memref<10000xf32, #tpu.memory_space<hbm>>) target(%dma_start3A_240 : memref<80xf32, #tpu.memory_space<vmem>>) offsets(%dma_start3A_243 : memref<80xi32, #tpu.memory_space<vmem>>) semaphore(%arg19 : memref<!tpu.dma_semaphore, #tpu.memory_space<semaphore_mem>>)
      %mul3A_246 = arith.constant 2 : i32
      %mul3A_247 = arith.muli %mul3A_246, %scan3A_95 : i32
      %add3A_248 = arith.constant 1 : i32
      %add3A_249 = arith.addi %mul3A_247, %add3A_248 : i32
      %mul3A_250 = arith.constant 6000 : i32
      %mul3A_251 = arith.muli %add3A, %mul3A_250 : i32
      %mul3A_252 = arith.constant 80 : i32
      %mul3A_253 = arith.muli %add3A_249, %mul3A_252 : i32
      %add3A_254 = arith.addi %mul3A_251, %mul3A_253 : i32
      %dma_wait3A_255 = arith.constant 1 : i32
      %dma_wait3A_256 = arith.constant 80 : i32
      %dma_wait3A_257 = arith.constant 0 : i32
      %dma_wait3A_258 = tpu.memref_slice %arg12[%dma_wait3A_256, %dma_wait3A_257] : memref<160x128xf32, #tpu.memory_space<vmem>> -> memref<80x128xf32, #tpu.memory_space<vmem>>
      %dma_wait3A_259 = arith.constant 0 : i32
      %dma_wait3A_260 = tpu.memref_slice %arg11[%dma_wait3A_255, %dma_wait3A_259] : memref<2x80xi32, #tpu.memory_space<vmem>> -> memref<1x80xi32, #tpu.memory_space<vmem>>
      %dma_wait3A_261 = tpu.memref_squeeze %dma_wait3A_260 : memref<1x80xi32, #tpu.memory_space<vmem>> -> memref<80xi32, #tpu.memory_space<vmem>>
      %dma_wait3A_262 = arith.constant 0 : i32
      %dma_wait3A_263 = arith.constant 0 : i32
      %dma_wait3A_264 = tpu.memref_slice %arg3[%dma_wait3A_262, %dma_wait3A_263] : memref<10000x128xf32, #tpu.memory_space<hbm>> -> memref<10000x128xf32, #tpu.memory_space<hbm>>
      tpu.wait_indirect_dma semaphore(%arg20 : memref<!tpu.dma_semaphore, #tpu.memory_space<semaphore_mem>>) src(%dma_wait3A_264 : memref<10000x128xf32, #tpu.memory_space<hbm>>) dst(%dma_wait3A_258 : memref<80x128xf32, #tpu.memory_space<vmem>>)
      %dma_wait3A_265 = arith.constant 1 : i32
      %dma_wait3A_266 = arith.constant 1 : i32
      %dma_wait3A_267 = arith.constant 0 : i32
      %dma_wait3A_268 = tpu.memref_slice %arg13[%dma_wait3A_266, %dma_wait3A_267] : memref<2x80xf32, #tpu.memory_space<vmem>> -> memref<1x80xf32, #tpu.memory_space<vmem>>
      %dma_wait3A_269 = tpu.memref_squeeze %dma_wait3A_268 : memref<1x80xf32, #tpu.memory_space<vmem>> -> memref<80xf32, #tpu.memory_space<vmem>>
      %dma_wait3A_270 = arith.constant 0 : i32
      %dma_wait3A_271 = tpu.memref_slice %arg11[%dma_wait3A_265, %dma_wait3A_270] : memref<2x80xi32, #tpu.memory_space<vmem>> -> memref<1x80xi32, #tpu.memory_space<vmem>>
      %dma_wait3A_272 = tpu.memref_squeeze %dma_wait3A_271 : memref<1x80xi32, #tpu.memory_space<vmem>> -> memref<80xi32, #tpu.memory_space<vmem>>
      %dma_wait3A_273 = arith.constant 0 : i32
      %dma_wait3A_274 = tpu.memref_slice %arg4[%dma_wait3A_273] : memref<10000xf32, #tpu.memory_space<hbm>> -> memref<10000xf32, #tpu.memory_space<hbm>>
      tpu.wait_indirect_dma semaphore(%arg21 : memref<!tpu.dma_semaphore, #tpu.memory_space<semaphore_mem>>) src(%dma_wait3A_274 : memref<10000xf32, #tpu.memory_space<hbm>>) dst(%dma_wait3A_269 : memref<80xf32, #tpu.memory_space<vmem>>)
      %dma_wait3A_275 = arith.constant 1 : i32
      %dma_wait3A_276 = arith.constant 1 : i32
      %dma_wait3A_277 = arith.constant 0 : i32
      %dma_wait3A_278 = tpu.memref_slice %arg14[%dma_wait3A_276, %dma_wait3A_277] : memref<2x80xf32, #tpu.memory_space<vmem>> -> memref<1x80xf32, #tpu.memory_space<vmem>>
      %dma_wait3A_279 = tpu.memref_squeeze %dma_wait3A_278 : memref<1x80xf32, #tpu.memory_space<vmem>> -> memref<80xf32, #tpu.memory_space<vmem>>
      %dma_wait3A_280 = arith.constant 0 : i32
      %dma_wait3A_281 = tpu.memref_slice %arg11[%dma_wait3A_275, %dma_wait3A_280] : memref<2x80xi32, #tpu.memory_space<vmem>> -> memref<1x80xi32, #tpu.memory_space<vmem>>
      %dma_wait3A_282 = tpu.memref_squeeze %dma_wait3A_281 : memref<1x80xi32, #tpu.memory_space<vmem>> -> memref<80xi32, #tpu.memory_space<vmem>>
      %dma_wait3A_283 = arith.constant 0 : i32
      %dma_wait3A_284 = tpu.memref_slice %arg5[%dma_wait3A_283] : memref<10000xf32, #tpu.memory_space<hbm>> -> memref<10000xf32, #tpu.memory_space<hbm>>
      tpu.wait_indirect_dma semaphore(%arg22 : memref<!tpu.dma_semaphore, #tpu.memory_space<semaphore_mem>>) src(%dma_wait3A_284 : memref<10000xf32, #tpu.memory_space<hbm>>) dst(%dma_wait3A_279 : memref<80xf32, #tpu.memory_space<vmem>>)
      %dma_wait3A_285 = arith.constant 1 : i32
      %dma_wait3A_286 = arith.constant 1 : i32
      %dma_wait3A_287 = arith.constant 0 : i32
      %dma_wait3A_288 = tpu.memref_slice %arg15[%dma_wait3A_286, %dma_wait3A_287] : memref<2x80xf32, #tpu.memory_space<vmem>> -> memref<1x80xf32, #tpu.memory_space<vmem>>
      %dma_wait3A_289 = tpu.memref_squeeze %dma_wait3A_288 : memref<1x80xf32, #tpu.memory_space<vmem>> -> memref<80xf32, #tpu.memory_space<vmem>>
      %dma_wait3A_290 = arith.constant 0 : i32
      %dma_wait3A_291 = tpu.memref_slice %arg11[%dma_wait3A_285, %dma_wait3A_290] : memref<2x80xi32, #tpu.memory_space<vmem>> -> memref<1x80xi32, #tpu.memory_space<vmem>>
      %dma_wait3A_292 = tpu.memref_squeeze %dma_wait3A_291 : memref<1x80xi32, #tpu.memory_space<vmem>> -> memref<80xi32, #tpu.memory_space<vmem>>
      %dma_wait3A_293 = arith.constant 0 : i32
      %dma_wait3A_294 = tpu.memref_slice %arg6[%dma_wait3A_293] : memref<10000xf32, #tpu.memory_space<hbm>> -> memref<10000xf32, #tpu.memory_space<hbm>>
      tpu.wait_indirect_dma semaphore(%arg23 : memref<!tpu.dma_semaphore, #tpu.memory_space<semaphore_mem>>) src(%dma_wait3A_294 : memref<10000xf32, #tpu.memory_space<hbm>>) dst(%dma_wait3A_289 : memref<80xf32, #tpu.memory_space<vmem>>)
      "tpu.region"() ({
        %run_scoped3A_298 = tpu.sem_alloc : memref<!tpu.dma_semaphore, #tpu.memory_space<semaphore_mem>>
        %dma_start3A_299 = arith.constant 80 : i32
        %dma_start3A_300 = arith.constant 0 : i32
        %dma_start3A_301 = tpu.memref_slice %arg12[%dma_start3A_299, %dma_start3A_300] : memref<160x128xf32, #tpu.memory_space<vmem>> -> memref<80x128xf32, #tpu.memory_space<vmem>>
        %dma_start3A_302 = arith.constant 0 : i32
        %dma_start3A_303 = tpu.memref_slice %arg7[%add3A_254, %dma_start3A_302] : memref<192000x128xf32, #tpu.memory_space<hbm>> -> memref<80x128xf32, #tpu.memory_space<hbm>>
        %dma_start3A_304 = arith.constant 0 : i32
        %dma_start3A_305 = tpu.memref_slice %arg7[%add3A_254, %dma_start3A_304] : memref<192000x128xf32, #tpu.memory_space<hbm>> -> memref<80x128xf32, #tpu.memory_space<hbm>>
        %dma_start3A_306 = arith.constant 80 : i32
        %dma_start3A_307 = arith.constant 0 : i32
        %dma_start3A_308 = tpu.memref_slice %arg12[%dma_start3A_306, %dma_start3A_307] : memref<160x128xf32, #tpu.memory_space<vmem>> -> memref<80x128xf32, #tpu.memory_space<vmem>>
        tpu.enqueue_dma source(%dma_start3A_308 : memref<80x128xf32, #tpu.memory_space<vmem>>) target(%dma_start3A_305 : memref<80x128xf32, #tpu.memory_space<hbm>>) target_semaphore(%run_scoped3A_298 : memref<!tpu.dma_semaphore, #tpu.memory_space<semaphore_mem>>)
        %dma_wait3A_309 = arith.constant 80 : i32
        %dma_wait3A_310 = arith.constant 0 : i32
        %dma_wait3A_311 = tpu.memref_slice %arg12[%dma_wait3A_309, %dma_wait3A_310] : memref<160x128xf32, #tpu.memory_space<vmem>> -> memref<80x128xf32, #tpu.memory_space<vmem>>
        %dma_wait3A_312 = arith.constant 0 : i32
        %dma_wait3A_313 = tpu.memref_slice %arg7[%add3A_254, %dma_wait3A_312] : memref<192000x128xf32, #tpu.memory_space<hbm>> -> memref<80x128xf32, #tpu.memory_space<hbm>>
        %dma_wait3A_314 = arith.constant 0 : i32
        %dma_wait3A_315 = tpu.memref_slice %arg7[%add3A_254, %dma_wait3A_314] : memref<192000x128xf32, #tpu.memory_space<hbm>> -> memref<80x128xf32, #tpu.memory_space<hbm>>
        %dma_wait3A_316 = arith.constant 80 : i32
        %dma_wait3A_317 = arith.constant 0 : i32
        %dma_wait3A_318 = tpu.memref_slice %arg12[%dma_wait3A_316, %dma_wait3A_317] : memref<160x128xf32, #tpu.memory_space<vmem>> -> memref<80x128xf32, #tpu.memory_space<vmem>>
        tpu.wait_dma2 semaphore(%run_scoped3A_298 : memref<!tpu.dma_semaphore, #tpu.memory_space<semaphore_mem>>) src(%dma_wait3A_318 : memref<80x128xf32, #tpu.memory_space<vmem>>) dst(%dma_wait3A_315 : memref<80x128xf32, #tpu.memory_space<hbm>>)
        tpu.yield
      }) : () -> ()
      %run_scoped3A_295 = arith.constant 1 : i32
      "tpu.region"() ({
        %run_scoped3A_298 = tpu.sem_alloc : memref<!tpu.dma_semaphore, #tpu.memory_space<semaphore_mem>>
        %dma_start3A_299 = arith.constant 0 : i32
        %dma_start3A_300 = tpu.memref_slice %arg13[%run_scoped3A_295, %dma_start3A_299] : memref<2x80xf32, #tpu.memory_space<vmem>> -> memref<1x80xf32, #tpu.memory_space<vmem>>
        %dma_start3A_301 = tpu.memref_squeeze %dma_start3A_300 : memref<1x80xf32, #tpu.memory_space<vmem>> -> memref<80xf32, #tpu.memory_space<vmem>>
        %dma_start3A_302 = tpu.memref_slice %arg8[%add3A_254] : memref<192000xf32, #tpu.memory_space<hbm>> -> memref<80xf32, #tpu.memory_space<hbm>>
        %dma_start3A_303 = tpu.memref_slice %arg8[%add3A_254] : memref<192000xf32, #tpu.memory_space<hbm>> -> memref<80xf32, #tpu.memory_space<hbm>>
        %dma_start3A_304 = arith.constant 0 : i32
        %dma_start3A_305 = tpu.memref_slice %arg13[%run_scoped3A_295, %dma_start3A_304] : memref<2x80xf32, #tpu.memory_space<vmem>> -> memref<1x80xf32, #tpu.memory_space<vmem>>
        %dma_start3A_306 = tpu.memref_squeeze %dma_start3A_305 : memref<1x80xf32, #tpu.memory_space<vmem>> -> memref<80xf32, #tpu.memory_space<vmem>>
        tpu.enqueue_dma source(%dma_start3A_306 : memref<80xf32, #tpu.memory_space<vmem>>) target(%dma_start3A_303 : memref<80xf32, #tpu.memory_space<hbm>>) target_semaphore(%run_scoped3A_298 : memref<!tpu.dma_semaphore, #tpu.memory_space<semaphore_mem>>)
        %dma_wait3A_307 = arith.constant 0 : i32
        %dma_wait3A_308 = tpu.memref_slice %arg13[%run_scoped3A_295, %dma_wait3A_307] : memref<2x80xf32, #tpu.memory_space<vmem>> -> memref<1x80xf32, #tpu.memory_space<vmem>>
        %dma_wait3A_309 = tpu.memref_squeeze %dma_wait3A_308 : memref<1x80xf32, #tpu.memory_space<vmem>> -> memref<80xf32, #tpu.memory_space<vmem>>
        %dma_wait3A_310 = tpu.memref_slice %arg8[%add3A_254] : memref<192000xf32, #tpu.memory_space<hbm>> -> memref<80xf32, #tpu.memory_space<hbm>>
        %dma_wait3A_311 = tpu.memref_slice %arg8[%add3A_254] : memref<192000xf32, #tpu.memory_space<hbm>> -> memref<80xf32, #tpu.memory_space<hbm>>
        %dma_wait3A_312 = arith.constant 0 : i32
        %dma_wait3A_313 = tpu.memref_slice %arg13[%run_scoped3A_295, %dma_wait3A_312] : memref<2x80xf32, #tpu.memory_space<vmem>> -> memref<1x80xf32, #tpu.memory_space<vmem>>
        %dma_wait3A_314 = tpu.memref_squeeze %dma_wait3A_313 : memref<1x80xf32, #tpu.memory_space<vmem>> -> memref<80xf32, #tpu.memory_space<vmem>>
        tpu.wait_dma2 semaphore(%run_scoped3A_298 : memref<!tpu.dma_semaphore, #tpu.memory_space<semaphore_mem>>) src(%dma_wait3A_314 : memref<80xf32, #tpu.memory_space<vmem>>) dst(%dma_wait3A_311 : memref<80xf32, #tpu.memory_space<hbm>>)
        tpu.yield
      }) : () -> ()
      %run_scoped3A_296 = arith.constant 1 : i32
      "tpu.region"() ({
        %run_scoped3A_298 = tpu.sem_alloc : memref<!tpu.dma_semaphore, #tpu.memory_space<semaphore_mem>>
        %dma_start3A_299 = arith.constant 0 : i32
        %dma_start3A_300 = tpu.memref_slice %arg14[%run_scoped3A_296, %dma_start3A_299] : memref<2x80xf32, #tpu.memory_space<vmem>> -> memref<1x80xf32, #tpu.memory_space<vmem>>
        %dma_start3A_301 = tpu.memref_squeeze %dma_start3A_300 : memref<1x80xf32, #tpu.memory_space<vmem>> -> memref<80xf32, #tpu.memory_space<vmem>>
        %dma_start3A_302 = tpu.memref_slice %arg9[%add3A_254] : memref<192000xf32, #tpu.memory_space<hbm>> -> memref<80xf32, #tpu.memory_space<hbm>>
        %dma_start3A_303 = tpu.memref_slice %arg9[%add3A_254] : memref<192000xf32, #tpu.memory_space<hbm>> -> memref<80xf32, #tpu.memory_space<hbm>>
        %dma_start3A_304 = arith.constant 0 : i32
        %dma_start3A_305 = tpu.memref_slice %arg14[%run_scoped3A_296, %dma_start3A_304] : memref<2x80xf32, #tpu.memory_space<vmem>> -> memref<1x80xf32, #tpu.memory_space<vmem>>
        %dma_start3A_306 = tpu.memref_squeeze %dma_start3A_305 : memref<1x80xf32, #tpu.memory_space<vmem>> -> memref<80xf32, #tpu.memory_space<vmem>>
        tpu.enqueue_dma source(%dma_start3A_306 : memref<80xf32, #tpu.memory_space<vmem>>) target(%dma_start3A_303 : memref<80xf32, #tpu.memory_space<hbm>>) target_semaphore(%run_scoped3A_298 : memref<!tpu.dma_semaphore, #tpu.memory_space<semaphore_mem>>)
        %dma_wait3A_307 = arith.constant 0 : i32
        %dma_wait3A_308 = tpu.memref_slice %arg14[%run_scoped3A_296, %dma_wait3A_307] : memref<2x80xf32, #tpu.memory_space<vmem>> -> memref<1x80xf32, #tpu.memory_space<vmem>>
        %dma_wait3A_309 = tpu.memref_squeeze %dma_wait3A_308 : memref<1x80xf32, #tpu.memory_space<vmem>> -> memref<80xf32, #tpu.memory_space<vmem>>
        %dma_wait3A_310 = tpu.memref_slice %arg9[%add3A_254] : memref<192000xf32, #tpu.memory_space<hbm>> -> memref<80xf32, #tpu.memory_space<hbm>>
        %dma_wait3A_311 = tpu.memref_slice %arg9[%add3A_254] : memref<192000xf32, #tpu.memory_space<hbm>> -> memref<80xf32, #tpu.memory_space<hbm>>
        %dma_wait3A_312 = arith.constant 0 : i32
        %dma_wait3A_313 = tpu.memref_slice %arg14[%run_scoped3A_296, %dma_wait3A_312] : memref<2x80xf32, #tpu.memory_space<vmem>> -> memref<1x80xf32, #tpu.memory_space<vmem>>
        %dma_wait3A_314 = tpu.memref_squeeze %dma_wait3A_313 : memref<1x80xf32, #tpu.memory_space<vmem>> -> memref<80xf32, #tpu.memory_space<vmem>>
        tpu.wait_dma2 semaphore(%run_scoped3A_298 : memref<!tpu.dma_semaphore, #tpu.memory_space<semaphore_mem>>) src(%dma_wait3A_314 : memref<80xf32, #tpu.memory_space<vmem>>) dst(%dma_wait3A_311 : memref<80xf32, #tpu.memory_space<hbm>>)
        tpu.yield
      }) : () -> ()
      %run_scoped3A_297 = arith.constant 1 : i32
      "tpu.region"() ({
        %run_scoped3A_298 = tpu.sem_alloc : memref<!tpu.dma_semaphore, #tpu.memory_space<semaphore_mem>>
        %dma_start3A_299 = arith.constant 0 : i32
        %dma_start3A_300 = tpu.memref_slice %arg15[%run_scoped3A_297, %dma_start3A_299] : memref<2x80xf32, #tpu.memory_space<vmem>> -> memref<1x80xf32, #tpu.memory_space<vmem>>
        %dma_start3A_301 = tpu.memref_squeeze %dma_start3A_300 : memref<1x80xf32, #tpu.memory_space<vmem>> -> memref<80xf32, #tpu.memory_space<vmem>>
        %dma_start3A_302 = tpu.memref_slice %arg10[%add3A_254] : memref<192000xf32, #tpu.memory_space<hbm>> -> memref<80xf32, #tpu.memory_space<hbm>>
        %dma_start3A_303 = tpu.memref_slice %arg10[%add3A_254] : memref<192000xf32, #tpu.memory_space<hbm>> -> memref<80xf32, #tpu.memory_space<hbm>>
        %dma_start3A_304 = arith.constant 0 : i32
        %dma_start3A_305 = tpu.memref_slice %arg15[%run_scoped3A_297, %dma_start3A_304] : memref<2x80xf32, #tpu.memory_space<vmem>> -> memref<1x80xf32, #tpu.memory_space<vmem>>
        %dma_start3A_306 = tpu.memref_squeeze %dma_start3A_305 : memref<1x80xf32, #tpu.memory_space<vmem>> -> memref<80xf32, #tpu.memory_space<vmem>>
        tpu.enqueue_dma source(%dma_start3A_306 : memref<80xf32, #tpu.memory_space<vmem>>) target(%dma_start3A_303 : memref<80xf32, #tpu.memory_space<hbm>>) target_semaphore(%run_scoped3A_298 : memref<!tpu.dma_semaphore, #tpu.memory_space<semaphore_mem>>)
        %dma_wait3A_307 = arith.constant 0 : i32
        %dma_wait3A_308 = tpu.memref_slice %arg15[%run_scoped3A_297, %dma_wait3A_307] : memref<2x80xf32, #tpu.memory_space<vmem>> -> memref<1x80xf32, #tpu.memory_space<vmem>>
        %dma_wait3A_309 = tpu.memref_squeeze %dma_wait3A_308 : memref<1x80xf32, #tpu.memory_space<vmem>> -> memref<80xf32, #tpu.memory_space<vmem>>
        %dma_wait3A_310 = tpu.memref_slice %arg10[%add3A_254] : memref<192000xf32, #tpu.memory_space<hbm>> -> memref<80xf32, #tpu.memory_space<hbm>>
        %dma_wait3A_311 = tpu.memref_slice %arg10[%add3A_254] : memref<192000xf32, #tpu.memory_space<hbm>> -> memref<80xf32, #tpu.memory_space<hbm>>
        %dma_wait3A_312 = arith.constant 0 : i32
        %dma_wait3A_313 = tpu.memref_slice %arg15[%run_scoped3A_297, %dma_wait3A_312] : memref<2x80xf32, #tpu.memory_space<vmem>> -> memref<1x80xf32, #tpu.memory_space<vmem>>
        %dma_wait3A_314 = tpu.memref_squeeze %dma_wait3A_313 : memref<1x80xf32, #tpu.memory_space<vmem>> -> memref<80xf32, #tpu.memory_space<vmem>>
        tpu.wait_dma2 semaphore(%run_scoped3A_298 : memref<!tpu.dma_semaphore, #tpu.memory_space<semaphore_mem>>) src(%dma_wait3A_314 : memref<80xf32, #tpu.memory_space<vmem>>) dst(%dma_wait3A_311 : memref<80xf32, #tpu.memory_space<hbm>>)
        tpu.yield
      }) : () -> ()
    }
    %scan3A_48 = arith.constant 37 : i32
    %mul3A_49 = arith.constant 6000 : i32
    %mul3A_50 = arith.muli %add3A, %mul3A_49 : i32
    %add3A_51 = arith.constant 5920 : i32
    %add3A_52 = arith.addi %mul3A_50, %add3A_51 : i32
    %dma_wait3A = arith.constant 0 : i32
    %dma_wait3A_53 = arith.constant 0 : i32
    %dma_wait3A_54 = arith.constant 0 : i32
    %dma_wait3A_55 = tpu.memref_slice %arg12[%dma_wait3A_53, %dma_wait3A_54] : memref<160x128xf32, #tpu.memory_space<vmem>> -> memref<80x128xf32, #tpu.memory_space<vmem>>
    %dma_wait3A_56 = arith.constant 0 : i32
    %dma_wait3A_57 = tpu.memref_slice %arg11[%dma_wait3A, %dma_wait3A_56] : memref<2x80xi32, #tpu.memory_space<vmem>> -> memref<1x80xi32, #tpu.memory_space<vmem>>
    %dma_wait3A_58 = tpu.memref_squeeze %dma_wait3A_57 : memref<1x80xi32, #tpu.memory_space<vmem>> -> memref<80xi32, #tpu.memory_space<vmem>>
    %dma_wait3A_59 = arith.constant 0 : i32
    %dma_wait3A_60 = arith.constant 0 : i32
    %dma_wait3A_61 = tpu.memref_slice %arg3[%dma_wait3A_59, %dma_wait3A_60] : memref<10000x128xf32, #tpu.memory_space<hbm>> -> memref<10000x128xf32, #tpu.memory_space<hbm>>
    tpu.wait_indirect_dma semaphore(%arg16 : memref<!tpu.dma_semaphore, #tpu.memory_space<semaphore_mem>>) src(%dma_wait3A_61 : memref<10000x128xf32, #tpu.memory_space<hbm>>) dst(%dma_wait3A_55 : memref<80x128xf32, #tpu.memory_space<vmem>>)
    %dma_wait3A_62 = arith.constant 0 : i32
    %dma_wait3A_63 = arith.constant 0 : i32
    %dma_wait3A_64 = arith.constant 0 : i32
    %dma_wait3A_65 = tpu.memref_slice %arg13[%dma_wait3A_63, %dma_wait3A_64] : memref<2x80xf32, #tpu.memory_space<vmem>> -> memref<1x80xf32, #tpu.memory_space<vmem>>
    %dma_wait3A_66 = tpu.memref_squeeze %dma_wait3A_65 : memref<1x80xf32, #tpu.memory_space<vmem>> -> memref<80xf32, #tpu.memory_space<vmem>>
    %dma_wait3A_67 = arith.constant 0 : i32
    %dma_wait3A_68 = tpu.memref_slice %arg11[%dma_wait3A_62, %dma_wait3A_67] : memref<2x80xi32, #tpu.memory_space<vmem>> -> memref<1x80xi32, #tpu.memory_space<vmem>>
    %dma_wait3A_69 = tpu.memref_squeeze %dma_wait3A_68 : memref<1x80xi32, #tpu.memory_space<vmem>> -> memref<80xi32, #tpu.memory_space<vmem>>
    %dma_wait3A_70 = arith.constant 0 : i32
    %dma_wait3A_71 = tpu.memref_slice %arg4[%dma_wait3A_70] : memref<10000xf32, #tpu.memory_space<hbm>> -> memref<10000xf32, #tpu.memory_space<hbm>>
    tpu.wait_indirect_dma semaphore(%arg17 : memref<!tpu.dma_semaphore, #tpu.memory_space<semaphore_mem>>) src(%dma_wait3A_71 : memref<10000xf32, #tpu.memory_space<hbm>>) dst(%dma_wait3A_66 : memref<80xf32, #tpu.memory_space<vmem>>)
    %dma_wait3A_72 = arith.constant 0 : i32
    %dma_wait3A_73 = arith.constant 0 : i32
    %dma_wait3A_74 = arith.constant 0 : i32
    %dma_wait3A_75 = tpu.memref_slice %arg14[%dma_wait3A_73, %dma_wait3A_74] : memref<2x80xf32, #tpu.memory_space<vmem>> -> memref<1x80xf32, #tpu.memory_space<vmem>>
    %dma_wait3A_76 = tpu.memref_squeeze %dma_wait3A_75 : memref<1x80xf32, #tpu.memory_space<vmem>> -> memref<80xf32, #tpu.memory_space<vmem>>
    %dma_wait3A_77 = arith.constant 0 : i32
    %dma_wait3A_78 = tpu.memref_slice %arg11[%dma_wait3A_72, %dma_wait3A_77] : memref<2x80xi32, #tpu.memory_space<vmem>> -> memref<1x80xi32, #tpu.memory_space<vmem>>
    %dma_wait3A_79 = tpu.memref_squeeze %dma_wait3A_78 : memref<1x80xi32, #tpu.memory_space<vmem>> -> memref<80xi32, #tpu.memory_space<vmem>>
    %dma_wait3A_80 = arith.constant 0 : i32
    %dma_wait3A_81 = tpu.memref_slice %arg5[%dma_wait3A_80] : memref<10000xf32, #tpu.memory_space<hbm>> -> memref<10000xf32, #tpu.memory_space<hbm>>
    tpu.wait_indirect_dma semaphore(%arg18 : memref<!tpu.dma_semaphore, #tpu.memory_space<semaphore_mem>>) src(%dma_wait3A_81 : memref<10000xf32, #tpu.memory_space<hbm>>) dst(%dma_wait3A_76 : memref<80xf32, #tpu.memory_space<vmem>>)
    %dma_wait3A_82 = arith.constant 0 : i32
    %dma_wait3A_83 = arith.constant 0 : i32
    %dma_wait3A_84 = arith.constant 0 : i32
    %dma_wait3A_85 = tpu.memref_slice %arg15[%dma_wait3A_83, %dma_wait3A_84] : memref<2x80xf32, #tpu.memory_space<vmem>> -> memref<1x80xf32, #tpu.memory_space<vmem>>
    %dma_wait3A_86 = tpu.memref_squeeze %dma_wait3A_85 : memref<1x80xf32, #tpu.memory_space<vmem>> -> memref<80xf32, #tpu.memory_space<vmem>>
    %dma_wait3A_87 = arith.constant 0 : i32
    %dma_wait3A_88 = tpu.memref_slice %arg11[%dma_wait3A_82, %dma_wait3A_87] : memref<2x80xi32, #tpu.memory_space<vmem>> -> memref<1x80xi32, #tpu.memory_space<vmem>>
    %dma_wait3A_89 = tpu.memref_squeeze %dma_wait3A_88 : memref<1x80xi32, #tpu.memory_space<vmem>> -> memref<80xi32, #tpu.memory_space<vmem>>
    %dma_wait3A_90 = arith.constant 0 : i32
    %dma_wait3A_91 = tpu.memref_slice %arg6[%dma_wait3A_90] : memref<10000xf32, #tpu.memory_space<hbm>> -> memref<10000xf32, #tpu.memory_space<hbm>>
    tpu.wait_indirect_dma semaphore(%arg19 : memref<!tpu.dma_semaphore, #tpu.memory_space<semaphore_mem>>) src(%dma_wait3A_91 : memref<10000xf32, #tpu.memory_space<hbm>>) dst(%dma_wait3A_86 : memref<80xf32, #tpu.memory_space<vmem>>)
    "tpu.region"() ({
      %run_scoped3A_95 = tpu.sem_alloc : memref<!tpu.dma_semaphore, #tpu.memory_space<semaphore_mem>>
      %dma_start3A_96 = arith.constant 0 : i32
      %dma_start3A_97 = arith.constant 0 : i32
      %dma_start3A_98 = tpu.memref_slice %arg12[%dma_start3A_96, %dma_start3A_97] : memref<160x128xf32, #tpu.memory_space<vmem>> -> memref<80x128xf32, #tpu.memory_space<vmem>>
      %dma_start3A_99 = arith.constant 0 : i32
      %dma_start3A_100 = tpu.memref_slice %arg7[%add3A_52, %dma_start3A_99] : memref<192000x128xf32, #tpu.memory_space<hbm>> -> memref<80x128xf32, #tpu.memory_space<hbm>>
      %dma_start3A_101 = arith.constant 0 : i32
      %dma_start3A_102 = tpu.memref_slice %arg7[%add3A_52, %dma_start3A_101] : memref<192000x128xf32, #tpu.memory_space<hbm>> -> memref<80x128xf32, #tpu.memory_space<hbm>>
      %dma_start3A_103 = arith.constant 0 : i32
      %dma_start3A_104 = arith.constant 0 : i32
      %dma_start3A_105 = tpu.memref_slice %arg12[%dma_start3A_103, %dma_start3A_104] : memref<160x128xf32, #tpu.memory_space<vmem>> -> memref<80x128xf32, #tpu.memory_space<vmem>>
      tpu.enqueue_dma source(%dma_start3A_105 : memref<80x128xf32, #tpu.memory_space<vmem>>) target(%dma_start3A_102 : memref<80x128xf32, #tpu.memory_space<hbm>>) target_semaphore(%run_scoped3A_95 : memref<!tpu.dma_semaphore, #tpu.memory_space<semaphore_mem>>)
      %dma_wait3A_106 = arith.constant 0 : i32
      %dma_wait3A_107 = arith.constant 0 : i32
      %dma_wait3A_108 = tpu.memref_slice %arg12[%dma_wait3A_106, %dma_wait3A_107] : memref<160x128xf32, #tpu.memory_space<vmem>> -> memref<80x128xf32, #tpu.memory_space<vmem>>
      %dma_wait3A_109 = arith.constant 0 : i32
      %dma_wait3A_110 = tpu.memref_slice %arg7[%add3A_52, %dma_wait3A_109] : memref<192000x128xf32, #tpu.memory_space<hbm>> -> memref<80x128xf32, #tpu.memory_space<hbm>>
      %dma_wait3A_111 = arith.constant 0 : i32
      %dma_wait3A_112 = tpu.memref_slice %arg7[%add3A_52, %dma_wait3A_111] : memref<192000x128xf32, #tpu.memory_space<hbm>> -> memref<80x128xf32, #tpu.memory_space<hbm>>
      %dma_wait3A_113 = arith.constant 0 : i32
      %dma_wait3A_114 = arith.constant 0 : i32
      %dma_wait3A_115 = tpu.memref_slice %arg12[%dma_wait3A_113, %dma_wait3A_114] : memref<160x128xf32, #tpu.memory_space<vmem>> -> memref<80x128xf32, #tpu.memory_space<vmem>>
      tpu.wait_dma2 semaphore(%run_scoped3A_95 : memref<!tpu.dma_semaphore, #tpu.memory_space<semaphore_mem>>) src(%dma_wait3A_115 : memref<80x128xf32, #tpu.memory_space<vmem>>) dst(%dma_wait3A_112 : memref<80x128xf32, #tpu.memory_space<hbm>>)
      tpu.yield
    }) : () -> ()
    %run_scoped3A_92 = arith.constant 0 : i32
    "tpu.region"() ({
      %run_scoped3A_95 = tpu.sem_alloc : memref<!tpu.dma_semaphore, #tpu.memory_space<semaphore_mem>>
      %dma_start3A_96 = arith.constant 0 : i32
      %dma_start3A_97 = tpu.memref_slice %arg13[%run_scoped3A_92, %dma_start3A_96] : memref<2x80xf32, #tpu.memory_space<vmem>> -> memref<1x80xf32, #tpu.memory_space<vmem>>
      %dma_start3A_98 = tpu.memref_squeeze %dma_start3A_97 : memref<1x80xf32, #tpu.memory_space<vmem>> -> memref<80xf32, #tpu.memory_space<vmem>>
      %dma_start3A_99 = tpu.memref_slice %arg8[%add3A_52] : memref<192000xf32, #tpu.memory_space<hbm>> -> memref<80xf32, #tpu.memory_space<hbm>>
      %dma_start3A_100 = tpu.memref_slice %arg8[%add3A_52] : memref<192000xf32, #tpu.memory_space<hbm>> -> memref<80xf32, #tpu.memory_space<hbm>>
      %dma_start3A_101 = arith.constant 0 : i32
      %dma_start3A_102 = tpu.memref_slice %arg13[%run_scoped3A_92, %dma_start3A_101] : memref<2x80xf32, #tpu.memory_space<vmem>> -> memref<1x80xf32, #tpu.memory_space<vmem>>
      %dma_start3A_103 = tpu.memref_squeeze %dma_start3A_102 : memref<1x80xf32, #tpu.memory_space<vmem>> -> memref<80xf32, #tpu.memory_space<vmem>>
      tpu.enqueue_dma source(%dma_start3A_103 : memref<80xf32, #tpu.memory_space<vmem>>) target(%dma_start3A_100 : memref<80xf32, #tpu.memory_space<hbm>>) target_semaphore(%run_scoped3A_95 : memref<!tpu.dma_semaphore, #tpu.memory_space<semaphore_mem>>)
      %dma_wait3A_104 = arith.constant 0 : i32
      %dma_wait3A_105 = tpu.memref_slice %arg13[%run_scoped3A_92, %dma_wait3A_104] : memref<2x80xf32, #tpu.memory_space<vmem>> -> memref<1x80xf32, #tpu.memory_space<vmem>>
      %dma_wait3A_106 = tpu.memref_squeeze %dma_wait3A_105 : memref<1x80xf32, #tpu.memory_space<vmem>> -> memref<80xf32, #tpu.memory_space<vmem>>
      %dma_wait3A_107 = tpu.memref_slice %arg8[%add3A_52] : memref<192000xf32, #tpu.memory_space<hbm>> -> memref<80xf32, #tpu.memory_space<hbm>>
      %dma_wait3A_108 = tpu.memref_slice %arg8[%add3A_52] : memref<192000xf32, #tpu.memory_space<hbm>> -> memref<80xf32, #tpu.memory_space<hbm>>
      %dma_wait3A_109 = arith.constant 0 : i32
      %dma_wait3A_110 = tpu.memref_slice %arg13[%run_scoped3A_92, %dma_wait3A_109] : memref<2x80xf32, #tpu.memory_space<vmem>> -> memref<1x80xf32, #tpu.memory_space<vmem>>
      %dma_wait3A_111 = tpu.memref_squeeze %dma_wait3A_110 : memref<1x80xf32, #tpu.memory_space<vmem>> -> memref<80xf32, #tpu.memory_space<vmem>>
      tpu.wait_dma2 semaphore(%run_scoped3A_95 : memref<!tpu.dma_semaphore, #tpu.memory_space<semaphore_mem>>) src(%dma_wait3A_111 : memref<80xf32, #tpu.memory_space<vmem>>) dst(%dma_wait3A_108 : memref<80xf32, #tpu.memory_space<hbm>>)
      tpu.yield
    }) : () -> ()
    %run_scoped3A_93 = arith.constant 0 : i32
    "tpu.region"() ({
      %run_scoped3A_95 = tpu.sem_alloc : memref<!tpu.dma_semaphore, #tpu.memory_space<semaphore_mem>>
      %dma_start3A_96 = arith.constant 0 : i32
      %dma_start3A_97 = tpu.memref_slice %arg14[%run_scoped3A_93, %dma_start3A_96] : memref<2x80xf32, #tpu.memory_space<vmem>> -> memref<1x80xf32, #tpu.memory_space<vmem>>
      %dma_start3A_98 = tpu.memref_squeeze %dma_start3A_97 : memref<1x80xf32, #tpu.memory_space<vmem>> -> memref<80xf32, #tpu.memory_space<vmem>>
      %dma_start3A_99 = tpu.memref_slice %arg9[%add3A_52] : memref<192000xf32, #tpu.memory_space<hbm>> -> memref<80xf32, #tpu.memory_space<hbm>>
      %dma_start3A_100 = tpu.memref_slice %arg9[%add3A_52] : memref<192000xf32, #tpu.memory_space<hbm>> -> memref<80xf32, #tpu.memory_space<hbm>>
      %dma_start3A_101 = arith.constant 0 : i32
      %dma_start3A_102 = tpu.memref_slice %arg14[%run_scoped3A_93, %dma_start3A_101] : memref<2x80xf32, #tpu.memory_space<vmem>> -> memref<1x80xf32, #tpu.memory_space<vmem>>
      %dma_start3A_103 = tpu.memref_squeeze %dma_start3A_102 : memref<1x80xf32, #tpu.memory_space<vmem>> -> memref<80xf32, #tpu.memory_space<vmem>>
      tpu.enqueue_dma source(%dma_start3A_103 : memref<80xf32, #tpu.memory_space<vmem>>) target(%dma_start3A_100 : memref<80xf32, #tpu.memory_space<hbm>>) target_semaphore(%run_scoped3A_95 : memref<!tpu.dma_semaphore, #tpu.memory_space<semaphore_mem>>)
      %dma_wait3A_104 = arith.constant 0 : i32
      %dma_wait3A_105 = tpu.memref_slice %arg14[%run_scoped3A_93, %dma_wait3A_104] : memref<2x80xf32, #tpu.memory_space<vmem>> -> memref<1x80xf32, #tpu.memory_space<vmem>>
      %dma_wait3A_106 = tpu.memref_squeeze %dma_wait3A_105 : memref<1x80xf32, #tpu.memory_space<vmem>> -> memref<80xf32, #tpu.memory_space<vmem>>
      %dma_wait3A_107 = tpu.memref_slice %arg9[%add3A_52] : memref<192000xf32, #tpu.memory_space<hbm>> -> memref<80xf32, #tpu.memory_space<hbm>>
      %dma_wait3A_108 = tpu.memref_slice %arg9[%add3A_52] : memref<192000xf32, #tpu.memory_space<hbm>> -> memref<80xf32, #tpu.memory_space<hbm>>
      %dma_wait3A_109 = arith.constant 0 : i32
      %dma_wait3A_110 = tpu.memref_slice %arg14[%run_scoped3A_93, %dma_wait3A_109] : memref<2x80xf32, #tpu.memory_space<vmem>> -> memref<1x80xf32, #tpu.memory_space<vmem>>
      %dma_wait3A_111 = tpu.memref_squeeze %dma_wait3A_110 : memref<1x80xf32, #tpu.memory_space<vmem>> -> memref<80xf32, #tpu.memory_space<vmem>>
      tpu.wait_dma2 semaphore(%run_scoped3A_95 : memref<!tpu.dma_semaphore, #tpu.memory_space<semaphore_mem>>) src(%dma_wait3A_111 : memref<80xf32, #tpu.memory_space<vmem>>) dst(%dma_wait3A_108 : memref<80xf32, #tpu.memory_space<hbm>>)
      tpu.yield
    }) : () -> ()
    %run_scoped3A_94 = arith.constant 0 : i32
    "tpu.region"() ({
      %run_scoped3A_95 = tpu.sem_alloc : memref<!tpu.dma_semaphore, #tpu.memory_space<semaphore_mem>>
      %dma_start3A_96 = arith.constant 0 : i32
      %dma_start3A_97 = tpu.memref_slice %arg15[%run_scoped3A_94, %dma_start3A_96] : memref<2x80xf32, #tpu.memory_space<vmem>> -> memref<1x80xf32, #tpu.memory_space<vmem>>
      %dma_start3A_98 = tpu.memref_squeeze %dma_start3A_97 : memref<1x80xf32, #tpu.memory_space<vmem>> -> memref<80xf32, #tpu.memory_space<vmem>>
      %dma_start3A_99 = tpu.memref_slice %arg10[%add3A_52] : memref<192000xf32, #tpu.memory_space<hbm>> -> memref<80xf32, #tpu.memory_space<hbm>>
      %dma_start3A_100 = tpu.memref_slice %arg10[%add3A_52] : memref<192000xf32, #tpu.memory_space<hbm>> -> memref<80xf32, #tpu.memory_space<hbm>>
      %dma_start3A_101 = arith.constant 0 : i32
      %dma_start3A_102 = tpu.memref_slice %arg15[%run_scoped3A_94, %dma_start3A_101] : memref<2x80xf32, #tpu.memory_space<vmem>> -> memref<1x80xf32, #tpu.memory_space<vmem>>
      %dma_start3A_103 = tpu.memref_squeeze %dma_start3A_102 : memref<1x80xf32, #tpu.memory_space<vmem>> -> memref<80xf32, #tpu.memory_space<vmem>>
      tpu.enqueue_dma source(%dma_start3A_103 : memref<80xf32, #tpu.memory_space<vmem>>) target(%dma_start3A_100 : memref<80xf32, #tpu.memory_space<hbm>>) target_semaphore(%run_scoped3A_95 : memref<!tpu.dma_semaphore, #tpu.memory_space<semaphore_mem>>)
      %dma_wait3A_104 = arith.constant 0 : i32
      %dma_wait3A_105 = tpu.memref_slice %arg15[%run_scoped3A_94, %dma_wait3A_104] : memref<2x80xf32, #tpu.memory_space<vmem>> -> memref<1x80xf32, #tpu.memory_space<vmem>>
      %dma_wait3A_106 = tpu.memref_squeeze %dma_wait3A_105 : memref<1x80xf32, #tpu.memory_space<vmem>> -> memref<80xf32, #tpu.memory_space<vmem>>
      %dma_wait3A_107 = tpu.memref_slice %arg10[%add3A_52] : memref<192000xf32, #tpu.memory_space<hbm>> -> memref<80xf32, #tpu.memory_space<hbm>>
      %dma_wait3A_108 = tpu.memref_slice %arg10[%add3A_52] : memref<192000xf32, #tpu.memory_space<hbm>> -> memref<80xf32, #tpu.memory_space<hbm>>
      %dma_wait3A_109 = arith.constant 0 : i32
      %dma_wait3A_110 = tpu.memref_slice %arg15[%run_scoped3A_94, %dma_wait3A_109] : memref<2x80xf32, #tpu.memory_space<vmem>> -> memref<1x80xf32, #tpu.memory_space<vmem>>
      %dma_wait3A_111 = tpu.memref_squeeze %dma_wait3A_110 : memref<1x80xf32, #tpu.memory_space<vmem>> -> memref<80xf32, #tpu.memory_space<vmem>>
      tpu.wait_dma2 semaphore(%run_scoped3A_95 : memref<!tpu.dma_semaphore, #tpu.memory_space<semaphore_mem>>) src(%dma_wait3A_111 : memref<80xf32, #tpu.memory_space<vmem>>) dst(%dma_wait3A_108 : memref<80xf32, #tpu.memory_space<hbm>>)
      tpu.yield
    }) : () -> ()
    return
  }
}

#map = affine_map<(d0, d1) -> (0)>
#map1 = affine_map<(d0, d1) -> (0, 0)>
module attributes {stable_mosaic.version = 14 : i64} {
  func.func @gather_k(%arg0: i32, %arg1: i32, %arg2: memref<128000xi32, #tpu.memory_space<hbm>>, %arg3: memref<10000x128xf32, #tpu.memory_space<hbm>>, %arg4: memref<10000xf32, #tpu.memory_space<hbm>>, %arg5: memref<10000xf32, #tpu.memory_space<hbm>>, %arg6: memref<10000xf32, #tpu.memory_space<hbm>>, %arg7: memref<128000x128xf32, #tpu.memory_space<hbm>>, %arg8: memref<128000xf32, #tpu.memory_space<hbm>>, %arg9: memref<128000xf32, #tpu.memory_space<hbm>>, %arg10: memref<128000xf32, #tpu.memory_space<hbm>>, %arg11: memref<2x80xi32, #tpu.memory_space<vmem>>, %arg12: memref<160x128xf32, #tpu.memory_space<vmem>>, %arg13: memref<2x80xf32, #tpu.memory_space<vmem>>, %arg14: memref<2x80xf32, #tpu.memory_space<vmem>>, %arg15: memref<2x80xf32, #tpu.memory_space<vmem>>, %arg16: memref<!tpu.dma_semaphore, #tpu.memory_space<semaphore_mem>>, %arg17: memref<!tpu.dma_semaphore, #tpu.memory_space<semaphore_mem>>, %arg18: memref<!tpu.dma_semaphore, #tpu.memory_space<semaphore_mem>>, %arg19: memref<!tpu.dma_semaphore, #tpu.memory_space<semaphore_mem>>, %arg20: memref<!tpu.dma_semaphore, #tpu.memory_space<semaphore_mem>>, %arg21: memref<!tpu.dma_semaphore, #tpu.memory_space<semaphore_mem>>, %arg22: memref<!tpu.dma_semaphore, #tpu.memory_space<semaphore_mem>>, %arg23: memref<!tpu.dma_semaphore, #tpu.memory_space<semaphore_mem>>) attributes {dimension_semantics = [#tpu.dimension_semantics<core_parallel>, #tpu.dimension_semantics<subcore_parallel>], iteration_bounds = array<i64: 2, 16>, scalar_prefetch = 0 : i64, scratch_operands = 13 : i64, tpu.core_type = #tpu.core_type<sc_vector_subcore>, window_params = [{transform_indices = #map}, {transform_indices = #map1}, {transform_indices = #map}, {transform_indices = #map}, {transform_indices = #map}, {transform_indices = #map1}, {transform_indices = #map}, {transform_indices = #map}, {transform_indices = #map}]} {
    %mul3A = arith.constant 2 : i32
    %mul3A_0 = arith.muli %arg1, %mul3A : i32
    %add3A = arith.addi %mul3A_0, %arg0 : i32
    %mul3A_1 = arith.constant 4000 : i32
    %mul3A_2 = arith.muli %add3A, %mul3A_1 : i32
    %add3A_3 = arith.constant 0 : i32
    %add3A_4 = arith.addi %mul3A_2, %add3A_3 : i32
    %run_scoped3A = arith.constant 0 : i32
    "tpu.region"() ({
      %run_scoped3A_187 = tpu.sem_alloc : memref<!tpu.dma_semaphore, #tpu.memory_space<semaphore_mem>>
      %dma_start3A_188 = arith.constant 0 : i32
      %dma_start3A_189 = tpu.memref_slice %arg11[%run_scoped3A, %dma_start3A_188] : memref<2x80xi32, #tpu.memory_space<vmem>> -> memref<1x80xi32, #tpu.memory_space<vmem>>
      %dma_start3A_190 = tpu.memref_squeeze %dma_start3A_189 : memref<1x80xi32, #tpu.memory_space<vmem>> -> memref<80xi32, #tpu.memory_space<vmem>>
      %dma_start3A_191 = tpu.memref_slice %arg2[%add3A_4] : memref<128000xi32, #tpu.memory_space<hbm>> -> memref<80xi32, #tpu.memory_space<hbm>>
      %dma_start3A_192 = arith.constant 0 : i32
      %dma_start3A_193 = tpu.memref_slice %arg11[%run_scoped3A, %dma_start3A_192] : memref<2x80xi32, #tpu.memory_space<vmem>> -> memref<1x80xi32, #tpu.memory_space<vmem>>
      %dma_start3A_194 = tpu.memref_squeeze %dma_start3A_193 : memref<1x80xi32, #tpu.memory_space<vmem>> -> memref<80xi32, #tpu.memory_space<vmem>>
      %dma_start3A_195 = tpu.memref_slice %arg2[%add3A_4] : memref<128000xi32, #tpu.memory_space<hbm>> -> memref<80xi32, #tpu.memory_space<hbm>>
      tpu.enqueue_dma source(%dma_start3A_195 : memref<80xi32, #tpu.memory_space<hbm>>) target(%dma_start3A_194 : memref<80xi32, #tpu.memory_space<vmem>>) target_semaphore(%run_scoped3A_187 : memref<!tpu.dma_semaphore, #tpu.memory_space<semaphore_mem>>)
      %dma_wait3A_196 = arith.constant 0 : i32
      %dma_wait3A_197 = tpu.memref_slice %arg11[%run_scoped3A, %dma_wait3A_196] : memref<2x80xi32, #tpu.memory_space<vmem>> -> memref<1x80xi32, #tpu.memory_space<vmem>>
      %dma_wait3A_198 = tpu.memref_squeeze %dma_wait3A_197 : memref<1x80xi32, #tpu.memory_space<vmem>> -> memref<80xi32, #tpu.memory_space<vmem>>
      %dma_wait3A_199 = tpu.memref_slice %arg2[%add3A_4] : memref<128000xi32, #tpu.memory_space<hbm>> -> memref<80xi32, #tpu.memory_space<hbm>>
      %dma_wait3A_200 = arith.constant 0 : i32
      %dma_wait3A_201 = tpu.memref_slice %arg11[%run_scoped3A, %dma_wait3A_200] : memref<2x80xi32, #tpu.memory_space<vmem>> -> memref<1x80xi32, #tpu.memory_space<vmem>>
      %dma_wait3A_202 = tpu.memref_squeeze %dma_wait3A_201 : memref<1x80xi32, #tpu.memory_space<vmem>> -> memref<80xi32, #tpu.memory_space<vmem>>
      %dma_wait3A_203 = tpu.memref_slice %arg2[%add3A_4] : memref<128000xi32, #tpu.memory_space<hbm>> -> memref<80xi32, #tpu.memory_space<hbm>>
      tpu.wait_dma2 semaphore(%run_scoped3A_187 : memref<!tpu.dma_semaphore, #tpu.memory_space<semaphore_mem>>) src(%dma_wait3A_203 : memref<80xi32, #tpu.memory_space<hbm>>) dst(%dma_wait3A_202 : memref<80xi32, #tpu.memory_space<vmem>>)
      tpu.yield
    }) : () -> ()
    %dma_start3A = arith.constant 0 : i32
    %dma_start3A_5 = arith.constant 0 : i32
    %dma_start3A_6 = arith.constant 0 : i32
    %dma_start3A_7 = tpu.memref_slice %arg12[%dma_start3A_5, %dma_start3A_6] : memref<160x128xf32, #tpu.memory_space<vmem>> -> memref<80x128xf32, #tpu.memory_space<vmem>>
    %dma_start3A_8 = arith.constant 0 : i32
    %dma_start3A_9 = tpu.memref_slice %arg11[%dma_start3A, %dma_start3A_8] : memref<2x80xi32, #tpu.memory_space<vmem>> -> memref<1x80xi32, #tpu.memory_space<vmem>>
    %dma_start3A_10 = tpu.memref_squeeze %dma_start3A_9 : memref<1x80xi32, #tpu.memory_space<vmem>> -> memref<80xi32, #tpu.memory_space<vmem>>
    %dma_start3A_11 = arith.constant 0 : i32
    %dma_start3A_12 = arith.constant 0 : i32
    %dma_start3A_13 = tpu.memref_slice %arg3[%dma_start3A_11, %dma_start3A_12] : memref<10000x128xf32, #tpu.memory_space<hbm>> -> memref<10000x128xf32, #tpu.memory_space<hbm>>
    tpu.enqueue_indirect_dma source(%dma_start3A_13 : memref<10000x128xf32, #tpu.memory_space<hbm>>) target(%dma_start3A_7 : memref<80x128xf32, #tpu.memory_space<vmem>>) offsets(%dma_start3A_10 : memref<80xi32, #tpu.memory_space<vmem>>) semaphore(%arg16 : memref<!tpu.dma_semaphore, #tpu.memory_space<semaphore_mem>>)
    %dma_start3A_14 = arith.constant 0 : i32
    %dma_start3A_15 = arith.constant 0 : i32
    %dma_start3A_16 = arith.constant 0 : i32
    %dma_start3A_17 = tpu.memref_slice %arg13[%dma_start3A_15, %dma_start3A_16] : memref<2x80xf32, #tpu.memory_space<vmem>> -> memref<1x80xf32, #tpu.memory_space<vmem>>
    %dma_start3A_18 = tpu.memref_squeeze %dma_start3A_17 : memref<1x80xf32, #tpu.memory_space<vmem>> -> memref<80xf32, #tpu.memory_space<vmem>>
    %dma_start3A_19 = arith.constant 0 : i32
    %dma_start3A_20 = tpu.memref_slice %arg11[%dma_start3A_14, %dma_start3A_19] : memref<2x80xi32, #tpu.memory_space<vmem>> -> memref<1x80xi32, #tpu.memory_space<vmem>>
    %dma_start3A_21 = tpu.memref_squeeze %dma_start3A_20 : memref<1x80xi32, #tpu.memory_space<vmem>> -> memref<80xi32, #tpu.memory_space<vmem>>
    %dma_start3A_22 = arith.constant 0 : i32
    %dma_start3A_23 = tpu.memref_slice %arg4[%dma_start3A_22] : memref<10000xf32, #tpu.memory_space<hbm>> -> memref<10000xf32, #tpu.memory_space<hbm>>
    tpu.enqueue_indirect_dma source(%dma_start3A_23 : memref<10000xf32, #tpu.memory_space<hbm>>) target(%dma_start3A_18 : memref<80xf32, #tpu.memory_space<vmem>>) offsets(%dma_start3A_21 : memref<80xi32, #tpu.memory_space<vmem>>) semaphore(%arg17 : memref<!tpu.dma_semaphore, #tpu.memory_space<semaphore_mem>>)
    %dma_start3A_24 = arith.constant 0 : i32
    %dma_start3A_25 = arith.constant 0 : i32
    %dma_start3A_26 = arith.constant 0 : i32
    %dma_start3A_27 = tpu.memref_slice %arg14[%dma_start3A_25, %dma_start3A_26] : memref<2x80xf32, #tpu.memory_space<vmem>> -> memref<1x80xf32, #tpu.memory_space<vmem>>
    %dma_start3A_28 = tpu.memref_squeeze %dma_start3A_27 : memref<1x80xf32, #tpu.memory_space<vmem>> -> memref<80xf32, #tpu.memory_space<vmem>>
    %dma_start3A_29 = arith.constant 0 : i32
    %dma_start3A_30 = tpu.memref_slice %arg11[%dma_start3A_24, %dma_start3A_29] : memref<2x80xi32, #tpu.memory_space<vmem>> -> memref<1x80xi32, #tpu.memory_space<vmem>>
    %dma_start3A_31 = tpu.memref_squeeze %dma_start3A_30 : memref<1x80xi32, #tpu.memory_space<vmem>> -> memref<80xi32, #tpu.memory_space<vmem>>
    %dma_start3A_32 = arith.constant 0 : i32
    %dma_start3A_33 = tpu.memref_slice %arg5[%dma_start3A_32] : memref<10000xf32, #tpu.memory_space<hbm>> -> memref<10000xf32, #tpu.memory_space<hbm>>
    tpu.enqueue_indirect_dma source(%dma_start3A_33 : memref<10000xf32, #tpu.memory_space<hbm>>) target(%dma_start3A_28 : memref<80xf32, #tpu.memory_space<vmem>>) offsets(%dma_start3A_31 : memref<80xi32, #tpu.memory_space<vmem>>) semaphore(%arg18 : memref<!tpu.dma_semaphore, #tpu.memory_space<semaphore_mem>>)
    %dma_start3A_34 = arith.constant 0 : i32
    %dma_start3A_35 = arith.constant 0 : i32
    %dma_start3A_36 = arith.constant 0 : i32
    %dma_start3A_37 = tpu.memref_slice %arg15[%dma_start3A_35, %dma_start3A_36] : memref<2x80xf32, #tpu.memory_space<vmem>> -> memref<1x80xf32, #tpu.memory_space<vmem>>
    %dma_start3A_38 = tpu.memref_squeeze %dma_start3A_37 : memref<1x80xf32, #tpu.memory_space<vmem>> -> memref<80xf32, #tpu.memory_space<vmem>>
    %dma_start3A_39 = arith.constant 0 : i32
    %dma_start3A_40 = tpu.memref_slice %arg11[%dma_start3A_34, %dma_start3A_39] : memref<2x80xi32, #tpu.memory_space<vmem>> -> memref<1x80xi32, #tpu.memory_space<vmem>>
    %dma_start3A_41 = tpu.memref_squeeze %dma_start3A_40 : memref<1x80xi32, #tpu.memory_space<vmem>> -> memref<80xi32, #tpu.memory_space<vmem>>
    %dma_start3A_42 = arith.constant 0 : i32
    %dma_start3A_43 = tpu.memref_slice %arg6[%dma_start3A_42] : memref<10000xf32, #tpu.memory_space<hbm>> -> memref<10000xf32, #tpu.memory_space<hbm>>
    tpu.enqueue_indirect_dma source(%dma_start3A_43 : memref<10000xf32, #tpu.memory_space<hbm>>) target(%dma_start3A_38 : memref<80xf32, #tpu.memory_space<vmem>>) offsets(%dma_start3A_41 : memref<80xi32, #tpu.memory_space<vmem>>) semaphore(%arg19 : memref<!tpu.dma_semaphore, #tpu.memory_space<semaphore_mem>>)
    %scan3A = arith.constant 0 : i32
    %scan3A_44 = arith.constant 0 : i32
    %scan3A_45 = arith.constant 24 : i32
    %scan3A_46 = arith.addi %scan3A_44, %scan3A_45 : i32
    %scan3A_47 = arith.constant 1 : i32
    scf.for %scan3A_187 = %scan3A_44 to %scan3A_46 step %scan3A_47  : i32 {
      %mul3A_188 = arith.constant 2 : i32
      %mul3A_189 = arith.muli %mul3A_188, %scan3A_187 : i32
      %add3A_190 = arith.constant 1 : i32
      %add3A_191 = arith.addi %mul3A_189, %add3A_190 : i32
      %mul3A_192 = arith.constant 4000 : i32
      %mul3A_193 = arith.muli %add3A, %mul3A_192 : i32
      %mul3A_194 = arith.constant 80 : i32
      %mul3A_195 = arith.muli %add3A_191, %mul3A_194 : i32
      %add3A_196 = arith.addi %mul3A_193, %mul3A_195 : i32
      %run_scoped3A_197 = arith.constant 1 : i32
      "tpu.region"() ({
        %run_scoped3A_390 = tpu.sem_alloc : memref<!tpu.dma_semaphore, #tpu.memory_space<semaphore_mem>>
        %dma_start3A_391 = arith.constant 0 : i32
        %dma_start3A_392 = tpu.memref_slice %arg11[%run_scoped3A_197, %dma_start3A_391] : memref<2x80xi32, #tpu.memory_space<vmem>> -> memref<1x80xi32, #tpu.memory_space<vmem>>
        %dma_start3A_393 = tpu.memref_squeeze %dma_start3A_392 : memref<1x80xi32, #tpu.memory_space<vmem>> -> memref<80xi32, #tpu.memory_space<vmem>>
        %dma_start3A_394 = tpu.memref_slice %arg2[%add3A_196] : memref<128000xi32, #tpu.memory_space<hbm>> -> memref<80xi32, #tpu.memory_space<hbm>>
        %dma_start3A_395 = arith.constant 0 : i32
        %dma_start3A_396 = tpu.memref_slice %arg11[%run_scoped3A_197, %dma_start3A_395] : memref<2x80xi32, #tpu.memory_space<vmem>> -> memref<1x80xi32, #tpu.memory_space<vmem>>
        %dma_start3A_397 = tpu.memref_squeeze %dma_start3A_396 : memref<1x80xi32, #tpu.memory_space<vmem>> -> memref<80xi32, #tpu.memory_space<vmem>>
        %dma_start3A_398 = tpu.memref_slice %arg2[%add3A_196] : memref<128000xi32, #tpu.memory_space<hbm>> -> memref<80xi32, #tpu.memory_space<hbm>>
        tpu.enqueue_dma source(%dma_start3A_398 : memref<80xi32, #tpu.memory_space<hbm>>) target(%dma_start3A_397 : memref<80xi32, #tpu.memory_space<vmem>>) target_semaphore(%run_scoped3A_390 : memref<!tpu.dma_semaphore, #tpu.memory_space<semaphore_mem>>)
        %dma_wait3A_399 = arith.constant 0 : i32
        %dma_wait3A_400 = tpu.memref_slice %arg11[%run_scoped3A_197, %dma_wait3A_399] : memref<2x80xi32, #tpu.memory_space<vmem>> -> memref<1x80xi32, #tpu.memory_space<vmem>>
        %dma_wait3A_401 = tpu.memref_squeeze %dma_wait3A_400 : memref<1x80xi32, #tpu.memory_space<vmem>> -> memref<80xi32, #tpu.memory_space<vmem>>
        %dma_wait3A_402 = tpu.memref_slice %arg2[%add3A_196] : memref<128000xi32, #tpu.memory_space<hbm>> -> memref<80xi32, #tpu.memory_space<hbm>>
        %dma_wait3A_403 = arith.constant 0 : i32
        %dma_wait3A_404 = tpu.memref_slice %arg11[%run_scoped3A_197, %dma_wait3A_403] : memref<2x80xi32, #tpu.memory_space<vmem>> -> memref<1x80xi32, #tpu.memory_space<vmem>>
        %dma_wait3A_405 = tpu.memref_squeeze %dma_wait3A_404 : memref<1x80xi32, #tpu.memory_space<vmem>> -> memref<80xi32, #tpu.memory_space<vmem>>
        %dma_wait3A_406 = tpu.memref_slice %arg2[%add3A_196] : memref<128000xi32, #tpu.memory_space<hbm>> -> memref<80xi32, #tpu.memory_space<hbm>>
        tpu.wait_dma2 semaphore(%run_scoped3A_390 : memref<!tpu.dma_semaphore, #tpu.memory_space<semaphore_mem>>) src(%dma_wait3A_406 : memref<80xi32, #tpu.memory_space<hbm>>) dst(%dma_wait3A_405 : memref<80xi32, #tpu.memory_space<vmem>>)
        tpu.yield
      }) : () -> ()
      %dma_start3A_198 = arith.constant 1 : i32
      %dma_start3A_199 = arith.constant 80 : i32
      %dma_start3A_200 = arith.constant 0 : i32
      %dma_start3A_201 = tpu.memref_slice %arg12[%dma_start3A_199, %dma_start3A_200] : memref<160x128xf32, #tpu.memory_space<vmem>> -> memref<80x128xf32, #tpu.memory_space<vmem>>
      %dma_start3A_202 = arith.constant 0 : i32
      %dma_start3A_203 = tpu.memref_slice %arg11[%dma_start3A_198, %dma_start3A_202] : memref<2x80xi32, #tpu.memory_space<vmem>> -> memref<1x80xi32, #tpu.memory_space<vmem>>
      %dma_start3A_204 = tpu.memref_squeeze %dma_start3A_203 : memref<1x80xi32, #tpu.memory_space<vmem>> -> memref<80xi32, #tpu.memory_space<vmem>>
      %dma_start3A_205 = arith.constant 0 : i32
      %dma_start3A_206 = arith.constant 0 : i32
      %dma_start3A_207 = tpu.memref_slice %arg3[%dma_start3A_205, %dma_start3A_206] : memref<10000x128xf32, #tpu.memory_space<hbm>> -> memref<10000x128xf32, #tpu.memory_space<hbm>>
      tpu.enqueue_indirect_dma source(%dma_start3A_207 : memref<10000x128xf32, #tpu.memory_space<hbm>>) target(%dma_start3A_201 : memref<80x128xf32, #tpu.memory_space<vmem>>) offsets(%dma_start3A_204 : memref<80xi32, #tpu.memory_space<vmem>>) semaphore(%arg20 : memref<!tpu.dma_semaphore, #tpu.memory_space<semaphore_mem>>)
      %dma_start3A_208 = arith.constant 1 : i32
      %dma_start3A_209 = arith.constant 1 : i32
      %dma_start3A_210 = arith.constant 0 : i32
      %dma_start3A_211 = tpu.memref_slice %arg13[%dma_start3A_209, %dma_start3A_210] : memref<2x80xf32, #tpu.memory_space<vmem>> -> memref<1x80xf32, #tpu.memory_space<vmem>>
      %dma_start3A_212 = tpu.memref_squeeze %dma_start3A_211 : memref<1x80xf32, #tpu.memory_space<vmem>> -> memref<80xf32, #tpu.memory_space<vmem>>
      %dma_start3A_213 = arith.constant 0 : i32
      %dma_start3A_214 = tpu.memref_slice %arg11[%dma_start3A_208, %dma_start3A_213] : memref<2x80xi32, #tpu.memory_space<vmem>> -> memref<1x80xi32, #tpu.memory_space<vmem>>
      %dma_start3A_215 = tpu.memref_squeeze %dma_start3A_214 : memref<1x80xi32, #tpu.memory_space<vmem>> -> memref<80xi32, #tpu.memory_space<vmem>>
      %dma_start3A_216 = arith.constant 0 : i32
      %dma_start3A_217 = tpu.memref_slice %arg4[%dma_start3A_216] : memref<10000xf32, #tpu.memory_space<hbm>> -> memref<10000xf32, #tpu.memory_space<hbm>>
      tpu.enqueue_indirect_dma source(%dma_start3A_217 : memref<10000xf32, #tpu.memory_space<hbm>>) target(%dma_start3A_212 : memref<80xf32, #tpu.memory_space<vmem>>) offsets(%dma_start3A_215 : memref<80xi32, #tpu.memory_space<vmem>>) semaphore(%arg21 : memref<!tpu.dma_semaphore, #tpu.memory_space<semaphore_mem>>)
      %dma_start3A_218 = arith.constant 1 : i32
      %dma_start3A_219 = arith.constant 1 : i32
      %dma_start3A_220 = arith.constant 0 : i32
      %dma_start3A_221 = tpu.memref_slice %arg14[%dma_start3A_219, %dma_start3A_220] : memref<2x80xf32, #tpu.memory_space<vmem>> -> memref<1x80xf32, #tpu.memory_space<vmem>>
      %dma_start3A_222 = tpu.memref_squeeze %dma_start3A_221 : memref<1x80xf32, #tpu.memory_space<vmem>> -> memref<80xf32, #tpu.memory_space<vmem>>
      %dma_start3A_223 = arith.constant 0 : i32
      %dma_start3A_224 = tpu.memref_slice %arg11[%dma_start3A_218, %dma_start3A_223] : memref<2x80xi32, #tpu.memory_space<vmem>> -> memref<1x80xi32, #tpu.memory_space<vmem>>
      %dma_start3A_225 = tpu.memref_squeeze %dma_start3A_224 : memref<1x80xi32, #tpu.memory_space<vmem>> -> memref<80xi32, #tpu.memory_space<vmem>>
      %dma_start3A_226 = arith.constant 0 : i32
      %dma_start3A_227 = tpu.memref_slice %arg5[%dma_start3A_226] : memref<10000xf32, #tpu.memory_space<hbm>> -> memref<10000xf32, #tpu.memory_space<hbm>>
      tpu.enqueue_indirect_dma source(%dma_start3A_227 : memref<10000xf32, #tpu.memory_space<hbm>>) target(%dma_start3A_222 : memref<80xf32, #tpu.memory_space<vmem>>) offsets(%dma_start3A_225 : memref<80xi32, #tpu.memory_space<vmem>>) semaphore(%arg22 : memref<!tpu.dma_semaphore, #tpu.memory_space<semaphore_mem>>)
      %dma_start3A_228 = arith.constant 1 : i32
      %dma_start3A_229 = arith.constant 1 : i32
      %dma_start3A_230 = arith.constant 0 : i32
      %dma_start3A_231 = tpu.memref_slice %arg15[%dma_start3A_229, %dma_start3A_230] : memref<2x80xf32, #tpu.memory_space<vmem>> -> memref<1x80xf32, #tpu.memory_space<vmem>>
      %dma_start3A_232 = tpu.memref_squeeze %dma_start3A_231 : memref<1x80xf32, #tpu.memory_space<vmem>> -> memref<80xf32, #tpu.memory_space<vmem>>
      %dma_start3A_233 = arith.constant 0 : i32
      %dma_start3A_234 = tpu.memref_slice %arg11[%dma_start3A_228, %dma_start3A_233] : memref<2x80xi32, #tpu.memory_space<vmem>> -> memref<1x80xi32, #tpu.memory_space<vmem>>
      %dma_start3A_235 = tpu.memref_squeeze %dma_start3A_234 : memref<1x80xi32, #tpu.memory_space<vmem>> -> memref<80xi32, #tpu.memory_space<vmem>>
      %dma_start3A_236 = arith.constant 0 : i32
      %dma_start3A_237 = tpu.memref_slice %arg6[%dma_start3A_236] : memref<10000xf32, #tpu.memory_space<hbm>> -> memref<10000xf32, #tpu.memory_space<hbm>>
      tpu.enqueue_indirect_dma source(%dma_start3A_237 : memref<10000xf32, #tpu.memory_space<hbm>>) target(%dma_start3A_232 : memref<80xf32, #tpu.memory_space<vmem>>) offsets(%dma_start3A_235 : memref<80xi32, #tpu.memory_space<vmem>>) semaphore(%arg23 : memref<!tpu.dma_semaphore, #tpu.memory_space<semaphore_mem>>)
      %mul3A_238 = arith.constant 2 : i32
      %mul3A_239 = arith.muli %mul3A_238, %scan3A_187 : i32
      %mul3A_240 = arith.constant 4000 : i32
      %mul3A_241 = arith.muli %add3A, %mul3A_240 : i32
      %mul3A_242 = arith.constant 80 : i32
      %mul3A_243 = arith.muli %mul3A_239, %mul3A_242 : i32
      %add3A_244 = arith.addi %mul3A_241, %mul3A_243 : i32
      %dma_wait3A_245 = arith.constant 0 : i32
      %dma_wait3A_246 = arith.constant 0 : i32
      %dma_wait3A_247 = arith.constant 0 : i32
      %dma_wait3A_248 = tpu.memref_slice %arg12[%dma_wait3A_246, %dma_wait3A_247] : memref<160x128xf32, #tpu.memory_space<vmem>> -> memref<80x128xf32, #tpu.memory_space<vmem>>
      %dma_wait3A_249 = arith.constant 0 : i32
      %dma_wait3A_250 = tpu.memref_slice %arg11[%dma_wait3A_245, %dma_wait3A_249] : memref<2x80xi32, #tpu.memory_space<vmem>> -> memref<1x80xi32, #tpu.memory_space<vmem>>
      %dma_wait3A_251 = tpu.memref_squeeze %dma_wait3A_250 : memref<1x80xi32, #tpu.memory_space<vmem>> -> memref<80xi32, #tpu.memory_space<vmem>>
      %dma_wait3A_252 = arith.constant 0 : i32
      %dma_wait3A_253 = arith.constant 0 : i32
      %dma_wait3A_254 = tpu.memref_slice %arg3[%dma_wait3A_252, %dma_wait3A_253] : memref<10000x128xf32, #tpu.memory_space<hbm>> -> memref<10000x128xf32, #tpu.memory_space<hbm>>
      tpu.wait_indirect_dma semaphore(%arg16 : memref<!tpu.dma_semaphore, #tpu.memory_space<semaphore_mem>>) src(%dma_wait3A_254 : memref<10000x128xf32, #tpu.memory_space<hbm>>) dst(%dma_wait3A_248 : memref<80x128xf32, #tpu.memory_space<vmem>>)
      %dma_wait3A_255 = arith.constant 0 : i32
      %dma_wait3A_256 = arith.constant 0 : i32
      %dma_wait3A_257 = arith.constant 0 : i32
      %dma_wait3A_258 = tpu.memref_slice %arg13[%dma_wait3A_256, %dma_wait3A_257] : memref<2x80xf32, #tpu.memory_space<vmem>> -> memref<1x80xf32, #tpu.memory_space<vmem>>
      %dma_wait3A_259 = tpu.memref_squeeze %dma_wait3A_258 : memref<1x80xf32, #tpu.memory_space<vmem>> -> memref<80xf32, #tpu.memory_space<vmem>>
      %dma_wait3A_260 = arith.constant 0 : i32
      %dma_wait3A_261 = tpu.memref_slice %arg11[%dma_wait3A_255, %dma_wait3A_260] : memref<2x80xi32, #tpu.memory_space<vmem>> -> memref<1x80xi32, #tpu.memory_space<vmem>>
      %dma_wait3A_262 = tpu.memref_squeeze %dma_wait3A_261 : memref<1x80xi32, #tpu.memory_space<vmem>> -> memref<80xi32, #tpu.memory_space<vmem>>
      %dma_wait3A_263 = arith.constant 0 : i32
      %dma_wait3A_264 = tpu.memref_slice %arg4[%dma_wait3A_263] : memref<10000xf32, #tpu.memory_space<hbm>> -> memref<10000xf32, #tpu.memory_space<hbm>>
      tpu.wait_indirect_dma semaphore(%arg17 : memref<!tpu.dma_semaphore, #tpu.memory_space<semaphore_mem>>) src(%dma_wait3A_264 : memref<10000xf32, #tpu.memory_space<hbm>>) dst(%dma_wait3A_259 : memref<80xf32, #tpu.memory_space<vmem>>)
      %dma_wait3A_265 = arith.constant 0 : i32
      %dma_wait3A_266 = arith.constant 0 : i32
      %dma_wait3A_267 = arith.constant 0 : i32
      %dma_wait3A_268 = tpu.memref_slice %arg14[%dma_wait3A_266, %dma_wait3A_267] : memref<2x80xf32, #tpu.memory_space<vmem>> -> memref<1x80xf32, #tpu.memory_space<vmem>>
      %dma_wait3A_269 = tpu.memref_squeeze %dma_wait3A_268 : memref<1x80xf32, #tpu.memory_space<vmem>> -> memref<80xf32, #tpu.memory_space<vmem>>
      %dma_wait3A_270 = arith.constant 0 : i32
      %dma_wait3A_271 = tpu.memref_slice %arg11[%dma_wait3A_265, %dma_wait3A_270] : memref<2x80xi32, #tpu.memory_space<vmem>> -> memref<1x80xi32, #tpu.memory_space<vmem>>
      %dma_wait3A_272 = tpu.memref_squeeze %dma_wait3A_271 : memref<1x80xi32, #tpu.memory_space<vmem>> -> memref<80xi32, #tpu.memory_space<vmem>>
      %dma_wait3A_273 = arith.constant 0 : i32
      %dma_wait3A_274 = tpu.memref_slice %arg5[%dma_wait3A_273] : memref<10000xf32, #tpu.memory_space<hbm>> -> memref<10000xf32, #tpu.memory_space<hbm>>
      tpu.wait_indirect_dma semaphore(%arg18 : memref<!tpu.dma_semaphore, #tpu.memory_space<semaphore_mem>>) src(%dma_wait3A_274 : memref<10000xf32, #tpu.memory_space<hbm>>) dst(%dma_wait3A_269 : memref<80xf32, #tpu.memory_space<vmem>>)
      %dma_wait3A_275 = arith.constant 0 : i32
      %dma_wait3A_276 = arith.constant 0 : i32
      %dma_wait3A_277 = arith.constant 0 : i32
      %dma_wait3A_278 = tpu.memref_slice %arg15[%dma_wait3A_276, %dma_wait3A_277] : memref<2x80xf32, #tpu.memory_space<vmem>> -> memref<1x80xf32, #tpu.memory_space<vmem>>
      %dma_wait3A_279 = tpu.memref_squeeze %dma_wait3A_278 : memref<1x80xf32, #tpu.memory_space<vmem>> -> memref<80xf32, #tpu.memory_space<vmem>>
      %dma_wait3A_280 = arith.constant 0 : i32
      %dma_wait3A_281 = tpu.memref_slice %arg11[%dma_wait3A_275, %dma_wait3A_280] : memref<2x80xi32, #tpu.memory_space<vmem>> -> memref<1x80xi32, #tpu.memory_space<vmem>>
      %dma_wait3A_282 = tpu.memref_squeeze %dma_wait3A_281 : memref<1x80xi32, #tpu.memory_space<vmem>> -> memref<80xi32, #tpu.memory_space<vmem>>
      %dma_wait3A_283 = arith.constant 0 : i32
      %dma_wait3A_284 = tpu.memref_slice %arg6[%dma_wait3A_283] : memref<10000xf32, #tpu.memory_space<hbm>> -> memref<10000xf32, #tpu.memory_space<hbm>>
      tpu.wait_indirect_dma semaphore(%arg19 : memref<!tpu.dma_semaphore, #tpu.memory_space<semaphore_mem>>) src(%dma_wait3A_284 : memref<10000xf32, #tpu.memory_space<hbm>>) dst(%dma_wait3A_279 : memref<80xf32, #tpu.memory_space<vmem>>)
      "tpu.region"() ({
        %run_scoped3A_390 = tpu.sem_alloc : memref<!tpu.dma_semaphore, #tpu.memory_space<semaphore_mem>>
        %dma_start3A_391 = arith.constant 0 : i32
        %dma_start3A_392 = arith.constant 0 : i32
        %dma_start3A_393 = tpu.memref_slice %arg12[%dma_start3A_391, %dma_start3A_392] : memref<160x128xf32, #tpu.memory_space<vmem>> -> memref<80x128xf32, #tpu.memory_space<vmem>>
        %dma_start3A_394 = arith.constant 0 : i32
        %dma_start3A_395 = tpu.memref_slice %arg7[%add3A_244, %dma_start3A_394] : memref<128000x128xf32, #tpu.memory_space<hbm>> -> memref<80x128xf32, #tpu.memory_space<hbm>>
        %dma_start3A_396 = arith.constant 0 : i32
        %dma_start3A_397 = tpu.memref_slice %arg7[%add3A_244, %dma_start3A_396] : memref<128000x128xf32, #tpu.memory_space<hbm>> -> memref<80x128xf32, #tpu.memory_space<hbm>>
        %dma_start3A_398 = arith.constant 0 : i32
        %dma_start3A_399 = arith.constant 0 : i32
        %dma_start3A_400 = tpu.memref_slice %arg12[%dma_start3A_398, %dma_start3A_399] : memref<160x128xf32, #tpu.memory_space<vmem>> -> memref<80x128xf32, #tpu.memory_space<vmem>>
        tpu.enqueue_dma source(%dma_start3A_400 : memref<80x128xf32, #tpu.memory_space<vmem>>) target(%dma_start3A_397 : memref<80x128xf32, #tpu.memory_space<hbm>>) target_semaphore(%run_scoped3A_390 : memref<!tpu.dma_semaphore, #tpu.memory_space<semaphore_mem>>)
        %dma_wait3A_401 = arith.constant 0 : i32
        %dma_wait3A_402 = arith.constant 0 : i32
        %dma_wait3A_403 = tpu.memref_slice %arg12[%dma_wait3A_401, %dma_wait3A_402] : memref<160x128xf32, #tpu.memory_space<vmem>> -> memref<80x128xf32, #tpu.memory_space<vmem>>
        %dma_wait3A_404 = arith.constant 0 : i32
        %dma_wait3A_405 = tpu.memref_slice %arg7[%add3A_244, %dma_wait3A_404] : memref<128000x128xf32, #tpu.memory_space<hbm>> -> memref<80x128xf32, #tpu.memory_space<hbm>>
        %dma_wait3A_406 = arith.constant 0 : i32
        %dma_wait3A_407 = tpu.memref_slice %arg7[%add3A_244, %dma_wait3A_406] : memref<128000x128xf32, #tpu.memory_space<hbm>> -> memref<80x128xf32, #tpu.memory_space<hbm>>
        %dma_wait3A_408 = arith.constant 0 : i32
        %dma_wait3A_409 = arith.constant 0 : i32
        %dma_wait3A_410 = tpu.memref_slice %arg12[%dma_wait3A_408, %dma_wait3A_409] : memref<160x128xf32, #tpu.memory_space<vmem>> -> memref<80x128xf32, #tpu.memory_space<vmem>>
        tpu.wait_dma2 semaphore(%run_scoped3A_390 : memref<!tpu.dma_semaphore, #tpu.memory_space<semaphore_mem>>) src(%dma_wait3A_410 : memref<80x128xf32, #tpu.memory_space<vmem>>) dst(%dma_wait3A_407 : memref<80x128xf32, #tpu.memory_space<hbm>>)
        tpu.yield
      }) : () -> ()
      %run_scoped3A_285 = arith.constant 0 : i32
      "tpu.region"() ({
        %run_scoped3A_390 = tpu.sem_alloc : memref<!tpu.dma_semaphore, #tpu.memory_space<semaphore_mem>>
        %dma_start3A_391 = arith.constant 0 : i32
        %dma_start3A_392 = tpu.memref_slice %arg13[%run_scoped3A_285, %dma_start3A_391] : memref<2x80xf32, #tpu.memory_space<vmem>> -> memref<1x80xf32, #tpu.memory_space<vmem>>
        %dma_start3A_393 = tpu.memref_squeeze %dma_start3A_392 : memref<1x80xf32, #tpu.memory_space<vmem>> -> memref<80xf32, #tpu.memory_space<vmem>>
        %dma_start3A_394 = tpu.memref_slice %arg8[%add3A_244] : memref<128000xf32, #tpu.memory_space<hbm>> -> memref<80xf32, #tpu.memory_space<hbm>>
        %dma_start3A_395 = tpu.memref_slice %arg8[%add3A_244] : memref<128000xf32, #tpu.memory_space<hbm>> -> memref<80xf32, #tpu.memory_space<hbm>>
        %dma_start3A_396 = arith.constant 0 : i32
        %dma_start3A_397 = tpu.memref_slice %arg13[%run_scoped3A_285, %dma_start3A_396] : memref<2x80xf32, #tpu.memory_space<vmem>> -> memref<1x80xf32, #tpu.memory_space<vmem>>
        %dma_start3A_398 = tpu.memref_squeeze %dma_start3A_397 : memref<1x80xf32, #tpu.memory_space<vmem>> -> memref<80xf32, #tpu.memory_space<vmem>>
        tpu.enqueue_dma source(%dma_start3A_398 : memref<80xf32, #tpu.memory_space<vmem>>) target(%dma_start3A_395 : memref<80xf32, #tpu.memory_space<hbm>>) target_semaphore(%run_scoped3A_390 : memref<!tpu.dma_semaphore, #tpu.memory_space<semaphore_mem>>)
        %dma_wait3A_399 = arith.constant 0 : i32
        %dma_wait3A_400 = tpu.memref_slice %arg13[%run_scoped3A_285, %dma_wait3A_399] : memref<2x80xf32, #tpu.memory_space<vmem>> -> memref<1x80xf32, #tpu.memory_space<vmem>>
        %dma_wait3A_401 = tpu.memref_squeeze %dma_wait3A_400 : memref<1x80xf32, #tpu.memory_space<vmem>> -> memref<80xf32, #tpu.memory_space<vmem>>
        %dma_wait3A_402 = tpu.memref_slice %arg8[%add3A_244] : memref<128000xf32, #tpu.memory_space<hbm>> -> memref<80xf32, #tpu.memory_space<hbm>>
        %dma_wait3A_403 = tpu.memref_slice %arg8[%add3A_244] : memref<128000xf32, #tpu.memory_space<hbm>> -> memref<80xf32, #tpu.memory_space<hbm>>
        %dma_wait3A_404 = arith.constant 0 : i32
        %dma_wait3A_405 = tpu.memref_slice %arg13[%run_scoped3A_285, %dma_wait3A_404] : memref<2x80xf32, #tpu.memory_space<vmem>> -> memref<1x80xf32, #tpu.memory_space<vmem>>
        %dma_wait3A_406 = tpu.memref_squeeze %dma_wait3A_405 : memref<1x80xf32, #tpu.memory_space<vmem>> -> memref<80xf32, #tpu.memory_space<vmem>>
        tpu.wait_dma2 semaphore(%run_scoped3A_390 : memref<!tpu.dma_semaphore, #tpu.memory_space<semaphore_mem>>) src(%dma_wait3A_406 : memref<80xf32, #tpu.memory_space<vmem>>) dst(%dma_wait3A_403 : memref<80xf32, #tpu.memory_space<hbm>>)
        tpu.yield
      }) : () -> ()
      %run_scoped3A_286 = arith.constant 0 : i32
      "tpu.region"() ({
        %run_scoped3A_390 = tpu.sem_alloc : memref<!tpu.dma_semaphore, #tpu.memory_space<semaphore_mem>>
        %dma_start3A_391 = arith.constant 0 : i32
        %dma_start3A_392 = tpu.memref_slice %arg14[%run_scoped3A_286, %dma_start3A_391] : memref<2x80xf32, #tpu.memory_space<vmem>> -> memref<1x80xf32, #tpu.memory_space<vmem>>
        %dma_start3A_393 = tpu.memref_squeeze %dma_start3A_392 : memref<1x80xf32, #tpu.memory_space<vmem>> -> memref<80xf32, #tpu.memory_space<vmem>>
        %dma_start3A_394 = tpu.memref_slice %arg9[%add3A_244] : memref<128000xf32, #tpu.memory_space<hbm>> -> memref<80xf32, #tpu.memory_space<hbm>>
        %dma_start3A_395 = tpu.memref_slice %arg9[%add3A_244] : memref<128000xf32, #tpu.memory_space<hbm>> -> memref<80xf32, #tpu.memory_space<hbm>>
        %dma_start3A_396 = arith.constant 0 : i32
        %dma_start3A_397 = tpu.memref_slice %arg14[%run_scoped3A_286, %dma_start3A_396] : memref<2x80xf32, #tpu.memory_space<vmem>> -> memref<1x80xf32, #tpu.memory_space<vmem>>
        %dma_start3A_398 = tpu.memref_squeeze %dma_start3A_397 : memref<1x80xf32, #tpu.memory_space<vmem>> -> memref<80xf32, #tpu.memory_space<vmem>>
        tpu.enqueue_dma source(%dma_start3A_398 : memref<80xf32, #tpu.memory_space<vmem>>) target(%dma_start3A_395 : memref<80xf32, #tpu.memory_space<hbm>>) target_semaphore(%run_scoped3A_390 : memref<!tpu.dma_semaphore, #tpu.memory_space<semaphore_mem>>)
        %dma_wait3A_399 = arith.constant 0 : i32
        %dma_wait3A_400 = tpu.memref_slice %arg14[%run_scoped3A_286, %dma_wait3A_399] : memref<2x80xf32, #tpu.memory_space<vmem>> -> memref<1x80xf32, #tpu.memory_space<vmem>>
        %dma_wait3A_401 = tpu.memref_squeeze %dma_wait3A_400 : memref<1x80xf32, #tpu.memory_space<vmem>> -> memref<80xf32, #tpu.memory_space<vmem>>
        %dma_wait3A_402 = tpu.memref_slice %arg9[%add3A_244] : memref<128000xf32, #tpu.memory_space<hbm>> -> memref<80xf32, #tpu.memory_space<hbm>>
        %dma_wait3A_403 = tpu.memref_slice %arg9[%add3A_244] : memref<128000xf32, #tpu.memory_space<hbm>> -> memref<80xf32, #tpu.memory_space<hbm>>
        %dma_wait3A_404 = arith.constant 0 : i32
        %dma_wait3A_405 = tpu.memref_slice %arg14[%run_scoped3A_286, %dma_wait3A_404] : memref<2x80xf32, #tpu.memory_space<vmem>> -> memref<1x80xf32, #tpu.memory_space<vmem>>
        %dma_wait3A_406 = tpu.memref_squeeze %dma_wait3A_405 : memref<1x80xf32, #tpu.memory_space<vmem>> -> memref<80xf32, #tpu.memory_space<vmem>>
        tpu.wait_dma2 semaphore(%run_scoped3A_390 : memref<!tpu.dma_semaphore, #tpu.memory_space<semaphore_mem>>) src(%dma_wait3A_406 : memref<80xf32, #tpu.memory_space<vmem>>) dst(%dma_wait3A_403 : memref<80xf32, #tpu.memory_space<hbm>>)
        tpu.yield
      }) : () -> ()
      %run_scoped3A_287 = arith.constant 0 : i32
      "tpu.region"() ({
        %run_scoped3A_390 = tpu.sem_alloc : memref<!tpu.dma_semaphore, #tpu.memory_space<semaphore_mem>>
        %dma_start3A_391 = arith.constant 0 : i32
        %dma_start3A_392 = tpu.memref_slice %arg15[%run_scoped3A_287, %dma_start3A_391] : memref<2x80xf32, #tpu.memory_space<vmem>> -> memref<1x80xf32, #tpu.memory_space<vmem>>
        %dma_start3A_393 = tpu.memref_squeeze %dma_start3A_392 : memref<1x80xf32, #tpu.memory_space<vmem>> -> memref<80xf32, #tpu.memory_space<vmem>>
        %dma_start3A_394 = tpu.memref_slice %arg10[%add3A_244] : memref<128000xf32, #tpu.memory_space<hbm>> -> memref<80xf32, #tpu.memory_space<hbm>>
        %dma_start3A_395 = tpu.memref_slice %arg10[%add3A_244] : memref<128000xf32, #tpu.memory_space<hbm>> -> memref<80xf32, #tpu.memory_space<hbm>>
        %dma_start3A_396 = arith.constant 0 : i32
        %dma_start3A_397 = tpu.memref_slice %arg15[%run_scoped3A_287, %dma_start3A_396] : memref<2x80xf32, #tpu.memory_space<vmem>> -> memref<1x80xf32, #tpu.memory_space<vmem>>
        %dma_start3A_398 = tpu.memref_squeeze %dma_start3A_397 : memref<1x80xf32, #tpu.memory_space<vmem>> -> memref<80xf32, #tpu.memory_space<vmem>>
        tpu.enqueue_dma source(%dma_start3A_398 : memref<80xf32, #tpu.memory_space<vmem>>) target(%dma_start3A_395 : memref<80xf32, #tpu.memory_space<hbm>>) target_semaphore(%run_scoped3A_390 : memref<!tpu.dma_semaphore, #tpu.memory_space<semaphore_mem>>)
        %dma_wait3A_399 = arith.constant 0 : i32
        %dma_wait3A_400 = tpu.memref_slice %arg15[%run_scoped3A_287, %dma_wait3A_399] : memref<2x80xf32, #tpu.memory_space<vmem>> -> memref<1x80xf32, #tpu.memory_space<vmem>>
        %dma_wait3A_401 = tpu.memref_squeeze %dma_wait3A_400 : memref<1x80xf32, #tpu.memory_space<vmem>> -> memref<80xf32, #tpu.memory_space<vmem>>
        %dma_wait3A_402 = tpu.memref_slice %arg10[%add3A_244] : memref<128000xf32, #tpu.memory_space<hbm>> -> memref<80xf32, #tpu.memory_space<hbm>>
        %dma_wait3A_403 = tpu.memref_slice %arg10[%add3A_244] : memref<128000xf32, #tpu.memory_space<hbm>> -> memref<80xf32, #tpu.memory_space<hbm>>
        %dma_wait3A_404 = arith.constant 0 : i32
        %dma_wait3A_405 = tpu.memref_slice %arg15[%run_scoped3A_287, %dma_wait3A_404] : memref<2x80xf32, #tpu.memory_space<vmem>> -> memref<1x80xf32, #tpu.memory_space<vmem>>
        %dma_wait3A_406 = tpu.memref_squeeze %dma_wait3A_405 : memref<1x80xf32, #tpu.memory_space<vmem>> -> memref<80xf32, #tpu.memory_space<vmem>>
        tpu.wait_dma2 semaphore(%run_scoped3A_390 : memref<!tpu.dma_semaphore, #tpu.memory_space<semaphore_mem>>) src(%dma_wait3A_406 : memref<80xf32, #tpu.memory_space<vmem>>) dst(%dma_wait3A_403 : memref<80xf32, #tpu.memory_space<hbm>>)
        tpu.yield
      }) : () -> ()
      %mul3A_288 = arith.constant 2 : i32
      %mul3A_289 = arith.muli %mul3A_288, %scan3A_187 : i32
      %add3A_290 = arith.constant 2 : i32
      %add3A_291 = arith.addi %mul3A_289, %add3A_290 : i32
      %mul3A_292 = arith.constant 4000 : i32
      %mul3A_293 = arith.muli %add3A, %mul3A_292 : i32
      %mul3A_294 = arith.constant 80 : i32
      %mul3A_295 = arith.muli %add3A_291, %mul3A_294 : i32
      %add3A_296 = arith.addi %mul3A_293, %mul3A_295 : i32
      %run_scoped3A_297 = arith.constant 0 : i32
      "tpu.region"() ({
        %run_scoped3A_390 = tpu.sem_alloc : memref<!tpu.dma_semaphore, #tpu.memory_space<semaphore_mem>>
        %dma_start3A_391 = arith.constant 0 : i32
        %dma_start3A_392 = tpu.memref_slice %arg11[%run_scoped3A_297, %dma_start3A_391] : memref<2x80xi32, #tpu.memory_space<vmem>> -> memref<1x80xi32, #tpu.memory_space<vmem>>
        %dma_start3A_393 = tpu.memref_squeeze %dma_start3A_392 : memref<1x80xi32, #tpu.memory_space<vmem>> -> memref<80xi32, #tpu.memory_space<vmem>>
        %dma_start3A_394 = tpu.memref_slice %arg2[%add3A_296] : memref<128000xi32, #tpu.memory_space<hbm>> -> memref<80xi32, #tpu.memory_space<hbm>>
        %dma_start3A_395 = arith.constant 0 : i32
        %dma_start3A_396 = tpu.memref_slice %arg11[%run_scoped3A_297, %dma_start3A_395] : memref<2x80xi32, #tpu.memory_space<vmem>> -> memref<1x80xi32, #tpu.memory_space<vmem>>
        %dma_start3A_397 = tpu.memref_squeeze %dma_start3A_396 : memref<1x80xi32, #tpu.memory_space<vmem>> -> memref<80xi32, #tpu.memory_space<vmem>>
        %dma_start3A_398 = tpu.memref_slice %arg2[%add3A_296] : memref<128000xi32, #tpu.memory_space<hbm>> -> memref<80xi32, #tpu.memory_space<hbm>>
        tpu.enqueue_dma source(%dma_start3A_398 : memref<80xi32, #tpu.memory_space<hbm>>) target(%dma_start3A_397 : memref<80xi32, #tpu.memory_space<vmem>>) target_semaphore(%run_scoped3A_390 : memref<!tpu.dma_semaphore, #tpu.memory_space<semaphore_mem>>)
        %dma_wait3A_399 = arith.constant 0 : i32
        %dma_wait3A_400 = tpu.memref_slice %arg11[%run_scoped3A_297, %dma_wait3A_399] : memref<2x80xi32, #tpu.memory_space<vmem>> -> memref<1x80xi32, #tpu.memory_space<vmem>>
        %dma_wait3A_401 = tpu.memref_squeeze %dma_wait3A_400 : memref<1x80xi32, #tpu.memory_space<vmem>> -> memref<80xi32, #tpu.memory_space<vmem>>
        %dma_wait3A_402 = tpu.memref_slice %arg2[%add3A_296] : memref<128000xi32, #tpu.memory_space<hbm>> -> memref<80xi32, #tpu.memory_space<hbm>>
        %dma_wait3A_403 = arith.constant 0 : i32
        %dma_wait3A_404 = tpu.memref_slice %arg11[%run_scoped3A_297, %dma_wait3A_403] : memref<2x80xi32, #tpu.memory_space<vmem>> -> memref<1x80xi32, #tpu.memory_space<vmem>>
        %dma_wait3A_405 = tpu.memref_squeeze %dma_wait3A_404 : memref<1x80xi32, #tpu.memory_space<vmem>> -> memref<80xi32, #tpu.memory_space<vmem>>
        %dma_wait3A_406 = tpu.memref_slice %arg2[%add3A_296] : memref<128000xi32, #tpu.memory_space<hbm>> -> memref<80xi32, #tpu.memory_space<hbm>>
        tpu.wait_dma2 semaphore(%run_scoped3A_390 : memref<!tpu.dma_semaphore, #tpu.memory_space<semaphore_mem>>) src(%dma_wait3A_406 : memref<80xi32, #tpu.memory_space<hbm>>) dst(%dma_wait3A_405 : memref<80xi32, #tpu.memory_space<vmem>>)
        tpu.yield
      }) : () -> ()
      %dma_start3A_298 = arith.constant 0 : i32
      %dma_start3A_299 = arith.constant 0 : i32
      %dma_start3A_300 = arith.constant 0 : i32
      %dma_start3A_301 = tpu.memref_slice %arg12[%dma_start3A_299, %dma_start3A_300] : memref<160x128xf32, #tpu.memory_space<vmem>> -> memref<80x128xf32, #tpu.memory_space<vmem>>
      %dma_start3A_302 = arith.constant 0 : i32
      %dma_start3A_303 = tpu.memref_slice %arg11[%dma_start3A_298, %dma_start3A_302] : memref<2x80xi32, #tpu.memory_space<vmem>> -> memref<1x80xi32, #tpu.memory_space<vmem>>
      %dma_start3A_304 = tpu.memref_squeeze %dma_start3A_303 : memref<1x80xi32, #tpu.memory_space<vmem>> -> memref<80xi32, #tpu.memory_space<vmem>>
      %dma_start3A_305 = arith.constant 0 : i32
      %dma_start3A_306 = arith.constant 0 : i32
      %dma_start3A_307 = tpu.memref_slice %arg3[%dma_start3A_305, %dma_start3A_306] : memref<10000x128xf32, #tpu.memory_space<hbm>> -> memref<10000x128xf32, #tpu.memory_space<hbm>>
      tpu.enqueue_indirect_dma source(%dma_start3A_307 : memref<10000x128xf32, #tpu.memory_space<hbm>>) target(%dma_start3A_301 : memref<80x128xf32, #tpu.memory_space<vmem>>) offsets(%dma_start3A_304 : memref<80xi32, #tpu.memory_space<vmem>>) semaphore(%arg16 : memref<!tpu.dma_semaphore, #tpu.memory_space<semaphore_mem>>)
      %dma_start3A_308 = arith.constant 0 : i32
      %dma_start3A_309 = arith.constant 0 : i32
      %dma_start3A_310 = arith.constant 0 : i32
      %dma_start3A_311 = tpu.memref_slice %arg13[%dma_start3A_309, %dma_start3A_310] : memref<2x80xf32, #tpu.memory_space<vmem>> -> memref<1x80xf32, #tpu.memory_space<vmem>>
      %dma_start3A_312 = tpu.memref_squeeze %dma_start3A_311 : memref<1x80xf32, #tpu.memory_space<vmem>> -> memref<80xf32, #tpu.memory_space<vmem>>
      %dma_start3A_313 = arith.constant 0 : i32
      %dma_start3A_314 = tpu.memref_slice %arg11[%dma_start3A_308, %dma_start3A_313] : memref<2x80xi32, #tpu.memory_space<vmem>> -> memref<1x80xi32, #tpu.memory_space<vmem>>
      %dma_start3A_315 = tpu.memref_squeeze %dma_start3A_314 : memref<1x80xi32, #tpu.memory_space<vmem>> -> memref<80xi32, #tpu.memory_space<vmem>>
      %dma_start3A_316 = arith.constant 0 : i32
      %dma_start3A_317 = tpu.memref_slice %arg4[%dma_start3A_316] : memref<10000xf32, #tpu.memory_space<hbm>> -> memref<10000xf32, #tpu.memory_space<hbm>>
      tpu.enqueue_indirect_dma source(%dma_start3A_317 : memref<10000xf32, #tpu.memory_space<hbm>>) target(%dma_start3A_312 : memref<80xf32, #tpu.memory_space<vmem>>) offsets(%dma_start3A_315 : memref<80xi32, #tpu.memory_space<vmem>>) semaphore(%arg17 : memref<!tpu.dma_semaphore, #tpu.memory_space<semaphore_mem>>)
      %dma_start3A_318 = arith.constant 0 : i32
      %dma_start3A_319 = arith.constant 0 : i32
      %dma_start3A_320 = arith.constant 0 : i32
      %dma_start3A_321 = tpu.memref_slice %arg14[%dma_start3A_319, %dma_start3A_320] : memref<2x80xf32, #tpu.memory_space<vmem>> -> memref<1x80xf32, #tpu.memory_space<vmem>>
      %dma_start3A_322 = tpu.memref_squeeze %dma_start3A_321 : memref<1x80xf32, #tpu.memory_space<vmem>> -> memref<80xf32, #tpu.memory_space<vmem>>
      %dma_start3A_323 = arith.constant 0 : i32
      %dma_start3A_324 = tpu.memref_slice %arg11[%dma_start3A_318, %dma_start3A_323] : memref<2x80xi32, #tpu.memory_space<vmem>> -> memref<1x80xi32, #tpu.memory_space<vmem>>
      %dma_start3A_325 = tpu.memref_squeeze %dma_start3A_324 : memref<1x80xi32, #tpu.memory_space<vmem>> -> memref<80xi32, #tpu.memory_space<vmem>>
      %dma_start3A_326 = arith.constant 0 : i32
      %dma_start3A_327 = tpu.memref_slice %arg5[%dma_start3A_326] : memref<10000xf32, #tpu.memory_space<hbm>> -> memref<10000xf32, #tpu.memory_space<hbm>>
      tpu.enqueue_indirect_dma source(%dma_start3A_327 : memref<10000xf32, #tpu.memory_space<hbm>>) target(%dma_start3A_322 : memref<80xf32, #tpu.memory_space<vmem>>) offsets(%dma_start3A_325 : memref<80xi32, #tpu.memory_space<vmem>>) semaphore(%arg18 : memref<!tpu.dma_semaphore, #tpu.memory_space<semaphore_mem>>)
      %dma_start3A_328 = arith.constant 0 : i32
      %dma_start3A_329 = arith.constant 0 : i32
      %dma_start3A_330 = arith.constant 0 : i32
      %dma_start3A_331 = tpu.memref_slice %arg15[%dma_start3A_329, %dma_start3A_330] : memref<2x80xf32, #tpu.memory_space<vmem>> -> memref<1x80xf32, #tpu.memory_space<vmem>>
      %dma_start3A_332 = tpu.memref_squeeze %dma_start3A_331 : memref<1x80xf32, #tpu.memory_space<vmem>> -> memref<80xf32, #tpu.memory_space<vmem>>
      %dma_start3A_333 = arith.constant 0 : i32
      %dma_start3A_334 = tpu.memref_slice %arg11[%dma_start3A_328, %dma_start3A_333] : memref<2x80xi32, #tpu.memory_space<vmem>> -> memref<1x80xi32, #tpu.memory_space<vmem>>
      %dma_start3A_335 = tpu.memref_squeeze %dma_start3A_334 : memref<1x80xi32, #tpu.memory_space<vmem>> -> memref<80xi32, #tpu.memory_space<vmem>>
      %dma_start3A_336 = arith.constant 0 : i32
      %dma_start3A_337 = tpu.memref_slice %arg6[%dma_start3A_336] : memref<10000xf32, #tpu.memory_space<hbm>> -> memref<10000xf32, #tpu.memory_space<hbm>>
      tpu.enqueue_indirect_dma source(%dma_start3A_337 : memref<10000xf32, #tpu.memory_space<hbm>>) target(%dma_start3A_332 : memref<80xf32, #tpu.memory_space<vmem>>) offsets(%dma_start3A_335 : memref<80xi32, #tpu.memory_space<vmem>>) semaphore(%arg19 : memref<!tpu.dma_semaphore, #tpu.memory_space<semaphore_mem>>)
      %mul3A_338 = arith.constant 2 : i32
      %mul3A_339 = arith.muli %mul3A_338, %scan3A_187 : i32
      %add3A_340 = arith.constant 1 : i32
      %add3A_341 = arith.addi %mul3A_339, %add3A_340 : i32
      %mul3A_342 = arith.constant 4000 : i32
      %mul3A_343 = arith.muli %add3A, %mul3A_342 : i32
      %mul3A_344 = arith.constant 80 : i32
      %mul3A_345 = arith.muli %add3A_341, %mul3A_344 : i32
      %add3A_346 = arith.addi %mul3A_343, %mul3A_345 : i32
      %dma_wait3A_347 = arith.constant 1 : i32
      %dma_wait3A_348 = arith.constant 80 : i32
      %dma_wait3A_349 = arith.constant 0 : i32
      %dma_wait3A_350 = tpu.memref_slice %arg12[%dma_wait3A_348, %dma_wait3A_349] : memref<160x128xf32, #tpu.memory_space<vmem>> -> memref<80x128xf32, #tpu.memory_space<vmem>>
      %dma_wait3A_351 = arith.constant 0 : i32
      %dma_wait3A_352 = tpu.memref_slice %arg11[%dma_wait3A_347, %dma_wait3A_351] : memref<2x80xi32, #tpu.memory_space<vmem>> -> memref<1x80xi32, #tpu.memory_space<vmem>>
      %dma_wait3A_353 = tpu.memref_squeeze %dma_wait3A_352 : memref<1x80xi32, #tpu.memory_space<vmem>> -> memref<80xi32, #tpu.memory_space<vmem>>
      %dma_wait3A_354 = arith.constant 0 : i32
      %dma_wait3A_355 = arith.constant 0 : i32
      %dma_wait3A_356 = tpu.memref_slice %arg3[%dma_wait3A_354, %dma_wait3A_355] : memref<10000x128xf32, #tpu.memory_space<hbm>> -> memref<10000x128xf32, #tpu.memory_space<hbm>>
      tpu.wait_indirect_dma semaphore(%arg20 : memref<!tpu.dma_semaphore, #tpu.memory_space<semaphore_mem>>) src(%dma_wait3A_356 : memref<10000x128xf32, #tpu.memory_space<hbm>>) dst(%dma_wait3A_350 : memref<80x128xf32, #tpu.memory_space<vmem>>)
      %dma_wait3A_357 = arith.constant 1 : i32
      %dma_wait3A_358 = arith.constant 1 : i32
      %dma_wait3A_359 = arith.constant 0 : i32
      %dma_wait3A_360 = tpu.memref_slice %arg13[%dma_wait3A_358, %dma_wait3A_359] : memref<2x80xf32, #tpu.memory_space<vmem>> -> memref<1x80xf32, #tpu.memory_space<vmem>>
      %dma_wait3A_361 = tpu.memref_squeeze %dma_wait3A_360 : memref<1x80xf32, #tpu.memory_space<vmem>> -> memref<80xf32, #tpu.memory_space<vmem>>
      %dma_wait3A_362 = arith.constant 0 : i32
      %dma_wait3A_363 = tpu.memref_slice %arg11[%dma_wait3A_357, %dma_wait3A_362] : memref<2x80xi32, #tpu.memory_space<vmem>> -> memref<1x80xi32, #tpu.memory_space<vmem>>
      %dma_wait3A_364 = tpu.memref_squeeze %dma_wait3A_363 : memref<1x80xi32, #tpu.memory_space<vmem>> -> memref<80xi32, #tpu.memory_space<vmem>>
      %dma_wait3A_365 = arith.constant 0 : i32
      %dma_wait3A_366 = tpu.memref_slice %arg4[%dma_wait3A_365] : memref<10000xf32, #tpu.memory_space<hbm>> -> memref<10000xf32, #tpu.memory_space<hbm>>
      tpu.wait_indirect_dma semaphore(%arg21 : memref<!tpu.dma_semaphore, #tpu.memory_space<semaphore_mem>>) src(%dma_wait3A_366 : memref<10000xf32, #tpu.memory_space<hbm>>) dst(%dma_wait3A_361 : memref<80xf32, #tpu.memory_space<vmem>>)
      %dma_wait3A_367 = arith.constant 1 : i32
      %dma_wait3A_368 = arith.constant 1 : i32
      %dma_wait3A_369 = arith.constant 0 : i32
      %dma_wait3A_370 = tpu.memref_slice %arg14[%dma_wait3A_368, %dma_wait3A_369] : memref<2x80xf32, #tpu.memory_space<vmem>> -> memref<1x80xf32, #tpu.memory_space<vmem>>
      %dma_wait3A_371 = tpu.memref_squeeze %dma_wait3A_370 : memref<1x80xf32, #tpu.memory_space<vmem>> -> memref<80xf32, #tpu.memory_space<vmem>>
      %dma_wait3A_372 = arith.constant 0 : i32
      %dma_wait3A_373 = tpu.memref_slice %arg11[%dma_wait3A_367, %dma_wait3A_372] : memref<2x80xi32, #tpu.memory_space<vmem>> -> memref<1x80xi32, #tpu.memory_space<vmem>>
      %dma_wait3A_374 = tpu.memref_squeeze %dma_wait3A_373 : memref<1x80xi32, #tpu.memory_space<vmem>> -> memref<80xi32, #tpu.memory_space<vmem>>
      %dma_wait3A_375 = arith.constant 0 : i32
      %dma_wait3A_376 = tpu.memref_slice %arg5[%dma_wait3A_375] : memref<10000xf32, #tpu.memory_space<hbm>> -> memref<10000xf32, #tpu.memory_space<hbm>>
      tpu.wait_indirect_dma semaphore(%arg22 : memref<!tpu.dma_semaphore, #tpu.memory_space<semaphore_mem>>) src(%dma_wait3A_376 : memref<10000xf32, #tpu.memory_space<hbm>>) dst(%dma_wait3A_371 : memref<80xf32, #tpu.memory_space<vmem>>)
      %dma_wait3A_377 = arith.constant 1 : i32
      %dma_wait3A_378 = arith.constant 1 : i32
      %dma_wait3A_379 = arith.constant 0 : i32
      %dma_wait3A_380 = tpu.memref_slice %arg15[%dma_wait3A_378, %dma_wait3A_379] : memref<2x80xf32, #tpu.memory_space<vmem>> -> memref<1x80xf32, #tpu.memory_space<vmem>>
      %dma_wait3A_381 = tpu.memref_squeeze %dma_wait3A_380 : memref<1x80xf32, #tpu.memory_space<vmem>> -> memref<80xf32, #tpu.memory_space<vmem>>
      %dma_wait3A_382 = arith.constant 0 : i32
      %dma_wait3A_383 = tpu.memref_slice %arg11[%dma_wait3A_377, %dma_wait3A_382] : memref<2x80xi32, #tpu.memory_space<vmem>> -> memref<1x80xi32, #tpu.memory_space<vmem>>
      %dma_wait3A_384 = tpu.memref_squeeze %dma_wait3A_383 : memref<1x80xi32, #tpu.memory_space<vmem>> -> memref<80xi32, #tpu.memory_space<vmem>>
      %dma_wait3A_385 = arith.constant 0 : i32
      %dma_wait3A_386 = tpu.memref_slice %arg6[%dma_wait3A_385] : memref<10000xf32, #tpu.memory_space<hbm>> -> memref<10000xf32, #tpu.memory_space<hbm>>
      tpu.wait_indirect_dma semaphore(%arg23 : memref<!tpu.dma_semaphore, #tpu.memory_space<semaphore_mem>>) src(%dma_wait3A_386 : memref<10000xf32, #tpu.memory_space<hbm>>) dst(%dma_wait3A_381 : memref<80xf32, #tpu.memory_space<vmem>>)
      "tpu.region"() ({
        %run_scoped3A_390 = tpu.sem_alloc : memref<!tpu.dma_semaphore, #tpu.memory_space<semaphore_mem>>
        %dma_start3A_391 = arith.constant 80 : i32
        %dma_start3A_392 = arith.constant 0 : i32
        %dma_start3A_393 = tpu.memref_slice %arg12[%dma_start3A_391, %dma_start3A_392] : memref<160x128xf32, #tpu.memory_space<vmem>> -> memref<80x128xf32, #tpu.memory_space<vmem>>
        %dma_start3A_394 = arith.constant 0 : i32
        %dma_start3A_395 = tpu.memref_slice %arg7[%add3A_346, %dma_start3A_394] : memref<128000x128xf32, #tpu.memory_space<hbm>> -> memref<80x128xf32, #tpu.memory_space<hbm>>
        %dma_start3A_396 = arith.constant 0 : i32
        %dma_start3A_397 = tpu.memref_slice %arg7[%add3A_346, %dma_start3A_396] : memref<128000x128xf32, #tpu.memory_space<hbm>> -> memref<80x128xf32, #tpu.memory_space<hbm>>
        %dma_start3A_398 = arith.constant 80 : i32
        %dma_start3A_399 = arith.constant 0 : i32
        %dma_start3A_400 = tpu.memref_slice %arg12[%dma_start3A_398, %dma_start3A_399] : memref<160x128xf32, #tpu.memory_space<vmem>> -> memref<80x128xf32, #tpu.memory_space<vmem>>
        tpu.enqueue_dma source(%dma_start3A_400 : memref<80x128xf32, #tpu.memory_space<vmem>>) target(%dma_start3A_397 : memref<80x128xf32, #tpu.memory_space<hbm>>) target_semaphore(%run_scoped3A_390 : memref<!tpu.dma_semaphore, #tpu.memory_space<semaphore_mem>>)
        %dma_wait3A_401 = arith.constant 80 : i32
        %dma_wait3A_402 = arith.constant 0 : i32
        %dma_wait3A_403 = tpu.memref_slice %arg12[%dma_wait3A_401, %dma_wait3A_402] : memref<160x128xf32, #tpu.memory_space<vmem>> -> memref<80x128xf32, #tpu.memory_space<vmem>>
        %dma_wait3A_404 = arith.constant 0 : i32
        %dma_wait3A_405 = tpu.memref_slice %arg7[%add3A_346, %dma_wait3A_404] : memref<128000x128xf32, #tpu.memory_space<hbm>> -> memref<80x128xf32, #tpu.memory_space<hbm>>
        %dma_wait3A_406 = arith.constant 0 : i32
        %dma_wait3A_407 = tpu.memref_slice %arg7[%add3A_346, %dma_wait3A_406] : memref<128000x128xf32, #tpu.memory_space<hbm>> -> memref<80x128xf32, #tpu.memory_space<hbm>>
        %dma_wait3A_408 = arith.constant 80 : i32
        %dma_wait3A_409 = arith.constant 0 : i32
        %dma_wait3A_410 = tpu.memref_slice %arg12[%dma_wait3A_408, %dma_wait3A_409] : memref<160x128xf32, #tpu.memory_space<vmem>> -> memref<80x128xf32, #tpu.memory_space<vmem>>
        tpu.wait_dma2 semaphore(%run_scoped3A_390 : memref<!tpu.dma_semaphore, #tpu.memory_space<semaphore_mem>>) src(%dma_wait3A_410 : memref<80x128xf32, #tpu.memory_space<vmem>>) dst(%dma_wait3A_407 : memref<80x128xf32, #tpu.memory_space<hbm>>)
        tpu.yield
      }) : () -> ()
      %run_scoped3A_387 = arith.constant 1 : i32
      "tpu.region"() ({
        %run_scoped3A_390 = tpu.sem_alloc : memref<!tpu.dma_semaphore, #tpu.memory_space<semaphore_mem>>
        %dma_start3A_391 = arith.constant 0 : i32
        %dma_start3A_392 = tpu.memref_slice %arg13[%run_scoped3A_387, %dma_start3A_391] : memref<2x80xf32, #tpu.memory_space<vmem>> -> memref<1x80xf32, #tpu.memory_space<vmem>>
        %dma_start3A_393 = tpu.memref_squeeze %dma_start3A_392 : memref<1x80xf32, #tpu.memory_space<vmem>> -> memref<80xf32, #tpu.memory_space<vmem>>
        %dma_start3A_394 = tpu.memref_slice %arg8[%add3A_346] : memref<128000xf32, #tpu.memory_space<hbm>> -> memref<80xf32, #tpu.memory_space<hbm>>
        %dma_start3A_395 = tpu.memref_slice %arg8[%add3A_346] : memref<128000xf32, #tpu.memory_space<hbm>> -> memref<80xf32, #tpu.memory_space<hbm>>
        %dma_start3A_396 = arith.constant 0 : i32
        %dma_start3A_397 = tpu.memref_slice %arg13[%run_scoped3A_387, %dma_start3A_396] : memref<2x80xf32, #tpu.memory_space<vmem>> -> memref<1x80xf32, #tpu.memory_space<vmem>>
        %dma_start3A_398 = tpu.memref_squeeze %dma_start3A_397 : memref<1x80xf32, #tpu.memory_space<vmem>> -> memref<80xf32, #tpu.memory_space<vmem>>
        tpu.enqueue_dma source(%dma_start3A_398 : memref<80xf32, #tpu.memory_space<vmem>>) target(%dma_start3A_395 : memref<80xf32, #tpu.memory_space<hbm>>) target_semaphore(%run_scoped3A_390 : memref<!tpu.dma_semaphore, #tpu.memory_space<semaphore_mem>>)
        %dma_wait3A_399 = arith.constant 0 : i32
        %dma_wait3A_400 = tpu.memref_slice %arg13[%run_scoped3A_387, %dma_wait3A_399] : memref<2x80xf32, #tpu.memory_space<vmem>> -> memref<1x80xf32, #tpu.memory_space<vmem>>
        %dma_wait3A_401 = tpu.memref_squeeze %dma_wait3A_400 : memref<1x80xf32, #tpu.memory_space<vmem>> -> memref<80xf32, #tpu.memory_space<vmem>>
        %dma_wait3A_402 = tpu.memref_slice %arg8[%add3A_346] : memref<128000xf32, #tpu.memory_space<hbm>> -> memref<80xf32, #tpu.memory_space<hbm>>
        %dma_wait3A_403 = tpu.memref_slice %arg8[%add3A_346] : memref<128000xf32, #tpu.memory_space<hbm>> -> memref<80xf32, #tpu.memory_space<hbm>>
        %dma_wait3A_404 = arith.constant 0 : i32
        %dma_wait3A_405 = tpu.memref_slice %arg13[%run_scoped3A_387, %dma_wait3A_404] : memref<2x80xf32, #tpu.memory_space<vmem>> -> memref<1x80xf32, #tpu.memory_space<vmem>>
        %dma_wait3A_406 = tpu.memref_squeeze %dma_wait3A_405 : memref<1x80xf32, #tpu.memory_space<vmem>> -> memref<80xf32, #tpu.memory_space<vmem>>
        tpu.wait_dma2 semaphore(%run_scoped3A_390 : memref<!tpu.dma_semaphore, #tpu.memory_space<semaphore_mem>>) src(%dma_wait3A_406 : memref<80xf32, #tpu.memory_space<vmem>>) dst(%dma_wait3A_403 : memref<80xf32, #tpu.memory_space<hbm>>)
        tpu.yield
      }) : () -> ()
      %run_scoped3A_388 = arith.constant 1 : i32
      "tpu.region"() ({
        %run_scoped3A_390 = tpu.sem_alloc : memref<!tpu.dma_semaphore, #tpu.memory_space<semaphore_mem>>
        %dma_start3A_391 = arith.constant 0 : i32
        %dma_start3A_392 = tpu.memref_slice %arg14[%run_scoped3A_388, %dma_start3A_391] : memref<2x80xf32, #tpu.memory_space<vmem>> -> memref<1x80xf32, #tpu.memory_space<vmem>>
        %dma_start3A_393 = tpu.memref_squeeze %dma_start3A_392 : memref<1x80xf32, #tpu.memory_space<vmem>> -> memref<80xf32, #tpu.memory_space<vmem>>
        %dma_start3A_394 = tpu.memref_slice %arg9[%add3A_346] : memref<128000xf32, #tpu.memory_space<hbm>> -> memref<80xf32, #tpu.memory_space<hbm>>
        %dma_start3A_395 = tpu.memref_slice %arg9[%add3A_346] : memref<128000xf32, #tpu.memory_space<hbm>> -> memref<80xf32, #tpu.memory_space<hbm>>
        %dma_start3A_396 = arith.constant 0 : i32
        %dma_start3A_397 = tpu.memref_slice %arg14[%run_scoped3A_388, %dma_start3A_396] : memref<2x80xf32, #tpu.memory_space<vmem>> -> memref<1x80xf32, #tpu.memory_space<vmem>>
        %dma_start3A_398 = tpu.memref_squeeze %dma_start3A_397 : memref<1x80xf32, #tpu.memory_space<vmem>> -> memref<80xf32, #tpu.memory_space<vmem>>
        tpu.enqueue_dma source(%dma_start3A_398 : memref<80xf32, #tpu.memory_space<vmem>>) target(%dma_start3A_395 : memref<80xf32, #tpu.memory_space<hbm>>) target_semaphore(%run_scoped3A_390 : memref<!tpu.dma_semaphore, #tpu.memory_space<semaphore_mem>>)
        %dma_wait3A_399 = arith.constant 0 : i32
        %dma_wait3A_400 = tpu.memref_slice %arg14[%run_scoped3A_388, %dma_wait3A_399] : memref<2x80xf32, #tpu.memory_space<vmem>> -> memref<1x80xf32, #tpu.memory_space<vmem>>
        %dma_wait3A_401 = tpu.memref_squeeze %dma_wait3A_400 : memref<1x80xf32, #tpu.memory_space<vmem>> -> memref<80xf32, #tpu.memory_space<vmem>>
        %dma_wait3A_402 = tpu.memref_slice %arg9[%add3A_346] : memref<128000xf32, #tpu.memory_space<hbm>> -> memref<80xf32, #tpu.memory_space<hbm>>
        %dma_wait3A_403 = tpu.memref_slice %arg9[%add3A_346] : memref<128000xf32, #tpu.memory_space<hbm>> -> memref<80xf32, #tpu.memory_space<hbm>>
        %dma_wait3A_404 = arith.constant 0 : i32
        %dma_wait3A_405 = tpu.memref_slice %arg14[%run_scoped3A_388, %dma_wait3A_404] : memref<2x80xf32, #tpu.memory_space<vmem>> -> memref<1x80xf32, #tpu.memory_space<vmem>>
        %dma_wait3A_406 = tpu.memref_squeeze %dma_wait3A_405 : memref<1x80xf32, #tpu.memory_space<vmem>> -> memref<80xf32, #tpu.memory_space<vmem>>
        tpu.wait_dma2 semaphore(%run_scoped3A_390 : memref<!tpu.dma_semaphore, #tpu.memory_space<semaphore_mem>>) src(%dma_wait3A_406 : memref<80xf32, #tpu.memory_space<vmem>>) dst(%dma_wait3A_403 : memref<80xf32, #tpu.memory_space<hbm>>)
        tpu.yield
      }) : () -> ()
      %run_scoped3A_389 = arith.constant 1 : i32
      "tpu.region"() ({
        %run_scoped3A_390 = tpu.sem_alloc : memref<!tpu.dma_semaphore, #tpu.memory_space<semaphore_mem>>
        %dma_start3A_391 = arith.constant 0 : i32
        %dma_start3A_392 = tpu.memref_slice %arg15[%run_scoped3A_389, %dma_start3A_391] : memref<2x80xf32, #tpu.memory_space<vmem>> -> memref<1x80xf32, #tpu.memory_space<vmem>>
        %dma_start3A_393 = tpu.memref_squeeze %dma_start3A_392 : memref<1x80xf32, #tpu.memory_space<vmem>> -> memref<80xf32, #tpu.memory_space<vmem>>
        %dma_start3A_394 = tpu.memref_slice %arg10[%add3A_346] : memref<128000xf32, #tpu.memory_space<hbm>> -> memref<80xf32, #tpu.memory_space<hbm>>
        %dma_start3A_395 = tpu.memref_slice %arg10[%add3A_346] : memref<128000xf32, #tpu.memory_space<hbm>> -> memref<80xf32, #tpu.memory_space<hbm>>
        %dma_start3A_396 = arith.constant 0 : i32
        %dma_start3A_397 = tpu.memref_slice %arg15[%run_scoped3A_389, %dma_start3A_396] : memref<2x80xf32, #tpu.memory_space<vmem>> -> memref<1x80xf32, #tpu.memory_space<vmem>>
        %dma_start3A_398 = tpu.memref_squeeze %dma_start3A_397 : memref<1x80xf32, #tpu.memory_space<vmem>> -> memref<80xf32, #tpu.memory_space<vmem>>
        tpu.enqueue_dma source(%dma_start3A_398 : memref<80xf32, #tpu.memory_space<vmem>>) target(%dma_start3A_395 : memref<80xf32, #tpu.memory_space<hbm>>) target_semaphore(%run_scoped3A_390 : memref<!tpu.dma_semaphore, #tpu.memory_space<semaphore_mem>>)
        %dma_wait3A_399 = arith.constant 0 : i32
        %dma_wait3A_400 = tpu.memref_slice %arg15[%run_scoped3A_389, %dma_wait3A_399] : memref<2x80xf32, #tpu.memory_space<vmem>> -> memref<1x80xf32, #tpu.memory_space<vmem>>
        %dma_wait3A_401 = tpu.memref_squeeze %dma_wait3A_400 : memref<1x80xf32, #tpu.memory_space<vmem>> -> memref<80xf32, #tpu.memory_space<vmem>>
        %dma_wait3A_402 = tpu.memref_slice %arg10[%add3A_346] : memref<128000xf32, #tpu.memory_space<hbm>> -> memref<80xf32, #tpu.memory_space<hbm>>
        %dma_wait3A_403 = tpu.memref_slice %arg10[%add3A_346] : memref<128000xf32, #tpu.memory_space<hbm>> -> memref<80xf32, #tpu.memory_space<hbm>>
        %dma_wait3A_404 = arith.constant 0 : i32
        %dma_wait3A_405 = tpu.memref_slice %arg15[%run_scoped3A_389, %dma_wait3A_404] : memref<2x80xf32, #tpu.memory_space<vmem>> -> memref<1x80xf32, #tpu.memory_space<vmem>>
        %dma_wait3A_406 = tpu.memref_squeeze %dma_wait3A_405 : memref<1x80xf32, #tpu.memory_space<vmem>> -> memref<80xf32, #tpu.memory_space<vmem>>
        tpu.wait_dma2 semaphore(%run_scoped3A_390 : memref<!tpu.dma_semaphore, #tpu.memory_space<semaphore_mem>>) src(%dma_wait3A_406 : memref<80xf32, #tpu.memory_space<vmem>>) dst(%dma_wait3A_403 : memref<80xf32, #tpu.memory_space<hbm>>)
        tpu.yield
      }) : () -> ()
    }
    %scan3A_48 = arith.constant 24 : i32
    %mul3A_49 = arith.constant 4000 : i32
    %mul3A_50 = arith.muli %add3A, %mul3A_49 : i32
    %add3A_51 = arith.constant 3840 : i32
    %add3A_52 = arith.addi %mul3A_50, %add3A_51 : i32
    %dma_wait3A = arith.constant 0 : i32
    %dma_wait3A_53 = arith.constant 0 : i32
    %dma_wait3A_54 = arith.constant 0 : i32
    %dma_wait3A_55 = tpu.memref_slice %arg12[%dma_wait3A_53, %dma_wait3A_54] : memref<160x128xf32, #tpu.memory_space<vmem>> -> memref<80x128xf32, #tpu.memory_space<vmem>>
    %dma_wait3A_56 = arith.constant 0 : i32
    %dma_wait3A_57 = tpu.memref_slice %arg11[%dma_wait3A, %dma_wait3A_56] : memref<2x80xi32, #tpu.memory_space<vmem>> -> memref<1x80xi32, #tpu.memory_space<vmem>>
    %dma_wait3A_58 = tpu.memref_squeeze %dma_wait3A_57 : memref<1x80xi32, #tpu.memory_space<vmem>> -> memref<80xi32, #tpu.memory_space<vmem>>
    %dma_wait3A_59 = arith.constant 0 : i32
    %dma_wait3A_60 = arith.constant 0 : i32
    %dma_wait3A_61 = tpu.memref_slice %arg3[%dma_wait3A_59, %dma_wait3A_60] : memref<10000x128xf32, #tpu.memory_space<hbm>> -> memref<10000x128xf32, #tpu.memory_space<hbm>>
    tpu.wait_indirect_dma semaphore(%arg16 : memref<!tpu.dma_semaphore, #tpu.memory_space<semaphore_mem>>) src(%dma_wait3A_61 : memref<10000x128xf32, #tpu.memory_space<hbm>>) dst(%dma_wait3A_55 : memref<80x128xf32, #tpu.memory_space<vmem>>)
    %dma_wait3A_62 = arith.constant 0 : i32
    %dma_wait3A_63 = arith.constant 0 : i32
    %dma_wait3A_64 = arith.constant 0 : i32
    %dma_wait3A_65 = tpu.memref_slice %arg13[%dma_wait3A_63, %dma_wait3A_64] : memref<2x80xf32, #tpu.memory_space<vmem>> -> memref<1x80xf32, #tpu.memory_space<vmem>>
    %dma_wait3A_66 = tpu.memref_squeeze %dma_wait3A_65 : memref<1x80xf32, #tpu.memory_space<vmem>> -> memref<80xf32, #tpu.memory_space<vmem>>
    %dma_wait3A_67 = arith.constant 0 : i32
    %dma_wait3A_68 = tpu.memref_slice %arg11[%dma_wait3A_62, %dma_wait3A_67] : memref<2x80xi32, #tpu.memory_space<vmem>> -> memref<1x80xi32, #tpu.memory_space<vmem>>
    %dma_wait3A_69 = tpu.memref_squeeze %dma_wait3A_68 : memref<1x80xi32, #tpu.memory_space<vmem>> -> memref<80xi32, #tpu.memory_space<vmem>>
    %dma_wait3A_70 = arith.constant 0 : i32
    %dma_wait3A_71 = tpu.memref_slice %arg4[%dma_wait3A_70] : memref<10000xf32, #tpu.memory_space<hbm>> -> memref<10000xf32, #tpu.memory_space<hbm>>
    tpu.wait_indirect_dma semaphore(%arg17 : memref<!tpu.dma_semaphore, #tpu.memory_space<semaphore_mem>>) src(%dma_wait3A_71 : memref<10000xf32, #tpu.memory_space<hbm>>) dst(%dma_wait3A_66 : memref<80xf32, #tpu.memory_space<vmem>>)
    %dma_wait3A_72 = arith.constant 0 : i32
    %dma_wait3A_73 = arith.constant 0 : i32
    %dma_wait3A_74 = arith.constant 0 : i32
    %dma_wait3A_75 = tpu.memref_slice %arg14[%dma_wait3A_73, %dma_wait3A_74] : memref<2x80xf32, #tpu.memory_space<vmem>> -> memref<1x80xf32, #tpu.memory_space<vmem>>
    %dma_wait3A_76 = tpu.memref_squeeze %dma_wait3A_75 : memref<1x80xf32, #tpu.memory_space<vmem>> -> memref<80xf32, #tpu.memory_space<vmem>>
    %dma_wait3A_77 = arith.constant 0 : i32
    %dma_wait3A_78 = tpu.memref_slice %arg11[%dma_wait3A_72, %dma_wait3A_77] : memref<2x80xi32, #tpu.memory_space<vmem>> -> memref<1x80xi32, #tpu.memory_space<vmem>>
    %dma_wait3A_79 = tpu.memref_squeeze %dma_wait3A_78 : memref<1x80xi32, #tpu.memory_space<vmem>> -> memref<80xi32, #tpu.memory_space<vmem>>
    %dma_wait3A_80 = arith.constant 0 : i32
    %dma_wait3A_81 = tpu.memref_slice %arg5[%dma_wait3A_80] : memref<10000xf32, #tpu.memory_space<hbm>> -> memref<10000xf32, #tpu.memory_space<hbm>>
    tpu.wait_indirect_dma semaphore(%arg18 : memref<!tpu.dma_semaphore, #tpu.memory_space<semaphore_mem>>) src(%dma_wait3A_81 : memref<10000xf32, #tpu.memory_space<hbm>>) dst(%dma_wait3A_76 : memref<80xf32, #tpu.memory_space<vmem>>)
    %dma_wait3A_82 = arith.constant 0 : i32
    %dma_wait3A_83 = arith.constant 0 : i32
    %dma_wait3A_84 = arith.constant 0 : i32
    %dma_wait3A_85 = tpu.memref_slice %arg15[%dma_wait3A_83, %dma_wait3A_84] : memref<2x80xf32, #tpu.memory_space<vmem>> -> memref<1x80xf32, #tpu.memory_space<vmem>>
    %dma_wait3A_86 = tpu.memref_squeeze %dma_wait3A_85 : memref<1x80xf32, #tpu.memory_space<vmem>> -> memref<80xf32, #tpu.memory_space<vmem>>
    %dma_wait3A_87 = arith.constant 0 : i32
    %dma_wait3A_88 = tpu.memref_slice %arg11[%dma_wait3A_82, %dma_wait3A_87] : memref<2x80xi32, #tpu.memory_space<vmem>> -> memref<1x80xi32, #tpu.memory_space<vmem>>
    %dma_wait3A_89 = tpu.memref_squeeze %dma_wait3A_88 : memref<1x80xi32, #tpu.memory_space<vmem>> -> memref<80xi32, #tpu.memory_space<vmem>>
    %dma_wait3A_90 = arith.constant 0 : i32
    %dma_wait3A_91 = tpu.memref_slice %arg6[%dma_wait3A_90] : memref<10000xf32, #tpu.memory_space<hbm>> -> memref<10000xf32, #tpu.memory_space<hbm>>
    tpu.wait_indirect_dma semaphore(%arg19 : memref<!tpu.dma_semaphore, #tpu.memory_space<semaphore_mem>>) src(%dma_wait3A_91 : memref<10000xf32, #tpu.memory_space<hbm>>) dst(%dma_wait3A_86 : memref<80xf32, #tpu.memory_space<vmem>>)
    "tpu.region"() ({
      %run_scoped3A_187 = tpu.sem_alloc : memref<!tpu.dma_semaphore, #tpu.memory_space<semaphore_mem>>
      %dma_start3A_188 = arith.constant 0 : i32
      %dma_start3A_189 = arith.constant 0 : i32
      %dma_start3A_190 = tpu.memref_slice %arg12[%dma_start3A_188, %dma_start3A_189] : memref<160x128xf32, #tpu.memory_space<vmem>> -> memref<80x128xf32, #tpu.memory_space<vmem>>
      %dma_start3A_191 = arith.constant 0 : i32
      %dma_start3A_192 = tpu.memref_slice %arg7[%add3A_52, %dma_start3A_191] : memref<128000x128xf32, #tpu.memory_space<hbm>> -> memref<80x128xf32, #tpu.memory_space<hbm>>
      %dma_start3A_193 = arith.constant 0 : i32
      %dma_start3A_194 = tpu.memref_slice %arg7[%add3A_52, %dma_start3A_193] : memref<128000x128xf32, #tpu.memory_space<hbm>> -> memref<80x128xf32, #tpu.memory_space<hbm>>
      %dma_start3A_195 = arith.constant 0 : i32
      %dma_start3A_196 = arith.constant 0 : i32
      %dma_start3A_197 = tpu.memref_slice %arg12[%dma_start3A_195, %dma_start3A_196] : memref<160x128xf32, #tpu.memory_space<vmem>> -> memref<80x128xf32, #tpu.memory_space<vmem>>
      tpu.enqueue_dma source(%dma_start3A_197 : memref<80x128xf32, #tpu.memory_space<vmem>>) target(%dma_start3A_194 : memref<80x128xf32, #tpu.memory_space<hbm>>) target_semaphore(%run_scoped3A_187 : memref<!tpu.dma_semaphore, #tpu.memory_space<semaphore_mem>>)
      %dma_wait3A_198 = arith.constant 0 : i32
      %dma_wait3A_199 = arith.constant 0 : i32
      %dma_wait3A_200 = tpu.memref_slice %arg12[%dma_wait3A_198, %dma_wait3A_199] : memref<160x128xf32, #tpu.memory_space<vmem>> -> memref<80x128xf32, #tpu.memory_space<vmem>>
      %dma_wait3A_201 = arith.constant 0 : i32
      %dma_wait3A_202 = tpu.memref_slice %arg7[%add3A_52, %dma_wait3A_201] : memref<128000x128xf32, #tpu.memory_space<hbm>> -> memref<80x128xf32, #tpu.memory_space<hbm>>
      %dma_wait3A_203 = arith.constant 0 : i32
      %dma_wait3A_204 = tpu.memref_slice %arg7[%add3A_52, %dma_wait3A_203] : memref<128000x128xf32, #tpu.memory_space<hbm>> -> memref<80x128xf32, #tpu.memory_space<hbm>>
      %dma_wait3A_205 = arith.constant 0 : i32
      %dma_wait3A_206 = arith.constant 0 : i32
      %dma_wait3A_207 = tpu.memref_slice %arg12[%dma_wait3A_205, %dma_wait3A_206] : memref<160x128xf32, #tpu.memory_space<vmem>> -> memref<80x128xf32, #tpu.memory_space<vmem>>
      tpu.wait_dma2 semaphore(%run_scoped3A_187 : memref<!tpu.dma_semaphore, #tpu.memory_space<semaphore_mem>>) src(%dma_wait3A_207 : memref<80x128xf32, #tpu.memory_space<vmem>>) dst(%dma_wait3A_204 : memref<80x128xf32, #tpu.memory_space<hbm>>)
      tpu.yield
    }) : () -> ()
    %run_scoped3A_92 = arith.constant 0 : i32
    "tpu.region"() ({
      %run_scoped3A_187 = tpu.sem_alloc : memref<!tpu.dma_semaphore, #tpu.memory_space<semaphore_mem>>
      %dma_start3A_188 = arith.constant 0 : i32
      %dma_start3A_189 = tpu.memref_slice %arg13[%run_scoped3A_92, %dma_start3A_188] : memref<2x80xf32, #tpu.memory_space<vmem>> -> memref<1x80xf32, #tpu.memory_space<vmem>>
      %dma_start3A_190 = tpu.memref_squeeze %dma_start3A_189 : memref<1x80xf32, #tpu.memory_space<vmem>> -> memref<80xf32, #tpu.memory_space<vmem>>
      %dma_start3A_191 = tpu.memref_slice %arg8[%add3A_52] : memref<128000xf32, #tpu.memory_space<hbm>> -> memref<80xf32, #tpu.memory_space<hbm>>
      %dma_start3A_192 = tpu.memref_slice %arg8[%add3A_52] : memref<128000xf32, #tpu.memory_space<hbm>> -> memref<80xf32, #tpu.memory_space<hbm>>
      %dma_start3A_193 = arith.constant 0 : i32
      %dma_start3A_194 = tpu.memref_slice %arg13[%run_scoped3A_92, %dma_start3A_193] : memref<2x80xf32, #tpu.memory_space<vmem>> -> memref<1x80xf32, #tpu.memory_space<vmem>>
      %dma_start3A_195 = tpu.memref_squeeze %dma_start3A_194 : memref<1x80xf32, #tpu.memory_space<vmem>> -> memref<80xf32, #tpu.memory_space<vmem>>
      tpu.enqueue_dma source(%dma_start3A_195 : memref<80xf32, #tpu.memory_space<vmem>>) target(%dma_start3A_192 : memref<80xf32, #tpu.memory_space<hbm>>) target_semaphore(%run_scoped3A_187 : memref<!tpu.dma_semaphore, #tpu.memory_space<semaphore_mem>>)
      %dma_wait3A_196 = arith.constant 0 : i32
      %dma_wait3A_197 = tpu.memref_slice %arg13[%run_scoped3A_92, %dma_wait3A_196] : memref<2x80xf32, #tpu.memory_space<vmem>> -> memref<1x80xf32, #tpu.memory_space<vmem>>
      %dma_wait3A_198 = tpu.memref_squeeze %dma_wait3A_197 : memref<1x80xf32, #tpu.memory_space<vmem>> -> memref<80xf32, #tpu.memory_space<vmem>>
      %dma_wait3A_199 = tpu.memref_slice %arg8[%add3A_52] : memref<128000xf32, #tpu.memory_space<hbm>> -> memref<80xf32, #tpu.memory_space<hbm>>
      %dma_wait3A_200 = tpu.memref_slice %arg8[%add3A_52] : memref<128000xf32, #tpu.memory_space<hbm>> -> memref<80xf32, #tpu.memory_space<hbm>>
      %dma_wait3A_201 = arith.constant 0 : i32
      %dma_wait3A_202 = tpu.memref_slice %arg13[%run_scoped3A_92, %dma_wait3A_201] : memref<2x80xf32, #tpu.memory_space<vmem>> -> memref<1x80xf32, #tpu.memory_space<vmem>>
      %dma_wait3A_203 = tpu.memref_squeeze %dma_wait3A_202 : memref<1x80xf32, #tpu.memory_space<vmem>> -> memref<80xf32, #tpu.memory_space<vmem>>
      tpu.wait_dma2 semaphore(%run_scoped3A_187 : memref<!tpu.dma_semaphore, #tpu.memory_space<semaphore_mem>>) src(%dma_wait3A_203 : memref<80xf32, #tpu.memory_space<vmem>>) dst(%dma_wait3A_200 : memref<80xf32, #tpu.memory_space<hbm>>)
      tpu.yield
    }) : () -> ()
    %run_scoped3A_93 = arith.constant 0 : i32
    "tpu.region"() ({
      %run_scoped3A_187 = tpu.sem_alloc : memref<!tpu.dma_semaphore, #tpu.memory_space<semaphore_mem>>
      %dma_start3A_188 = arith.constant 0 : i32
      %dma_start3A_189 = tpu.memref_slice %arg14[%run_scoped3A_93, %dma_start3A_188] : memref<2x80xf32, #tpu.memory_space<vmem>> -> memref<1x80xf32, #tpu.memory_space<vmem>>
      %dma_start3A_190 = tpu.memref_squeeze %dma_start3A_189 : memref<1x80xf32, #tpu.memory_space<vmem>> -> memref<80xf32, #tpu.memory_space<vmem>>
      %dma_start3A_191 = tpu.memref_slice %arg9[%add3A_52] : memref<128000xf32, #tpu.memory_space<hbm>> -> memref<80xf32, #tpu.memory_space<hbm>>
      %dma_start3A_192 = tpu.memref_slice %arg9[%add3A_52] : memref<128000xf32, #tpu.memory_space<hbm>> -> memref<80xf32, #tpu.memory_space<hbm>>
      %dma_start3A_193 = arith.constant 0 : i32
      %dma_start3A_194 = tpu.memref_slice %arg14[%run_scoped3A_93, %dma_start3A_193] : memref<2x80xf32, #tpu.memory_space<vmem>> -> memref<1x80xf32, #tpu.memory_space<vmem>>
      %dma_start3A_195 = tpu.memref_squeeze %dma_start3A_194 : memref<1x80xf32, #tpu.memory_space<vmem>> -> memref<80xf32, #tpu.memory_space<vmem>>
      tpu.enqueue_dma source(%dma_start3A_195 : memref<80xf32, #tpu.memory_space<vmem>>) target(%dma_start3A_192 : memref<80xf32, #tpu.memory_space<hbm>>) target_semaphore(%run_scoped3A_187 : memref<!tpu.dma_semaphore, #tpu.memory_space<semaphore_mem>>)
      %dma_wait3A_196 = arith.constant 0 : i32
      %dma_wait3A_197 = tpu.memref_slice %arg14[%run_scoped3A_93, %dma_wait3A_196] : memref<2x80xf32, #tpu.memory_space<vmem>> -> memref<1x80xf32, #tpu.memory_space<vmem>>
      %dma_wait3A_198 = tpu.memref_squeeze %dma_wait3A_197 : memref<1x80xf32, #tpu.memory_space<vmem>> -> memref<80xf32, #tpu.memory_space<vmem>>
      %dma_wait3A_199 = tpu.memref_slice %arg9[%add3A_52] : memref<128000xf32, #tpu.memory_space<hbm>> -> memref<80xf32, #tpu.memory_space<hbm>>
      %dma_wait3A_200 = tpu.memref_slice %arg9[%add3A_52] : memref<128000xf32, #tpu.memory_space<hbm>> -> memref<80xf32, #tpu.memory_space<hbm>>
      %dma_wait3A_201 = arith.constant 0 : i32
      %dma_wait3A_202 = tpu.memref_slice %arg14[%run_scoped3A_93, %dma_wait3A_201] : memref<2x80xf32, #tpu.memory_space<vmem>> -> memref<1x80xf32, #tpu.memory_space<vmem>>
      %dma_wait3A_203 = tpu.memref_squeeze %dma_wait3A_202 : memref<1x80xf32, #tpu.memory_space<vmem>> -> memref<80xf32, #tpu.memory_space<vmem>>
      tpu.wait_dma2 semaphore(%run_scoped3A_187 : memref<!tpu.dma_semaphore, #tpu.memory_space<semaphore_mem>>) src(%dma_wait3A_203 : memref<80xf32, #tpu.memory_space<vmem>>) dst(%dma_wait3A_200 : memref<80xf32, #tpu.memory_space<hbm>>)
      tpu.yield
    }) : () -> ()
    %run_scoped3A_94 = arith.constant 0 : i32
    "tpu.region"() ({
      %run_scoped3A_187 = tpu.sem_alloc : memref<!tpu.dma_semaphore, #tpu.memory_space<semaphore_mem>>
      %dma_start3A_188 = arith.constant 0 : i32
      %dma_start3A_189 = tpu.memref_slice %arg15[%run_scoped3A_94, %dma_start3A_188] : memref<2x80xf32, #tpu.memory_space<vmem>> -> memref<1x80xf32, #tpu.memory_space<vmem>>
      %dma_start3A_190 = tpu.memref_squeeze %dma_start3A_189 : memref<1x80xf32, #tpu.memory_space<vmem>> -> memref<80xf32, #tpu.memory_space<vmem>>
      %dma_start3A_191 = tpu.memref_slice %arg10[%add3A_52] : memref<128000xf32, #tpu.memory_space<hbm>> -> memref<80xf32, #tpu.memory_space<hbm>>
      %dma_start3A_192 = tpu.memref_slice %arg10[%add3A_52] : memref<128000xf32, #tpu.memory_space<hbm>> -> memref<80xf32, #tpu.memory_space<hbm>>
      %dma_start3A_193 = arith.constant 0 : i32
      %dma_start3A_194 = tpu.memref_slice %arg15[%run_scoped3A_94, %dma_start3A_193] : memref<2x80xf32, #tpu.memory_space<vmem>> -> memref<1x80xf32, #tpu.memory_space<vmem>>
      %dma_start3A_195 = tpu.memref_squeeze %dma_start3A_194 : memref<1x80xf32, #tpu.memory_space<vmem>> -> memref<80xf32, #tpu.memory_space<vmem>>
      tpu.enqueue_dma source(%dma_start3A_195 : memref<80xf32, #tpu.memory_space<vmem>>) target(%dma_start3A_192 : memref<80xf32, #tpu.memory_space<hbm>>) target_semaphore(%run_scoped3A_187 : memref<!tpu.dma_semaphore, #tpu.memory_space<semaphore_mem>>)
      %dma_wait3A_196 = arith.constant 0 : i32
      %dma_wait3A_197 = tpu.memref_slice %arg15[%run_scoped3A_94, %dma_wait3A_196] : memref<2x80xf32, #tpu.memory_space<vmem>> -> memref<1x80xf32, #tpu.memory_space<vmem>>
      %dma_wait3A_198 = tpu.memref_squeeze %dma_wait3A_197 : memref<1x80xf32, #tpu.memory_space<vmem>> -> memref<80xf32, #tpu.memory_space<vmem>>
      %dma_wait3A_199 = tpu.memref_slice %arg10[%add3A_52] : memref<128000xf32, #tpu.memory_space<hbm>> -> memref<80xf32, #tpu.memory_space<hbm>>
      %dma_wait3A_200 = tpu.memref_slice %arg10[%add3A_52] : memref<128000xf32, #tpu.memory_space<hbm>> -> memref<80xf32, #tpu.memory_space<hbm>>
      %dma_wait3A_201 = arith.constant 0 : i32
      %dma_wait3A_202 = tpu.memref_slice %arg15[%run_scoped3A_94, %dma_wait3A_201] : memref<2x80xf32, #tpu.memory_space<vmem>> -> memref<1x80xf32, #tpu.memory_space<vmem>>
      %dma_wait3A_203 = tpu.memref_squeeze %dma_wait3A_202 : memref<1x80xf32, #tpu.memory_space<vmem>> -> memref<80xf32, #tpu.memory_space<vmem>>
      tpu.wait_dma2 semaphore(%run_scoped3A_187 : memref<!tpu.dma_semaphore, #tpu.memory_space<semaphore_mem>>) src(%dma_wait3A_203 : memref<80xf32, #tpu.memory_space<vmem>>) dst(%dma_wait3A_200 : memref<80xf32, #tpu.memory_space<hbm>>)
      tpu.yield
    }) : () -> ()
    %mul3A_95 = arith.constant 4000 : i32
    %mul3A_96 = arith.muli %add3A, %mul3A_95 : i32
    %add3A_97 = arith.constant 3920 : i32
    %add3A_98 = arith.addi %mul3A_96, %add3A_97 : i32
    %run_scoped3A_99 = arith.constant 1 : i32
    "tpu.region"() ({
      %run_scoped3A_187 = tpu.sem_alloc : memref<!tpu.dma_semaphore, #tpu.memory_space<semaphore_mem>>
      %dma_start3A_188 = arith.constant 0 : i32
      %dma_start3A_189 = tpu.memref_slice %arg11[%run_scoped3A_99, %dma_start3A_188] : memref<2x80xi32, #tpu.memory_space<vmem>> -> memref<1x80xi32, #tpu.memory_space<vmem>>
      %dma_start3A_190 = tpu.memref_squeeze %dma_start3A_189 : memref<1x80xi32, #tpu.memory_space<vmem>> -> memref<80xi32, #tpu.memory_space<vmem>>
      %dma_start3A_191 = tpu.memref_slice %arg2[%add3A_98] : memref<128000xi32, #tpu.memory_space<hbm>> -> memref<80xi32, #tpu.memory_space<hbm>>
      %dma_start3A_192 = arith.constant 0 : i32
      %dma_start3A_193 = tpu.memref_slice %arg11[%run_scoped3A_99, %dma_start3A_192] : memref<2x80xi32, #tpu.memory_space<vmem>> -> memref<1x80xi32, #tpu.memory_space<vmem>>
      %dma_start3A_194 = tpu.memref_squeeze %dma_start3A_193 : memref<1x80xi32, #tpu.memory_space<vmem>> -> memref<80xi32, #tpu.memory_space<vmem>>
      %dma_start3A_195 = tpu.memref_slice %arg2[%add3A_98] : memref<128000xi32, #tpu.memory_space<hbm>> -> memref<80xi32, #tpu.memory_space<hbm>>
      tpu.enqueue_dma source(%dma_start3A_195 : memref<80xi32, #tpu.memory_space<hbm>>) target(%dma_start3A_194 : memref<80xi32, #tpu.memory_space<vmem>>) target_semaphore(%run_scoped3A_187 : memref<!tpu.dma_semaphore, #tpu.memory_space<semaphore_mem>>)
      %dma_wait3A_196 = arith.constant 0 : i32
      %dma_wait3A_197 = tpu.memref_slice %arg11[%run_scoped3A_99, %dma_wait3A_196] : memref<2x80xi32, #tpu.memory_space<vmem>> -> memref<1x80xi32, #tpu.memory_space<vmem>>
      %dma_wait3A_198 = tpu.memref_squeeze %dma_wait3A_197 : memref<1x80xi32, #tpu.memory_space<vmem>> -> memref<80xi32, #tpu.memory_space<vmem>>
      %dma_wait3A_199 = tpu.memref_slice %arg2[%add3A_98] : memref<128000xi32, #tpu.memory_space<hbm>> -> memref<80xi32, #tpu.memory_space<hbm>>
      %dma_wait3A_200 = arith.constant 0 : i32
      %dma_wait3A_201 = tpu.memref_slice %arg11[%run_scoped3A_99, %dma_wait3A_200] : memref<2x80xi32, #tpu.memory_space<vmem>> -> memref<1x80xi32, #tpu.memory_space<vmem>>
      %dma_wait3A_202 = tpu.memref_squeeze %dma_wait3A_201 : memref<1x80xi32, #tpu.memory_space<vmem>> -> memref<80xi32, #tpu.memory_space<vmem>>
      %dma_wait3A_203 = tpu.memref_slice %arg2[%add3A_98] : memref<128000xi32, #tpu.memory_space<hbm>> -> memref<80xi32, #tpu.memory_space<hbm>>
      tpu.wait_dma2 semaphore(%run_scoped3A_187 : memref<!tpu.dma_semaphore, #tpu.memory_space<semaphore_mem>>) src(%dma_wait3A_203 : memref<80xi32, #tpu.memory_space<hbm>>) dst(%dma_wait3A_202 : memref<80xi32, #tpu.memory_space<vmem>>)
      tpu.yield
    }) : () -> ()
    %dma_start3A_100 = arith.constant 1 : i32
    %dma_start3A_101 = arith.constant 80 : i32
    %dma_start3A_102 = arith.constant 0 : i32
    %dma_start3A_103 = tpu.memref_slice %arg12[%dma_start3A_101, %dma_start3A_102] : memref<160x128xf32, #tpu.memory_space<vmem>> -> memref<80x128xf32, #tpu.memory_space<vmem>>
    %dma_start3A_104 = arith.constant 0 : i32
    %dma_start3A_105 = tpu.memref_slice %arg11[%dma_start3A_100, %dma_start3A_104] : memref<2x80xi32, #tpu.memory_space<vmem>> -> memref<1x80xi32, #tpu.memory_space<vmem>>
    %dma_start3A_106 = tpu.memref_squeeze %dma_start3A_105 : memref<1x80xi32, #tpu.memory_space<vmem>> -> memref<80xi32, #tpu.memory_space<vmem>>
    %dma_start3A_107 = arith.constant 0 : i32
    %dma_start3A_108 = arith.constant 0 : i32
    %dma_start3A_109 = tpu.memref_slice %arg3[%dma_start3A_107, %dma_start3A_108] : memref<10000x128xf32, #tpu.memory_space<hbm>> -> memref<10000x128xf32, #tpu.memory_space<hbm>>
    tpu.enqueue_indirect_dma source(%dma_start3A_109 : memref<10000x128xf32, #tpu.memory_space<hbm>>) target(%dma_start3A_103 : memref<80x128xf32, #tpu.memory_space<vmem>>) offsets(%dma_start3A_106 : memref<80xi32, #tpu.memory_space<vmem>>) semaphore(%arg20 : memref<!tpu.dma_semaphore, #tpu.memory_space<semaphore_mem>>)
    %dma_start3A_110 = arith.constant 1 : i32
    %dma_start3A_111 = arith.constant 1 : i32
    %dma_start3A_112 = arith.constant 0 : i32
    %dma_start3A_113 = tpu.memref_slice %arg13[%dma_start3A_111, %dma_start3A_112] : memref<2x80xf32, #tpu.memory_space<vmem>> -> memref<1x80xf32, #tpu.memory_space<vmem>>
    %dma_start3A_114 = tpu.memref_squeeze %dma_start3A_113 : memref<1x80xf32, #tpu.memory_space<vmem>> -> memref<80xf32, #tpu.memory_space<vmem>>
    %dma_start3A_115 = arith.constant 0 : i32
    %dma_start3A_116 = tpu.memref_slice %arg11[%dma_start3A_110, %dma_start3A_115] : memref<2x80xi32, #tpu.memory_space<vmem>> -> memref<1x80xi32, #tpu.memory_space<vmem>>
    %dma_start3A_117 = tpu.memref_squeeze %dma_start3A_116 : memref<1x80xi32, #tpu.memory_space<vmem>> -> memref<80xi32, #tpu.memory_space<vmem>>
    %dma_start3A_118 = arith.constant 0 : i32
    %dma_start3A_119 = tpu.memref_slice %arg4[%dma_start3A_118] : memref<10000xf32, #tpu.memory_space<hbm>> -> memref<10000xf32, #tpu.memory_space<hbm>>
    tpu.enqueue_indirect_dma source(%dma_start3A_119 : memref<10000xf32, #tpu.memory_space<hbm>>) target(%dma_start3A_114 : memref<80xf32, #tpu.memory_space<vmem>>) offsets(%dma_start3A_117 : memref<80xi32, #tpu.memory_space<vmem>>) semaphore(%arg21 : memref<!tpu.dma_semaphore, #tpu.memory_space<semaphore_mem>>)
    %dma_start3A_120 = arith.constant 1 : i32
    %dma_start3A_121 = arith.constant 1 : i32
    %dma_start3A_122 = arith.constant 0 : i32
    %dma_start3A_123 = tpu.memref_slice %arg14[%dma_start3A_121, %dma_start3A_122] : memref<2x80xf32, #tpu.memory_space<vmem>> -> memref<1x80xf32, #tpu.memory_space<vmem>>
    %dma_start3A_124 = tpu.memref_squeeze %dma_start3A_123 : memref<1x80xf32, #tpu.memory_space<vmem>> -> memref<80xf32, #tpu.memory_space<vmem>>
    %dma_start3A_125 = arith.constant 0 : i32
    %dma_start3A_126 = tpu.memref_slice %arg11[%dma_start3A_120, %dma_start3A_125] : memref<2x80xi32, #tpu.memory_space<vmem>> -> memref<1x80xi32, #tpu.memory_space<vmem>>
    %dma_start3A_127 = tpu.memref_squeeze %dma_start3A_126 : memref<1x80xi32, #tpu.memory_space<vmem>> -> memref<80xi32, #tpu.memory_space<vmem>>
    %dma_start3A_128 = arith.constant 0 : i32
    %dma_start3A_129 = tpu.memref_slice %arg5[%dma_start3A_128] : memref<10000xf32, #tpu.memory_space<hbm>> -> memref<10000xf32, #tpu.memory_space<hbm>>
    tpu.enqueue_indirect_dma source(%dma_start3A_129 : memref<10000xf32, #tpu.memory_space<hbm>>) target(%dma_start3A_124 : memref<80xf32, #tpu.memory_space<vmem>>) offsets(%dma_start3A_127 : memref<80xi32, #tpu.memory_space<vmem>>) semaphore(%arg22 : memref<!tpu.dma_semaphore, #tpu.memory_space<semaphore_mem>>)
    %dma_start3A_130 = arith.constant 1 : i32
    %dma_start3A_131 = arith.constant 1 : i32
    %dma_start3A_132 = arith.constant 0 : i32
    %dma_start3A_133 = tpu.memref_slice %arg15[%dma_start3A_131, %dma_start3A_132] : memref<2x80xf32, #tpu.memory_space<vmem>> -> memref<1x80xf32, #tpu.memory_space<vmem>>
    %dma_start3A_134 = tpu.memref_squeeze %dma_start3A_133 : memref<1x80xf32, #tpu.memory_space<vmem>> -> memref<80xf32, #tpu.memory_space<vmem>>
    %dma_start3A_135 = arith.constant 0 : i32
    %dma_start3A_136 = tpu.memref_slice %arg11[%dma_start3A_130, %dma_start3A_135] : memref<2x80xi32, #tpu.memory_space<vmem>> -> memref<1x80xi32, #tpu.memory_space<vmem>>
    %dma_start3A_137 = tpu.memref_squeeze %dma_start3A_136 : memref<1x80xi32, #tpu.memory_space<vmem>> -> memref<80xi32, #tpu.memory_space<vmem>>
    %dma_start3A_138 = arith.constant 0 : i32
    %dma_start3A_139 = tpu.memref_slice %arg6[%dma_start3A_138] : memref<10000xf32, #tpu.memory_space<hbm>> -> memref<10000xf32, #tpu.memory_space<hbm>>
    tpu.enqueue_indirect_dma source(%dma_start3A_139 : memref<10000xf32, #tpu.memory_space<hbm>>) target(%dma_start3A_134 : memref<80xf32, #tpu.memory_space<vmem>>) offsets(%dma_start3A_137 : memref<80xi32, #tpu.memory_space<vmem>>) semaphore(%arg23 : memref<!tpu.dma_semaphore, #tpu.memory_space<semaphore_mem>>)
    %mul3A_140 = arith.constant 4000 : i32
    %mul3A_141 = arith.muli %add3A, %mul3A_140 : i32
    %add3A_142 = arith.constant 3920 : i32
    %add3A_143 = arith.addi %mul3A_141, %add3A_142 : i32
    %dma_wait3A_144 = arith.constant 1 : i32
    %dma_wait3A_145 = arith.constant 80 : i32
    %dma_wait3A_146 = arith.constant 0 : i32
    %dma_wait3A_147 = tpu.memref_slice %arg12[%dma_wait3A_145, %dma_wait3A_146] : memref<160x128xf32, #tpu.memory_space<vmem>> -> memref<80x128xf32, #tpu.memory_space<vmem>>
    %dma_wait3A_148 = arith.constant 0 : i32
    %dma_wait3A_149 = tpu.memref_slice %arg11[%dma_wait3A_144, %dma_wait3A_148] : memref<2x80xi32, #tpu.memory_space<vmem>> -> memref<1x80xi32, #tpu.memory_space<vmem>>
    %dma_wait3A_150 = tpu.memref_squeeze %dma_wait3A_149 : memref<1x80xi32, #tpu.memory_space<vmem>> -> memref<80xi32, #tpu.memory_space<vmem>>
    %dma_wait3A_151 = arith.constant 0 : i32
    %dma_wait3A_152 = arith.constant 0 : i32
    %dma_wait3A_153 = tpu.memref_slice %arg3[%dma_wait3A_151, %dma_wait3A_152] : memref<10000x128xf32, #tpu.memory_space<hbm>> -> memref<10000x128xf32, #tpu.memory_space<hbm>>
    tpu.wait_indirect_dma semaphore(%arg20 : memref<!tpu.dma_semaphore, #tpu.memory_space<semaphore_mem>>) src(%dma_wait3A_153 : memref<10000x128xf32, #tpu.memory_space<hbm>>) dst(%dma_wait3A_147 : memref<80x128xf32, #tpu.memory_space<vmem>>)
    %dma_wait3A_154 = arith.constant 1 : i32
    %dma_wait3A_155 = arith.constant 1 : i32
    %dma_wait3A_156 = arith.constant 0 : i32
    %dma_wait3A_157 = tpu.memref_slice %arg13[%dma_wait3A_155, %dma_wait3A_156] : memref<2x80xf32, #tpu.memory_space<vmem>> -> memref<1x80xf32, #tpu.memory_space<vmem>>
    %dma_wait3A_158 = tpu.memref_squeeze %dma_wait3A_157 : memref<1x80xf32, #tpu.memory_space<vmem>> -> memref<80xf32, #tpu.memory_space<vmem>>
    %dma_wait3A_159 = arith.constant 0 : i32
    %dma_wait3A_160 = tpu.memref_slice %arg11[%dma_wait3A_154, %dma_wait3A_159] : memref<2x80xi32, #tpu.memory_space<vmem>> -> memref<1x80xi32, #tpu.memory_space<vmem>>
    %dma_wait3A_161 = tpu.memref_squeeze %dma_wait3A_160 : memref<1x80xi32, #tpu.memory_space<vmem>> -> memref<80xi32, #tpu.memory_space<vmem>>
    %dma_wait3A_162 = arith.constant 0 : i32
    %dma_wait3A_163 = tpu.memref_slice %arg4[%dma_wait3A_162] : memref<10000xf32, #tpu.memory_space<hbm>> -> memref<10000xf32, #tpu.memory_space<hbm>>
    tpu.wait_indirect_dma semaphore(%arg21 : memref<!tpu.dma_semaphore, #tpu.memory_space<semaphore_mem>>) src(%dma_wait3A_163 : memref<10000xf32, #tpu.memory_space<hbm>>) dst(%dma_wait3A_158 : memref<80xf32, #tpu.memory_space<vmem>>)
    %dma_wait3A_164 = arith.constant 1 : i32
    %dma_wait3A_165 = arith.constant 1 : i32
    %dma_wait3A_166 = arith.constant 0 : i32
    %dma_wait3A_167 = tpu.memref_slice %arg14[%dma_wait3A_165, %dma_wait3A_166] : memref<2x80xf32, #tpu.memory_space<vmem>> -> memref<1x80xf32, #tpu.memory_space<vmem>>
    %dma_wait3A_168 = tpu.memref_squeeze %dma_wait3A_167 : memref<1x80xf32, #tpu.memory_space<vmem>> -> memref<80xf32, #tpu.memory_space<vmem>>
    %dma_wait3A_169 = arith.constant 0 : i32
    %dma_wait3A_170 = tpu.memref_slice %arg11[%dma_wait3A_164, %dma_wait3A_169] : memref<2x80xi32, #tpu.memory_space<vmem>> -> memref<1x80xi32, #tpu.memory_space<vmem>>
    %dma_wait3A_171 = tpu.memref_squeeze %dma_wait3A_170 : memref<1x80xi32, #tpu.memory_space<vmem>> -> memref<80xi32, #tpu.memory_space<vmem>>
    %dma_wait3A_172 = arith.constant 0 : i32
    %dma_wait3A_173 = tpu.memref_slice %arg5[%dma_wait3A_172] : memref<10000xf32, #tpu.memory_space<hbm>> -> memref<10000xf32, #tpu.memory_space<hbm>>
    tpu.wait_indirect_dma semaphore(%arg22 : memref<!tpu.dma_semaphore, #tpu.memory_space<semaphore_mem>>) src(%dma_wait3A_173 : memref<10000xf32, #tpu.memory_space<hbm>>) dst(%dma_wait3A_168 : memref<80xf32, #tpu.memory_space<vmem>>)
    %dma_wait3A_174 = arith.constant 1 : i32
    %dma_wait3A_175 = arith.constant 1 : i32
    %dma_wait3A_176 = arith.constant 0 : i32
    %dma_wait3A_177 = tpu.memref_slice %arg15[%dma_wait3A_175, %dma_wait3A_176] : memref<2x80xf32, #tpu.memory_space<vmem>> -> memref<1x80xf32, #tpu.memory_space<vmem>>
    %dma_wait3A_178 = tpu.memref_squeeze %dma_wait3A_177 : memref<1x80xf32, #tpu.memory_space<vmem>> -> memref<80xf32, #tpu.memory_space<vmem>>
    %dma_wait3A_179 = arith.constant 0 : i32
    %dma_wait3A_180 = tpu.memref_slice %arg11[%dma_wait3A_174, %dma_wait3A_179] : memref<2x80xi32, #tpu.memory_space<vmem>> -> memref<1x80xi32, #tpu.memory_space<vmem>>
    %dma_wait3A_181 = tpu.memref_squeeze %dma_wait3A_180 : memref<1x80xi32, #tpu.memory_space<vmem>> -> memref<80xi32, #tpu.memory_space<vmem>>
    %dma_wait3A_182 = arith.constant 0 : i32
    %dma_wait3A_183 = tpu.memref_slice %arg6[%dma_wait3A_182] : memref<10000xf32, #tpu.memory_space<hbm>> -> memref<10000xf32, #tpu.memory_space<hbm>>
    tpu.wait_indirect_dma semaphore(%arg23 : memref<!tpu.dma_semaphore, #tpu.memory_space<semaphore_mem>>) src(%dma_wait3A_183 : memref<10000xf32, #tpu.memory_space<hbm>>) dst(%dma_wait3A_178 : memref<80xf32, #tpu.memory_space<vmem>>)
    "tpu.region"() ({
      %run_scoped3A_187 = tpu.sem_alloc : memref<!tpu.dma_semaphore, #tpu.memory_space<semaphore_mem>>
      %dma_start3A_188 = arith.constant 80 : i32
      %dma_start3A_189 = arith.constant 0 : i32
      %dma_start3A_190 = tpu.memref_slice %arg12[%dma_start3A_188, %dma_start3A_189] : memref<160x128xf32, #tpu.memory_space<vmem>> -> memref<80x128xf32, #tpu.memory_space<vmem>>
      %dma_start3A_191 = arith.constant 0 : i32
      %dma_start3A_192 = tpu.memref_slice %arg7[%add3A_143, %dma_start3A_191] : memref<128000x128xf32, #tpu.memory_space<hbm>> -> memref<80x128xf32, #tpu.memory_space<hbm>>
      %dma_start3A_193 = arith.constant 0 : i32
      %dma_start3A_194 = tpu.memref_slice %arg7[%add3A_143, %dma_start3A_193] : memref<128000x128xf32, #tpu.memory_space<hbm>> -> memref<80x128xf32, #tpu.memory_space<hbm>>
      %dma_start3A_195 = arith.constant 80 : i32
      %dma_start3A_196 = arith.constant 0 : i32
      %dma_start3A_197 = tpu.memref_slice %arg12[%dma_start3A_195, %dma_start3A_196] : memref<160x128xf32, #tpu.memory_space<vmem>> -> memref<80x128xf32, #tpu.memory_space<vmem>>
      tpu.enqueue_dma source(%dma_start3A_197 : memref<80x128xf32, #tpu.memory_space<vmem>>) target(%dma_start3A_194 : memref<80x128xf32, #tpu.memory_space<hbm>>) target_semaphore(%run_scoped3A_187 : memref<!tpu.dma_semaphore, #tpu.memory_space<semaphore_mem>>)
      %dma_wait3A_198 = arith.constant 80 : i32
      %dma_wait3A_199 = arith.constant 0 : i32
      %dma_wait3A_200 = tpu.memref_slice %arg12[%dma_wait3A_198, %dma_wait3A_199] : memref<160x128xf32, #tpu.memory_space<vmem>> -> memref<80x128xf32, #tpu.memory_space<vmem>>
      %dma_wait3A_201 = arith.constant 0 : i32
      %dma_wait3A_202 = tpu.memref_slice %arg7[%add3A_143, %dma_wait3A_201] : memref<128000x128xf32, #tpu.memory_space<hbm>> -> memref<80x128xf32, #tpu.memory_space<hbm>>
      %dma_wait3A_203 = arith.constant 0 : i32
      %dma_wait3A_204 = tpu.memref_slice %arg7[%add3A_143, %dma_wait3A_203] : memref<128000x128xf32, #tpu.memory_space<hbm>> -> memref<80x128xf32, #tpu.memory_space<hbm>>
      %dma_wait3A_205 = arith.constant 80 : i32
      %dma_wait3A_206 = arith.constant 0 : i32
      %dma_wait3A_207 = tpu.memref_slice %arg12[%dma_wait3A_205, %dma_wait3A_206] : memref<160x128xf32, #tpu.memory_space<vmem>> -> memref<80x128xf32, #tpu.memory_space<vmem>>
      tpu.wait_dma2 semaphore(%run_scoped3A_187 : memref<!tpu.dma_semaphore, #tpu.memory_space<semaphore_mem>>) src(%dma_wait3A_207 : memref<80x128xf32, #tpu.memory_space<vmem>>) dst(%dma_wait3A_204 : memref<80x128xf32, #tpu.memory_space<hbm>>)
      tpu.yield
    }) : () -> ()
    %run_scoped3A_184 = arith.constant 1 : i32
    "tpu.region"() ({
      %run_scoped3A_187 = tpu.sem_alloc : memref<!tpu.dma_semaphore, #tpu.memory_space<semaphore_mem>>
      %dma_start3A_188 = arith.constant 0 : i32
      %dma_start3A_189 = tpu.memref_slice %arg13[%run_scoped3A_184, %dma_start3A_188] : memref<2x80xf32, #tpu.memory_space<vmem>> -> memref<1x80xf32, #tpu.memory_space<vmem>>
      %dma_start3A_190 = tpu.memref_squeeze %dma_start3A_189 : memref<1x80xf32, #tpu.memory_space<vmem>> -> memref<80xf32, #tpu.memory_space<vmem>>
      %dma_start3A_191 = tpu.memref_slice %arg8[%add3A_143] : memref<128000xf32, #tpu.memory_space<hbm>> -> memref<80xf32, #tpu.memory_space<hbm>>
      %dma_start3A_192 = tpu.memref_slice %arg8[%add3A_143] : memref<128000xf32, #tpu.memory_space<hbm>> -> memref<80xf32, #tpu.memory_space<hbm>>
      %dma_start3A_193 = arith.constant 0 : i32
      %dma_start3A_194 = tpu.memref_slice %arg13[%run_scoped3A_184, %dma_start3A_193] : memref<2x80xf32, #tpu.memory_space<vmem>> -> memref<1x80xf32, #tpu.memory_space<vmem>>
      %dma_start3A_195 = tpu.memref_squeeze %dma_start3A_194 : memref<1x80xf32, #tpu.memory_space<vmem>> -> memref<80xf32, #tpu.memory_space<vmem>>
      tpu.enqueue_dma source(%dma_start3A_195 : memref<80xf32, #tpu.memory_space<vmem>>) target(%dma_start3A_192 : memref<80xf32, #tpu.memory_space<hbm>>) target_semaphore(%run_scoped3A_187 : memref<!tpu.dma_semaphore, #tpu.memory_space<semaphore_mem>>)
      %dma_wait3A_196 = arith.constant 0 : i32
      %dma_wait3A_197 = tpu.memref_slice %arg13[%run_scoped3A_184, %dma_wait3A_196] : memref<2x80xf32, #tpu.memory_space<vmem>> -> memref<1x80xf32, #tpu.memory_space<vmem>>
      %dma_wait3A_198 = tpu.memref_squeeze %dma_wait3A_197 : memref<1x80xf32, #tpu.memory_space<vmem>> -> memref<80xf32, #tpu.memory_space<vmem>>
      %dma_wait3A_199 = tpu.memref_slice %arg8[%add3A_143] : memref<128000xf32, #tpu.memory_space<hbm>> -> memref<80xf32, #tpu.memory_space<hbm>>
      %dma_wait3A_200 = tpu.memref_slice %arg8[%add3A_143] : memref<128000xf32, #tpu.memory_space<hbm>> -> memref<80xf32, #tpu.memory_space<hbm>>
      %dma_wait3A_201 = arith.constant 0 : i32
      %dma_wait3A_202 = tpu.memref_slice %arg13[%run_scoped3A_184, %dma_wait3A_201] : memref<2x80xf32, #tpu.memory_space<vmem>> -> memref<1x80xf32, #tpu.memory_space<vmem>>
      %dma_wait3A_203 = tpu.memref_squeeze %dma_wait3A_202 : memref<1x80xf32, #tpu.memory_space<vmem>> -> memref<80xf32, #tpu.memory_space<vmem>>
      tpu.wait_dma2 semaphore(%run_scoped3A_187 : memref<!tpu.dma_semaphore, #tpu.memory_space<semaphore_mem>>) src(%dma_wait3A_203 : memref<80xf32, #tpu.memory_space<vmem>>) dst(%dma_wait3A_200 : memref<80xf32, #tpu.memory_space<hbm>>)
      tpu.yield
    }) : () -> ()
    %run_scoped3A_185 = arith.constant 1 : i32
    "tpu.region"() ({
      %run_scoped3A_187 = tpu.sem_alloc : memref<!tpu.dma_semaphore, #tpu.memory_space<semaphore_mem>>
      %dma_start3A_188 = arith.constant 0 : i32
      %dma_start3A_189 = tpu.memref_slice %arg14[%run_scoped3A_185, %dma_start3A_188] : memref<2x80xf32, #tpu.memory_space<vmem>> -> memref<1x80xf32, #tpu.memory_space<vmem>>
      %dma_start3A_190 = tpu.memref_squeeze %dma_start3A_189 : memref<1x80xf32, #tpu.memory_space<vmem>> -> memref<80xf32, #tpu.memory_space<vmem>>
      %dma_start3A_191 = tpu.memref_slice %arg9[%add3A_143] : memref<128000xf32, #tpu.memory_space<hbm>> -> memref<80xf32, #tpu.memory_space<hbm>>
      %dma_start3A_192 = tpu.memref_slice %arg9[%add3A_143] : memref<128000xf32, #tpu.memory_space<hbm>> -> memref<80xf32, #tpu.memory_space<hbm>>
      %dma_start3A_193 = arith.constant 0 : i32
      %dma_start3A_194 = tpu.memref_slice %arg14[%run_scoped3A_185, %dma_start3A_193] : memref<2x80xf32, #tpu.memory_space<vmem>> -> memref<1x80xf32, #tpu.memory_space<vmem>>
      %dma_start3A_195 = tpu.memref_squeeze %dma_start3A_194 : memref<1x80xf32, #tpu.memory_space<vmem>> -> memref<80xf32, #tpu.memory_space<vmem>>
      tpu.enqueue_dma source(%dma_start3A_195 : memref<80xf32, #tpu.memory_space<vmem>>) target(%dma_start3A_192 : memref<80xf32, #tpu.memory_space<hbm>>) target_semaphore(%run_scoped3A_187 : memref<!tpu.dma_semaphore, #tpu.memory_space<semaphore_mem>>)
      %dma_wait3A_196 = arith.constant 0 : i32
      %dma_wait3A_197 = tpu.memref_slice %arg14[%run_scoped3A_185, %dma_wait3A_196] : memref<2x80xf32, #tpu.memory_space<vmem>> -> memref<1x80xf32, #tpu.memory_space<vmem>>
      %dma_wait3A_198 = tpu.memref_squeeze %dma_wait3A_197 : memref<1x80xf32, #tpu.memory_space<vmem>> -> memref<80xf32, #tpu.memory_space<vmem>>
      %dma_wait3A_199 = tpu.memref_slice %arg9[%add3A_143] : memref<128000xf32, #tpu.memory_space<hbm>> -> memref<80xf32, #tpu.memory_space<hbm>>
      %dma_wait3A_200 = tpu.memref_slice %arg9[%add3A_143] : memref<128000xf32, #tpu.memory_space<hbm>> -> memref<80xf32, #tpu.memory_space<hbm>>
      %dma_wait3A_201 = arith.constant 0 : i32
      %dma_wait3A_202 = tpu.memref_slice %arg14[%run_scoped3A_185, %dma_wait3A_201] : memref<2x80xf32, #tpu.memory_space<vmem>> -> memref<1x80xf32, #tpu.memory_space<vmem>>
      %dma_wait3A_203 = tpu.memref_squeeze %dma_wait3A_202 : memref<1x80xf32, #tpu.memory_space<vmem>> -> memref<80xf32, #tpu.memory_space<vmem>>
      tpu.wait_dma2 semaphore(%run_scoped3A_187 : memref<!tpu.dma_semaphore, #tpu.memory_space<semaphore_mem>>) src(%dma_wait3A_203 : memref<80xf32, #tpu.memory_space<vmem>>) dst(%dma_wait3A_200 : memref<80xf32, #tpu.memory_space<hbm>>)
      tpu.yield
    }) : () -> ()
    %run_scoped3A_186 = arith.constant 1 : i32
    "tpu.region"() ({
      %run_scoped3A_187 = tpu.sem_alloc : memref<!tpu.dma_semaphore, #tpu.memory_space<semaphore_mem>>
      %dma_start3A_188 = arith.constant 0 : i32
      %dma_start3A_189 = tpu.memref_slice %arg15[%run_scoped3A_186, %dma_start3A_188] : memref<2x80xf32, #tpu.memory_space<vmem>> -> memref<1x80xf32, #tpu.memory_space<vmem>>
      %dma_start3A_190 = tpu.memref_squeeze %dma_start3A_189 : memref<1x80xf32, #tpu.memory_space<vmem>> -> memref<80xf32, #tpu.memory_space<vmem>>
      %dma_start3A_191 = tpu.memref_slice %arg10[%add3A_143] : memref<128000xf32, #tpu.memory_space<hbm>> -> memref<80xf32, #tpu.memory_space<hbm>>
      %dma_start3A_192 = tpu.memref_slice %arg10[%add3A_143] : memref<128000xf32, #tpu.memory_space<hbm>> -> memref<80xf32, #tpu.memory_space<hbm>>
      %dma_start3A_193 = arith.constant 0 : i32
      %dma_start3A_194 = tpu.memref_slice %arg15[%run_scoped3A_186, %dma_start3A_193] : memref<2x80xf32, #tpu.memory_space<vmem>> -> memref<1x80xf32, #tpu.memory_space<vmem>>
      %dma_start3A_195 = tpu.memref_squeeze %dma_start3A_194 : memref<1x80xf32, #tpu.memory_space<vmem>> -> memref<80xf32, #tpu.memory_space<vmem>>
      tpu.enqueue_dma source(%dma_start3A_195 : memref<80xf32, #tpu.memory_space<vmem>>) target(%dma_start3A_192 : memref<80xf32, #tpu.memory_space<hbm>>) target_semaphore(%run_scoped3A_187 : memref<!tpu.dma_semaphore, #tpu.memory_space<semaphore_mem>>)
      %dma_wait3A_196 = arith.constant 0 : i32
      %dma_wait3A_197 = tpu.memref_slice %arg15[%run_scoped3A_186, %dma_wait3A_196] : memref<2x80xf32, #tpu.memory_space<vmem>> -> memref<1x80xf32, #tpu.memory_space<vmem>>
      %dma_wait3A_198 = tpu.memref_squeeze %dma_wait3A_197 : memref<1x80xf32, #tpu.memory_space<vmem>> -> memref<80xf32, #tpu.memory_space<vmem>>
      %dma_wait3A_199 = tpu.memref_slice %arg10[%add3A_143] : memref<128000xf32, #tpu.memory_space<hbm>> -> memref<80xf32, #tpu.memory_space<hbm>>
      %dma_wait3A_200 = tpu.memref_slice %arg10[%add3A_143] : memref<128000xf32, #tpu.memory_space<hbm>> -> memref<80xf32, #tpu.memory_space<hbm>>
      %dma_wait3A_201 = arith.constant 0 : i32
      %dma_wait3A_202 = tpu.memref_slice %arg15[%run_scoped3A_186, %dma_wait3A_201] : memref<2x80xf32, #tpu.memory_space<vmem>> -> memref<1x80xf32, #tpu.memory_space<vmem>>
      %dma_wait3A_203 = tpu.memref_squeeze %dma_wait3A_202 : memref<1x80xf32, #tpu.memory_space<vmem>> -> memref<80xf32, #tpu.memory_space<vmem>>
      tpu.wait_dma2 semaphore(%run_scoped3A_187 : memref<!tpu.dma_semaphore, #tpu.memory_space<semaphore_mem>>) src(%dma_wait3A_203 : memref<80xf32, #tpu.memory_space<vmem>>) dst(%dma_wait3A_200 : memref<80xf32, #tpu.memory_space<hbm>>)
      tpu.yield
    }) : () -> ()
    return
  }
}

module attributes {stable_mosaic.version = 14 : i64} {
  func.func @_conv_body(%arg0: i32, %arg1: memref<12800x128xf32, #tpu.memory_space<vmem>>, %arg2: memref<3x12800xf32, #tpu.memory_space<vmem>>, %arg3: memref<3x12800xf32, #tpu.memory_space<vmem>>, %arg4: memref<16x3xf32, #tpu.memory_space<vmem>>, %arg5: memref<15x128x128xf32, #tpu.memory_space<vmem>>, %arg6: memref<400x128xf32, #tpu.memory_space<vmem>>) attributes {dimension_semantics = [#tpu.dimension_semantics<arbitrary>], iteration_bounds = array<i64: 10>, scalar_prefetch = 0 : i64, scratch_operands = 0 : i64, tpu.core_type = #tpu.core_type<tc>, window_params = [{transform_indices = @transform_0, window_bounds = array<i64: 12800, 128>}, {transform_indices = @transform_1, window_bounds = array<i64: 3, 12800>}, {transform_indices = @transform_2, window_bounds = array<i64: 3, 12800>}, {pipeline_mode = #tpu.pipeline_mode<synchronous>, transform_indices = @transform_3, window_bounds = array<i64: 16, 3>}, {pipeline_mode = #tpu.pipeline_mode<synchronous>, transform_indices = @transform_4, window_bounds = array<i64: 15, 128, 128>}, {transform_indices = @transform_5, window_bounds = array<i64: 400, 128>}]} {
    %get3A = arith.constant 0 : index
    %get3A_0 = arith.constant 0 : index
    %get3A_1 = vector.load %arg1[%get3A, %get3A_0] : memref<12800x128xf32, #tpu.memory_space<vmem>>, vector<12800x128xf32>
    %get3A_2 = arith.constant 0 : index
    %get3A_3 = arith.constant 0 : index
    %get3A_4 = vector.load %arg4[%get3A_2, %get3A_3] : memref<16x3xf32, #tpu.memory_space<vmem>>, vector<16x3xf32>
    %get3A_5 = arith.constant 0 : index
    %get3A_6 = arith.constant 0 : index
    %get3A_7 = vector.load %arg2[%get3A_5, %get3A_6] : memref<3x12800xf32, #tpu.memory_space<vmem>>, vector<3x12800xf32>
    %get3A_8 = arith.constant 0 : index
    %get3A_9 = arith.constant 0 : index
    %get3A_10 = vector.load %arg3[%get3A_8, %get3A_9] : memref<3x12800xf32, #tpu.memory_space<vmem>>, vector<3x12800xf32>
    %sub3A = arith.subf %get3A_7, %get3A_10 : vector<3x12800xf32>
    %dot_general3A = arith.constant dense<0.000000e+00> : vector<16x12800xf32>
    %dot_general3A_11 = tpu.matmul %get3A_4, %sub3A, %dot_general3A {dimension_numbers = #tpu.dot_dimension_numbers<[1], [0], [0], [1], [0, 0, 1, 1], [], []>, transpose_lhs_hint = false} : vector<16x3xf32>, vector<3x12800xf32>, vector<16x12800xf32> -> vector<16x12800xf32>
    %mul3A = arith.mulf %sub3A, %sub3A : vector<3x12800xf32>
    %reduce_sum3A = arith.constant dense<0.000000e+00> : vector<12800xf32>
    %reduce_sum3A_12 = vector.multi_reduction <add>, %mul3A, %reduce_sum3A [0] : vector<3x12800xf32> to vector<12800xf32>
    %broadcast_in_dim3A = vector.shape_cast %reduce_sum3A_12 : vector<12800xf32> to vector<1x12800xf32>
    %mul3A_13 = arith.mulf %get3A_4, %get3A_4 : vector<16x3xf32>
    %reduce_sum3A_14 = arith.constant dense<0.000000e+00> : vector<16xf32>
    %reduce_sum3A_15 = vector.multi_reduction <add>, %mul3A_13, %reduce_sum3A_14 [1] : vector<16x3xf32> to vector<16xf32>
    %broadcast_in_dim3A_16 = vector.shape_cast %reduce_sum3A_15 : vector<16xf32> to vector<16x1xf32>
    %mul3A_17 = arith.constant 2.000000e+00 : f32
    %mul3A_18 = vector.broadcast %mul3A_17 : f32 to vector<16x12800xf32>
    %mul3A_19 = arith.mulf %mul3A_18, %dot_general3A_11 : vector<16x12800xf32>
    %sub3A_20 = vector.broadcast %broadcast_in_dim3A : vector<1x12800xf32> to vector<16x12800xf32>
    %sub3A_21 = arith.subf %sub3A_20, %mul3A_19 : vector<16x12800xf32>
    %add3A = vector.broadcast %broadcast_in_dim3A_16 : vector<16x1xf32> to vector<16x12800xf32>
    %add3A_22 = arith.addf %sub3A_21, %add3A : vector<16x12800xf32>
    %iota3A = tpu.iota {dimensions = array<i32: 0>} : vector<16x1xi32>
    %lt3A = arith.constant 15 : i32
    %lt3A_23 = vector.broadcast %lt3A : i32 to vector<16x1xi32>
    %lt3A_24 = arith.cmpi slt, %iota3A, %lt3A_23 : vector<16x1xi32>
    %convert_element_type3A = arith.extui %lt3A_24 : vector<16x1xi1> to vector<16x1xi32>
    %convert_element_type3A_25 = arith.sitofp %convert_element_type3A : vector<16x1xi32> to vector<16x1xf32>
    %max3A = arith.constant 0.000000e+00 : f32
    %max3A_26 = vector.broadcast %max3A : f32 to vector<16x12800xf32>
    %max3A_27 = arith.maximumf %add3A_22, %max3A_26 : vector<16x12800xf32>
    %sqrt3A = math.sqrt %max3A_27 : vector<16x12800xf32>
    %mul3A_28 = arith.constant 0.833333313 : f32
    %mul3A_29 = vector.broadcast %mul3A_28 : f32 to vector<16x12800xf32>
    %mul3A_30 = arith.mulf %sqrt3A, %mul3A_29 : vector<16x12800xf32>
    %sub3A_31 = arith.constant 1.000000e+00 : f32
    %sub3A_32 = vector.broadcast %sub3A_31 : f32 to vector<16x12800xf32>
    %sub3A_33 = arith.subf %sub3A_32, %mul3A_30 : vector<16x12800xf32>
    %max3A_34 = arith.constant 0.000000e+00 : f32
    %max3A_35 = vector.broadcast %max3A_34 : f32 to vector<16x12800xf32>
    %max3A_36 = arith.maximumf %sub3A_33, %max3A_35 : vector<16x12800xf32>
    %mul3A_37 = vector.broadcast %convert_element_type3A_25 : vector<16x1xf32> to vector<16x12800xf32>
    %mul3A_38 = arith.mulf %max3A_36, %mul3A_37 : vector<16x12800xf32>
    %iota3A_39 = tpu.iota {dimensions = array<i32: 0>} : vector<128x256xi32>
    %jit3A = arith.constant 8 : i32
    %eq3A = arith.constant 0 : i32
    %eq3A_40 = arith.cmpi eq, %jit3A, %eq3A : i32
    %jit3A_41 = arith.constant 1 : i32
    %select_n3A = arith.select %eq3A_40, %jit3A_41, %jit3A : i32
    %rem3A = vector.broadcast %select_n3A : i32 to vector<128x256xi32>
    %rem3A_42 = arith.remsi %iota3A_39, %rem3A : vector<128x256xi32>
    %ne3A = arith.constant 0 : i32
    %ne3A_43 = vector.broadcast %ne3A : i32 to vector<128x256xi32>
    %ne3A_44 = arith.cmpi ne, %rem3A_42, %ne3A_43 : vector<128x256xi32>
    %lt3A_45 = arith.constant 0 : i32
    %lt3A_46 = vector.broadcast %lt3A_45 : i32 to vector<128x256xi32>
    %lt3A_47 = arith.cmpi slt, %rem3A_42, %lt3A_46 : vector<128x256xi32>
    %lt3A_48 = arith.constant 0 : i32
    %lt3A_49 = arith.cmpi slt, %select_n3A, %lt3A_48 : i32
    %ne3A_50 = vector.broadcast %lt3A_49 : i1 to vector<128x256xi1>
    %ne3A_51 = vector.broadcast %ne3A_50 : vector<128x256xi1> to vector<128x256xi1>
    %ne3A_52 = arith.xori %lt3A_47, %ne3A_51 : vector<128x256xi1>
    %and3A = arith.andi %ne3A_52, %ne3A_44 : vector<128x256xi1>
    %add3A_53 = vector.broadcast %select_n3A : i32 to vector<128x256xi32>
    %add3A_54 = arith.addi %rem3A_42, %add3A_53 : vector<128x256xi32>
    %select_n3A_55 = arith.select %and3A, %add3A_54, %rem3A_42 : vector<128x256xi1>, vector<128x256xi32>
    %iota3A_56 = tpu.iota {dimensions = array<i32: 1>} : vector<128x256xi32>
    %jit3A_57 = arith.constant 32 : i32
    %div3A = vector.broadcast %jit3A_57 : i32 to vector<128x256xi32>
    %div3A_58 = arith.divsi %iota3A_56, %div3A : vector<128x256xi32>
    %sign3A = arith.constant 0 : i32
    %sign3A_59 = vector.broadcast %sign3A : i32 to vector<128x256xi32>
    %sign3A_60 = arith.cmpi sgt, %iota3A_56, %sign3A_59 : vector<128x256xi32>
    %sign3A_61 = arith.extui %sign3A_60 : vector<128x256xi1> to vector<128x256xi32>
    %sign3A_62 = arith.constant 0 : i32
    %sign3A_63 = vector.broadcast %sign3A_62 : i32 to vector<128x256xi32>
    %sign3A_64 = arith.cmpi slt, %iota3A_56, %sign3A_63 : vector<128x256xi32>
    %sign3A_65 = arith.extui %sign3A_64 : vector<128x256xi1> to vector<128x256xi32>
    %sign3A_66 = arith.subi %sign3A_61, %sign3A_65 : vector<128x256xi32>
    %sign3A_67 = arith.constant 0 : i32
    %sign3A_68 = arith.cmpi sgt, %jit3A_57, %sign3A_67 : i32
    %sign3A_69 = arith.extui %sign3A_68 : i1 to i32
    %sign3A_70 = arith.constant 0 : i32
    %sign3A_71 = arith.cmpi slt, %jit3A_57, %sign3A_70 : i32
    %sign3A_72 = arith.extui %sign3A_71 : i1 to i32
    %sign3A_73 = arith.subi %sign3A_69, %sign3A_72 : i32
    %ne3A_74 = vector.broadcast %sign3A_73 : i32 to vector<128x256xi32>
    %ne3A_75 = arith.cmpi ne, %sign3A_66, %ne3A_74 : vector<128x256xi32>
    %rem3A_76 = vector.broadcast %jit3A_57 : i32 to vector<128x256xi32>
    %rem3A_77 = arith.remsi %iota3A_56, %rem3A_76 : vector<128x256xi32>
    %ne3A_78 = arith.constant 0 : i32
    %ne3A_79 = vector.broadcast %ne3A_78 : i32 to vector<128x256xi32>
    %ne3A_80 = arith.cmpi ne, %rem3A_77, %ne3A_79 : vector<128x256xi32>
    %and3A_81 = arith.andi %ne3A_75, %ne3A_80 : vector<128x256xi1>
    %sub3A_82 = arith.constant 1 : i32
    %sub3A_83 = vector.broadcast %sub3A_82 : i32 to vector<128x256xi32>
    %sub3A_84 = arith.subi %div3A_58, %sub3A_83 : vector<128x256xi32>
    %select_n3A_85 = arith.select %and3A_81, %sub3A_84, %div3A_58 : vector<128x256xi1>, vector<128x256xi32>
    %eq3A_86 = arith.cmpi eq, %select_n3A_55, %select_n3A_85 : vector<128x256xi32>
    %convert_element_type3A_87 = arith.extui %eq3A_86 : vector<128x256xi1> to vector<128x256xi32>
    %convert_element_type3A_88 = arith.sitofp %convert_element_type3A_87 : vector<128x256xi32> to vector<128x256xf32>
    %iota3A_89 = tpu.iota {dimensions = array<i32: 0>} : vector<128x16xi32>
    %jit3A_90 = arith.constant 8 : i32
    %div3A_91 = vector.broadcast %jit3A_90 : i32 to vector<128x16xi32>
    %div3A_92 = arith.divsi %iota3A_89, %div3A_91 : vector<128x16xi32>
    %sign3A_93 = arith.constant 0 : i32
    %sign3A_94 = vector.broadcast %sign3A_93 : i32 to vector<128x16xi32>
    %sign3A_95 = arith.cmpi sgt, %iota3A_89, %sign3A_94 : vector<128x16xi32>
    %sign3A_96 = arith.extui %sign3A_95 : vector<128x16xi1> to vector<128x16xi32>
    %sign3A_97 = arith.constant 0 : i32
    %sign3A_98 = vector.broadcast %sign3A_97 : i32 to vector<128x16xi32>
    %sign3A_99 = arith.cmpi slt, %iota3A_89, %sign3A_98 : vector<128x16xi32>
    %sign3A_100 = arith.extui %sign3A_99 : vector<128x16xi1> to vector<128x16xi32>
    %sign3A_101 = arith.subi %sign3A_96, %sign3A_100 : vector<128x16xi32>
    %sign3A_102 = arith.constant 0 : i32
    %sign3A_103 = arith.cmpi sgt, %jit3A_90, %sign3A_102 : i32
    %sign3A_104 = arith.extui %sign3A_103 : i1 to i32
    %sign3A_105 = arith.constant 0 : i32
    %sign3A_106 = arith.cmpi slt, %jit3A_90, %sign3A_105 : i32
    %sign3A_107 = arith.extui %sign3A_106 : i1 to i32
    %sign3A_108 = arith.subi %sign3A_104, %sign3A_107 : i32
    %ne3A_109 = vector.broadcast %sign3A_108 : i32 to vector<128x16xi32>
    %ne3A_110 = arith.cmpi ne, %sign3A_101, %ne3A_109 : vector<128x16xi32>
    %rem3A_111 = vector.broadcast %jit3A_90 : i32 to vector<128x16xi32>
    %rem3A_112 = arith.remsi %iota3A_89, %rem3A_111 : vector<128x16xi32>
    %ne3A_113 = arith.constant 0 : i32
    %ne3A_114 = vector.broadcast %ne3A_113 : i32 to vector<128x16xi32>
    %ne3A_115 = arith.cmpi ne, %rem3A_112, %ne3A_114 : vector<128x16xi32>
    %and3A_116 = arith.andi %ne3A_110, %ne3A_115 : vector<128x16xi1>
    %sub3A_117 = arith.constant 1 : i32
    %sub3A_118 = vector.broadcast %sub3A_117 : i32 to vector<128x16xi32>
    %sub3A_119 = arith.subi %div3A_92, %sub3A_118 : vector<128x16xi32>
    %select_n3A_120 = arith.select %and3A_116, %sub3A_119, %div3A_92 : vector<128x16xi1>, vector<128x16xi32>
    %iota3A_121 = tpu.iota {dimensions = array<i32: 1>} : vector<128x16xi32>
    %eq3A_122 = arith.cmpi eq, %select_n3A_120, %iota3A_121 : vector<128x16xi32>
    %convert_element_type3A_123 = arith.extui %eq3A_122 : vector<128x16xi1> to vector<128x16xi32>
    %convert_element_type3A_124 = arith.sitofp %convert_element_type3A_123 : vector<128x16xi32> to vector<128x16xf32>
    %slice3A = vector.extract_strided_slice %mul3A_38 {offsets = [0, 0], sizes = [16, 256], strides = [1, 1]} : vector<16x12800xf32> to vector<16x256xf32>
    %dot_general3A_125 = arith.constant dense<0.000000e+00> : vector<128x256xf32>
    %dot_general3A_126 = tpu.matmul %convert_element_type3A_124, %slice3A, %dot_general3A_125 {dimension_numbers = #tpu.dot_dimension_numbers<[1], [0], [0], [1], [0, 0, 1, 1], [], []>, transpose_lhs_hint = false} : vector<128x16xf32>, vector<16x256xf32>, vector<128x256xf32> -> vector<128x256xf32>
    %mul3A_127 = arith.mulf %dot_general3A_126, %convert_element_type3A_88 : vector<128x256xf32>
    %slice3A_128 = vector.extract_strided_slice %get3A_1 {offsets = [0, 0], sizes = [256, 128], strides = [1, 1]} : vector<12800x128xf32> to vector<256x128xf32>
    %dot_general3A_129 = arith.constant dense<0.000000e+00> : vector<128x128xf32>
    %dot_general3A_130 = tpu.matmul %mul3A_127, %slice3A_128, %dot_general3A_129 {dimension_numbers = #tpu.dot_dimension_numbers<[1], [0], [0], [1], [0, 0, 1, 1], [], []>, transpose_lhs_hint = false} : vector<128x256xf32>, vector<256x128xf32>, vector<128x128xf32> -> vector<128x128xf32>
    %slice3A_131 = vector.extract_strided_slice %mul3A_38 {offsets = [0, 256], sizes = [16, 256], strides = [1, 1]} : vector<16x12800xf32> to vector<16x256xf32>
    %dot_general3A_132 = arith.constant dense<0.000000e+00> : vector<128x256xf32>
    %dot_general3A_133 = tpu.matmul %convert_element_type3A_124, %slice3A_131, %dot_general3A_132 {dimension_numbers = #tpu.dot_dimension_numbers<[1], [0], [0], [1], [0, 0, 1, 1], [], []>, transpose_lhs_hint = false} : vector<128x16xf32>, vector<16x256xf32>, vector<128x256xf32> -> vector<128x256xf32>
    %mul3A_134 = arith.mulf %dot_general3A_133, %convert_element_type3A_88 : vector<128x256xf32>
    %slice3A_135 = vector.extract_strided_slice %get3A_1 {offsets = [256, 0], sizes = [256, 128], strides = [1, 1]} : vector<12800x128xf32> to vector<256x128xf32>
    %dot_general3A_136 = arith.constant dense<0.000000e+00> : vector<128x128xf32>
    %dot_general3A_137 = tpu.matmul %mul3A_134, %slice3A_135, %dot_general3A_136 {dimension_numbers = #tpu.dot_dimension_numbers<[1], [0], [0], [1], [0, 0, 1, 1], [], []>, transpose_lhs_hint = false} : vector<128x256xf32>, vector<256x128xf32>, vector<128x128xf32> -> vector<128x128xf32>
    %slice3A_138 = vector.extract_strided_slice %mul3A_38 {offsets = [0, 512], sizes = [16, 256], strides = [1, 1]} : vector<16x12800xf32> to vector<16x256xf32>
    %dot_general3A_139 = arith.constant dense<0.000000e+00> : vector<128x256xf32>
    %dot_general3A_140 = tpu.matmul %convert_element_type3A_124, %slice3A_138, %dot_general3A_139 {dimension_numbers = #tpu.dot_dimension_numbers<[1], [0], [0], [1], [0, 0, 1, 1], [], []>, transpose_lhs_hint = false} : vector<128x16xf32>, vector<16x256xf32>, vector<128x256xf32> -> vector<128x256xf32>
    %mul3A_141 = arith.mulf %dot_general3A_140, %convert_element_type3A_88 : vector<128x256xf32>
    %slice3A_142 = vector.extract_strided_slice %get3A_1 {offsets = [512, 0], sizes = [256, 128], strides = [1, 1]} : vector<12800x128xf32> to vector<256x128xf32>
    %dot_general3A_143 = arith.constant dense<0.000000e+00> : vector<128x128xf32>
    %dot_general3A_144 = tpu.matmul %mul3A_141, %slice3A_142, %dot_general3A_143 {dimension_numbers = #tpu.dot_dimension_numbers<[1], [0], [0], [1], [0, 0, 1, 1], [], []>, transpose_lhs_hint = false} : vector<128x256xf32>, vector<256x128xf32>, vector<128x128xf32> -> vector<128x128xf32>
    %slice3A_145 = vector.extract_strided_slice %mul3A_38 {offsets = [0, 768], sizes = [16, 256], strides = [1, 1]} : vector<16x12800xf32> to vector<16x256xf32>
    %dot_general3A_146 = arith.constant dense<0.000000e+00> : vector<128x256xf32>
    %dot_general3A_147 = tpu.matmul %convert_element_type3A_124, %slice3A_145, %dot_general3A_146 {dimension_numbers = #tpu.dot_dimension_numbers<[1], [0], [0], [1], [0, 0, 1, 1], [], []>, transpose_lhs_hint = false} : vector<128x16xf32>, vector<16x256xf32>, vector<128x256xf32> -> vector<128x256xf32>
    %mul3A_148 = arith.mulf %dot_general3A_147, %convert_element_type3A_88 : vector<128x256xf32>
    %slice3A_149 = vector.extract_strided_slice %get3A_1 {offsets = [768, 0], sizes = [256, 128], strides = [1, 1]} : vector<12800x128xf32> to vector<256x128xf32>
    %dot_general3A_150 = arith.constant dense<0.000000e+00> : vector<128x128xf32>
    %dot_general3A_151 = tpu.matmul %mul3A_148, %slice3A_149, %dot_general3A_150 {dimension_numbers = #tpu.dot_dimension_numbers<[1], [0], [0], [1], [0, 0, 1, 1], [], []>, transpose_lhs_hint = false} : vector<128x256xf32>, vector<256x128xf32>, vector<128x128xf32> -> vector<128x128xf32>
    %slice3A_152 = vector.extract_strided_slice %mul3A_38 {offsets = [0, 1024], sizes = [16, 256], strides = [1, 1]} : vector<16x12800xf32> to vector<16x256xf32>
    %dot_general3A_153 = arith.constant dense<0.000000e+00> : vector<128x256xf32>
    %dot_general3A_154 = tpu.matmul %convert_element_type3A_124, %slice3A_152, %dot_general3A_153 {dimension_numbers = #tpu.dot_dimension_numbers<[1], [0], [0], [1], [0, 0, 1, 1], [], []>, transpose_lhs_hint = false} : vector<128x16xf32>, vector<16x256xf32>, vector<128x256xf32> -> vector<128x256xf32>
    %mul3A_155 = arith.mulf %dot_general3A_154, %convert_element_type3A_88 : vector<128x256xf32>
    %slice3A_156 = vector.extract_strided_slice %get3A_1 {offsets = [1024, 0], sizes = [256, 128], strides = [1, 1]} : vector<12800x128xf32> to vector<256x128xf32>
    %dot_general3A_157 = arith.constant dense<0.000000e+00> : vector<128x128xf32>
    %dot_general3A_158 = tpu.matmul %mul3A_155, %slice3A_156, %dot_general3A_157 {dimension_numbers = #tpu.dot_dimension_numbers<[1], [0], [0], [1], [0, 0, 1, 1], [], []>, transpose_lhs_hint = false} : vector<128x256xf32>, vector<256x128xf32>, vector<128x128xf32> -> vector<128x128xf32>
    %slice3A_159 = vector.extract_strided_slice %mul3A_38 {offsets = [0, 1280], sizes = [16, 256], strides = [1, 1]} : vector<16x12800xf32> to vector<16x256xf32>
    %dot_general3A_160 = arith.constant dense<0.000000e+00> : vector<128x256xf32>
    %dot_general3A_161 = tpu.matmul %convert_element_type3A_124, %slice3A_159, %dot_general3A_160 {dimension_numbers = #tpu.dot_dimension_numbers<[1], [0], [0], [1], [0, 0, 1, 1], [], []>, transpose_lhs_hint = false} : vector<128x16xf32>, vector<16x256xf32>, vector<128x256xf32> -> vector<128x256xf32>
    %mul3A_162 = arith.mulf %dot_general3A_161, %convert_element_type3A_88 : vector<128x256xf32>
    %slice3A_163 = vector.extract_strided_slice %get3A_1 {offsets = [1280, 0], sizes = [256, 128], strides = [1, 1]} : vector<12800x128xf32> to vector<256x128xf32>
    %dot_general3A_164 = arith.constant dense<0.000000e+00> : vector<128x128xf32>
    %dot_general3A_165 = tpu.matmul %mul3A_162, %slice3A_163, %dot_general3A_164 {dimension_numbers = #tpu.dot_dimension_numbers<[1], [0], [0], [1], [0, 0, 1, 1], [], []>, transpose_lhs_hint = false} : vector<128x256xf32>, vector<256x128xf32>, vector<128x128xf32> -> vector<128x128xf32>
    %slice3A_166 = vector.extract_strided_slice %mul3A_38 {offsets = [0, 1536], sizes = [16, 256], strides = [1, 1]} : vector<16x12800xf32> to vector<16x256xf32>
    %dot_general3A_167 = arith.constant dense<0.000000e+00> : vector<128x256xf32>
    %dot_general3A_168 = tpu.matmul %convert_element_type3A_124, %slice3A_166, %dot_general3A_167 {dimension_numbers = #tpu.dot_dimension_numbers<[1], [0], [0], [1], [0, 0, 1, 1], [], []>, transpose_lhs_hint = false} : vector<128x16xf32>, vector<16x256xf32>, vector<128x256xf32> -> vector<128x256xf32>
    %mul3A_169 = arith.mulf %dot_general3A_168, %convert_element_type3A_88 : vector<128x256xf32>
    %slice3A_170 = vector.extract_strided_slice %get3A_1 {offsets = [1536, 0], sizes = [256, 128], strides = [1, 1]} : vector<12800x128xf32> to vector<256x128xf32>
    %dot_general3A_171 = arith.constant dense<0.000000e+00> : vector<128x128xf32>
    %dot_general3A_172 = tpu.matmul %mul3A_169, %slice3A_170, %dot_general3A_171 {dimension_numbers = #tpu.dot_dimension_numbers<[1], [0], [0], [1], [0, 0, 1, 1], [], []>, transpose_lhs_hint = false} : vector<128x256xf32>, vector<256x128xf32>, vector<128x128xf32> -> vector<128x128xf32>
    %slice3A_173 = vector.extract_strided_slice %mul3A_38 {offsets = [0, 1792], sizes = [16, 256], strides = [1, 1]} : vector<16x12800xf32> to vector<16x256xf32>
    %dot_general3A_174 = arith.constant dense<0.000000e+00> : vector<128x256xf32>
    %dot_general3A_175 = tpu.matmul %convert_element_type3A_124, %slice3A_173, %dot_general3A_174 {dimension_numbers = #tpu.dot_dimension_numbers<[1], [0], [0], [1], [0, 0, 1, 1], [], []>, transpose_lhs_hint = false} : vector<128x16xf32>, vector<16x256xf32>, vector<128x256xf32> -> vector<128x256xf32>
    %mul3A_176 = arith.mulf %dot_general3A_175, %convert_element_type3A_88 : vector<128x256xf32>
    %slice3A_177 = vector.extract_strided_slice %get3A_1 {offsets = [1792, 0], sizes = [256, 128], strides = [1, 1]} : vector<12800x128xf32> to vector<256x128xf32>
    %dot_general3A_178 = arith.constant dense<0.000000e+00> : vector<128x128xf32>
    %dot_general3A_179 = tpu.matmul %mul3A_176, %slice3A_177, %dot_general3A_178 {dimension_numbers = #tpu.dot_dimension_numbers<[1], [0], [0], [1], [0, 0, 1, 1], [], []>, transpose_lhs_hint = false} : vector<128x256xf32>, vector<256x128xf32>, vector<128x128xf32> -> vector<128x128xf32>
    %slice3A_180 = vector.extract_strided_slice %mul3A_38 {offsets = [0, 2048], sizes = [16, 256], strides = [1, 1]} : vector<16x12800xf32> to vector<16x256xf32>
    %dot_general3A_181 = arith.constant dense<0.000000e+00> : vector<128x256xf32>
    %dot_general3A_182 = tpu.matmul %convert_element_type3A_124, %slice3A_180, %dot_general3A_181 {dimension_numbers = #tpu.dot_dimension_numbers<[1], [0], [0], [1], [0, 0, 1, 1], [], []>, transpose_lhs_hint = false} : vector<128x16xf32>, vector<16x256xf32>, vector<128x256xf32> -> vector<128x256xf32>
    %mul3A_183 = arith.mulf %dot_general3A_182, %convert_element_type3A_88 : vector<128x256xf32>
    %slice3A_184 = vector.extract_strided_slice %get3A_1 {offsets = [2048, 0], sizes = [256, 128], strides = [1, 1]} : vector<12800x128xf32> to vector<256x128xf32>
    %dot_general3A_185 = arith.constant dense<0.000000e+00> : vector<128x128xf32>
    %dot_general3A_186 = tpu.matmul %mul3A_183, %slice3A_184, %dot_general3A_185 {dimension_numbers = #tpu.dot_dimension_numbers<[1], [0], [0], [1], [0, 0, 1, 1], [], []>, transpose_lhs_hint = false} : vector<128x256xf32>, vector<256x128xf32>, vector<128x128xf32> -> vector<128x128xf32>
    %slice3A_187 = vector.extract_strided_slice %mul3A_38 {offsets = [0, 2304], sizes = [16, 256], strides = [1, 1]} : vector<16x12800xf32> to vector<16x256xf32>
    %dot_general3A_188 = arith.constant dense<0.000000e+00> : vector<128x256xf32>
    %dot_general3A_189 = tpu.matmul %convert_element_type3A_124, %slice3A_187, %dot_general3A_188 {dimension_numbers = #tpu.dot_dimension_numbers<[1], [0], [0], [1], [0, 0, 1, 1], [], []>, transpose_lhs_hint = false} : vector<128x16xf32>, vector<16x256xf32>, vector<128x256xf32> -> vector<128x256xf32>
    %mul3A_190 = arith.mulf %dot_general3A_189, %convert_element_type3A_88 : vector<128x256xf32>
    %slice3A_191 = vector.extract_strided_slice %get3A_1 {offsets = [2304, 0], sizes = [256, 128], strides = [1, 1]} : vector<12800x128xf32> to vector<256x128xf32>
    %dot_general3A_192 = arith.constant dense<0.000000e+00> : vector<128x128xf32>
    %dot_general3A_193 = tpu.matmul %mul3A_190, %slice3A_191, %dot_general3A_192 {dimension_numbers = #tpu.dot_dimension_numbers<[1], [0], [0], [1], [0, 0, 1, 1], [], []>, transpose_lhs_hint = false} : vector<128x256xf32>, vector<256x128xf32>, vector<128x128xf32> -> vector<128x128xf32>
    %slice3A_194 = vector.extract_strided_slice %mul3A_38 {offsets = [0, 2560], sizes = [16, 256], strides = [1, 1]} : vector<16x12800xf32> to vector<16x256xf32>
    %dot_general3A_195 = arith.constant dense<0.000000e+00> : vector<128x256xf32>
    %dot_general3A_196 = tpu.matmul %convert_element_type3A_124, %slice3A_194, %dot_general3A_195 {dimension_numbers = #tpu.dot_dimension_numbers<[1], [0], [0], [1], [0, 0, 1, 1], [], []>, transpose_lhs_hint = false} : vector<128x16xf32>, vector<16x256xf32>, vector<128x256xf32> -> vector<128x256xf32>
    %mul3A_197 = arith.mulf %dot_general3A_196, %convert_element_type3A_88 : vector<128x256xf32>
    %slice3A_198 = vector.extract_strided_slice %get3A_1 {offsets = [2560, 0], sizes = [256, 128], strides = [1, 1]} : vector<12800x128xf32> to vector<256x128xf32>
    %dot_general3A_199 = arith.constant dense<0.000000e+00> : vector<128x128xf32>
    %dot_general3A_200 = tpu.matmul %mul3A_197, %slice3A_198, %dot_general3A_199 {dimension_numbers = #tpu.dot_dimension_numbers<[1], [0], [0], [1], [0, 0, 1, 1], [], []>, transpose_lhs_hint = false} : vector<128x256xf32>, vector<256x128xf32>, vector<128x128xf32> -> vector<128x128xf32>
    %slice3A_201 = vector.extract_strided_slice %mul3A_38 {offsets = [0, 2816], sizes = [16, 256], strides = [1, 1]} : vector<16x12800xf32> to vector<16x256xf32>
    %dot_general3A_202 = arith.constant dense<0.000000e+00> : vector<128x256xf32>
    %dot_general3A_203 = tpu.matmul %convert_element_type3A_124, %slice3A_201, %dot_general3A_202 {dimension_numbers = #tpu.dot_dimension_numbers<[1], [0], [0], [1], [0, 0, 1, 1], [], []>, transpose_lhs_hint = false} : vector<128x16xf32>, vector<16x256xf32>, vector<128x256xf32> -> vector<128x256xf32>
    %mul3A_204 = arith.mulf %dot_general3A_203, %convert_element_type3A_88 : vector<128x256xf32>
    %slice3A_205 = vector.extract_strided_slice %get3A_1 {offsets = [2816, 0], sizes = [256, 128], strides = [1, 1]} : vector<12800x128xf32> to vector<256x128xf32>
    %dot_general3A_206 = arith.constant dense<0.000000e+00> : vector<128x128xf32>
    %dot_general3A_207 = tpu.matmul %mul3A_204, %slice3A_205, %dot_general3A_206 {dimension_numbers = #tpu.dot_dimension_numbers<[1], [0], [0], [1], [0, 0, 1, 1], [], []>, transpose_lhs_hint = false} : vector<128x256xf32>, vector<256x128xf32>, vector<128x128xf32> -> vector<128x128xf32>
    %slice3A_208 = vector.extract_strided_slice %mul3A_38 {offsets = [0, 3072], sizes = [16, 256], strides = [1, 1]} : vector<16x12800xf32> to vector<16x256xf32>
    %dot_general3A_209 = arith.constant dense<0.000000e+00> : vector<128x256xf32>
    %dot_general3A_210 = tpu.matmul %convert_element_type3A_124, %slice3A_208, %dot_general3A_209 {dimension_numbers = #tpu.dot_dimension_numbers<[1], [0], [0], [1], [0, 0, 1, 1], [], []>, transpose_lhs_hint = false} : vector<128x16xf32>, vector<16x256xf32>, vector<128x256xf32> -> vector<128x256xf32>
    %mul3A_211 = arith.mulf %dot_general3A_210, %convert_element_type3A_88 : vector<128x256xf32>
    %slice3A_212 = vector.extract_strided_slice %get3A_1 {offsets = [3072, 0], sizes = [256, 128], strides = [1, 1]} : vector<12800x128xf32> to vector<256x128xf32>
    %dot_general3A_213 = arith.constant dense<0.000000e+00> : vector<128x128xf32>
    %dot_general3A_214 = tpu.matmul %mul3A_211, %slice3A_212, %dot_general3A_213 {dimension_numbers = #tpu.dot_dimension_numbers<[1], [0], [0], [1], [0, 0, 1, 1], [], []>, transpose_lhs_hint = false} : vector<128x256xf32>, vector<256x128xf32>, vector<128x128xf32> -> vector<128x128xf32>
    %slice3A_215 = vector.extract_strided_slice %mul3A_38 {offsets = [0, 3328], sizes = [16, 256], strides = [1, 1]} : vector<16x12800xf32> to vector<16x256xf32>
    %dot_general3A_216 = arith.constant dense<0.000000e+00> : vector<128x256xf32>
    %dot_general3A_217 = tpu.matmul %convert_element_type3A_124, %slice3A_215, %dot_general3A_216 {dimension_numbers = #tpu.dot_dimension_numbers<[1], [0], [0], [1], [0, 0, 1, 1], [], []>, transpose_lhs_hint = false} : vector<128x16xf32>, vector<16x256xf32>, vector<128x256xf32> -> vector<128x256xf32>
    %mul3A_218 = arith.mulf %dot_general3A_217, %convert_element_type3A_88 : vector<128x256xf32>
    %slice3A_219 = vector.extract_strided_slice %get3A_1 {offsets = [3328, 0], sizes = [256, 128], strides = [1, 1]} : vector<12800x128xf32> to vector<256x128xf32>
    %dot_general3A_220 = arith.constant dense<0.000000e+00> : vector<128x128xf32>
    %dot_general3A_221 = tpu.matmul %mul3A_218, %slice3A_219, %dot_general3A_220 {dimension_numbers = #tpu.dot_dimension_numbers<[1], [0], [0], [1], [0, 0, 1, 1], [], []>, transpose_lhs_hint = false} : vector<128x256xf32>, vector<256x128xf32>, vector<128x128xf32> -> vector<128x128xf32>
    %slice3A_222 = vector.extract_strided_slice %mul3A_38 {offsets = [0, 3584], sizes = [16, 256], strides = [1, 1]} : vector<16x12800xf32> to vector<16x256xf32>
    %dot_general3A_223 = arith.constant dense<0.000000e+00> : vector<128x256xf32>
    %dot_general3A_224 = tpu.matmul %convert_element_type3A_124, %slice3A_222, %dot_general3A_223 {dimension_numbers = #tpu.dot_dimension_numbers<[1], [0], [0], [1], [0, 0, 1, 1], [], []>, transpose_lhs_hint = false} : vector<128x16xf32>, vector<16x256xf32>, vector<128x256xf32> -> vector<128x256xf32>
    %mul3A_225 = arith.mulf %dot_general3A_224, %convert_element_type3A_88 : vector<128x256xf32>
    %slice3A_226 = vector.extract_strided_slice %get3A_1 {offsets = [3584, 0], sizes = [256, 128], strides = [1, 1]} : vector<12800x128xf32> to vector<256x128xf32>
    %dot_general3A_227 = arith.constant dense<0.000000e+00> : vector<128x128xf32>
    %dot_general3A_228 = tpu.matmul %mul3A_225, %slice3A_226, %dot_general3A_227 {dimension_numbers = #tpu.dot_dimension_numbers<[1], [0], [0], [1], [0, 0, 1, 1], [], []>, transpose_lhs_hint = false} : vector<128x256xf32>, vector<256x128xf32>, vector<128x128xf32> -> vector<128x128xf32>
    %slice3A_229 = vector.extract_strided_slice %mul3A_38 {offsets = [0, 3840], sizes = [16, 256], strides = [1, 1]} : vector<16x12800xf32> to vector<16x256xf32>
    %dot_general3A_230 = arith.constant dense<0.000000e+00> : vector<128x256xf32>
    %dot_general3A_231 = tpu.matmul %convert_element_type3A_124, %slice3A_229, %dot_general3A_230 {dimension_numbers = #tpu.dot_dimension_numbers<[1], [0], [0], [1], [0, 0, 1, 1], [], []>, transpose_lhs_hint = false} : vector<128x16xf32>, vector<16x256xf32>, vector<128x256xf32> -> vector<128x256xf32>
    %mul3A_232 = arith.mulf %dot_general3A_231, %convert_element_type3A_88 : vector<128x256xf32>
    %slice3A_233 = vector.extract_strided_slice %get3A_1 {offsets = [3840, 0], sizes = [256, 128], strides = [1, 1]} : vector<12800x128xf32> to vector<256x128xf32>
    %dot_general3A_234 = arith.constant dense<0.000000e+00> : vector<128x128xf32>
    %dot_general3A_235 = tpu.matmul %mul3A_232, %slice3A_233, %dot_general3A_234 {dimension_numbers = #tpu.dot_dimension_numbers<[1], [0], [0], [1], [0, 0, 1, 1], [], []>, transpose_lhs_hint = false} : vector<128x256xf32>, vector<256x128xf32>, vector<128x128xf32> -> vector<128x128xf32>
    %slice3A_236 = vector.extract_strided_slice %mul3A_38 {offsets = [0, 4096], sizes = [16, 256], strides = [1, 1]} : vector<16x12800xf32> to vector<16x256xf32>
    %dot_general3A_237 = arith.constant dense<0.000000e+00> : vector<128x256xf32>
    %dot_general3A_238 = tpu.matmul %convert_element_type3A_124, %slice3A_236, %dot_general3A_237 {dimension_numbers = #tpu.dot_dimension_numbers<[1], [0], [0], [1], [0, 0, 1, 1], [], []>, transpose_lhs_hint = false} : vector<128x16xf32>, vector<16x256xf32>, vector<128x256xf32> -> vector<128x256xf32>
    %mul3A_239 = arith.mulf %dot_general3A_238, %convert_element_type3A_88 : vector<128x256xf32>
    %slice3A_240 = vector.extract_strided_slice %get3A_1 {offsets = [4096, 0], sizes = [256, 128], strides = [1, 1]} : vector<12800x128xf32> to vector<256x128xf32>
    %dot_general3A_241 = arith.constant dense<0.000000e+00> : vector<128x128xf32>
    %dot_general3A_242 = tpu.matmul %mul3A_239, %slice3A_240, %dot_general3A_241 {dimension_numbers = #tpu.dot_dimension_numbers<[1], [0], [0], [1], [0, 0, 1, 1], [], []>, transpose_lhs_hint = false} : vector<128x256xf32>, vector<256x128xf32>, vector<128x128xf32> -> vector<128x128xf32>
    %slice3A_243 = vector.extract_strided_slice %mul3A_38 {offsets = [0, 4352], sizes = [16, 256], strides = [1, 1]} : vector<16x12800xf32> to vector<16x256xf32>
    %dot_general3A_244 = arith.constant dense<0.000000e+00> : vector<128x256xf32>
    %dot_general3A_245 = tpu.matmul %convert_element_type3A_124, %slice3A_243, %dot_general3A_244 {dimension_numbers = #tpu.dot_dimension_numbers<[1], [0], [0], [1], [0, 0, 1, 1], [], []>, transpose_lhs_hint = false} : vector<128x16xf32>, vector<16x256xf32>, vector<128x256xf32> -> vector<128x256xf32>
    %mul3A_246 = arith.mulf %dot_general3A_245, %convert_element_type3A_88 : vector<128x256xf32>
    %slice3A_247 = vector.extract_strided_slice %get3A_1 {offsets = [4352, 0], sizes = [256, 128], strides = [1, 1]} : vector<12800x128xf32> to vector<256x128xf32>
    %dot_general3A_248 = arith.constant dense<0.000000e+00> : vector<128x128xf32>
    %dot_general3A_249 = tpu.matmul %mul3A_246, %slice3A_247, %dot_general3A_248 {dimension_numbers = #tpu.dot_dimension_numbers<[1], [0], [0], [1], [0, 0, 1, 1], [], []>, transpose_lhs_hint = false} : vector<128x256xf32>, vector<256x128xf32>, vector<128x128xf32> -> vector<128x128xf32>
    %slice3A_250 = vector.extract_strided_slice %mul3A_38 {offsets = [0, 4608], sizes = [16, 256], strides = [1, 1]} : vector<16x12800xf32> to vector<16x256xf32>
    %dot_general3A_251 = arith.constant dense<0.000000e+00> : vector<128x256xf32>
    %dot_general3A_252 = tpu.matmul %convert_element_type3A_124, %slice3A_250, %dot_general3A_251 {dimension_numbers = #tpu.dot_dimension_numbers<[1], [0], [0], [1], [0, 0, 1, 1], [], []>, transpose_lhs_hint = false} : vector<128x16xf32>, vector<16x256xf32>, vector<128x256xf32> -> vector<128x256xf32>
    %mul3A_253 = arith.mulf %dot_general3A_252, %convert_element_type3A_88 : vector<128x256xf32>
    %slice3A_254 = vector.extract_strided_slice %get3A_1 {offsets = [4608, 0], sizes = [256, 128], strides = [1, 1]} : vector<12800x128xf32> to vector<256x128xf32>
    %dot_general3A_255 = arith.constant dense<0.000000e+00> : vector<128x128xf32>
    %dot_general3A_256 = tpu.matmul %mul3A_253, %slice3A_254, %dot_general3A_255 {dimension_numbers = #tpu.dot_dimension_numbers<[1], [0], [0], [1], [0, 0, 1, 1], [], []>, transpose_lhs_hint = false} : vector<128x256xf32>, vector<256x128xf32>, vector<128x128xf32> -> vector<128x128xf32>
    %slice3A_257 = vector.extract_strided_slice %mul3A_38 {offsets = [0, 4864], sizes = [16, 256], strides = [1, 1]} : vector<16x12800xf32> to vector<16x256xf32>
    %dot_general3A_258 = arith.constant dense<0.000000e+00> : vector<128x256xf32>
    %dot_general3A_259 = tpu.matmul %convert_element_type3A_124, %slice3A_257, %dot_general3A_258 {dimension_numbers = #tpu.dot_dimension_numbers<[1], [0], [0], [1], [0, 0, 1, 1], [], []>, transpose_lhs_hint = false} : vector<128x16xf32>, vector<16x256xf32>, vector<128x256xf32> -> vector<128x256xf32>
    %mul3A_260 = arith.mulf %dot_general3A_259, %convert_element_type3A_88 : vector<128x256xf32>
    %slice3A_261 = vector.extract_strided_slice %get3A_1 {offsets = [4864, 0], sizes = [256, 128], strides = [1, 1]} : vector<12800x128xf32> to vector<256x128xf32>
    %dot_general3A_262 = arith.constant dense<0.000000e+00> : vector<128x128xf32>
    %dot_general3A_263 = tpu.matmul %mul3A_260, %slice3A_261, %dot_general3A_262 {dimension_numbers = #tpu.dot_dimension_numbers<[1], [0], [0], [1], [0, 0, 1, 1], [], []>, transpose_lhs_hint = false} : vector<128x256xf32>, vector<256x128xf32>, vector<128x128xf32> -> vector<128x128xf32>
    %slice3A_264 = vector.extract_strided_slice %mul3A_38 {offsets = [0, 5120], sizes = [16, 256], strides = [1, 1]} : vector<16x12800xf32> to vector<16x256xf32>
    %dot_general3A_265 = arith.constant dense<0.000000e+00> : vector<128x256xf32>
    %dot_general3A_266 = tpu.matmul %convert_element_type3A_124, %slice3A_264, %dot_general3A_265 {dimension_numbers = #tpu.dot_dimension_numbers<[1], [0], [0], [1], [0, 0, 1, 1], [], []>, transpose_lhs_hint = false} : vector<128x16xf32>, vector<16x256xf32>, vector<128x256xf32> -> vector<128x256xf32>
    %mul3A_267 = arith.mulf %dot_general3A_266, %convert_element_type3A_88 : vector<128x256xf32>
    %slice3A_268 = vector.extract_strided_slice %get3A_1 {offsets = [5120, 0], sizes = [256, 128], strides = [1, 1]} : vector<12800x128xf32> to vector<256x128xf32>
    %dot_general3A_269 = arith.constant dense<0.000000e+00> : vector<128x128xf32>
    %dot_general3A_270 = tpu.matmul %mul3A_267, %slice3A_268, %dot_general3A_269 {dimension_numbers = #tpu.dot_dimension_numbers<[1], [0], [0], [1], [0, 0, 1, 1], [], []>, transpose_lhs_hint = false} : vector<128x256xf32>, vector<256x128xf32>, vector<128x128xf32> -> vector<128x128xf32>
    %slice3A_271 = vector.extract_strided_slice %mul3A_38 {offsets = [0, 5376], sizes = [16, 256], strides = [1, 1]} : vector<16x12800xf32> to vector<16x256xf32>
    %dot_general3A_272 = arith.constant dense<0.000000e+00> : vector<128x256xf32>
    %dot_general3A_273 = tpu.matmul %convert_element_type3A_124, %slice3A_271, %dot_general3A_272 {dimension_numbers = #tpu.dot_dimension_numbers<[1], [0], [0], [1], [0, 0, 1, 1], [], []>, transpose_lhs_hint = false} : vector<128x16xf32>, vector<16x256xf32>, vector<128x256xf32> -> vector<128x256xf32>
    %mul3A_274 = arith.mulf %dot_general3A_273, %convert_element_type3A_88 : vector<128x256xf32>
    %slice3A_275 = vector.extract_strided_slice %get3A_1 {offsets = [5376, 0], sizes = [256, 128], strides = [1, 1]} : vector<12800x128xf32> to vector<256x128xf32>
    %dot_general3A_276 = arith.constant dense<0.000000e+00> : vector<128x128xf32>
    %dot_general3A_277 = tpu.matmul %mul3A_274, %slice3A_275, %dot_general3A_276 {dimension_numbers = #tpu.dot_dimension_numbers<[1], [0], [0], [1], [0, 0, 1, 1], [], []>, transpose_lhs_hint = false} : vector<128x256xf32>, vector<256x128xf32>, vector<128x128xf32> -> vector<128x128xf32>
    %slice3A_278 = vector.extract_strided_slice %mul3A_38 {offsets = [0, 5632], sizes = [16, 256], strides = [1, 1]} : vector<16x12800xf32> to vector<16x256xf32>
    %dot_general3A_279 = arith.constant dense<0.000000e+00> : vector<128x256xf32>
    %dot_general3A_280 = tpu.matmul %convert_element_type3A_124, %slice3A_278, %dot_general3A_279 {dimension_numbers = #tpu.dot_dimension_numbers<[1], [0], [0], [1], [0, 0, 1, 1], [], []>, transpose_lhs_hint = false} : vector<128x16xf32>, vector<16x256xf32>, vector<128x256xf32> -> vector<128x256xf32>
    %mul3A_281 = arith.mulf %dot_general3A_280, %convert_element_type3A_88 : vector<128x256xf32>
    %slice3A_282 = vector.extract_strided_slice %get3A_1 {offsets = [5632, 0], sizes = [256, 128], strides = [1, 1]} : vector<12800x128xf32> to vector<256x128xf32>
    %dot_general3A_283 = arith.constant dense<0.000000e+00> : vector<128x128xf32>
    %dot_general3A_284 = tpu.matmul %mul3A_281, %slice3A_282, %dot_general3A_283 {dimension_numbers = #tpu.dot_dimension_numbers<[1], [0], [0], [1], [0, 0, 1, 1], [], []>, transpose_lhs_hint = false} : vector<128x256xf32>, vector<256x128xf32>, vector<128x128xf32> -> vector<128x128xf32>
    %slice3A_285 = vector.extract_strided_slice %mul3A_38 {offsets = [0, 5888], sizes = [16, 256], strides = [1, 1]} : vector<16x12800xf32> to vector<16x256xf32>
    %dot_general3A_286 = arith.constant dense<0.000000e+00> : vector<128x256xf32>
    %dot_general3A_287 = tpu.matmul %convert_element_type3A_124, %slice3A_285, %dot_general3A_286 {dimension_numbers = #tpu.dot_dimension_numbers<[1], [0], [0], [1], [0, 0, 1, 1], [], []>, transpose_lhs_hint = false} : vector<128x16xf32>, vector<16x256xf32>, vector<128x256xf32> -> vector<128x256xf32>
    %mul3A_288 = arith.mulf %dot_general3A_287, %convert_element_type3A_88 : vector<128x256xf32>
    %slice3A_289 = vector.extract_strided_slice %get3A_1 {offsets = [5888, 0], sizes = [256, 128], strides = [1, 1]} : vector<12800x128xf32> to vector<256x128xf32>
    %dot_general3A_290 = arith.constant dense<0.000000e+00> : vector<128x128xf32>
    %dot_general3A_291 = tpu.matmul %mul3A_288, %slice3A_289, %dot_general3A_290 {dimension_numbers = #tpu.dot_dimension_numbers<[1], [0], [0], [1], [0, 0, 1, 1], [], []>, transpose_lhs_hint = false} : vector<128x256xf32>, vector<256x128xf32>, vector<128x128xf32> -> vector<128x128xf32>
    %slice3A_292 = vector.extract_strided_slice %mul3A_38 {offsets = [0, 6144], sizes = [16, 256], strides = [1, 1]} : vector<16x12800xf32> to vector<16x256xf32>
    %dot_general3A_293 = arith.constant dense<0.000000e+00> : vector<128x256xf32>
    %dot_general3A_294 = tpu.matmul %convert_element_type3A_124, %slice3A_292, %dot_general3A_293 {dimension_numbers = #tpu.dot_dimension_numbers<[1], [0], [0], [1], [0, 0, 1, 1], [], []>, transpose_lhs_hint = false} : vector<128x16xf32>, vector<16x256xf32>, vector<128x256xf32> -> vector<128x256xf32>
    %mul3A_295 = arith.mulf %dot_general3A_294, %convert_element_type3A_88 : vector<128x256xf32>
    %slice3A_296 = vector.extract_strided_slice %get3A_1 {offsets = [6144, 0], sizes = [256, 128], strides = [1, 1]} : vector<12800x128xf32> to vector<256x128xf32>
    %dot_general3A_297 = arith.constant dense<0.000000e+00> : vector<128x128xf32>
    %dot_general3A_298 = tpu.matmul %mul3A_295, %slice3A_296, %dot_general3A_297 {dimension_numbers = #tpu.dot_dimension_numbers<[1], [0], [0], [1], [0, 0, 1, 1], [], []>, transpose_lhs_hint = false} : vector<128x256xf32>, vector<256x128xf32>, vector<128x128xf32> -> vector<128x128xf32>
    %slice3A_299 = vector.extract_strided_slice %mul3A_38 {offsets = [0, 6400], sizes = [16, 256], strides = [1, 1]} : vector<16x12800xf32> to vector<16x256xf32>
    %dot_general3A_300 = arith.constant dense<0.000000e+00> : vector<128x256xf32>
    %dot_general3A_301 = tpu.matmul %convert_element_type3A_124, %slice3A_299, %dot_general3A_300 {dimension_numbers = #tpu.dot_dimension_numbers<[1], [0], [0], [1], [0, 0, 1, 1], [], []>, transpose_lhs_hint = false} : vector<128x16xf32>, vector<16x256xf32>, vector<128x256xf32> -> vector<128x256xf32>
    %mul3A_302 = arith.mulf %dot_general3A_301, %convert_element_type3A_88 : vector<128x256xf32>
    %slice3A_303 = vector.extract_strided_slice %get3A_1 {offsets = [6400, 0], sizes = [256, 128], strides = [1, 1]} : vector<12800x128xf32> to vector<256x128xf32>
    %dot_general3A_304 = arith.constant dense<0.000000e+00> : vector<128x128xf32>
    %dot_general3A_305 = tpu.matmul %mul3A_302, %slice3A_303, %dot_general3A_304 {dimension_numbers = #tpu.dot_dimension_numbers<[1], [0], [0], [1], [0, 0, 1, 1], [], []>, transpose_lhs_hint = false} : vector<128x256xf32>, vector<256x128xf32>, vector<128x128xf32> -> vector<128x128xf32>
    %slice3A_306 = vector.extract_strided_slice %mul3A_38 {offsets = [0, 6656], sizes = [16, 256], strides = [1, 1]} : vector<16x12800xf32> to vector<16x256xf32>
    %dot_general3A_307 = arith.constant dense<0.000000e+00> : vector<128x256xf32>
    %dot_general3A_308 = tpu.matmul %convert_element_type3A_124, %slice3A_306, %dot_general3A_307 {dimension_numbers = #tpu.dot_dimension_numbers<[1], [0], [0], [1], [0, 0, 1, 1], [], []>, transpose_lhs_hint = false} : vector<128x16xf32>, vector<16x256xf32>, vector<128x256xf32> -> vector<128x256xf32>
    %mul3A_309 = arith.mulf %dot_general3A_308, %convert_element_type3A_88 : vector<128x256xf32>
    %slice3A_310 = vector.extract_strided_slice %get3A_1 {offsets = [6656, 0], sizes = [256, 128], strides = [1, 1]} : vector<12800x128xf32> to vector<256x128xf32>
    %dot_general3A_311 = arith.constant dense<0.000000e+00> : vector<128x128xf32>
    %dot_general3A_312 = tpu.matmul %mul3A_309, %slice3A_310, %dot_general3A_311 {dimension_numbers = #tpu.dot_dimension_numbers<[1], [0], [0], [1], [0, 0, 1, 1], [], []>, transpose_lhs_hint = false} : vector<128x256xf32>, vector<256x128xf32>, vector<128x128xf32> -> vector<128x128xf32>
    %slice3A_313 = vector.extract_strided_slice %mul3A_38 {offsets = [0, 6912], sizes = [16, 256], strides = [1, 1]} : vector<16x12800xf32> to vector<16x256xf32>
    %dot_general3A_314 = arith.constant dense<0.000000e+00> : vector<128x256xf32>
    %dot_general3A_315 = tpu.matmul %convert_element_type3A_124, %slice3A_313, %dot_general3A_314 {dimension_numbers = #tpu.dot_dimension_numbers<[1], [0], [0], [1], [0, 0, 1, 1], [], []>, transpose_lhs_hint = false} : vector<128x16xf32>, vector<16x256xf32>, vector<128x256xf32> -> vector<128x256xf32>
    %mul3A_316 = arith.mulf %dot_general3A_315, %convert_element_type3A_88 : vector<128x256xf32>
    %slice3A_317 = vector.extract_strided_slice %get3A_1 {offsets = [6912, 0], sizes = [256, 128], strides = [1, 1]} : vector<12800x128xf32> to vector<256x128xf32>
    %dot_general3A_318 = arith.constant dense<0.000000e+00> : vector<128x128xf32>
    %dot_general3A_319 = tpu.matmul %mul3A_316, %slice3A_317, %dot_general3A_318 {dimension_numbers = #tpu.dot_dimension_numbers<[1], [0], [0], [1], [0, 0, 1, 1], [], []>, transpose_lhs_hint = false} : vector<128x256xf32>, vector<256x128xf32>, vector<128x128xf32> -> vector<128x128xf32>
    %slice3A_320 = vector.extract_strided_slice %mul3A_38 {offsets = [0, 7168], sizes = [16, 256], strides = [1, 1]} : vector<16x12800xf32> to vector<16x256xf32>
    %dot_general3A_321 = arith.constant dense<0.000000e+00> : vector<128x256xf32>
    %dot_general3A_322 = tpu.matmul %convert_element_type3A_124, %slice3A_320, %dot_general3A_321 {dimension_numbers = #tpu.dot_dimension_numbers<[1], [0], [0], [1], [0, 0, 1, 1], [], []>, transpose_lhs_hint = false} : vector<128x16xf32>, vector<16x256xf32>, vector<128x256xf32> -> vector<128x256xf32>
    %mul3A_323 = arith.mulf %dot_general3A_322, %convert_element_type3A_88 : vector<128x256xf32>
    %slice3A_324 = vector.extract_strided_slice %get3A_1 {offsets = [7168, 0], sizes = [256, 128], strides = [1, 1]} : vector<12800x128xf32> to vector<256x128xf32>
    %dot_general3A_325 = arith.constant dense<0.000000e+00> : vector<128x128xf32>
    %dot_general3A_326 = tpu.matmul %mul3A_323, %slice3A_324, %dot_general3A_325 {dimension_numbers = #tpu.dot_dimension_numbers<[1], [0], [0], [1], [0, 0, 1, 1], [], []>, transpose_lhs_hint = false} : vector<128x256xf32>, vector<256x128xf32>, vector<128x128xf32> -> vector<128x128xf32>
    %slice3A_327 = vector.extract_strided_slice %mul3A_38 {offsets = [0, 7424], sizes = [16, 256], strides = [1, 1]} : vector<16x12800xf32> to vector<16x256xf32>
    %dot_general3A_328 = arith.constant dense<0.000000e+00> : vector<128x256xf32>
    %dot_general3A_329 = tpu.matmul %convert_element_type3A_124, %slice3A_327, %dot_general3A_328 {dimension_numbers = #tpu.dot_dimension_numbers<[1], [0], [0], [1], [0, 0, 1, 1], [], []>, transpose_lhs_hint = false} : vector<128x16xf32>, vector<16x256xf32>, vector<128x256xf32> -> vector<128x256xf32>
    %mul3A_330 = arith.mulf %dot_general3A_329, %convert_element_type3A_88 : vector<128x256xf32>
    %slice3A_331 = vector.extract_strided_slice %get3A_1 {offsets = [7424, 0], sizes = [256, 128], strides = [1, 1]} : vector<12800x128xf32> to vector<256x128xf32>
    %dot_general3A_332 = arith.constant dense<0.000000e+00> : vector<128x128xf32>
    %dot_general3A_333 = tpu.matmul %mul3A_330, %slice3A_331, %dot_general3A_332 {dimension_numbers = #tpu.dot_dimension_numbers<[1], [0], [0], [1], [0, 0, 1, 1], [], []>, transpose_lhs_hint = false} : vector<128x256xf32>, vector<256x128xf32>, vector<128x128xf32> -> vector<128x128xf32>
    %slice3A_334 = vector.extract_strided_slice %mul3A_38 {offsets = [0, 7680], sizes = [16, 256], strides = [1, 1]} : vector<16x12800xf32> to vector<16x256xf32>
    %dot_general3A_335 = arith.constant dense<0.000000e+00> : vector<128x256xf32>
    %dot_general3A_336 = tpu.matmul %convert_element_type3A_124, %slice3A_334, %dot_general3A_335 {dimension_numbers = #tpu.dot_dimension_numbers<[1], [0], [0], [1], [0, 0, 1, 1], [], []>, transpose_lhs_hint = false} : vector<128x16xf32>, vector<16x256xf32>, vector<128x256xf32> -> vector<128x256xf32>
    %mul3A_337 = arith.mulf %dot_general3A_336, %convert_element_type3A_88 : vector<128x256xf32>
    %slice3A_338 = vector.extract_strided_slice %get3A_1 {offsets = [7680, 0], sizes = [256, 128], strides = [1, 1]} : vector<12800x128xf32> to vector<256x128xf32>
    %dot_general3A_339 = arith.constant dense<0.000000e+00> : vector<128x128xf32>
    %dot_general3A_340 = tpu.matmul %mul3A_337, %slice3A_338, %dot_general3A_339 {dimension_numbers = #tpu.dot_dimension_numbers<[1], [0], [0], [1], [0, 0, 1, 1], [], []>, transpose_lhs_hint = false} : vector<128x256xf32>, vector<256x128xf32>, vector<128x128xf32> -> vector<128x128xf32>
    %slice3A_341 = vector.extract_strided_slice %mul3A_38 {offsets = [0, 7936], sizes = [16, 256], strides = [1, 1]} : vector<16x12800xf32> to vector<16x256xf32>
    %dot_general3A_342 = arith.constant dense<0.000000e+00> : vector<128x256xf32>
    %dot_general3A_343 = tpu.matmul %convert_element_type3A_124, %slice3A_341, %dot_general3A_342 {dimension_numbers = #tpu.dot_dimension_numbers<[1], [0], [0], [1], [0, 0, 1, 1], [], []>, transpose_lhs_hint = false} : vector<128x16xf32>, vector<16x256xf32>, vector<128x256xf32> -> vector<128x256xf32>
    %mul3A_344 = arith.mulf %dot_general3A_343, %convert_element_type3A_88 : vector<128x256xf32>
    %slice3A_345 = vector.extract_strided_slice %get3A_1 {offsets = [7936, 0], sizes = [256, 128], strides = [1, 1]} : vector<12800x128xf32> to vector<256x128xf32>
    %dot_general3A_346 = arith.constant dense<0.000000e+00> : vector<128x128xf32>
    %dot_general3A_347 = tpu.matmul %mul3A_344, %slice3A_345, %dot_general3A_346 {dimension_numbers = #tpu.dot_dimension_numbers<[1], [0], [0], [1], [0, 0, 1, 1], [], []>, transpose_lhs_hint = false} : vector<128x256xf32>, vector<256x128xf32>, vector<128x128xf32> -> vector<128x128xf32>
    %slice3A_348 = vector.extract_strided_slice %mul3A_38 {offsets = [0, 8192], sizes = [16, 256], strides = [1, 1]} : vector<16x12800xf32> to vector<16x256xf32>
    %dot_general3A_349 = arith.constant dense<0.000000e+00> : vector<128x256xf32>
    %dot_general3A_350 = tpu.matmul %convert_element_type3A_124, %slice3A_348, %dot_general3A_349 {dimension_numbers = #tpu.dot_dimension_numbers<[1], [0], [0], [1], [0, 0, 1, 1], [], []>, transpose_lhs_hint = false} : vector<128x16xf32>, vector<16x256xf32>, vector<128x256xf32> -> vector<128x256xf32>
    %mul3A_351 = arith.mulf %dot_general3A_350, %convert_element_type3A_88 : vector<128x256xf32>
    %slice3A_352 = vector.extract_strided_slice %get3A_1 {offsets = [8192, 0], sizes = [256, 128], strides = [1, 1]} : vector<12800x128xf32> to vector<256x128xf32>
    %dot_general3A_353 = arith.constant dense<0.000000e+00> : vector<128x128xf32>
    %dot_general3A_354 = tpu.matmul %mul3A_351, %slice3A_352, %dot_general3A_353 {dimension_numbers = #tpu.dot_dimension_numbers<[1], [0], [0], [1], [0, 0, 1, 1], [], []>, transpose_lhs_hint = false} : vector<128x256xf32>, vector<256x128xf32>, vector<128x128xf32> -> vector<128x128xf32>
    %slice3A_355 = vector.extract_strided_slice %mul3A_38 {offsets = [0, 8448], sizes = [16, 256], strides = [1, 1]} : vector<16x12800xf32> to vector<16x256xf32>
    %dot_general3A_356 = arith.constant dense<0.000000e+00> : vector<128x256xf32>
    %dot_general3A_357 = tpu.matmul %convert_element_type3A_124, %slice3A_355, %dot_general3A_356 {dimension_numbers = #tpu.dot_dimension_numbers<[1], [0], [0], [1], [0, 0, 1, 1], [], []>, transpose_lhs_hint = false} : vector<128x16xf32>, vector<16x256xf32>, vector<128x256xf32> -> vector<128x256xf32>
    %mul3A_358 = arith.mulf %dot_general3A_357, %convert_element_type3A_88 : vector<128x256xf32>
    %slice3A_359 = vector.extract_strided_slice %get3A_1 {offsets = [8448, 0], sizes = [256, 128], strides = [1, 1]} : vector<12800x128xf32> to vector<256x128xf32>
    %dot_general3A_360 = arith.constant dense<0.000000e+00> : vector<128x128xf32>
    %dot_general3A_361 = tpu.matmul %mul3A_358, %slice3A_359, %dot_general3A_360 {dimension_numbers = #tpu.dot_dimension_numbers<[1], [0], [0], [1], [0, 0, 1, 1], [], []>, transpose_lhs_hint = false} : vector<128x256xf32>, vector<256x128xf32>, vector<128x128xf32> -> vector<128x128xf32>
    %slice3A_362 = vector.extract_strided_slice %mul3A_38 {offsets = [0, 8704], sizes = [16, 256], strides = [1, 1]} : vector<16x12800xf32> to vector<16x256xf32>
    %dot_general3A_363 = arith.constant dense<0.000000e+00> : vector<128x256xf32>
    %dot_general3A_364 = tpu.matmul %convert_element_type3A_124, %slice3A_362, %dot_general3A_363 {dimension_numbers = #tpu.dot_dimension_numbers<[1], [0], [0], [1], [0, 0, 1, 1], [], []>, transpose_lhs_hint = false} : vector<128x16xf32>, vector<16x256xf32>, vector<128x256xf32> -> vector<128x256xf32>
    %mul3A_365 = arith.mulf %dot_general3A_364, %convert_element_type3A_88 : vector<128x256xf32>
    %slice3A_366 = vector.extract_strided_slice %get3A_1 {offsets = [8704, 0], sizes = [256, 128], strides = [1, 1]} : vector<12800x128xf32> to vector<256x128xf32>
    %dot_general3A_367 = arith.constant dense<0.000000e+00> : vector<128x128xf32>
    %dot_general3A_368 = tpu.matmul %mul3A_365, %slice3A_366, %dot_general3A_367 {dimension_numbers = #tpu.dot_dimension_numbers<[1], [0], [0], [1], [0, 0, 1, 1], [], []>, transpose_lhs_hint = false} : vector<128x256xf32>, vector<256x128xf32>, vector<128x128xf32> -> vector<128x128xf32>
    %slice3A_369 = vector.extract_strided_slice %mul3A_38 {offsets = [0, 8960], sizes = [16, 256], strides = [1, 1]} : vector<16x12800xf32> to vector<16x256xf32>
    %dot_general3A_370 = arith.constant dense<0.000000e+00> : vector<128x256xf32>
    %dot_general3A_371 = tpu.matmul %convert_element_type3A_124, %slice3A_369, %dot_general3A_370 {dimension_numbers = #tpu.dot_dimension_numbers<[1], [0], [0], [1], [0, 0, 1, 1], [], []>, transpose_lhs_hint = false} : vector<128x16xf32>, vector<16x256xf32>, vector<128x256xf32> -> vector<128x256xf32>
    %mul3A_372 = arith.mulf %dot_general3A_371, %convert_element_type3A_88 : vector<128x256xf32>
    %slice3A_373 = vector.extract_strided_slice %get3A_1 {offsets = [8960, 0], sizes = [256, 128], strides = [1, 1]} : vector<12800x128xf32> to vector<256x128xf32>
    %dot_general3A_374 = arith.constant dense<0.000000e+00> : vector<128x128xf32>
    %dot_general3A_375 = tpu.matmul %mul3A_372, %slice3A_373, %dot_general3A_374 {dimension_numbers = #tpu.dot_dimension_numbers<[1], [0], [0], [1], [0, 0, 1, 1], [], []>, transpose_lhs_hint = false} : vector<128x256xf32>, vector<256x128xf32>, vector<128x128xf32> -> vector<128x128xf32>
    %slice3A_376 = vector.extract_strided_slice %mul3A_38 {offsets = [0, 9216], sizes = [16, 256], strides = [1, 1]} : vector<16x12800xf32> to vector<16x256xf32>
    %dot_general3A_377 = arith.constant dense<0.000000e+00> : vector<128x256xf32>
    %dot_general3A_378 = tpu.matmul %convert_element_type3A_124, %slice3A_376, %dot_general3A_377 {dimension_numbers = #tpu.dot_dimension_numbers<[1], [0], [0], [1], [0, 0, 1, 1], [], []>, transpose_lhs_hint = false} : vector<128x16xf32>, vector<16x256xf32>, vector<128x256xf32> -> vector<128x256xf32>
    %mul3A_379 = arith.mulf %dot_general3A_378, %convert_element_type3A_88 : vector<128x256xf32>
    %slice3A_380 = vector.extract_strided_slice %get3A_1 {offsets = [9216, 0], sizes = [256, 128], strides = [1, 1]} : vector<12800x128xf32> to vector<256x128xf32>
    %dot_general3A_381 = arith.constant dense<0.000000e+00> : vector<128x128xf32>
    %dot_general3A_382 = tpu.matmul %mul3A_379, %slice3A_380, %dot_general3A_381 {dimension_numbers = #tpu.dot_dimension_numbers<[1], [0], [0], [1], [0, 0, 1, 1], [], []>, transpose_lhs_hint = false} : vector<128x256xf32>, vector<256x128xf32>, vector<128x128xf32> -> vector<128x128xf32>
    %slice3A_383 = vector.extract_strided_slice %mul3A_38 {offsets = [0, 9472], sizes = [16, 256], strides = [1, 1]} : vector<16x12800xf32> to vector<16x256xf32>
    %dot_general3A_384 = arith.constant dense<0.000000e+00> : vector<128x256xf32>
    %dot_general3A_385 = tpu.matmul %convert_element_type3A_124, %slice3A_383, %dot_general3A_384 {dimension_numbers = #tpu.dot_dimension_numbers<[1], [0], [0], [1], [0, 0, 1, 1], [], []>, transpose_lhs_hint = false} : vector<128x16xf32>, vector<16x256xf32>, vector<128x256xf32> -> vector<128x256xf32>
    %mul3A_386 = arith.mulf %dot_general3A_385, %convert_element_type3A_88 : vector<128x256xf32>
    %slice3A_387 = vector.extract_strided_slice %get3A_1 {offsets = [9472, 0], sizes = [256, 128], strides = [1, 1]} : vector<12800x128xf32> to vector<256x128xf32>
    %dot_general3A_388 = arith.constant dense<0.000000e+00> : vector<128x128xf32>
    %dot_general3A_389 = tpu.matmul %mul3A_386, %slice3A_387, %dot_general3A_388 {dimension_numbers = #tpu.dot_dimension_numbers<[1], [0], [0], [1], [0, 0, 1, 1], [], []>, transpose_lhs_hint = false} : vector<128x256xf32>, vector<256x128xf32>, vector<128x128xf32> -> vector<128x128xf32>
    %slice3A_390 = vector.extract_strided_slice %mul3A_38 {offsets = [0, 9728], sizes = [16, 256], strides = [1, 1]} : vector<16x12800xf32> to vector<16x256xf32>
    %dot_general3A_391 = arith.constant dense<0.000000e+00> : vector<128x256xf32>
    %dot_general3A_392 = tpu.matmul %convert_element_type3A_124, %slice3A_390, %dot_general3A_391 {dimension_numbers = #tpu.dot_dimension_numbers<[1], [0], [0], [1], [0, 0, 1, 1], [], []>, transpose_lhs_hint = false} : vector<128x16xf32>, vector<16x256xf32>, vector<128x256xf32> -> vector<128x256xf32>
    %mul3A_393 = arith.mulf %dot_general3A_392, %convert_element_type3A_88 : vector<128x256xf32>
    %slice3A_394 = vector.extract_strided_slice %get3A_1 {offsets = [9728, 0], sizes = [256, 128], strides = [1, 1]} : vector<12800x128xf32> to vector<256x128xf32>
    %dot_general3A_395 = arith.constant dense<0.000000e+00> : vector<128x128xf32>
    %dot_general3A_396 = tpu.matmul %mul3A_393, %slice3A_394, %dot_general3A_395 {dimension_numbers = #tpu.dot_dimension_numbers<[1], [0], [0], [1], [0, 0, 1, 1], [], []>, transpose_lhs_hint = false} : vector<128x256xf32>, vector<256x128xf32>, vector<128x128xf32> -> vector<128x128xf32>
    %slice3A_397 = vector.extract_strided_slice %mul3A_38 {offsets = [0, 9984], sizes = [16, 256], strides = [1, 1]} : vector<16x12800xf32> to vector<16x256xf32>
    %dot_general3A_398 = arith.constant dense<0.000000e+00> : vector<128x256xf32>
    %dot_general3A_399 = tpu.matmul %convert_element_type3A_124, %slice3A_397, %dot_general3A_398 {dimension_numbers = #tpu.dot_dimension_numbers<[1], [0], [0], [1], [0, 0, 1, 1], [], []>, transpose_lhs_hint = false} : vector<128x16xf32>, vector<16x256xf32>, vector<128x256xf32> -> vector<128x256xf32>
    %mul3A_400 = arith.mulf %dot_general3A_399, %convert_element_type3A_88 : vector<128x256xf32>
    %slice3A_401 = vector.extract_strided_slice %get3A_1 {offsets = [9984, 0], sizes = [256, 128], strides = [1, 1]} : vector<12800x128xf32> to vector<256x128xf32>
    %dot_general3A_402 = arith.constant dense<0.000000e+00> : vector<128x128xf32>
    %dot_general3A_403 = tpu.matmul %mul3A_400, %slice3A_401, %dot_general3A_402 {dimension_numbers = #tpu.dot_dimension_numbers<[1], [0], [0], [1], [0, 0, 1, 1], [], []>, transpose_lhs_hint = false} : vector<128x256xf32>, vector<256x128xf32>, vector<128x128xf32> -> vector<128x128xf32>
    %slice3A_404 = vector.extract_strided_slice %mul3A_38 {offsets = [0, 10240], sizes = [16, 256], strides = [1, 1]} : vector<16x12800xf32> to vector<16x256xf32>
    %dot_general3A_405 = arith.constant dense<0.000000e+00> : vector<128x256xf32>
    %dot_general3A_406 = tpu.matmul %convert_element_type3A_124, %slice3A_404, %dot_general3A_405 {dimension_numbers = #tpu.dot_dimension_numbers<[1], [0], [0], [1], [0, 0, 1, 1], [], []>, transpose_lhs_hint = false} : vector<128x16xf32>, vector<16x256xf32>, vector<128x256xf32> -> vector<128x256xf32>
    %mul3A_407 = arith.mulf %dot_general3A_406, %convert_element_type3A_88 : vector<128x256xf32>
    %slice3A_408 = vector.extract_strided_slice %get3A_1 {offsets = [10240, 0], sizes = [256, 128], strides = [1, 1]} : vector<12800x128xf32> to vector<256x128xf32>
    %dot_general3A_409 = arith.constant dense<0.000000e+00> : vector<128x128xf32>
    %dot_general3A_410 = tpu.matmul %mul3A_407, %slice3A_408, %dot_general3A_409 {dimension_numbers = #tpu.dot_dimension_numbers<[1], [0], [0], [1], [0, 0, 1, 1], [], []>, transpose_lhs_hint = false} : vector<128x256xf32>, vector<256x128xf32>, vector<128x128xf32> -> vector<128x128xf32>
    %slice3A_411 = vector.extract_strided_slice %mul3A_38 {offsets = [0, 10496], sizes = [16, 256], strides = [1, 1]} : vector<16x12800xf32> to vector<16x256xf32>
    %dot_general3A_412 = arith.constant dense<0.000000e+00> : vector<128x256xf32>
    %dot_general3A_413 = tpu.matmul %convert_element_type3A_124, %slice3A_411, %dot_general3A_412 {dimension_numbers = #tpu.dot_dimension_numbers<[1], [0], [0], [1], [0, 0, 1, 1], [], []>, transpose_lhs_hint = false} : vector<128x16xf32>, vector<16x256xf32>, vector<128x256xf32> -> vector<128x256xf32>
    %mul3A_414 = arith.mulf %dot_general3A_413, %convert_element_type3A_88 : vector<128x256xf32>
    %slice3A_415 = vector.extract_strided_slice %get3A_1 {offsets = [10496, 0], sizes = [256, 128], strides = [1, 1]} : vector<12800x128xf32> to vector<256x128xf32>
    %dot_general3A_416 = arith.constant dense<0.000000e+00> : vector<128x128xf32>
    %dot_general3A_417 = tpu.matmul %mul3A_414, %slice3A_415, %dot_general3A_416 {dimension_numbers = #tpu.dot_dimension_numbers<[1], [0], [0], [1], [0, 0, 1, 1], [], []>, transpose_lhs_hint = false} : vector<128x256xf32>, vector<256x128xf32>, vector<128x128xf32> -> vector<128x128xf32>
    %slice3A_418 = vector.extract_strided_slice %mul3A_38 {offsets = [0, 10752], sizes = [16, 256], strides = [1, 1]} : vector<16x12800xf32> to vector<16x256xf32>
    %dot_general3A_419 = arith.constant dense<0.000000e+00> : vector<128x256xf32>
    %dot_general3A_420 = tpu.matmul %convert_element_type3A_124, %slice3A_418, %dot_general3A_419 {dimension_numbers = #tpu.dot_dimension_numbers<[1], [0], [0], [1], [0, 0, 1, 1], [], []>, transpose_lhs_hint = false} : vector<128x16xf32>, vector<16x256xf32>, vector<128x256xf32> -> vector<128x256xf32>
    %mul3A_421 = arith.mulf %dot_general3A_420, %convert_element_type3A_88 : vector<128x256xf32>
    %slice3A_422 = vector.extract_strided_slice %get3A_1 {offsets = [10752, 0], sizes = [256, 128], strides = [1, 1]} : vector<12800x128xf32> to vector<256x128xf32>
    %dot_general3A_423 = arith.constant dense<0.000000e+00> : vector<128x128xf32>
    %dot_general3A_424 = tpu.matmul %mul3A_421, %slice3A_422, %dot_general3A_423 {dimension_numbers = #tpu.dot_dimension_numbers<[1], [0], [0], [1], [0, 0, 1, 1], [], []>, transpose_lhs_hint = false} : vector<128x256xf32>, vector<256x128xf32>, vector<128x128xf32> -> vector<128x128xf32>
    %slice3A_425 = vector.extract_strided_slice %mul3A_38 {offsets = [0, 11008], sizes = [16, 256], strides = [1, 1]} : vector<16x12800xf32> to vector<16x256xf32>
    %dot_general3A_426 = arith.constant dense<0.000000e+00> : vector<128x256xf32>
    %dot_general3A_427 = tpu.matmul %convert_element_type3A_124, %slice3A_425, %dot_general3A_426 {dimension_numbers = #tpu.dot_dimension_numbers<[1], [0], [0], [1], [0, 0, 1, 1], [], []>, transpose_lhs_hint = false} : vector<128x16xf32>, vector<16x256xf32>, vector<128x256xf32> -> vector<128x256xf32>
    %mul3A_428 = arith.mulf %dot_general3A_427, %convert_element_type3A_88 : vector<128x256xf32>
    %slice3A_429 = vector.extract_strided_slice %get3A_1 {offsets = [11008, 0], sizes = [256, 128], strides = [1, 1]} : vector<12800x128xf32> to vector<256x128xf32>
    %dot_general3A_430 = arith.constant dense<0.000000e+00> : vector<128x128xf32>
    %dot_general3A_431 = tpu.matmul %mul3A_428, %slice3A_429, %dot_general3A_430 {dimension_numbers = #tpu.dot_dimension_numbers<[1], [0], [0], [1], [0, 0, 1, 1], [], []>, transpose_lhs_hint = false} : vector<128x256xf32>, vector<256x128xf32>, vector<128x128xf32> -> vector<128x128xf32>
    %slice3A_432 = vector.extract_strided_slice %mul3A_38 {offsets = [0, 11264], sizes = [16, 256], strides = [1, 1]} : vector<16x12800xf32> to vector<16x256xf32>
    %dot_general3A_433 = arith.constant dense<0.000000e+00> : vector<128x256xf32>
    %dot_general3A_434 = tpu.matmul %convert_element_type3A_124, %slice3A_432, %dot_general3A_433 {dimension_numbers = #tpu.dot_dimension_numbers<[1], [0], [0], [1], [0, 0, 1, 1], [], []>, transpose_lhs_hint = false} : vector<128x16xf32>, vector<16x256xf32>, vector<128x256xf32> -> vector<128x256xf32>
    %mul3A_435 = arith.mulf %dot_general3A_434, %convert_element_type3A_88 : vector<128x256xf32>
    %slice3A_436 = vector.extract_strided_slice %get3A_1 {offsets = [11264, 0], sizes = [256, 128], strides = [1, 1]} : vector<12800x128xf32> to vector<256x128xf32>
    %dot_general3A_437 = arith.constant dense<0.000000e+00> : vector<128x128xf32>
    %dot_general3A_438 = tpu.matmul %mul3A_435, %slice3A_436, %dot_general3A_437 {dimension_numbers = #tpu.dot_dimension_numbers<[1], [0], [0], [1], [0, 0, 1, 1], [], []>, transpose_lhs_hint = false} : vector<128x256xf32>, vector<256x128xf32>, vector<128x128xf32> -> vector<128x128xf32>
    %slice3A_439 = vector.extract_strided_slice %mul3A_38 {offsets = [0, 11520], sizes = [16, 256], strides = [1, 1]} : vector<16x12800xf32> to vector<16x256xf32>
    %dot_general3A_440 = arith.constant dense<0.000000e+00> : vector<128x256xf32>
    %dot_general3A_441 = tpu.matmul %convert_element_type3A_124, %slice3A_439, %dot_general3A_440 {dimension_numbers = #tpu.dot_dimension_numbers<[1], [0], [0], [1], [0, 0, 1, 1], [], []>, transpose_lhs_hint = false} : vector<128x16xf32>, vector<16x256xf32>, vector<128x256xf32> -> vector<128x256xf32>
    %mul3A_442 = arith.mulf %dot_general3A_441, %convert_element_type3A_88 : vector<128x256xf32>
    %slice3A_443 = vector.extract_strided_slice %get3A_1 {offsets = [11520, 0], sizes = [256, 128], strides = [1, 1]} : vector<12800x128xf32> to vector<256x128xf32>
    %dot_general3A_444 = arith.constant dense<0.000000e+00> : vector<128x128xf32>
    %dot_general3A_445 = tpu.matmul %mul3A_442, %slice3A_443, %dot_general3A_444 {dimension_numbers = #tpu.dot_dimension_numbers<[1], [0], [0], [1], [0, 0, 1, 1], [], []>, transpose_lhs_hint = false} : vector<128x256xf32>, vector<256x128xf32>, vector<128x128xf32> -> vector<128x128xf32>
    %slice3A_446 = vector.extract_strided_slice %mul3A_38 {offsets = [0, 11776], sizes = [16, 256], strides = [1, 1]} : vector<16x12800xf32> to vector<16x256xf32>
    %dot_general3A_447 = arith.constant dense<0.000000e+00> : vector<128x256xf32>
    %dot_general3A_448 = tpu.matmul %convert_element_type3A_124, %slice3A_446, %dot_general3A_447 {dimension_numbers = #tpu.dot_dimension_numbers<[1], [0], [0], [1], [0, 0, 1, 1], [], []>, transpose_lhs_hint = false} : vector<128x16xf32>, vector<16x256xf32>, vector<128x256xf32> -> vector<128x256xf32>
    %mul3A_449 = arith.mulf %dot_general3A_448, %convert_element_type3A_88 : vector<128x256xf32>
    %slice3A_450 = vector.extract_strided_slice %get3A_1 {offsets = [11776, 0], sizes = [256, 128], strides = [1, 1]} : vector<12800x128xf32> to vector<256x128xf32>
    %dot_general3A_451 = arith.constant dense<0.000000e+00> : vector<128x128xf32>
    %dot_general3A_452 = tpu.matmul %mul3A_449, %slice3A_450, %dot_general3A_451 {dimension_numbers = #tpu.dot_dimension_numbers<[1], [0], [0], [1], [0, 0, 1, 1], [], []>, transpose_lhs_hint = false} : vector<128x256xf32>, vector<256x128xf32>, vector<128x128xf32> -> vector<128x128xf32>
    %slice3A_453 = vector.extract_strided_slice %mul3A_38 {offsets = [0, 12032], sizes = [16, 256], strides = [1, 1]} : vector<16x12800xf32> to vector<16x256xf32>
    %dot_general3A_454 = arith.constant dense<0.000000e+00> : vector<128x256xf32>
    %dot_general3A_455 = tpu.matmul %convert_element_type3A_124, %slice3A_453, %dot_general3A_454 {dimension_numbers = #tpu.dot_dimension_numbers<[1], [0], [0], [1], [0, 0, 1, 1], [], []>, transpose_lhs_hint = false} : vector<128x16xf32>, vector<16x256xf32>, vector<128x256xf32> -> vector<128x256xf32>
    %mul3A_456 = arith.mulf %dot_general3A_455, %convert_element_type3A_88 : vector<128x256xf32>
    %slice3A_457 = vector.extract_strided_slice %get3A_1 {offsets = [12032, 0], sizes = [256, 128], strides = [1, 1]} : vector<12800x128xf32> to vector<256x128xf32>
    %dot_general3A_458 = arith.constant dense<0.000000e+00> : vector<128x128xf32>
    %dot_general3A_459 = tpu.matmul %mul3A_456, %slice3A_457, %dot_general3A_458 {dimension_numbers = #tpu.dot_dimension_numbers<[1], [0], [0], [1], [0, 0, 1, 1], [], []>, transpose_lhs_hint = false} : vector<128x256xf32>, vector<256x128xf32>, vector<128x128xf32> -> vector<128x128xf32>
    %slice3A_460 = vector.extract_strided_slice %mul3A_38 {offsets = [0, 12288], sizes = [16, 256], strides = [1, 1]} : vector<16x12800xf32> to vector<16x256xf32>
    %dot_general3A_461 = arith.constant dense<0.000000e+00> : vector<128x256xf32>
    %dot_general3A_462 = tpu.matmul %convert_element_type3A_124, %slice3A_460, %dot_general3A_461 {dimension_numbers = #tpu.dot_dimension_numbers<[1], [0], [0], [1], [0, 0, 1, 1], [], []>, transpose_lhs_hint = false} : vector<128x16xf32>, vector<16x256xf32>, vector<128x256xf32> -> vector<128x256xf32>
    %mul3A_463 = arith.mulf %dot_general3A_462, %convert_element_type3A_88 : vector<128x256xf32>
    %slice3A_464 = vector.extract_strided_slice %get3A_1 {offsets = [12288, 0], sizes = [256, 128], strides = [1, 1]} : vector<12800x128xf32> to vector<256x128xf32>
    %dot_general3A_465 = arith.constant dense<0.000000e+00> : vector<128x128xf32>
    %dot_general3A_466 = tpu.matmul %mul3A_463, %slice3A_464, %dot_general3A_465 {dimension_numbers = #tpu.dot_dimension_numbers<[1], [0], [0], [1], [0, 0, 1, 1], [], []>, transpose_lhs_hint = false} : vector<128x256xf32>, vector<256x128xf32>, vector<128x128xf32> -> vector<128x128xf32>
    %slice3A_467 = vector.extract_strided_slice %mul3A_38 {offsets = [0, 12544], sizes = [16, 256], strides = [1, 1]} : vector<16x12800xf32> to vector<16x256xf32>
    %dot_general3A_468 = arith.constant dense<0.000000e+00> : vector<128x256xf32>
    %dot_general3A_469 = tpu.matmul %convert_element_type3A_124, %slice3A_467, %dot_general3A_468 {dimension_numbers = #tpu.dot_dimension_numbers<[1], [0], [0], [1], [0, 0, 1, 1], [], []>, transpose_lhs_hint = false} : vector<128x16xf32>, vector<16x256xf32>, vector<128x256xf32> -> vector<128x256xf32>
    %mul3A_470 = arith.mulf %dot_general3A_469, %convert_element_type3A_88 : vector<128x256xf32>
    %slice3A_471 = vector.extract_strided_slice %get3A_1 {offsets = [12544, 0], sizes = [256, 128], strides = [1, 1]} : vector<12800x128xf32> to vector<256x128xf32>
    %dot_general3A_472 = arith.constant dense<0.000000e+00> : vector<128x128xf32>
    %dot_general3A_473 = tpu.matmul %mul3A_470, %slice3A_471, %dot_general3A_472 {dimension_numbers = #tpu.dot_dimension_numbers<[1], [0], [0], [1], [0, 0, 1, 1], [], []>, transpose_lhs_hint = false} : vector<128x256xf32>, vector<256x128xf32>, vector<128x128xf32> -> vector<128x128xf32>
    %concatenate3A = tpu.concatenate %dot_general3A_130, %dot_general3A_137, %dot_general3A_144, %dot_general3A_151, %dot_general3A_158, %dot_general3A_165, %dot_general3A_172, %dot_general3A_179, %dot_general3A_186, %dot_general3A_193, %dot_general3A_200, %dot_general3A_207, %dot_general3A_214, %dot_general3A_221, %dot_general3A_228, %dot_general3A_235, %dot_general3A_242, %dot_general3A_249, %dot_general3A_256, %dot_general3A_263, %dot_general3A_270, %dot_general3A_277, %dot_general3A_284, %dot_general3A_291, %dot_general3A_298, %dot_general3A_305, %dot_general3A_312, %dot_general3A_319, %dot_general3A_326, %dot_general3A_333, %dot_general3A_340, %dot_general3A_347, %dot_general3A_354, %dot_general3A_361, %dot_general3A_368, %dot_general3A_375, %dot_general3A_382, %dot_general3A_389, %dot_general3A_396, %dot_general3A_403, %dot_general3A_410, %dot_general3A_417, %dot_general3A_424, %dot_general3A_431, %dot_general3A_438, %dot_general3A_445, %dot_general3A_452, %dot_general3A_459, %dot_general3A_466, %dot_general3A_473 in 0 : vector<128x128xf32>, vector<128x128xf32>, vector<128x128xf32>, vector<128x128xf32>, vector<128x128xf32>, vector<128x128xf32>, vector<128x128xf32>, vector<128x128xf32>, vector<128x128xf32>, vector<128x128xf32>, vector<128x128xf32>, vector<128x128xf32>, vector<128x128xf32>, vector<128x128xf32>, vector<128x128xf32>, vector<128x128xf32>, vector<128x128xf32>, vector<128x128xf32>, vector<128x128xf32>, vector<128x128xf32>, vector<128x128xf32>, vector<128x128xf32>, vector<128x128xf32>, vector<128x128xf32>, vector<128x128xf32>, vector<128x128xf32>, vector<128x128xf32>, vector<128x128xf32>, vector<128x128xf32>, vector<128x128xf32>, vector<128x128xf32>, vector<128x128xf32>, vector<128x128xf32>, vector<128x128xf32>, vector<128x128xf32>, vector<128x128xf32>, vector<128x128xf32>, vector<128x128xf32>, vector<128x128xf32>, vector<128x128xf32>, vector<128x128xf32>, vector<128x128xf32>, vector<128x128xf32>, vector<128x128xf32>, vector<128x128xf32>, vector<128x128xf32>, vector<128x128xf32>, vector<128x128xf32>, vector<128x128xf32>, vector<128x128xf32> -> vector<6400x128xf32>
    %reshape3A = vector.shape_cast %concatenate3A : vector<6400x128xf32> to vector<50x16x8x128xf32>
    %broadcast_in_dim3A_474 = arith.constant 0.000000e+00 : f32
    %broadcast_in_dim3A_475 = vector.broadcast %broadcast_in_dim3A_474 : f32 to vector<400x128xf32>
    %slice3A_476 = vector.extract_strided_slice %reshape3A {offsets = [0, 0, 0, 0], sizes = [50, 1, 8, 128], strides = [1, 1, 1, 1]} : vector<50x16x8x128xf32> to vector<50x1x8x128xf32>
    %squeeze3A = vector.shape_cast %slice3A_476 : vector<50x1x8x128xf32> to vector<50x8x128xf32>
    %reshape3A_477 = vector.shape_cast %squeeze3A : vector<50x8x128xf32> to vector<400x128xf32>
    %get3A_478 = arith.constant 0 : index
    %get3A_479 = arith.constant 0 : index
    %get3A_480 = arith.constant 0 : index
    %get3A_481 = vector.load %arg5[%get3A_478, %get3A_479, %get3A_480] : memref<15x128x128xf32, #tpu.memory_space<vmem>>, vector<1x128x128xf32>
    %get3A_482 = vector.shape_cast %get3A_481 : vector<1x128x128xf32> to vector<128x128xf32>
    %dot_general3A_483 = arith.constant dense<0.000000e+00> : vector<400x128xf32>
    %dot_general3A_484 = tpu.matmul %reshape3A_477, %get3A_482, %dot_general3A_483 {dimension_numbers = #tpu.dot_dimension_numbers<[1], [0], [0], [1], [0, 0, 1, 1], [], []>, transpose_lhs_hint = false} : vector<400x128xf32>, vector<128x128xf32>, vector<400x128xf32> -> vector<400x128xf32>
    %add3A_485 = arith.addf %broadcast_in_dim3A_475, %dot_general3A_484 : vector<400x128xf32>
    %slice3A_486 = vector.extract_strided_slice %reshape3A {offsets = [0, 1, 0, 0], sizes = [50, 1, 8, 128], strides = [1, 1, 1, 1]} : vector<50x16x8x128xf32> to vector<50x1x8x128xf32>
    %squeeze3A_487 = vector.shape_cast %slice3A_486 : vector<50x1x8x128xf32> to vector<50x8x128xf32>
    %reshape3A_488 = vector.shape_cast %squeeze3A_487 : vector<50x8x128xf32> to vector<400x128xf32>
    %get3A_489 = arith.constant 1 : index
    %get3A_490 = arith.constant 0 : index
    %get3A_491 = arith.constant 0 : index
    %get3A_492 = vector.load %arg5[%get3A_489, %get3A_490, %get3A_491] : memref<15x128x128xf32, #tpu.memory_space<vmem>>, vector<1x128x128xf32>
    %get3A_493 = vector.shape_cast %get3A_492 : vector<1x128x128xf32> to vector<128x128xf32>
    %dot_general3A_494 = arith.constant dense<0.000000e+00> : vector<400x128xf32>
    %dot_general3A_495 = tpu.matmul %reshape3A_488, %get3A_493, %dot_general3A_494 {dimension_numbers = #tpu.dot_dimension_numbers<[1], [0], [0], [1], [0, 0, 1, 1], [], []>, transpose_lhs_hint = false} : vector<400x128xf32>, vector<128x128xf32>, vector<400x128xf32> -> vector<400x128xf32>
    %add3A_496 = arith.addf %add3A_485, %dot_general3A_495 : vector<400x128xf32>
    %slice3A_497 = vector.extract_strided_slice %reshape3A {offsets = [0, 2, 0, 0], sizes = [50, 1, 8, 128], strides = [1, 1, 1, 1]} : vector<50x16x8x128xf32> to vector<50x1x8x128xf32>
    %squeeze3A_498 = vector.shape_cast %slice3A_497 : vector<50x1x8x128xf32> to vector<50x8x128xf32>
    %reshape3A_499 = vector.shape_cast %squeeze3A_498 : vector<50x8x128xf32> to vector<400x128xf32>
    %get3A_500 = arith.constant 2 : index
    %get3A_501 = arith.constant 0 : index
    %get3A_502 = arith.constant 0 : index
    %get3A_503 = vector.load %arg5[%get3A_500, %get3A_501, %get3A_502] : memref<15x128x128xf32, #tpu.memory_space<vmem>>, vector<1x128x128xf32>
    %get3A_504 = vector.shape_cast %get3A_503 : vector<1x128x128xf32> to vector<128x128xf32>
    %dot_general3A_505 = arith.constant dense<0.000000e+00> : vector<400x128xf32>
    %dot_general3A_506 = tpu.matmul %reshape3A_499, %get3A_504, %dot_general3A_505 {dimension_numbers = #tpu.dot_dimension_numbers<[1], [0], [0], [1], [0, 0, 1, 1], [], []>, transpose_lhs_hint = false} : vector<400x128xf32>, vector<128x128xf32>, vector<400x128xf32> -> vector<400x128xf32>
    %add3A_507 = arith.addf %add3A_496, %dot_general3A_506 : vector<400x128xf32>
    %slice3A_508 = vector.extract_strided_slice %reshape3A {offsets = [0, 3, 0, 0], sizes = [50, 1, 8, 128], strides = [1, 1, 1, 1]} : vector<50x16x8x128xf32> to vector<50x1x8x128xf32>
    %squeeze3A_509 = vector.shape_cast %slice3A_508 : vector<50x1x8x128xf32> to vector<50x8x128xf32>
    %reshape3A_510 = vector.shape_cast %squeeze3A_509 : vector<50x8x128xf32> to vector<400x128xf32>
    %get3A_511 = arith.constant 3 : index
    %get3A_512 = arith.constant 0 : index
    %get3A_513 = arith.constant 0 : index
    %get3A_514 = vector.load %arg5[%get3A_511, %get3A_512, %get3A_513] : memref<15x128x128xf32, #tpu.memory_space<vmem>>, vector<1x128x128xf32>
    %get3A_515 = vector.shape_cast %get3A_514 : vector<1x128x128xf32> to vector<128x128xf32>
    %dot_general3A_516 = arith.constant dense<0.000000e+00> : vector<400x128xf32>
    %dot_general3A_517 = tpu.matmul %reshape3A_510, %get3A_515, %dot_general3A_516 {dimension_numbers = #tpu.dot_dimension_numbers<[1], [0], [0], [1], [0, 0, 1, 1], [], []>, transpose_lhs_hint = false} : vector<400x128xf32>, vector<128x128xf32>, vector<400x128xf32> -> vector<400x128xf32>
    %add3A_518 = arith.addf %add3A_507, %dot_general3A_517 : vector<400x128xf32>
    %slice3A_519 = vector.extract_strided_slice %reshape3A {offsets = [0, 4, 0, 0], sizes = [50, 1, 8, 128], strides = [1, 1, 1, 1]} : vector<50x16x8x128xf32> to vector<50x1x8x128xf32>
    %squeeze3A_520 = vector.shape_cast %slice3A_519 : vector<50x1x8x128xf32> to vector<50x8x128xf32>
    %reshape3A_521 = vector.shape_cast %squeeze3A_520 : vector<50x8x128xf32> to vector<400x128xf32>
    %get3A_522 = arith.constant 4 : index
    %get3A_523 = arith.constant 0 : index
    %get3A_524 = arith.constant 0 : index
    %get3A_525 = vector.load %arg5[%get3A_522, %get3A_523, %get3A_524] : memref<15x128x128xf32, #tpu.memory_space<vmem>>, vector<1x128x128xf32>
    %get3A_526 = vector.shape_cast %get3A_525 : vector<1x128x128xf32> to vector<128x128xf32>
    %dot_general3A_527 = arith.constant dense<0.000000e+00> : vector<400x128xf32>
    %dot_general3A_528 = tpu.matmul %reshape3A_521, %get3A_526, %dot_general3A_527 {dimension_numbers = #tpu.dot_dimension_numbers<[1], [0], [0], [1], [0, 0, 1, 1], [], []>, transpose_lhs_hint = false} : vector<400x128xf32>, vector<128x128xf32>, vector<400x128xf32> -> vector<400x128xf32>
    %add3A_529 = arith.addf %add3A_518, %dot_general3A_528 : vector<400x128xf32>
    %slice3A_530 = vector.extract_strided_slice %reshape3A {offsets = [0, 5, 0, 0], sizes = [50, 1, 8, 128], strides = [1, 1, 1, 1]} : vector<50x16x8x128xf32> to vector<50x1x8x128xf32>
    %squeeze3A_531 = vector.shape_cast %slice3A_530 : vector<50x1x8x128xf32> to vector<50x8x128xf32>
    %reshape3A_532 = vector.shape_cast %squeeze3A_531 : vector<50x8x128xf32> to vector<400x128xf32>
    %get3A_533 = arith.constant 5 : index
    %get3A_534 = arith.constant 0 : index
    %get3A_535 = arith.constant 0 : index
    %get3A_536 = vector.load %arg5[%get3A_533, %get3A_534, %get3A_535] : memref<15x128x128xf32, #tpu.memory_space<vmem>>, vector<1x128x128xf32>
    %get3A_537 = vector.shape_cast %get3A_536 : vector<1x128x128xf32> to vector<128x128xf32>
    %dot_general3A_538 = arith.constant dense<0.000000e+00> : vector<400x128xf32>
    %dot_general3A_539 = tpu.matmul %reshape3A_532, %get3A_537, %dot_general3A_538 {dimension_numbers = #tpu.dot_dimension_numbers<[1], [0], [0], [1], [0, 0, 1, 1], [], []>, transpose_lhs_hint = false} : vector<400x128xf32>, vector<128x128xf32>, vector<400x128xf32> -> vector<400x128xf32>
    %add3A_540 = arith.addf %add3A_529, %dot_general3A_539 : vector<400x128xf32>
    %slice3A_541 = vector.extract_strided_slice %reshape3A {offsets = [0, 6, 0, 0], sizes = [50, 1, 8, 128], strides = [1, 1, 1, 1]} : vector<50x16x8x128xf32> to vector<50x1x8x128xf32>
    %squeeze3A_542 = vector.shape_cast %slice3A_541 : vector<50x1x8x128xf32> to vector<50x8x128xf32>
    %reshape3A_543 = vector.shape_cast %squeeze3A_542 : vector<50x8x128xf32> to vector<400x128xf32>
    %get3A_544 = arith.constant 6 : index
    %get3A_545 = arith.constant 0 : index
    %get3A_546 = arith.constant 0 : index
    %get3A_547 = vector.load %arg5[%get3A_544, %get3A_545, %get3A_546] : memref<15x128x128xf32, #tpu.memory_space<vmem>>, vector<1x128x128xf32>
    %get3A_548 = vector.shape_cast %get3A_547 : vector<1x128x128xf32> to vector<128x128xf32>
    %dot_general3A_549 = arith.constant dense<0.000000e+00> : vector<400x128xf32>
    %dot_general3A_550 = tpu.matmul %reshape3A_543, %get3A_548, %dot_general3A_549 {dimension_numbers = #tpu.dot_dimension_numbers<[1], [0], [0], [1], [0, 0, 1, 1], [], []>, transpose_lhs_hint = false} : vector<400x128xf32>, vector<128x128xf32>, vector<400x128xf32> -> vector<400x128xf32>
    %add3A_551 = arith.addf %add3A_540, %dot_general3A_550 : vector<400x128xf32>
    %slice3A_552 = vector.extract_strided_slice %reshape3A {offsets = [0, 7, 0, 0], sizes = [50, 1, 8, 128], strides = [1, 1, 1, 1]} : vector<50x16x8x128xf32> to vector<50x1x8x128xf32>
    %squeeze3A_553 = vector.shape_cast %slice3A_552 : vector<50x1x8x128xf32> to vector<50x8x128xf32>
    %reshape3A_554 = vector.shape_cast %squeeze3A_553 : vector<50x8x128xf32> to vector<400x128xf32>
    %get3A_555 = arith.constant 7 : index
    %get3A_556 = arith.constant 0 : index
    %get3A_557 = arith.constant 0 : index
    %get3A_558 = vector.load %arg5[%get3A_555, %get3A_556, %get3A_557] : memref<15x128x128xf32, #tpu.memory_space<vmem>>, vector<1x128x128xf32>
    %get3A_559 = vector.shape_cast %get3A_558 : vector<1x128x128xf32> to vector<128x128xf32>
    %dot_general3A_560 = arith.constant dense<0.000000e+00> : vector<400x128xf32>
    %dot_general3A_561 = tpu.matmul %reshape3A_554, %get3A_559, %dot_general3A_560 {dimension_numbers = #tpu.dot_dimension_numbers<[1], [0], [0], [1], [0, 0, 1, 1], [], []>, transpose_lhs_hint = false} : vector<400x128xf32>, vector<128x128xf32>, vector<400x128xf32> -> vector<400x128xf32>
    %add3A_562 = arith.addf %add3A_551, %dot_general3A_561 : vector<400x128xf32>
    %slice3A_563 = vector.extract_strided_slice %reshape3A {offsets = [0, 8, 0, 0], sizes = [50, 1, 8, 128], strides = [1, 1, 1, 1]} : vector<50x16x8x128xf32> to vector<50x1x8x128xf32>
    %squeeze3A_564 = vector.shape_cast %slice3A_563 : vector<50x1x8x128xf32> to vector<50x8x128xf32>
    %reshape3A_565 = vector.shape_cast %squeeze3A_564 : vector<50x8x128xf32> to vector<400x128xf32>
    %get3A_566 = arith.constant 8 : index
    %get3A_567 = arith.constant 0 : index
    %get3A_568 = arith.constant 0 : index
    %get3A_569 = vector.load %arg5[%get3A_566, %get3A_567, %get3A_568] : memref<15x128x128xf32, #tpu.memory_space<vmem>>, vector<1x128x128xf32>
    %get3A_570 = vector.shape_cast %get3A_569 : vector<1x128x128xf32> to vector<128x128xf32>
    %dot_general3A_571 = arith.constant dense<0.000000e+00> : vector<400x128xf32>
    %dot_general3A_572 = tpu.matmul %reshape3A_565, %get3A_570, %dot_general3A_571 {dimension_numbers = #tpu.dot_dimension_numbers<[1], [0], [0], [1], [0, 0, 1, 1], [], []>, transpose_lhs_hint = false} : vector<400x128xf32>, vector<128x128xf32>, vector<400x128xf32> -> vector<400x128xf32>
    %add3A_573 = arith.addf %add3A_562, %dot_general3A_572 : vector<400x128xf32>
    %slice3A_574 = vector.extract_strided_slice %reshape3A {offsets = [0, 9, 0, 0], sizes = [50, 1, 8, 128], strides = [1, 1, 1, 1]} : vector<50x16x8x128xf32> to vector<50x1x8x128xf32>
    %squeeze3A_575 = vector.shape_cast %slice3A_574 : vector<50x1x8x128xf32> to vector<50x8x128xf32>
    %reshape3A_576 = vector.shape_cast %squeeze3A_575 : vector<50x8x128xf32> to vector<400x128xf32>
    %get3A_577 = arith.constant 9 : index
    %get3A_578 = arith.constant 0 : index
    %get3A_579 = arith.constant 0 : index
    %get3A_580 = vector.load %arg5[%get3A_577, %get3A_578, %get3A_579] : memref<15x128x128xf32, #tpu.memory_space<vmem>>, vector<1x128x128xf32>
    %get3A_581 = vector.shape_cast %get3A_580 : vector<1x128x128xf32> to vector<128x128xf32>
    %dot_general3A_582 = arith.constant dense<0.000000e+00> : vector<400x128xf32>
    %dot_general3A_583 = tpu.matmul %reshape3A_576, %get3A_581, %dot_general3A_582 {dimension_numbers = #tpu.dot_dimension_numbers<[1], [0], [0], [1], [0, 0, 1, 1], [], []>, transpose_lhs_hint = false} : vector<400x128xf32>, vector<128x128xf32>, vector<400x128xf32> -> vector<400x128xf32>
    %add3A_584 = arith.addf %add3A_573, %dot_general3A_583 : vector<400x128xf32>
    %slice3A_585 = vector.extract_strided_slice %reshape3A {offsets = [0, 10, 0, 0], sizes = [50, 1, 8, 128], strides = [1, 1, 1, 1]} : vector<50x16x8x128xf32> to vector<50x1x8x128xf32>
    %squeeze3A_586 = vector.shape_cast %slice3A_585 : vector<50x1x8x128xf32> to vector<50x8x128xf32>
    %reshape3A_587 = vector.shape_cast %squeeze3A_586 : vector<50x8x128xf32> to vector<400x128xf32>
    %get3A_588 = arith.constant 10 : index
    %get3A_589 = arith.constant 0 : index
    %get3A_590 = arith.constant 0 : index
    %get3A_591 = vector.load %arg5[%get3A_588, %get3A_589, %get3A_590] : memref<15x128x128xf32, #tpu.memory_space<vmem>>, vector<1x128x128xf32>
    %get3A_592 = vector.shape_cast %get3A_591 : vector<1x128x128xf32> to vector<128x128xf32>
    %dot_general3A_593 = arith.constant dense<0.000000e+00> : vector<400x128xf32>
    %dot_general3A_594 = tpu.matmul %reshape3A_587, %get3A_592, %dot_general3A_593 {dimension_numbers = #tpu.dot_dimension_numbers<[1], [0], [0], [1], [0, 0, 1, 1], [], []>, transpose_lhs_hint = false} : vector<400x128xf32>, vector<128x128xf32>, vector<400x128xf32> -> vector<400x128xf32>
    %add3A_595 = arith.addf %add3A_584, %dot_general3A_594 : vector<400x128xf32>
    %slice3A_596 = vector.extract_strided_slice %reshape3A {offsets = [0, 11, 0, 0], sizes = [50, 1, 8, 128], strides = [1, 1, 1, 1]} : vector<50x16x8x128xf32> to vector<50x1x8x128xf32>
    %squeeze3A_597 = vector.shape_cast %slice3A_596 : vector<50x1x8x128xf32> to vector<50x8x128xf32>
    %reshape3A_598 = vector.shape_cast %squeeze3A_597 : vector<50x8x128xf32> to vector<400x128xf32>
    %get3A_599 = arith.constant 11 : index
    %get3A_600 = arith.constant 0 : index
    %get3A_601 = arith.constant 0 : index
    %get3A_602 = vector.load %arg5[%get3A_599, %get3A_600, %get3A_601] : memref<15x128x128xf32, #tpu.memory_space<vmem>>, vector<1x128x128xf32>
    %get3A_603 = vector.shape_cast %get3A_602 : vector<1x128x128xf32> to vector<128x128xf32>
    %dot_general3A_604 = arith.constant dense<0.000000e+00> : vector<400x128xf32>
    %dot_general3A_605 = tpu.matmul %reshape3A_598, %get3A_603, %dot_general3A_604 {dimension_numbers = #tpu.dot_dimension_numbers<[1], [0], [0], [1], [0, 0, 1, 1], [], []>, transpose_lhs_hint = false} : vector<400x128xf32>, vector<128x128xf32>, vector<400x128xf32> -> vector<400x128xf32>
    %add3A_606 = arith.addf %add3A_595, %dot_general3A_605 : vector<400x128xf32>
    %slice3A_607 = vector.extract_strided_slice %reshape3A {offsets = [0, 12, 0, 0], sizes = [50, 1, 8, 128], strides = [1, 1, 1, 1]} : vector<50x16x8x128xf32> to vector<50x1x8x128xf32>
    %squeeze3A_608 = vector.shape_cast %slice3A_607 : vector<50x1x8x128xf32> to vector<50x8x128xf32>
    %reshape3A_609 = vector.shape_cast %squeeze3A_608 : vector<50x8x128xf32> to vector<400x128xf32>
    %get3A_610 = arith.constant 12 : index
    %get3A_611 = arith.constant 0 : index
    %get3A_612 = arith.constant 0 : index
    %get3A_613 = vector.load %arg5[%get3A_610, %get3A_611, %get3A_612] : memref<15x128x128xf32, #tpu.memory_space<vmem>>, vector<1x128x128xf32>
    %get3A_614 = vector.shape_cast %get3A_613 : vector<1x128x128xf32> to vector<128x128xf32>
    %dot_general3A_615 = arith.constant dense<0.000000e+00> : vector<400x128xf32>
    %dot_general3A_616 = tpu.matmul %reshape3A_609, %get3A_614, %dot_general3A_615 {dimension_numbers = #tpu.dot_dimension_numbers<[1], [0], [0], [1], [0, 0, 1, 1], [], []>, transpose_lhs_hint = false} : vector<400x128xf32>, vector<128x128xf32>, vector<400x128xf32> -> vector<400x128xf32>
    %add3A_617 = arith.addf %add3A_606, %dot_general3A_616 : vector<400x128xf32>
    %slice3A_618 = vector.extract_strided_slice %reshape3A {offsets = [0, 13, 0, 0], sizes = [50, 1, 8, 128], strides = [1, 1, 1, 1]} : vector<50x16x8x128xf32> to vector<50x1x8x128xf32>
    %squeeze3A_619 = vector.shape_cast %slice3A_618 : vector<50x1x8x128xf32> to vector<50x8x128xf32>
    %reshape3A_620 = vector.shape_cast %squeeze3A_619 : vector<50x8x128xf32> to vector<400x128xf32>
    %get3A_621 = arith.constant 13 : index
    %get3A_622 = arith.constant 0 : index
    %get3A_623 = arith.constant 0 : index
    %get3A_624 = vector.load %arg5[%get3A_621, %get3A_622, %get3A_623] : memref<15x128x128xf32, #tpu.memory_space<vmem>>, vector<1x128x128xf32>
    %get3A_625 = vector.shape_cast %get3A_624 : vector<1x128x128xf32> to vector<128x128xf32>
    %dot_general3A_626 = arith.constant dense<0.000000e+00> : vector<400x128xf32>
    %dot_general3A_627 = tpu.matmul %reshape3A_620, %get3A_625, %dot_general3A_626 {dimension_numbers = #tpu.dot_dimension_numbers<[1], [0], [0], [1], [0, 0, 1, 1], [], []>, transpose_lhs_hint = false} : vector<400x128xf32>, vector<128x128xf32>, vector<400x128xf32> -> vector<400x128xf32>
    %add3A_628 = arith.addf %add3A_617, %dot_general3A_627 : vector<400x128xf32>
    %slice3A_629 = vector.extract_strided_slice %reshape3A {offsets = [0, 14, 0, 0], sizes = [50, 1, 8, 128], strides = [1, 1, 1, 1]} : vector<50x16x8x128xf32> to vector<50x1x8x128xf32>
    %squeeze3A_630 = vector.shape_cast %slice3A_629 : vector<50x1x8x128xf32> to vector<50x8x128xf32>
    %reshape3A_631 = vector.shape_cast %squeeze3A_630 : vector<50x8x128xf32> to vector<400x128xf32>
    %get3A_632 = arith.constant 14 : index
    %get3A_633 = arith.constant 0 : index
    %get3A_634 = arith.constant 0 : index
    %get3A_635 = vector.load %arg5[%get3A_632, %get3A_633, %get3A_634] : memref<15x128x128xf32, #tpu.memory_space<vmem>>, vector<1x128x128xf32>
    %get3A_636 = vector.shape_cast %get3A_635 : vector<1x128x128xf32> to vector<128x128xf32>
    %dot_general3A_637 = arith.constant dense<0.000000e+00> : vector<400x128xf32>
    %dot_general3A_638 = tpu.matmul %reshape3A_631, %get3A_636, %dot_general3A_637 {dimension_numbers = #tpu.dot_dimension_numbers<[1], [0], [0], [1], [0, 0, 1, 1], [], []>, transpose_lhs_hint = false} : vector<400x128xf32>, vector<128x128xf32>, vector<400x128xf32> -> vector<400x128xf32>
    %add3A_639 = arith.addf %add3A_628, %dot_general3A_638 : vector<400x128xf32>
    %swap3A = arith.constant 0 : index
    %swap3A_640 = arith.constant 0 : index
    %swap3A_641 = vector.load %arg6[%swap3A, %swap3A_640] : memref<400x128xf32, #tpu.memory_space<vmem>>, vector<400x128xf32>
    tpu.vector_store %arg6[%swap3A, %swap3A_640], %add3A_639 {strides = array<i32>} : memref<400x128xf32, #tpu.memory_space<vmem>>, vector<400x128xf32>,
    return
  }
  func.func @transform_0(%arg0: i32) -> (i32, i32) {
    %c0_i32 = arith.constant 0 : i32
    %c0_i32_0 = arith.constant 0 : i32
    return %arg0, %c0_i32 : i32, i32
  }
  func.func @transform_1(%arg0: i32) -> (i32, i32) {
    %c0_i32 = arith.constant 0 : i32
    %c0_i32_0 = arith.constant 0 : i32
    return %c0_i32, %arg0 : i32, i32
  }
  func.func @transform_2(%arg0: i32) -> (i32, i32) {
    %c0_i32 = arith.constant 0 : i32
    %c0_i32_0 = arith.constant 0 : i32
    return %c0_i32, %arg0 : i32, i32
  }
  func.func @transform_3(%arg0: i32) -> (i32, i32) {
    %c0_i32 = arith.constant 0 : i32
    %c0_i32_0 = arith.constant 0 : i32
    %c0_i32_1 = arith.constant 0 : i32
    return %c0_i32, %c0_i32_0 : i32, i32
  }
  func.func @transform_4(%arg0: i32) -> (i32, i32, i32) {
    %c0_i32 = arith.constant 0 : i32
    %c0_i32_0 = arith.constant 0 : i32
    %c0_i32_1 = arith.constant 0 : i32
    %c0_i32_2 = arith.constant 0 : i32
    return %c0_i32, %c0_i32_0, %c0_i32_1 : i32, i32, i32
  }
  func.func @transform_5(%arg0: i32) -> (i32, i32) {
    %c0_i32 = arith.constant 0 : i32
    %c0_i32_0 = arith.constant 0 : i32
    return %arg0, %c0_i32 : i32, i32
  }
}

module attributes {stable_mosaic.version = 14 : i64} {
  func.func @_conv_body(%arg0: i32, %arg1: memref<12800x128xf32, #tpu.memory_space<vmem>>, %arg2: memref<3x12800xf32, #tpu.memory_space<vmem>>, %arg3: memref<3x12800xf32, #tpu.memory_space<vmem>>, %arg4: memref<16x3xf32, #tpu.memory_space<vmem>>, %arg5: memref<15x128x128xf32, #tpu.memory_space<vmem>>, %arg6: memref<400x128xf32, #tpu.memory_space<vmem>>) attributes {dimension_semantics = [#tpu.dimension_semantics<arbitrary>], iteration_bounds = array<i64: 15>, scalar_prefetch = 0 : i64, scratch_operands = 0 : i64, tpu.core_type = #tpu.core_type<tc>, window_params = [{transform_indices = @transform_0, window_bounds = array<i64: 12800, 128>}, {transform_indices = @transform_1, window_bounds = array<i64: 3, 12800>}, {transform_indices = @transform_2, window_bounds = array<i64: 3, 12800>}, {pipeline_mode = #tpu.pipeline_mode<synchronous>, transform_indices = @transform_3, window_bounds = array<i64: 16, 3>}, {pipeline_mode = #tpu.pipeline_mode<synchronous>, transform_indices = @transform_4, window_bounds = array<i64: 15, 128, 128>}, {transform_indices = @transform_5, window_bounds = array<i64: 400, 128>}]} {
    %get3A = arith.constant 0 : index
    %get3A_0 = arith.constant 0 : index
    %get3A_1 = vector.load %arg1[%get3A, %get3A_0] : memref<12800x128xf32, #tpu.memory_space<vmem>>, vector<12800x128xf32>
    %get3A_2 = arith.constant 0 : index
    %get3A_3 = arith.constant 0 : index
    %get3A_4 = vector.load %arg4[%get3A_2, %get3A_3] : memref<16x3xf32, #tpu.memory_space<vmem>>, vector<16x3xf32>
    %get3A_5 = arith.constant 0 : index
    %get3A_6 = arith.constant 0 : index
    %get3A_7 = vector.load %arg2[%get3A_5, %get3A_6] : memref<3x12800xf32, #tpu.memory_space<vmem>>, vector<3x12800xf32>
    %get3A_8 = arith.constant 0 : index
    %get3A_9 = arith.constant 0 : index
    %get3A_10 = vector.load %arg3[%get3A_8, %get3A_9] : memref<3x12800xf32, #tpu.memory_space<vmem>>, vector<3x12800xf32>
    %sub3A = arith.subf %get3A_7, %get3A_10 : vector<3x12800xf32>
    %dot_general3A = arith.constant dense<0.000000e+00> : vector<16x12800xf32>
    %dot_general3A_11 = tpu.matmul %get3A_4, %sub3A, %dot_general3A {dimension_numbers = #tpu.dot_dimension_numbers<[1], [0], [0], [1], [0, 0, 1, 1], [], []>, transpose_lhs_hint = false} : vector<16x3xf32>, vector<3x12800xf32>, vector<16x12800xf32> -> vector<16x12800xf32>
    %mul3A = arith.mulf %sub3A, %sub3A : vector<3x12800xf32>
    %reduce_sum3A = arith.constant dense<0.000000e+00> : vector<12800xf32>
    %reduce_sum3A_12 = vector.multi_reduction <add>, %mul3A, %reduce_sum3A [0] : vector<3x12800xf32> to vector<12800xf32>
    %broadcast_in_dim3A = vector.shape_cast %reduce_sum3A_12 : vector<12800xf32> to vector<1x12800xf32>
    %mul3A_13 = arith.mulf %get3A_4, %get3A_4 : vector<16x3xf32>
    %reduce_sum3A_14 = arith.constant dense<0.000000e+00> : vector<16xf32>
    %reduce_sum3A_15 = vector.multi_reduction <add>, %mul3A_13, %reduce_sum3A_14 [1] : vector<16x3xf32> to vector<16xf32>
    %broadcast_in_dim3A_16 = vector.shape_cast %reduce_sum3A_15 : vector<16xf32> to vector<16x1xf32>
    %mul3A_17 = arith.constant 2.000000e+00 : f32
    %mul3A_18 = vector.broadcast %mul3A_17 : f32 to vector<16x12800xf32>
    %mul3A_19 = arith.mulf %mul3A_18, %dot_general3A_11 : vector<16x12800xf32>
    %sub3A_20 = vector.broadcast %broadcast_in_dim3A : vector<1x12800xf32> to vector<16x12800xf32>
    %sub3A_21 = arith.subf %sub3A_20, %mul3A_19 : vector<16x12800xf32>
    %add3A = vector.broadcast %broadcast_in_dim3A_16 : vector<16x1xf32> to vector<16x12800xf32>
    %add3A_22 = arith.addf %sub3A_21, %add3A : vector<16x12800xf32>
    %iota3A = tpu.iota {dimensions = array<i32: 0>} : vector<16x1xi32>
    %lt3A = arith.constant 15 : i32
    %lt3A_23 = vector.broadcast %lt3A : i32 to vector<16x1xi32>
    %lt3A_24 = arith.cmpi slt, %iota3A, %lt3A_23 : vector<16x1xi32>
    %convert_element_type3A = arith.extui %lt3A_24 : vector<16x1xi1> to vector<16x1xi32>
    %convert_element_type3A_25 = arith.sitofp %convert_element_type3A : vector<16x1xi32> to vector<16x1xf32>
    %max3A = arith.constant 0.000000e+00 : f32
    %max3A_26 = vector.broadcast %max3A : f32 to vector<16x12800xf32>
    %max3A_27 = arith.maximumf %add3A_22, %max3A_26 : vector<16x12800xf32>
    %sqrt3A = math.sqrt %max3A_27 : vector<16x12800xf32>
    %mul3A_28 = arith.constant 0.833333313 : f32
    %mul3A_29 = vector.broadcast %mul3A_28 : f32 to vector<16x12800xf32>
    %mul3A_30 = arith.mulf %sqrt3A, %mul3A_29 : vector<16x12800xf32>
    %sub3A_31 = arith.constant 1.000000e+00 : f32
    %sub3A_32 = vector.broadcast %sub3A_31 : f32 to vector<16x12800xf32>
    %sub3A_33 = arith.subf %sub3A_32, %mul3A_30 : vector<16x12800xf32>
    %max3A_34 = arith.constant 0.000000e+00 : f32
    %max3A_35 = vector.broadcast %max3A_34 : f32 to vector<16x12800xf32>
    %max3A_36 = arith.maximumf %sub3A_33, %max3A_35 : vector<16x12800xf32>
    %mul3A_37 = vector.broadcast %convert_element_type3A_25 : vector<16x1xf32> to vector<16x12800xf32>
    %mul3A_38 = arith.mulf %max3A_36, %mul3A_37 : vector<16x12800xf32>
    %iota3A_39 = tpu.iota {dimensions = array<i32: 0>} : vector<128x256xi32>
    %jit3A = arith.constant 8 : i32
    %eq3A = arith.constant 0 : i32
    %eq3A_40 = arith.cmpi eq, %jit3A, %eq3A : i32
    %jit3A_41 = arith.constant 1 : i32
    %select_n3A = arith.select %eq3A_40, %jit3A_41, %jit3A : i32
    %rem3A = vector.broadcast %select_n3A : i32 to vector<128x256xi32>
    %rem3A_42 = arith.remsi %iota3A_39, %rem3A : vector<128x256xi32>
    %ne3A = arith.constant 0 : i32
    %ne3A_43 = vector.broadcast %ne3A : i32 to vector<128x256xi32>
    %ne3A_44 = arith.cmpi ne, %rem3A_42, %ne3A_43 : vector<128x256xi32>
    %lt3A_45 = arith.constant 0 : i32
    %lt3A_46 = vector.broadcast %lt3A_45 : i32 to vector<128x256xi32>
    %lt3A_47 = arith.cmpi slt, %rem3A_42, %lt3A_46 : vector<128x256xi32>
    %lt3A_48 = arith.constant 0 : i32
    %lt3A_49 = arith.cmpi slt, %select_n3A, %lt3A_48 : i32
    %ne3A_50 = vector.broadcast %lt3A_49 : i1 to vector<128x256xi1>
    %ne3A_51 = vector.broadcast %ne3A_50 : vector<128x256xi1> to vector<128x256xi1>
    %ne3A_52 = arith.xori %lt3A_47, %ne3A_51 : vector<128x256xi1>
    %and3A = arith.andi %ne3A_52, %ne3A_44 : vector<128x256xi1>
    %add3A_53 = vector.broadcast %select_n3A : i32 to vector<128x256xi32>
    %add3A_54 = arith.addi %rem3A_42, %add3A_53 : vector<128x256xi32>
    %select_n3A_55 = arith.select %and3A, %add3A_54, %rem3A_42 : vector<128x256xi1>, vector<128x256xi32>
    %iota3A_56 = tpu.iota {dimensions = array<i32: 1>} : vector<128x256xi32>
    %jit3A_57 = arith.constant 32 : i32
    %div3A = vector.broadcast %jit3A_57 : i32 to vector<128x256xi32>
    %div3A_58 = arith.divsi %iota3A_56, %div3A : vector<128x256xi32>
    %sign3A = arith.constant 0 : i32
    %sign3A_59 = vector.broadcast %sign3A : i32 to vector<128x256xi32>
    %sign3A_60 = arith.cmpi sgt, %iota3A_56, %sign3A_59 : vector<128x256xi32>
    %sign3A_61 = arith.extui %sign3A_60 : vector<128x256xi1> to vector<128x256xi32>
    %sign3A_62 = arith.constant 0 : i32
    %sign3A_63 = vector.broadcast %sign3A_62 : i32 to vector<128x256xi32>
    %sign3A_64 = arith.cmpi slt, %iota3A_56, %sign3A_63 : vector<128x256xi32>
    %sign3A_65 = arith.extui %sign3A_64 : vector<128x256xi1> to vector<128x256xi32>
    %sign3A_66 = arith.subi %sign3A_61, %sign3A_65 : vector<128x256xi32>
    %sign3A_67 = arith.constant 0 : i32
    %sign3A_68 = arith.cmpi sgt, %jit3A_57, %sign3A_67 : i32
    %sign3A_69 = arith.extui %sign3A_68 : i1 to i32
    %sign3A_70 = arith.constant 0 : i32
    %sign3A_71 = arith.cmpi slt, %jit3A_57, %sign3A_70 : i32
    %sign3A_72 = arith.extui %sign3A_71 : i1 to i32
    %sign3A_73 = arith.subi %sign3A_69, %sign3A_72 : i32
    %ne3A_74 = vector.broadcast %sign3A_73 : i32 to vector<128x256xi32>
    %ne3A_75 = arith.cmpi ne, %sign3A_66, %ne3A_74 : vector<128x256xi32>
    %rem3A_76 = vector.broadcast %jit3A_57 : i32 to vector<128x256xi32>
    %rem3A_77 = arith.remsi %iota3A_56, %rem3A_76 : vector<128x256xi32>
    %ne3A_78 = arith.constant 0 : i32
    %ne3A_79 = vector.broadcast %ne3A_78 : i32 to vector<128x256xi32>
    %ne3A_80 = arith.cmpi ne, %rem3A_77, %ne3A_79 : vector<128x256xi32>
    %and3A_81 = arith.andi %ne3A_75, %ne3A_80 : vector<128x256xi1>
    %sub3A_82 = arith.constant 1 : i32
    %sub3A_83 = vector.broadcast %sub3A_82 : i32 to vector<128x256xi32>
    %sub3A_84 = arith.subi %div3A_58, %sub3A_83 : vector<128x256xi32>
    %select_n3A_85 = arith.select %and3A_81, %sub3A_84, %div3A_58 : vector<128x256xi1>, vector<128x256xi32>
    %eq3A_86 = arith.cmpi eq, %select_n3A_55, %select_n3A_85 : vector<128x256xi32>
    %convert_element_type3A_87 = arith.extui %eq3A_86 : vector<128x256xi1> to vector<128x256xi32>
    %convert_element_type3A_88 = arith.sitofp %convert_element_type3A_87 : vector<128x256xi32> to vector<128x256xf32>
    %iota3A_89 = tpu.iota {dimensions = array<i32: 0>} : vector<128x16xi32>
    %jit3A_90 = arith.constant 8 : i32
    %div3A_91 = vector.broadcast %jit3A_90 : i32 to vector<128x16xi32>
    %div3A_92 = arith.divsi %iota3A_89, %div3A_91 : vector<128x16xi32>
    %sign3A_93 = arith.constant 0 : i32
    %sign3A_94 = vector.broadcast %sign3A_93 : i32 to vector<128x16xi32>
    %sign3A_95 = arith.cmpi sgt, %iota3A_89, %sign3A_94 : vector<128x16xi32>
    %sign3A_96 = arith.extui %sign3A_95 : vector<128x16xi1> to vector<128x16xi32>
    %sign3A_97 = arith.constant 0 : i32
    %sign3A_98 = vector.broadcast %sign3A_97 : i32 to vector<128x16xi32>
    %sign3A_99 = arith.cmpi slt, %iota3A_89, %sign3A_98 : vector<128x16xi32>
    %sign3A_100 = arith.extui %sign3A_99 : vector<128x16xi1> to vector<128x16xi32>
    %sign3A_101 = arith.subi %sign3A_96, %sign3A_100 : vector<128x16xi32>
    %sign3A_102 = arith.constant 0 : i32
    %sign3A_103 = arith.cmpi sgt, %jit3A_90, %sign3A_102 : i32
    %sign3A_104 = arith.extui %sign3A_103 : i1 to i32
    %sign3A_105 = arith.constant 0 : i32
    %sign3A_106 = arith.cmpi slt, %jit3A_90, %sign3A_105 : i32
    %sign3A_107 = arith.extui %sign3A_106 : i1 to i32
    %sign3A_108 = arith.subi %sign3A_104, %sign3A_107 : i32
    %ne3A_109 = vector.broadcast %sign3A_108 : i32 to vector<128x16xi32>
    %ne3A_110 = arith.cmpi ne, %sign3A_101, %ne3A_109 : vector<128x16xi32>
    %rem3A_111 = vector.broadcast %jit3A_90 : i32 to vector<128x16xi32>
    %rem3A_112 = arith.remsi %iota3A_89, %rem3A_111 : vector<128x16xi32>
    %ne3A_113 = arith.constant 0 : i32
    %ne3A_114 = vector.broadcast %ne3A_113 : i32 to vector<128x16xi32>
    %ne3A_115 = arith.cmpi ne, %rem3A_112, %ne3A_114 : vector<128x16xi32>
    %and3A_116 = arith.andi %ne3A_110, %ne3A_115 : vector<128x16xi1>
    %sub3A_117 = arith.constant 1 : i32
    %sub3A_118 = vector.broadcast %sub3A_117 : i32 to vector<128x16xi32>
    %sub3A_119 = arith.subi %div3A_92, %sub3A_118 : vector<128x16xi32>
    %select_n3A_120 = arith.select %and3A_116, %sub3A_119, %div3A_92 : vector<128x16xi1>, vector<128x16xi32>
    %iota3A_121 = tpu.iota {dimensions = array<i32: 1>} : vector<128x16xi32>
    %eq3A_122 = arith.cmpi eq, %select_n3A_120, %iota3A_121 : vector<128x16xi32>
    %convert_element_type3A_123 = arith.extui %eq3A_122 : vector<128x16xi1> to vector<128x16xi32>
    %convert_element_type3A_124 = arith.sitofp %convert_element_type3A_123 : vector<128x16xi32> to vector<128x16xf32>
    %slice3A = vector.extract_strided_slice %mul3A_38 {offsets = [0, 0], sizes = [16, 256], strides = [1, 1]} : vector<16x12800xf32> to vector<16x256xf32>
    %dot_general3A_125 = arith.constant dense<0.000000e+00> : vector<128x256xf32>
    %dot_general3A_126 = tpu.matmul %convert_element_type3A_124, %slice3A, %dot_general3A_125 {dimension_numbers = #tpu.dot_dimension_numbers<[1], [0], [0], [1], [0, 0, 1, 1], [], []>, transpose_lhs_hint = false} : vector<128x16xf32>, vector<16x256xf32>, vector<128x256xf32> -> vector<128x256xf32>
    %mul3A_127 = arith.mulf %dot_general3A_126, %convert_element_type3A_88 : vector<128x256xf32>
    %slice3A_128 = vector.extract_strided_slice %get3A_1 {offsets = [0, 0], sizes = [256, 128], strides = [1, 1]} : vector<12800x128xf32> to vector<256x128xf32>
    %dot_general3A_129 = arith.constant dense<0.000000e+00> : vector<128x128xf32>
    %dot_general3A_130 = tpu.matmul %mul3A_127, %slice3A_128, %dot_general3A_129 {dimension_numbers = #tpu.dot_dimension_numbers<[1], [0], [0], [1], [0, 0, 1, 1], [], []>, transpose_lhs_hint = false} : vector<128x256xf32>, vector<256x128xf32>, vector<128x128xf32> -> vector<128x128xf32>
    %slice3A_131 = vector.extract_strided_slice %mul3A_38 {offsets = [0, 256], sizes = [16, 256], strides = [1, 1]} : vector<16x12800xf32> to vector<16x256xf32>
    %dot_general3A_132 = arith.constant dense<0.000000e+00> : vector<128x256xf32>
    %dot_general3A_133 = tpu.matmul %convert_element_type3A_124, %slice3A_131, %dot_general3A_132 {dimension_numbers = #tpu.dot_dimension_numbers<[1], [0], [0], [1], [0, 0, 1, 1], [], []>, transpose_lhs_hint = false} : vector<128x16xf32>, vector<16x256xf32>, vector<128x256xf32> -> vector<128x256xf32>
    %mul3A_134 = arith.mulf %dot_general3A_133, %convert_element_type3A_88 : vector<128x256xf32>
    %slice3A_135 = vector.extract_strided_slice %get3A_1 {offsets = [256, 0], sizes = [256, 128], strides = [1, 1]} : vector<12800x128xf32> to vector<256x128xf32>
    %dot_general3A_136 = arith.constant dense<0.000000e+00> : vector<128x128xf32>
    %dot_general3A_137 = tpu.matmul %mul3A_134, %slice3A_135, %dot_general3A_136 {dimension_numbers = #tpu.dot_dimension_numbers<[1], [0], [0], [1], [0, 0, 1, 1], [], []>, transpose_lhs_hint = false} : vector<128x256xf32>, vector<256x128xf32>, vector<128x128xf32> -> vector<128x128xf32>
    %slice3A_138 = vector.extract_strided_slice %mul3A_38 {offsets = [0, 512], sizes = [16, 256], strides = [1, 1]} : vector<16x12800xf32> to vector<16x256xf32>
    %dot_general3A_139 = arith.constant dense<0.000000e+00> : vector<128x256xf32>
    %dot_general3A_140 = tpu.matmul %convert_element_type3A_124, %slice3A_138, %dot_general3A_139 {dimension_numbers = #tpu.dot_dimension_numbers<[1], [0], [0], [1], [0, 0, 1, 1], [], []>, transpose_lhs_hint = false} : vector<128x16xf32>, vector<16x256xf32>, vector<128x256xf32> -> vector<128x256xf32>
    %mul3A_141 = arith.mulf %dot_general3A_140, %convert_element_type3A_88 : vector<128x256xf32>
    %slice3A_142 = vector.extract_strided_slice %get3A_1 {offsets = [512, 0], sizes = [256, 128], strides = [1, 1]} : vector<12800x128xf32> to vector<256x128xf32>
    %dot_general3A_143 = arith.constant dense<0.000000e+00> : vector<128x128xf32>
    %dot_general3A_144 = tpu.matmul %mul3A_141, %slice3A_142, %dot_general3A_143 {dimension_numbers = #tpu.dot_dimension_numbers<[1], [0], [0], [1], [0, 0, 1, 1], [], []>, transpose_lhs_hint = false} : vector<128x256xf32>, vector<256x128xf32>, vector<128x128xf32> -> vector<128x128xf32>
    %slice3A_145 = vector.extract_strided_slice %mul3A_38 {offsets = [0, 768], sizes = [16, 256], strides = [1, 1]} : vector<16x12800xf32> to vector<16x256xf32>
    %dot_general3A_146 = arith.constant dense<0.000000e+00> : vector<128x256xf32>
    %dot_general3A_147 = tpu.matmul %convert_element_type3A_124, %slice3A_145, %dot_general3A_146 {dimension_numbers = #tpu.dot_dimension_numbers<[1], [0], [0], [1], [0, 0, 1, 1], [], []>, transpose_lhs_hint = false} : vector<128x16xf32>, vector<16x256xf32>, vector<128x256xf32> -> vector<128x256xf32>
    %mul3A_148 = arith.mulf %dot_general3A_147, %convert_element_type3A_88 : vector<128x256xf32>
    %slice3A_149 = vector.extract_strided_slice %get3A_1 {offsets = [768, 0], sizes = [256, 128], strides = [1, 1]} : vector<12800x128xf32> to vector<256x128xf32>
    %dot_general3A_150 = arith.constant dense<0.000000e+00> : vector<128x128xf32>
    %dot_general3A_151 = tpu.matmul %mul3A_148, %slice3A_149, %dot_general3A_150 {dimension_numbers = #tpu.dot_dimension_numbers<[1], [0], [0], [1], [0, 0, 1, 1], [], []>, transpose_lhs_hint = false} : vector<128x256xf32>, vector<256x128xf32>, vector<128x128xf32> -> vector<128x128xf32>
    %slice3A_152 = vector.extract_strided_slice %mul3A_38 {offsets = [0, 1024], sizes = [16, 256], strides = [1, 1]} : vector<16x12800xf32> to vector<16x256xf32>
    %dot_general3A_153 = arith.constant dense<0.000000e+00> : vector<128x256xf32>
    %dot_general3A_154 = tpu.matmul %convert_element_type3A_124, %slice3A_152, %dot_general3A_153 {dimension_numbers = #tpu.dot_dimension_numbers<[1], [0], [0], [1], [0, 0, 1, 1], [], []>, transpose_lhs_hint = false} : vector<128x16xf32>, vector<16x256xf32>, vector<128x256xf32> -> vector<128x256xf32>
    %mul3A_155 = arith.mulf %dot_general3A_154, %convert_element_type3A_88 : vector<128x256xf32>
    %slice3A_156 = vector.extract_strided_slice %get3A_1 {offsets = [1024, 0], sizes = [256, 128], strides = [1, 1]} : vector<12800x128xf32> to vector<256x128xf32>
    %dot_general3A_157 = arith.constant dense<0.000000e+00> : vector<128x128xf32>
    %dot_general3A_158 = tpu.matmul %mul3A_155, %slice3A_156, %dot_general3A_157 {dimension_numbers = #tpu.dot_dimension_numbers<[1], [0], [0], [1], [0, 0, 1, 1], [], []>, transpose_lhs_hint = false} : vector<128x256xf32>, vector<256x128xf32>, vector<128x128xf32> -> vector<128x128xf32>
    %slice3A_159 = vector.extract_strided_slice %mul3A_38 {offsets = [0, 1280], sizes = [16, 256], strides = [1, 1]} : vector<16x12800xf32> to vector<16x256xf32>
    %dot_general3A_160 = arith.constant dense<0.000000e+00> : vector<128x256xf32>
    %dot_general3A_161 = tpu.matmul %convert_element_type3A_124, %slice3A_159, %dot_general3A_160 {dimension_numbers = #tpu.dot_dimension_numbers<[1], [0], [0], [1], [0, 0, 1, 1], [], []>, transpose_lhs_hint = false} : vector<128x16xf32>, vector<16x256xf32>, vector<128x256xf32> -> vector<128x256xf32>
    %mul3A_162 = arith.mulf %dot_general3A_161, %convert_element_type3A_88 : vector<128x256xf32>
    %slice3A_163 = vector.extract_strided_slice %get3A_1 {offsets = [1280, 0], sizes = [256, 128], strides = [1, 1]} : vector<12800x128xf32> to vector<256x128xf32>
    %dot_general3A_164 = arith.constant dense<0.000000e+00> : vector<128x128xf32>
    %dot_general3A_165 = tpu.matmul %mul3A_162, %slice3A_163, %dot_general3A_164 {dimension_numbers = #tpu.dot_dimension_numbers<[1], [0], [0], [1], [0, 0, 1, 1], [], []>, transpose_lhs_hint = false} : vector<128x256xf32>, vector<256x128xf32>, vector<128x128xf32> -> vector<128x128xf32>
    %slice3A_166 = vector.extract_strided_slice %mul3A_38 {offsets = [0, 1536], sizes = [16, 256], strides = [1, 1]} : vector<16x12800xf32> to vector<16x256xf32>
    %dot_general3A_167 = arith.constant dense<0.000000e+00> : vector<128x256xf32>
    %dot_general3A_168 = tpu.matmul %convert_element_type3A_124, %slice3A_166, %dot_general3A_167 {dimension_numbers = #tpu.dot_dimension_numbers<[1], [0], [0], [1], [0, 0, 1, 1], [], []>, transpose_lhs_hint = false} : vector<128x16xf32>, vector<16x256xf32>, vector<128x256xf32> -> vector<128x256xf32>
    %mul3A_169 = arith.mulf %dot_general3A_168, %convert_element_type3A_88 : vector<128x256xf32>
    %slice3A_170 = vector.extract_strided_slice %get3A_1 {offsets = [1536, 0], sizes = [256, 128], strides = [1, 1]} : vector<12800x128xf32> to vector<256x128xf32>
    %dot_general3A_171 = arith.constant dense<0.000000e+00> : vector<128x128xf32>
    %dot_general3A_172 = tpu.matmul %mul3A_169, %slice3A_170, %dot_general3A_171 {dimension_numbers = #tpu.dot_dimension_numbers<[1], [0], [0], [1], [0, 0, 1, 1], [], []>, transpose_lhs_hint = false} : vector<128x256xf32>, vector<256x128xf32>, vector<128x128xf32> -> vector<128x128xf32>
    %slice3A_173 = vector.extract_strided_slice %mul3A_38 {offsets = [0, 1792], sizes = [16, 256], strides = [1, 1]} : vector<16x12800xf32> to vector<16x256xf32>
    %dot_general3A_174 = arith.constant dense<0.000000e+00> : vector<128x256xf32>
    %dot_general3A_175 = tpu.matmul %convert_element_type3A_124, %slice3A_173, %dot_general3A_174 {dimension_numbers = #tpu.dot_dimension_numbers<[1], [0], [0], [1], [0, 0, 1, 1], [], []>, transpose_lhs_hint = false} : vector<128x16xf32>, vector<16x256xf32>, vector<128x256xf32> -> vector<128x256xf32>
    %mul3A_176 = arith.mulf %dot_general3A_175, %convert_element_type3A_88 : vector<128x256xf32>
    %slice3A_177 = vector.extract_strided_slice %get3A_1 {offsets = [1792, 0], sizes = [256, 128], strides = [1, 1]} : vector<12800x128xf32> to vector<256x128xf32>
    %dot_general3A_178 = arith.constant dense<0.000000e+00> : vector<128x128xf32>
    %dot_general3A_179 = tpu.matmul %mul3A_176, %slice3A_177, %dot_general3A_178 {dimension_numbers = #tpu.dot_dimension_numbers<[1], [0], [0], [1], [0, 0, 1, 1], [], []>, transpose_lhs_hint = false} : vector<128x256xf32>, vector<256x128xf32>, vector<128x128xf32> -> vector<128x128xf32>
    %slice3A_180 = vector.extract_strided_slice %mul3A_38 {offsets = [0, 2048], sizes = [16, 256], strides = [1, 1]} : vector<16x12800xf32> to vector<16x256xf32>
    %dot_general3A_181 = arith.constant dense<0.000000e+00> : vector<128x256xf32>
    %dot_general3A_182 = tpu.matmul %convert_element_type3A_124, %slice3A_180, %dot_general3A_181 {dimension_numbers = #tpu.dot_dimension_numbers<[1], [0], [0], [1], [0, 0, 1, 1], [], []>, transpose_lhs_hint = false} : vector<128x16xf32>, vector<16x256xf32>, vector<128x256xf32> -> vector<128x256xf32>
    %mul3A_183 = arith.mulf %dot_general3A_182, %convert_element_type3A_88 : vector<128x256xf32>
    %slice3A_184 = vector.extract_strided_slice %get3A_1 {offsets = [2048, 0], sizes = [256, 128], strides = [1, 1]} : vector<12800x128xf32> to vector<256x128xf32>
    %dot_general3A_185 = arith.constant dense<0.000000e+00> : vector<128x128xf32>
    %dot_general3A_186 = tpu.matmul %mul3A_183, %slice3A_184, %dot_general3A_185 {dimension_numbers = #tpu.dot_dimension_numbers<[1], [0], [0], [1], [0, 0, 1, 1], [], []>, transpose_lhs_hint = false} : vector<128x256xf32>, vector<256x128xf32>, vector<128x128xf32> -> vector<128x128xf32>
    %slice3A_187 = vector.extract_strided_slice %mul3A_38 {offsets = [0, 2304], sizes = [16, 256], strides = [1, 1]} : vector<16x12800xf32> to vector<16x256xf32>
    %dot_general3A_188 = arith.constant dense<0.000000e+00> : vector<128x256xf32>
    %dot_general3A_189 = tpu.matmul %convert_element_type3A_124, %slice3A_187, %dot_general3A_188 {dimension_numbers = #tpu.dot_dimension_numbers<[1], [0], [0], [1], [0, 0, 1, 1], [], []>, transpose_lhs_hint = false} : vector<128x16xf32>, vector<16x256xf32>, vector<128x256xf32> -> vector<128x256xf32>
    %mul3A_190 = arith.mulf %dot_general3A_189, %convert_element_type3A_88 : vector<128x256xf32>
    %slice3A_191 = vector.extract_strided_slice %get3A_1 {offsets = [2304, 0], sizes = [256, 128], strides = [1, 1]} : vector<12800x128xf32> to vector<256x128xf32>
    %dot_general3A_192 = arith.constant dense<0.000000e+00> : vector<128x128xf32>
    %dot_general3A_193 = tpu.matmul %mul3A_190, %slice3A_191, %dot_general3A_192 {dimension_numbers = #tpu.dot_dimension_numbers<[1], [0], [0], [1], [0, 0, 1, 1], [], []>, transpose_lhs_hint = false} : vector<128x256xf32>, vector<256x128xf32>, vector<128x128xf32> -> vector<128x128xf32>
    %slice3A_194 = vector.extract_strided_slice %mul3A_38 {offsets = [0, 2560], sizes = [16, 256], strides = [1, 1]} : vector<16x12800xf32> to vector<16x256xf32>
    %dot_general3A_195 = arith.constant dense<0.000000e+00> : vector<128x256xf32>
    %dot_general3A_196 = tpu.matmul %convert_element_type3A_124, %slice3A_194, %dot_general3A_195 {dimension_numbers = #tpu.dot_dimension_numbers<[1], [0], [0], [1], [0, 0, 1, 1], [], []>, transpose_lhs_hint = false} : vector<128x16xf32>, vector<16x256xf32>, vector<128x256xf32> -> vector<128x256xf32>
    %mul3A_197 = arith.mulf %dot_general3A_196, %convert_element_type3A_88 : vector<128x256xf32>
    %slice3A_198 = vector.extract_strided_slice %get3A_1 {offsets = [2560, 0], sizes = [256, 128], strides = [1, 1]} : vector<12800x128xf32> to vector<256x128xf32>
    %dot_general3A_199 = arith.constant dense<0.000000e+00> : vector<128x128xf32>
    %dot_general3A_200 = tpu.matmul %mul3A_197, %slice3A_198, %dot_general3A_199 {dimension_numbers = #tpu.dot_dimension_numbers<[1], [0], [0], [1], [0, 0, 1, 1], [], []>, transpose_lhs_hint = false} : vector<128x256xf32>, vector<256x128xf32>, vector<128x128xf32> -> vector<128x128xf32>
    %slice3A_201 = vector.extract_strided_slice %mul3A_38 {offsets = [0, 2816], sizes = [16, 256], strides = [1, 1]} : vector<16x12800xf32> to vector<16x256xf32>
    %dot_general3A_202 = arith.constant dense<0.000000e+00> : vector<128x256xf32>
    %dot_general3A_203 = tpu.matmul %convert_element_type3A_124, %slice3A_201, %dot_general3A_202 {dimension_numbers = #tpu.dot_dimension_numbers<[1], [0], [0], [1], [0, 0, 1, 1], [], []>, transpose_lhs_hint = false} : vector<128x16xf32>, vector<16x256xf32>, vector<128x256xf32> -> vector<128x256xf32>
    %mul3A_204 = arith.mulf %dot_general3A_203, %convert_element_type3A_88 : vector<128x256xf32>
    %slice3A_205 = vector.extract_strided_slice %get3A_1 {offsets = [2816, 0], sizes = [256, 128], strides = [1, 1]} : vector<12800x128xf32> to vector<256x128xf32>
    %dot_general3A_206 = arith.constant dense<0.000000e+00> : vector<128x128xf32>
    %dot_general3A_207 = tpu.matmul %mul3A_204, %slice3A_205, %dot_general3A_206 {dimension_numbers = #tpu.dot_dimension_numbers<[1], [0], [0], [1], [0, 0, 1, 1], [], []>, transpose_lhs_hint = false} : vector<128x256xf32>, vector<256x128xf32>, vector<128x128xf32> -> vector<128x128xf32>
    %slice3A_208 = vector.extract_strided_slice %mul3A_38 {offsets = [0, 3072], sizes = [16, 256], strides = [1, 1]} : vector<16x12800xf32> to vector<16x256xf32>
    %dot_general3A_209 = arith.constant dense<0.000000e+00> : vector<128x256xf32>
    %dot_general3A_210 = tpu.matmul %convert_element_type3A_124, %slice3A_208, %dot_general3A_209 {dimension_numbers = #tpu.dot_dimension_numbers<[1], [0], [0], [1], [0, 0, 1, 1], [], []>, transpose_lhs_hint = false} : vector<128x16xf32>, vector<16x256xf32>, vector<128x256xf32> -> vector<128x256xf32>
    %mul3A_211 = arith.mulf %dot_general3A_210, %convert_element_type3A_88 : vector<128x256xf32>
    %slice3A_212 = vector.extract_strided_slice %get3A_1 {offsets = [3072, 0], sizes = [256, 128], strides = [1, 1]} : vector<12800x128xf32> to vector<256x128xf32>
    %dot_general3A_213 = arith.constant dense<0.000000e+00> : vector<128x128xf32>
    %dot_general3A_214 = tpu.matmul %mul3A_211, %slice3A_212, %dot_general3A_213 {dimension_numbers = #tpu.dot_dimension_numbers<[1], [0], [0], [1], [0, 0, 1, 1], [], []>, transpose_lhs_hint = false} : vector<128x256xf32>, vector<256x128xf32>, vector<128x128xf32> -> vector<128x128xf32>
    %slice3A_215 = vector.extract_strided_slice %mul3A_38 {offsets = [0, 3328], sizes = [16, 256], strides = [1, 1]} : vector<16x12800xf32> to vector<16x256xf32>
    %dot_general3A_216 = arith.constant dense<0.000000e+00> : vector<128x256xf32>
    %dot_general3A_217 = tpu.matmul %convert_element_type3A_124, %slice3A_215, %dot_general3A_216 {dimension_numbers = #tpu.dot_dimension_numbers<[1], [0], [0], [1], [0, 0, 1, 1], [], []>, transpose_lhs_hint = false} : vector<128x16xf32>, vector<16x256xf32>, vector<128x256xf32> -> vector<128x256xf32>
    %mul3A_218 = arith.mulf %dot_general3A_217, %convert_element_type3A_88 : vector<128x256xf32>
    %slice3A_219 = vector.extract_strided_slice %get3A_1 {offsets = [3328, 0], sizes = [256, 128], strides = [1, 1]} : vector<12800x128xf32> to vector<256x128xf32>
    %dot_general3A_220 = arith.constant dense<0.000000e+00> : vector<128x128xf32>
    %dot_general3A_221 = tpu.matmul %mul3A_218, %slice3A_219, %dot_general3A_220 {dimension_numbers = #tpu.dot_dimension_numbers<[1], [0], [0], [1], [0, 0, 1, 1], [], []>, transpose_lhs_hint = false} : vector<128x256xf32>, vector<256x128xf32>, vector<128x128xf32> -> vector<128x128xf32>
    %slice3A_222 = vector.extract_strided_slice %mul3A_38 {offsets = [0, 3584], sizes = [16, 256], strides = [1, 1]} : vector<16x12800xf32> to vector<16x256xf32>
    %dot_general3A_223 = arith.constant dense<0.000000e+00> : vector<128x256xf32>
    %dot_general3A_224 = tpu.matmul %convert_element_type3A_124, %slice3A_222, %dot_general3A_223 {dimension_numbers = #tpu.dot_dimension_numbers<[1], [0], [0], [1], [0, 0, 1, 1], [], []>, transpose_lhs_hint = false} : vector<128x16xf32>, vector<16x256xf32>, vector<128x256xf32> -> vector<128x256xf32>
    %mul3A_225 = arith.mulf %dot_general3A_224, %convert_element_type3A_88 : vector<128x256xf32>
    %slice3A_226 = vector.extract_strided_slice %get3A_1 {offsets = [3584, 0], sizes = [256, 128], strides = [1, 1]} : vector<12800x128xf32> to vector<256x128xf32>
    %dot_general3A_227 = arith.constant dense<0.000000e+00> : vector<128x128xf32>
    %dot_general3A_228 = tpu.matmul %mul3A_225, %slice3A_226, %dot_general3A_227 {dimension_numbers = #tpu.dot_dimension_numbers<[1], [0], [0], [1], [0, 0, 1, 1], [], []>, transpose_lhs_hint = false} : vector<128x256xf32>, vector<256x128xf32>, vector<128x128xf32> -> vector<128x128xf32>
    %slice3A_229 = vector.extract_strided_slice %mul3A_38 {offsets = [0, 3840], sizes = [16, 256], strides = [1, 1]} : vector<16x12800xf32> to vector<16x256xf32>
    %dot_general3A_230 = arith.constant dense<0.000000e+00> : vector<128x256xf32>
    %dot_general3A_231 = tpu.matmul %convert_element_type3A_124, %slice3A_229, %dot_general3A_230 {dimension_numbers = #tpu.dot_dimension_numbers<[1], [0], [0], [1], [0, 0, 1, 1], [], []>, transpose_lhs_hint = false} : vector<128x16xf32>, vector<16x256xf32>, vector<128x256xf32> -> vector<128x256xf32>
    %mul3A_232 = arith.mulf %dot_general3A_231, %convert_element_type3A_88 : vector<128x256xf32>
    %slice3A_233 = vector.extract_strided_slice %get3A_1 {offsets = [3840, 0], sizes = [256, 128], strides = [1, 1]} : vector<12800x128xf32> to vector<256x128xf32>
    %dot_general3A_234 = arith.constant dense<0.000000e+00> : vector<128x128xf32>
    %dot_general3A_235 = tpu.matmul %mul3A_232, %slice3A_233, %dot_general3A_234 {dimension_numbers = #tpu.dot_dimension_numbers<[1], [0], [0], [1], [0, 0, 1, 1], [], []>, transpose_lhs_hint = false} : vector<128x256xf32>, vector<256x128xf32>, vector<128x128xf32> -> vector<128x128xf32>
    %slice3A_236 = vector.extract_strided_slice %mul3A_38 {offsets = [0, 4096], sizes = [16, 256], strides = [1, 1]} : vector<16x12800xf32> to vector<16x256xf32>
    %dot_general3A_237 = arith.constant dense<0.000000e+00> : vector<128x256xf32>
    %dot_general3A_238 = tpu.matmul %convert_element_type3A_124, %slice3A_236, %dot_general3A_237 {dimension_numbers = #tpu.dot_dimension_numbers<[1], [0], [0], [1], [0, 0, 1, 1], [], []>, transpose_lhs_hint = false} : vector<128x16xf32>, vector<16x256xf32>, vector<128x256xf32> -> vector<128x256xf32>
    %mul3A_239 = arith.mulf %dot_general3A_238, %convert_element_type3A_88 : vector<128x256xf32>
    %slice3A_240 = vector.extract_strided_slice %get3A_1 {offsets = [4096, 0], sizes = [256, 128], strides = [1, 1]} : vector<12800x128xf32> to vector<256x128xf32>
    %dot_general3A_241 = arith.constant dense<0.000000e+00> : vector<128x128xf32>
    %dot_general3A_242 = tpu.matmul %mul3A_239, %slice3A_240, %dot_general3A_241 {dimension_numbers = #tpu.dot_dimension_numbers<[1], [0], [0], [1], [0, 0, 1, 1], [], []>, transpose_lhs_hint = false} : vector<128x256xf32>, vector<256x128xf32>, vector<128x128xf32> -> vector<128x128xf32>
    %slice3A_243 = vector.extract_strided_slice %mul3A_38 {offsets = [0, 4352], sizes = [16, 256], strides = [1, 1]} : vector<16x12800xf32> to vector<16x256xf32>
    %dot_general3A_244 = arith.constant dense<0.000000e+00> : vector<128x256xf32>
    %dot_general3A_245 = tpu.matmul %convert_element_type3A_124, %slice3A_243, %dot_general3A_244 {dimension_numbers = #tpu.dot_dimension_numbers<[1], [0], [0], [1], [0, 0, 1, 1], [], []>, transpose_lhs_hint = false} : vector<128x16xf32>, vector<16x256xf32>, vector<128x256xf32> -> vector<128x256xf32>
    %mul3A_246 = arith.mulf %dot_general3A_245, %convert_element_type3A_88 : vector<128x256xf32>
    %slice3A_247 = vector.extract_strided_slice %get3A_1 {offsets = [4352, 0], sizes = [256, 128], strides = [1, 1]} : vector<12800x128xf32> to vector<256x128xf32>
    %dot_general3A_248 = arith.constant dense<0.000000e+00> : vector<128x128xf32>
    %dot_general3A_249 = tpu.matmul %mul3A_246, %slice3A_247, %dot_general3A_248 {dimension_numbers = #tpu.dot_dimension_numbers<[1], [0], [0], [1], [0, 0, 1, 1], [], []>, transpose_lhs_hint = false} : vector<128x256xf32>, vector<256x128xf32>, vector<128x128xf32> -> vector<128x128xf32>
    %slice3A_250 = vector.extract_strided_slice %mul3A_38 {offsets = [0, 4608], sizes = [16, 256], strides = [1, 1]} : vector<16x12800xf32> to vector<16x256xf32>
    %dot_general3A_251 = arith.constant dense<0.000000e+00> : vector<128x256xf32>
    %dot_general3A_252 = tpu.matmul %convert_element_type3A_124, %slice3A_250, %dot_general3A_251 {dimension_numbers = #tpu.dot_dimension_numbers<[1], [0], [0], [1], [0, 0, 1, 1], [], []>, transpose_lhs_hint = false} : vector<128x16xf32>, vector<16x256xf32>, vector<128x256xf32> -> vector<128x256xf32>
    %mul3A_253 = arith.mulf %dot_general3A_252, %convert_element_type3A_88 : vector<128x256xf32>
    %slice3A_254 = vector.extract_strided_slice %get3A_1 {offsets = [4608, 0], sizes = [256, 128], strides = [1, 1]} : vector<12800x128xf32> to vector<256x128xf32>
    %dot_general3A_255 = arith.constant dense<0.000000e+00> : vector<128x128xf32>
    %dot_general3A_256 = tpu.matmul %mul3A_253, %slice3A_254, %dot_general3A_255 {dimension_numbers = #tpu.dot_dimension_numbers<[1], [0], [0], [1], [0, 0, 1, 1], [], []>, transpose_lhs_hint = false} : vector<128x256xf32>, vector<256x128xf32>, vector<128x128xf32> -> vector<128x128xf32>
    %slice3A_257 = vector.extract_strided_slice %mul3A_38 {offsets = [0, 4864], sizes = [16, 256], strides = [1, 1]} : vector<16x12800xf32> to vector<16x256xf32>
    %dot_general3A_258 = arith.constant dense<0.000000e+00> : vector<128x256xf32>
    %dot_general3A_259 = tpu.matmul %convert_element_type3A_124, %slice3A_257, %dot_general3A_258 {dimension_numbers = #tpu.dot_dimension_numbers<[1], [0], [0], [1], [0, 0, 1, 1], [], []>, transpose_lhs_hint = false} : vector<128x16xf32>, vector<16x256xf32>, vector<128x256xf32> -> vector<128x256xf32>
    %mul3A_260 = arith.mulf %dot_general3A_259, %convert_element_type3A_88 : vector<128x256xf32>
    %slice3A_261 = vector.extract_strided_slice %get3A_1 {offsets = [4864, 0], sizes = [256, 128], strides = [1, 1]} : vector<12800x128xf32> to vector<256x128xf32>
    %dot_general3A_262 = arith.constant dense<0.000000e+00> : vector<128x128xf32>
    %dot_general3A_263 = tpu.matmul %mul3A_260, %slice3A_261, %dot_general3A_262 {dimension_numbers = #tpu.dot_dimension_numbers<[1], [0], [0], [1], [0, 0, 1, 1], [], []>, transpose_lhs_hint = false} : vector<128x256xf32>, vector<256x128xf32>, vector<128x128xf32> -> vector<128x128xf32>
    %slice3A_264 = vector.extract_strided_slice %mul3A_38 {offsets = [0, 5120], sizes = [16, 256], strides = [1, 1]} : vector<16x12800xf32> to vector<16x256xf32>
    %dot_general3A_265 = arith.constant dense<0.000000e+00> : vector<128x256xf32>
    %dot_general3A_266 = tpu.matmul %convert_element_type3A_124, %slice3A_264, %dot_general3A_265 {dimension_numbers = #tpu.dot_dimension_numbers<[1], [0], [0], [1], [0, 0, 1, 1], [], []>, transpose_lhs_hint = false} : vector<128x16xf32>, vector<16x256xf32>, vector<128x256xf32> -> vector<128x256xf32>
    %mul3A_267 = arith.mulf %dot_general3A_266, %convert_element_type3A_88 : vector<128x256xf32>
    %slice3A_268 = vector.extract_strided_slice %get3A_1 {offsets = [5120, 0], sizes = [256, 128], strides = [1, 1]} : vector<12800x128xf32> to vector<256x128xf32>
    %dot_general3A_269 = arith.constant dense<0.000000e+00> : vector<128x128xf32>
    %dot_general3A_270 = tpu.matmul %mul3A_267, %slice3A_268, %dot_general3A_269 {dimension_numbers = #tpu.dot_dimension_numbers<[1], [0], [0], [1], [0, 0, 1, 1], [], []>, transpose_lhs_hint = false} : vector<128x256xf32>, vector<256x128xf32>, vector<128x128xf32> -> vector<128x128xf32>
    %slice3A_271 = vector.extract_strided_slice %mul3A_38 {offsets = [0, 5376], sizes = [16, 256], strides = [1, 1]} : vector<16x12800xf32> to vector<16x256xf32>
    %dot_general3A_272 = arith.constant dense<0.000000e+00> : vector<128x256xf32>
    %dot_general3A_273 = tpu.matmul %convert_element_type3A_124, %slice3A_271, %dot_general3A_272 {dimension_numbers = #tpu.dot_dimension_numbers<[1], [0], [0], [1], [0, 0, 1, 1], [], []>, transpose_lhs_hint = false} : vector<128x16xf32>, vector<16x256xf32>, vector<128x256xf32> -> vector<128x256xf32>
    %mul3A_274 = arith.mulf %dot_general3A_273, %convert_element_type3A_88 : vector<128x256xf32>
    %slice3A_275 = vector.extract_strided_slice %get3A_1 {offsets = [5376, 0], sizes = [256, 128], strides = [1, 1]} : vector<12800x128xf32> to vector<256x128xf32>
    %dot_general3A_276 = arith.constant dense<0.000000e+00> : vector<128x128xf32>
    %dot_general3A_277 = tpu.matmul %mul3A_274, %slice3A_275, %dot_general3A_276 {dimension_numbers = #tpu.dot_dimension_numbers<[1], [0], [0], [1], [0, 0, 1, 1], [], []>, transpose_lhs_hint = false} : vector<128x256xf32>, vector<256x128xf32>, vector<128x128xf32> -> vector<128x128xf32>
    %slice3A_278 = vector.extract_strided_slice %mul3A_38 {offsets = [0, 5632], sizes = [16, 256], strides = [1, 1]} : vector<16x12800xf32> to vector<16x256xf32>
    %dot_general3A_279 = arith.constant dense<0.000000e+00> : vector<128x256xf32>
    %dot_general3A_280 = tpu.matmul %convert_element_type3A_124, %slice3A_278, %dot_general3A_279 {dimension_numbers = #tpu.dot_dimension_numbers<[1], [0], [0], [1], [0, 0, 1, 1], [], []>, transpose_lhs_hint = false} : vector<128x16xf32>, vector<16x256xf32>, vector<128x256xf32> -> vector<128x256xf32>
    %mul3A_281 = arith.mulf %dot_general3A_280, %convert_element_type3A_88 : vector<128x256xf32>
    %slice3A_282 = vector.extract_strided_slice %get3A_1 {offsets = [5632, 0], sizes = [256, 128], strides = [1, 1]} : vector<12800x128xf32> to vector<256x128xf32>
    %dot_general3A_283 = arith.constant dense<0.000000e+00> : vector<128x128xf32>
    %dot_general3A_284 = tpu.matmul %mul3A_281, %slice3A_282, %dot_general3A_283 {dimension_numbers = #tpu.dot_dimension_numbers<[1], [0], [0], [1], [0, 0, 1, 1], [], []>, transpose_lhs_hint = false} : vector<128x256xf32>, vector<256x128xf32>, vector<128x128xf32> -> vector<128x128xf32>
    %slice3A_285 = vector.extract_strided_slice %mul3A_38 {offsets = [0, 5888], sizes = [16, 256], strides = [1, 1]} : vector<16x12800xf32> to vector<16x256xf32>
    %dot_general3A_286 = arith.constant dense<0.000000e+00> : vector<128x256xf32>
    %dot_general3A_287 = tpu.matmul %convert_element_type3A_124, %slice3A_285, %dot_general3A_286 {dimension_numbers = #tpu.dot_dimension_numbers<[1], [0], [0], [1], [0, 0, 1, 1], [], []>, transpose_lhs_hint = false} : vector<128x16xf32>, vector<16x256xf32>, vector<128x256xf32> -> vector<128x256xf32>
    %mul3A_288 = arith.mulf %dot_general3A_287, %convert_element_type3A_88 : vector<128x256xf32>
    %slice3A_289 = vector.extract_strided_slice %get3A_1 {offsets = [5888, 0], sizes = [256, 128], strides = [1, 1]} : vector<12800x128xf32> to vector<256x128xf32>
    %dot_general3A_290 = arith.constant dense<0.000000e+00> : vector<128x128xf32>
    %dot_general3A_291 = tpu.matmul %mul3A_288, %slice3A_289, %dot_general3A_290 {dimension_numbers = #tpu.dot_dimension_numbers<[1], [0], [0], [1], [0, 0, 1, 1], [], []>, transpose_lhs_hint = false} : vector<128x256xf32>, vector<256x128xf32>, vector<128x128xf32> -> vector<128x128xf32>
    %slice3A_292 = vector.extract_strided_slice %mul3A_38 {offsets = [0, 6144], sizes = [16, 256], strides = [1, 1]} : vector<16x12800xf32> to vector<16x256xf32>
    %dot_general3A_293 = arith.constant dense<0.000000e+00> : vector<128x256xf32>
    %dot_general3A_294 = tpu.matmul %convert_element_type3A_124, %slice3A_292, %dot_general3A_293 {dimension_numbers = #tpu.dot_dimension_numbers<[1], [0], [0], [1], [0, 0, 1, 1], [], []>, transpose_lhs_hint = false} : vector<128x16xf32>, vector<16x256xf32>, vector<128x256xf32> -> vector<128x256xf32>
    %mul3A_295 = arith.mulf %dot_general3A_294, %convert_element_type3A_88 : vector<128x256xf32>
    %slice3A_296 = vector.extract_strided_slice %get3A_1 {offsets = [6144, 0], sizes = [256, 128], strides = [1, 1]} : vector<12800x128xf32> to vector<256x128xf32>
    %dot_general3A_297 = arith.constant dense<0.000000e+00> : vector<128x128xf32>
    %dot_general3A_298 = tpu.matmul %mul3A_295, %slice3A_296, %dot_general3A_297 {dimension_numbers = #tpu.dot_dimension_numbers<[1], [0], [0], [1], [0, 0, 1, 1], [], []>, transpose_lhs_hint = false} : vector<128x256xf32>, vector<256x128xf32>, vector<128x128xf32> -> vector<128x128xf32>
    %slice3A_299 = vector.extract_strided_slice %mul3A_38 {offsets = [0, 6400], sizes = [16, 256], strides = [1, 1]} : vector<16x12800xf32> to vector<16x256xf32>
    %dot_general3A_300 = arith.constant dense<0.000000e+00> : vector<128x256xf32>
    %dot_general3A_301 = tpu.matmul %convert_element_type3A_124, %slice3A_299, %dot_general3A_300 {dimension_numbers = #tpu.dot_dimension_numbers<[1], [0], [0], [1], [0, 0, 1, 1], [], []>, transpose_lhs_hint = false} : vector<128x16xf32>, vector<16x256xf32>, vector<128x256xf32> -> vector<128x256xf32>
    %mul3A_302 = arith.mulf %dot_general3A_301, %convert_element_type3A_88 : vector<128x256xf32>
    %slice3A_303 = vector.extract_strided_slice %get3A_1 {offsets = [6400, 0], sizes = [256, 128], strides = [1, 1]} : vector<12800x128xf32> to vector<256x128xf32>
    %dot_general3A_304 = arith.constant dense<0.000000e+00> : vector<128x128xf32>
    %dot_general3A_305 = tpu.matmul %mul3A_302, %slice3A_303, %dot_general3A_304 {dimension_numbers = #tpu.dot_dimension_numbers<[1], [0], [0], [1], [0, 0, 1, 1], [], []>, transpose_lhs_hint = false} : vector<128x256xf32>, vector<256x128xf32>, vector<128x128xf32> -> vector<128x128xf32>
    %slice3A_306 = vector.extract_strided_slice %mul3A_38 {offsets = [0, 6656], sizes = [16, 256], strides = [1, 1]} : vector<16x12800xf32> to vector<16x256xf32>
    %dot_general3A_307 = arith.constant dense<0.000000e+00> : vector<128x256xf32>
    %dot_general3A_308 = tpu.matmul %convert_element_type3A_124, %slice3A_306, %dot_general3A_307 {dimension_numbers = #tpu.dot_dimension_numbers<[1], [0], [0], [1], [0, 0, 1, 1], [], []>, transpose_lhs_hint = false} : vector<128x16xf32>, vector<16x256xf32>, vector<128x256xf32> -> vector<128x256xf32>
    %mul3A_309 = arith.mulf %dot_general3A_308, %convert_element_type3A_88 : vector<128x256xf32>
    %slice3A_310 = vector.extract_strided_slice %get3A_1 {offsets = [6656, 0], sizes = [256, 128], strides = [1, 1]} : vector<12800x128xf32> to vector<256x128xf32>
    %dot_general3A_311 = arith.constant dense<0.000000e+00> : vector<128x128xf32>
    %dot_general3A_312 = tpu.matmul %mul3A_309, %slice3A_310, %dot_general3A_311 {dimension_numbers = #tpu.dot_dimension_numbers<[1], [0], [0], [1], [0, 0, 1, 1], [], []>, transpose_lhs_hint = false} : vector<128x256xf32>, vector<256x128xf32>, vector<128x128xf32> -> vector<128x128xf32>
    %slice3A_313 = vector.extract_strided_slice %mul3A_38 {offsets = [0, 6912], sizes = [16, 256], strides = [1, 1]} : vector<16x12800xf32> to vector<16x256xf32>
    %dot_general3A_314 = arith.constant dense<0.000000e+00> : vector<128x256xf32>
    %dot_general3A_315 = tpu.matmul %convert_element_type3A_124, %slice3A_313, %dot_general3A_314 {dimension_numbers = #tpu.dot_dimension_numbers<[1], [0], [0], [1], [0, 0, 1, 1], [], []>, transpose_lhs_hint = false} : vector<128x16xf32>, vector<16x256xf32>, vector<128x256xf32> -> vector<128x256xf32>
    %mul3A_316 = arith.mulf %dot_general3A_315, %convert_element_type3A_88 : vector<128x256xf32>
    %slice3A_317 = vector.extract_strided_slice %get3A_1 {offsets = [6912, 0], sizes = [256, 128], strides = [1, 1]} : vector<12800x128xf32> to vector<256x128xf32>
    %dot_general3A_318 = arith.constant dense<0.000000e+00> : vector<128x128xf32>
    %dot_general3A_319 = tpu.matmul %mul3A_316, %slice3A_317, %dot_general3A_318 {dimension_numbers = #tpu.dot_dimension_numbers<[1], [0], [0], [1], [0, 0, 1, 1], [], []>, transpose_lhs_hint = false} : vector<128x256xf32>, vector<256x128xf32>, vector<128x128xf32> -> vector<128x128xf32>
    %slice3A_320 = vector.extract_strided_slice %mul3A_38 {offsets = [0, 7168], sizes = [16, 256], strides = [1, 1]} : vector<16x12800xf32> to vector<16x256xf32>
    %dot_general3A_321 = arith.constant dense<0.000000e+00> : vector<128x256xf32>
    %dot_general3A_322 = tpu.matmul %convert_element_type3A_124, %slice3A_320, %dot_general3A_321 {dimension_numbers = #tpu.dot_dimension_numbers<[1], [0], [0], [1], [0, 0, 1, 1], [], []>, transpose_lhs_hint = false} : vector<128x16xf32>, vector<16x256xf32>, vector<128x256xf32> -> vector<128x256xf32>
    %mul3A_323 = arith.mulf %dot_general3A_322, %convert_element_type3A_88 : vector<128x256xf32>
    %slice3A_324 = vector.extract_strided_slice %get3A_1 {offsets = [7168, 0], sizes = [256, 128], strides = [1, 1]} : vector<12800x128xf32> to vector<256x128xf32>
    %dot_general3A_325 = arith.constant dense<0.000000e+00> : vector<128x128xf32>
    %dot_general3A_326 = tpu.matmul %mul3A_323, %slice3A_324, %dot_general3A_325 {dimension_numbers = #tpu.dot_dimension_numbers<[1], [0], [0], [1], [0, 0, 1, 1], [], []>, transpose_lhs_hint = false} : vector<128x256xf32>, vector<256x128xf32>, vector<128x128xf32> -> vector<128x128xf32>
    %slice3A_327 = vector.extract_strided_slice %mul3A_38 {offsets = [0, 7424], sizes = [16, 256], strides = [1, 1]} : vector<16x12800xf32> to vector<16x256xf32>
    %dot_general3A_328 = arith.constant dense<0.000000e+00> : vector<128x256xf32>
    %dot_general3A_329 = tpu.matmul %convert_element_type3A_124, %slice3A_327, %dot_general3A_328 {dimension_numbers = #tpu.dot_dimension_numbers<[1], [0], [0], [1], [0, 0, 1, 1], [], []>, transpose_lhs_hint = false} : vector<128x16xf32>, vector<16x256xf32>, vector<128x256xf32> -> vector<128x256xf32>
    %mul3A_330 = arith.mulf %dot_general3A_329, %convert_element_type3A_88 : vector<128x256xf32>
    %slice3A_331 = vector.extract_strided_slice %get3A_1 {offsets = [7424, 0], sizes = [256, 128], strides = [1, 1]} : vector<12800x128xf32> to vector<256x128xf32>
    %dot_general3A_332 = arith.constant dense<0.000000e+00> : vector<128x128xf32>
    %dot_general3A_333 = tpu.matmul %mul3A_330, %slice3A_331, %dot_general3A_332 {dimension_numbers = #tpu.dot_dimension_numbers<[1], [0], [0], [1], [0, 0, 1, 1], [], []>, transpose_lhs_hint = false} : vector<128x256xf32>, vector<256x128xf32>, vector<128x128xf32> -> vector<128x128xf32>
    %slice3A_334 = vector.extract_strided_slice %mul3A_38 {offsets = [0, 7680], sizes = [16, 256], strides = [1, 1]} : vector<16x12800xf32> to vector<16x256xf32>
    %dot_general3A_335 = arith.constant dense<0.000000e+00> : vector<128x256xf32>
    %dot_general3A_336 = tpu.matmul %convert_element_type3A_124, %slice3A_334, %dot_general3A_335 {dimension_numbers = #tpu.dot_dimension_numbers<[1], [0], [0], [1], [0, 0, 1, 1], [], []>, transpose_lhs_hint = false} : vector<128x16xf32>, vector<16x256xf32>, vector<128x256xf32> -> vector<128x256xf32>
    %mul3A_337 = arith.mulf %dot_general3A_336, %convert_element_type3A_88 : vector<128x256xf32>
    %slice3A_338 = vector.extract_strided_slice %get3A_1 {offsets = [7680, 0], sizes = [256, 128], strides = [1, 1]} : vector<12800x128xf32> to vector<256x128xf32>
    %dot_general3A_339 = arith.constant dense<0.000000e+00> : vector<128x128xf32>
    %dot_general3A_340 = tpu.matmul %mul3A_337, %slice3A_338, %dot_general3A_339 {dimension_numbers = #tpu.dot_dimension_numbers<[1], [0], [0], [1], [0, 0, 1, 1], [], []>, transpose_lhs_hint = false} : vector<128x256xf32>, vector<256x128xf32>, vector<128x128xf32> -> vector<128x128xf32>
    %slice3A_341 = vector.extract_strided_slice %mul3A_38 {offsets = [0, 7936], sizes = [16, 256], strides = [1, 1]} : vector<16x12800xf32> to vector<16x256xf32>
    %dot_general3A_342 = arith.constant dense<0.000000e+00> : vector<128x256xf32>
    %dot_general3A_343 = tpu.matmul %convert_element_type3A_124, %slice3A_341, %dot_general3A_342 {dimension_numbers = #tpu.dot_dimension_numbers<[1], [0], [0], [1], [0, 0, 1, 1], [], []>, transpose_lhs_hint = false} : vector<128x16xf32>, vector<16x256xf32>, vector<128x256xf32> -> vector<128x256xf32>
    %mul3A_344 = arith.mulf %dot_general3A_343, %convert_element_type3A_88 : vector<128x256xf32>
    %slice3A_345 = vector.extract_strided_slice %get3A_1 {offsets = [7936, 0], sizes = [256, 128], strides = [1, 1]} : vector<12800x128xf32> to vector<256x128xf32>
    %dot_general3A_346 = arith.constant dense<0.000000e+00> : vector<128x128xf32>
    %dot_general3A_347 = tpu.matmul %mul3A_344, %slice3A_345, %dot_general3A_346 {dimension_numbers = #tpu.dot_dimension_numbers<[1], [0], [0], [1], [0, 0, 1, 1], [], []>, transpose_lhs_hint = false} : vector<128x256xf32>, vector<256x128xf32>, vector<128x128xf32> -> vector<128x128xf32>
    %slice3A_348 = vector.extract_strided_slice %mul3A_38 {offsets = [0, 8192], sizes = [16, 256], strides = [1, 1]} : vector<16x12800xf32> to vector<16x256xf32>
    %dot_general3A_349 = arith.constant dense<0.000000e+00> : vector<128x256xf32>
    %dot_general3A_350 = tpu.matmul %convert_element_type3A_124, %slice3A_348, %dot_general3A_349 {dimension_numbers = #tpu.dot_dimension_numbers<[1], [0], [0], [1], [0, 0, 1, 1], [], []>, transpose_lhs_hint = false} : vector<128x16xf32>, vector<16x256xf32>, vector<128x256xf32> -> vector<128x256xf32>
    %mul3A_351 = arith.mulf %dot_general3A_350, %convert_element_type3A_88 : vector<128x256xf32>
    %slice3A_352 = vector.extract_strided_slice %get3A_1 {offsets = [8192, 0], sizes = [256, 128], strides = [1, 1]} : vector<12800x128xf32> to vector<256x128xf32>
    %dot_general3A_353 = arith.constant dense<0.000000e+00> : vector<128x128xf32>
    %dot_general3A_354 = tpu.matmul %mul3A_351, %slice3A_352, %dot_general3A_353 {dimension_numbers = #tpu.dot_dimension_numbers<[1], [0], [0], [1], [0, 0, 1, 1], [], []>, transpose_lhs_hint = false} : vector<128x256xf32>, vector<256x128xf32>, vector<128x128xf32> -> vector<128x128xf32>
    %slice3A_355 = vector.extract_strided_slice %mul3A_38 {offsets = [0, 8448], sizes = [16, 256], strides = [1, 1]} : vector<16x12800xf32> to vector<16x256xf32>
    %dot_general3A_356 = arith.constant dense<0.000000e+00> : vector<128x256xf32>
    %dot_general3A_357 = tpu.matmul %convert_element_type3A_124, %slice3A_355, %dot_general3A_356 {dimension_numbers = #tpu.dot_dimension_numbers<[1], [0], [0], [1], [0, 0, 1, 1], [], []>, transpose_lhs_hint = false} : vector<128x16xf32>, vector<16x256xf32>, vector<128x256xf32> -> vector<128x256xf32>
    %mul3A_358 = arith.mulf %dot_general3A_357, %convert_element_type3A_88 : vector<128x256xf32>
    %slice3A_359 = vector.extract_strided_slice %get3A_1 {offsets = [8448, 0], sizes = [256, 128], strides = [1, 1]} : vector<12800x128xf32> to vector<256x128xf32>
    %dot_general3A_360 = arith.constant dense<0.000000e+00> : vector<128x128xf32>
    %dot_general3A_361 = tpu.matmul %mul3A_358, %slice3A_359, %dot_general3A_360 {dimension_numbers = #tpu.dot_dimension_numbers<[1], [0], [0], [1], [0, 0, 1, 1], [], []>, transpose_lhs_hint = false} : vector<128x256xf32>, vector<256x128xf32>, vector<128x128xf32> -> vector<128x128xf32>
    %slice3A_362 = vector.extract_strided_slice %mul3A_38 {offsets = [0, 8704], sizes = [16, 256], strides = [1, 1]} : vector<16x12800xf32> to vector<16x256xf32>
    %dot_general3A_363 = arith.constant dense<0.000000e+00> : vector<128x256xf32>
    %dot_general3A_364 = tpu.matmul %convert_element_type3A_124, %slice3A_362, %dot_general3A_363 {dimension_numbers = #tpu.dot_dimension_numbers<[1], [0], [0], [1], [0, 0, 1, 1], [], []>, transpose_lhs_hint = false} : vector<128x16xf32>, vector<16x256xf32>, vector<128x256xf32> -> vector<128x256xf32>
    %mul3A_365 = arith.mulf %dot_general3A_364, %convert_element_type3A_88 : vector<128x256xf32>
    %slice3A_366 = vector.extract_strided_slice %get3A_1 {offsets = [8704, 0], sizes = [256, 128], strides = [1, 1]} : vector<12800x128xf32> to vector<256x128xf32>
    %dot_general3A_367 = arith.constant dense<0.000000e+00> : vector<128x128xf32>
    %dot_general3A_368 = tpu.matmul %mul3A_365, %slice3A_366, %dot_general3A_367 {dimension_numbers = #tpu.dot_dimension_numbers<[1], [0], [0], [1], [0, 0, 1, 1], [], []>, transpose_lhs_hint = false} : vector<128x256xf32>, vector<256x128xf32>, vector<128x128xf32> -> vector<128x128xf32>
    %slice3A_369 = vector.extract_strided_slice %mul3A_38 {offsets = [0, 8960], sizes = [16, 256], strides = [1, 1]} : vector<16x12800xf32> to vector<16x256xf32>
    %dot_general3A_370 = arith.constant dense<0.000000e+00> : vector<128x256xf32>
    %dot_general3A_371 = tpu.matmul %convert_element_type3A_124, %slice3A_369, %dot_general3A_370 {dimension_numbers = #tpu.dot_dimension_numbers<[1], [0], [0], [1], [0, 0, 1, 1], [], []>, transpose_lhs_hint = false} : vector<128x16xf32>, vector<16x256xf32>, vector<128x256xf32> -> vector<128x256xf32>
    %mul3A_372 = arith.mulf %dot_general3A_371, %convert_element_type3A_88 : vector<128x256xf32>
    %slice3A_373 = vector.extract_strided_slice %get3A_1 {offsets = [8960, 0], sizes = [256, 128], strides = [1, 1]} : vector<12800x128xf32> to vector<256x128xf32>
    %dot_general3A_374 = arith.constant dense<0.000000e+00> : vector<128x128xf32>
    %dot_general3A_375 = tpu.matmul %mul3A_372, %slice3A_373, %dot_general3A_374 {dimension_numbers = #tpu.dot_dimension_numbers<[1], [0], [0], [1], [0, 0, 1, 1], [], []>, transpose_lhs_hint = false} : vector<128x256xf32>, vector<256x128xf32>, vector<128x128xf32> -> vector<128x128xf32>
    %slice3A_376 = vector.extract_strided_slice %mul3A_38 {offsets = [0, 9216], sizes = [16, 256], strides = [1, 1]} : vector<16x12800xf32> to vector<16x256xf32>
    %dot_general3A_377 = arith.constant dense<0.000000e+00> : vector<128x256xf32>
    %dot_general3A_378 = tpu.matmul %convert_element_type3A_124, %slice3A_376, %dot_general3A_377 {dimension_numbers = #tpu.dot_dimension_numbers<[1], [0], [0], [1], [0, 0, 1, 1], [], []>, transpose_lhs_hint = false} : vector<128x16xf32>, vector<16x256xf32>, vector<128x256xf32> -> vector<128x256xf32>
    %mul3A_379 = arith.mulf %dot_general3A_378, %convert_element_type3A_88 : vector<128x256xf32>
    %slice3A_380 = vector.extract_strided_slice %get3A_1 {offsets = [9216, 0], sizes = [256, 128], strides = [1, 1]} : vector<12800x128xf32> to vector<256x128xf32>
    %dot_general3A_381 = arith.constant dense<0.000000e+00> : vector<128x128xf32>
    %dot_general3A_382 = tpu.matmul %mul3A_379, %slice3A_380, %dot_general3A_381 {dimension_numbers = #tpu.dot_dimension_numbers<[1], [0], [0], [1], [0, 0, 1, 1], [], []>, transpose_lhs_hint = false} : vector<128x256xf32>, vector<256x128xf32>, vector<128x128xf32> -> vector<128x128xf32>
    %slice3A_383 = vector.extract_strided_slice %mul3A_38 {offsets = [0, 9472], sizes = [16, 256], strides = [1, 1]} : vector<16x12800xf32> to vector<16x256xf32>
    %dot_general3A_384 = arith.constant dense<0.000000e+00> : vector<128x256xf32>
    %dot_general3A_385 = tpu.matmul %convert_element_type3A_124, %slice3A_383, %dot_general3A_384 {dimension_numbers = #tpu.dot_dimension_numbers<[1], [0], [0], [1], [0, 0, 1, 1], [], []>, transpose_lhs_hint = false} : vector<128x16xf32>, vector<16x256xf32>, vector<128x256xf32> -> vector<128x256xf32>
    %mul3A_386 = arith.mulf %dot_general3A_385, %convert_element_type3A_88 : vector<128x256xf32>
    %slice3A_387 = vector.extract_strided_slice %get3A_1 {offsets = [9472, 0], sizes = [256, 128], strides = [1, 1]} : vector<12800x128xf32> to vector<256x128xf32>
    %dot_general3A_388 = arith.constant dense<0.000000e+00> : vector<128x128xf32>
    %dot_general3A_389 = tpu.matmul %mul3A_386, %slice3A_387, %dot_general3A_388 {dimension_numbers = #tpu.dot_dimension_numbers<[1], [0], [0], [1], [0, 0, 1, 1], [], []>, transpose_lhs_hint = false} : vector<128x256xf32>, vector<256x128xf32>, vector<128x128xf32> -> vector<128x128xf32>
    %slice3A_390 = vector.extract_strided_slice %mul3A_38 {offsets = [0, 9728], sizes = [16, 256], strides = [1, 1]} : vector<16x12800xf32> to vector<16x256xf32>
    %dot_general3A_391 = arith.constant dense<0.000000e+00> : vector<128x256xf32>
    %dot_general3A_392 = tpu.matmul %convert_element_type3A_124, %slice3A_390, %dot_general3A_391 {dimension_numbers = #tpu.dot_dimension_numbers<[1], [0], [0], [1], [0, 0, 1, 1], [], []>, transpose_lhs_hint = false} : vector<128x16xf32>, vector<16x256xf32>, vector<128x256xf32> -> vector<128x256xf32>
    %mul3A_393 = arith.mulf %dot_general3A_392, %convert_element_type3A_88 : vector<128x256xf32>
    %slice3A_394 = vector.extract_strided_slice %get3A_1 {offsets = [9728, 0], sizes = [256, 128], strides = [1, 1]} : vector<12800x128xf32> to vector<256x128xf32>
    %dot_general3A_395 = arith.constant dense<0.000000e+00> : vector<128x128xf32>
    %dot_general3A_396 = tpu.matmul %mul3A_393, %slice3A_394, %dot_general3A_395 {dimension_numbers = #tpu.dot_dimension_numbers<[1], [0], [0], [1], [0, 0, 1, 1], [], []>, transpose_lhs_hint = false} : vector<128x256xf32>, vector<256x128xf32>, vector<128x128xf32> -> vector<128x128xf32>
    %slice3A_397 = vector.extract_strided_slice %mul3A_38 {offsets = [0, 9984], sizes = [16, 256], strides = [1, 1]} : vector<16x12800xf32> to vector<16x256xf32>
    %dot_general3A_398 = arith.constant dense<0.000000e+00> : vector<128x256xf32>
    %dot_general3A_399 = tpu.matmul %convert_element_type3A_124, %slice3A_397, %dot_general3A_398 {dimension_numbers = #tpu.dot_dimension_numbers<[1], [0], [0], [1], [0, 0, 1, 1], [], []>, transpose_lhs_hint = false} : vector<128x16xf32>, vector<16x256xf32>, vector<128x256xf32> -> vector<128x256xf32>
    %mul3A_400 = arith.mulf %dot_general3A_399, %convert_element_type3A_88 : vector<128x256xf32>
    %slice3A_401 = vector.extract_strided_slice %get3A_1 {offsets = [9984, 0], sizes = [256, 128], strides = [1, 1]} : vector<12800x128xf32> to vector<256x128xf32>
    %dot_general3A_402 = arith.constant dense<0.000000e+00> : vector<128x128xf32>
    %dot_general3A_403 = tpu.matmul %mul3A_400, %slice3A_401, %dot_general3A_402 {dimension_numbers = #tpu.dot_dimension_numbers<[1], [0], [0], [1], [0, 0, 1, 1], [], []>, transpose_lhs_hint = false} : vector<128x256xf32>, vector<256x128xf32>, vector<128x128xf32> -> vector<128x128xf32>
    %slice3A_404 = vector.extract_strided_slice %mul3A_38 {offsets = [0, 10240], sizes = [16, 256], strides = [1, 1]} : vector<16x12800xf32> to vector<16x256xf32>
    %dot_general3A_405 = arith.constant dense<0.000000e+00> : vector<128x256xf32>
    %dot_general3A_406 = tpu.matmul %convert_element_type3A_124, %slice3A_404, %dot_general3A_405 {dimension_numbers = #tpu.dot_dimension_numbers<[1], [0], [0], [1], [0, 0, 1, 1], [], []>, transpose_lhs_hint = false} : vector<128x16xf32>, vector<16x256xf32>, vector<128x256xf32> -> vector<128x256xf32>
    %mul3A_407 = arith.mulf %dot_general3A_406, %convert_element_type3A_88 : vector<128x256xf32>
    %slice3A_408 = vector.extract_strided_slice %get3A_1 {offsets = [10240, 0], sizes = [256, 128], strides = [1, 1]} : vector<12800x128xf32> to vector<256x128xf32>
    %dot_general3A_409 = arith.constant dense<0.000000e+00> : vector<128x128xf32>
    %dot_general3A_410 = tpu.matmul %mul3A_407, %slice3A_408, %dot_general3A_409 {dimension_numbers = #tpu.dot_dimension_numbers<[1], [0], [0], [1], [0, 0, 1, 1], [], []>, transpose_lhs_hint = false} : vector<128x256xf32>, vector<256x128xf32>, vector<128x128xf32> -> vector<128x128xf32>
    %slice3A_411 = vector.extract_strided_slice %mul3A_38 {offsets = [0, 10496], sizes = [16, 256], strides = [1, 1]} : vector<16x12800xf32> to vector<16x256xf32>
    %dot_general3A_412 = arith.constant dense<0.000000e+00> : vector<128x256xf32>
    %dot_general3A_413 = tpu.matmul %convert_element_type3A_124, %slice3A_411, %dot_general3A_412 {dimension_numbers = #tpu.dot_dimension_numbers<[1], [0], [0], [1], [0, 0, 1, 1], [], []>, transpose_lhs_hint = false} : vector<128x16xf32>, vector<16x256xf32>, vector<128x256xf32> -> vector<128x256xf32>
    %mul3A_414 = arith.mulf %dot_general3A_413, %convert_element_type3A_88 : vector<128x256xf32>
    %slice3A_415 = vector.extract_strided_slice %get3A_1 {offsets = [10496, 0], sizes = [256, 128], strides = [1, 1]} : vector<12800x128xf32> to vector<256x128xf32>
    %dot_general3A_416 = arith.constant dense<0.000000e+00> : vector<128x128xf32>
    %dot_general3A_417 = tpu.matmul %mul3A_414, %slice3A_415, %dot_general3A_416 {dimension_numbers = #tpu.dot_dimension_numbers<[1], [0], [0], [1], [0, 0, 1, 1], [], []>, transpose_lhs_hint = false} : vector<128x256xf32>, vector<256x128xf32>, vector<128x128xf32> -> vector<128x128xf32>
    %slice3A_418 = vector.extract_strided_slice %mul3A_38 {offsets = [0, 10752], sizes = [16, 256], strides = [1, 1]} : vector<16x12800xf32> to vector<16x256xf32>
    %dot_general3A_419 = arith.constant dense<0.000000e+00> : vector<128x256xf32>
    %dot_general3A_420 = tpu.matmul %convert_element_type3A_124, %slice3A_418, %dot_general3A_419 {dimension_numbers = #tpu.dot_dimension_numbers<[1], [0], [0], [1], [0, 0, 1, 1], [], []>, transpose_lhs_hint = false} : vector<128x16xf32>, vector<16x256xf32>, vector<128x256xf32> -> vector<128x256xf32>
    %mul3A_421 = arith.mulf %dot_general3A_420, %convert_element_type3A_88 : vector<128x256xf32>
    %slice3A_422 = vector.extract_strided_slice %get3A_1 {offsets = [10752, 0], sizes = [256, 128], strides = [1, 1]} : vector<12800x128xf32> to vector<256x128xf32>
    %dot_general3A_423 = arith.constant dense<0.000000e+00> : vector<128x128xf32>
    %dot_general3A_424 = tpu.matmul %mul3A_421, %slice3A_422, %dot_general3A_423 {dimension_numbers = #tpu.dot_dimension_numbers<[1], [0], [0], [1], [0, 0, 1, 1], [], []>, transpose_lhs_hint = false} : vector<128x256xf32>, vector<256x128xf32>, vector<128x128xf32> -> vector<128x128xf32>
    %slice3A_425 = vector.extract_strided_slice %mul3A_38 {offsets = [0, 11008], sizes = [16, 256], strides = [1, 1]} : vector<16x12800xf32> to vector<16x256xf32>
    %dot_general3A_426 = arith.constant dense<0.000000e+00> : vector<128x256xf32>
    %dot_general3A_427 = tpu.matmul %convert_element_type3A_124, %slice3A_425, %dot_general3A_426 {dimension_numbers = #tpu.dot_dimension_numbers<[1], [0], [0], [1], [0, 0, 1, 1], [], []>, transpose_lhs_hint = false} : vector<128x16xf32>, vector<16x256xf32>, vector<128x256xf32> -> vector<128x256xf32>
    %mul3A_428 = arith.mulf %dot_general3A_427, %convert_element_type3A_88 : vector<128x256xf32>
    %slice3A_429 = vector.extract_strided_slice %get3A_1 {offsets = [11008, 0], sizes = [256, 128], strides = [1, 1]} : vector<12800x128xf32> to vector<256x128xf32>
    %dot_general3A_430 = arith.constant dense<0.000000e+00> : vector<128x128xf32>
    %dot_general3A_431 = tpu.matmul %mul3A_428, %slice3A_429, %dot_general3A_430 {dimension_numbers = #tpu.dot_dimension_numbers<[1], [0], [0], [1], [0, 0, 1, 1], [], []>, transpose_lhs_hint = false} : vector<128x256xf32>, vector<256x128xf32>, vector<128x128xf32> -> vector<128x128xf32>
    %slice3A_432 = vector.extract_strided_slice %mul3A_38 {offsets = [0, 11264], sizes = [16, 256], strides = [1, 1]} : vector<16x12800xf32> to vector<16x256xf32>
    %dot_general3A_433 = arith.constant dense<0.000000e+00> : vector<128x256xf32>
    %dot_general3A_434 = tpu.matmul %convert_element_type3A_124, %slice3A_432, %dot_general3A_433 {dimension_numbers = #tpu.dot_dimension_numbers<[1], [0], [0], [1], [0, 0, 1, 1], [], []>, transpose_lhs_hint = false} : vector<128x16xf32>, vector<16x256xf32>, vector<128x256xf32> -> vector<128x256xf32>
    %mul3A_435 = arith.mulf %dot_general3A_434, %convert_element_type3A_88 : vector<128x256xf32>
    %slice3A_436 = vector.extract_strided_slice %get3A_1 {offsets = [11264, 0], sizes = [256, 128], strides = [1, 1]} : vector<12800x128xf32> to vector<256x128xf32>
    %dot_general3A_437 = arith.constant dense<0.000000e+00> : vector<128x128xf32>
    %dot_general3A_438 = tpu.matmul %mul3A_435, %slice3A_436, %dot_general3A_437 {dimension_numbers = #tpu.dot_dimension_numbers<[1], [0], [0], [1], [0, 0, 1, 1], [], []>, transpose_lhs_hint = false} : vector<128x256xf32>, vector<256x128xf32>, vector<128x128xf32> -> vector<128x128xf32>
    %slice3A_439 = vector.extract_strided_slice %mul3A_38 {offsets = [0, 11520], sizes = [16, 256], strides = [1, 1]} : vector<16x12800xf32> to vector<16x256xf32>
    %dot_general3A_440 = arith.constant dense<0.000000e+00> : vector<128x256xf32>
    %dot_general3A_441 = tpu.matmul %convert_element_type3A_124, %slice3A_439, %dot_general3A_440 {dimension_numbers = #tpu.dot_dimension_numbers<[1], [0], [0], [1], [0, 0, 1, 1], [], []>, transpose_lhs_hint = false} : vector<128x16xf32>, vector<16x256xf32>, vector<128x256xf32> -> vector<128x256xf32>
    %mul3A_442 = arith.mulf %dot_general3A_441, %convert_element_type3A_88 : vector<128x256xf32>
    %slice3A_443 = vector.extract_strided_slice %get3A_1 {offsets = [11520, 0], sizes = [256, 128], strides = [1, 1]} : vector<12800x128xf32> to vector<256x128xf32>
    %dot_general3A_444 = arith.constant dense<0.000000e+00> : vector<128x128xf32>
    %dot_general3A_445 = tpu.matmul %mul3A_442, %slice3A_443, %dot_general3A_444 {dimension_numbers = #tpu.dot_dimension_numbers<[1], [0], [0], [1], [0, 0, 1, 1], [], []>, transpose_lhs_hint = false} : vector<128x256xf32>, vector<256x128xf32>, vector<128x128xf32> -> vector<128x128xf32>
    %slice3A_446 = vector.extract_strided_slice %mul3A_38 {offsets = [0, 11776], sizes = [16, 256], strides = [1, 1]} : vector<16x12800xf32> to vector<16x256xf32>
    %dot_general3A_447 = arith.constant dense<0.000000e+00> : vector<128x256xf32>
    %dot_general3A_448 = tpu.matmul %convert_element_type3A_124, %slice3A_446, %dot_general3A_447 {dimension_numbers = #tpu.dot_dimension_numbers<[1], [0], [0], [1], [0, 0, 1, 1], [], []>, transpose_lhs_hint = false} : vector<128x16xf32>, vector<16x256xf32>, vector<128x256xf32> -> vector<128x256xf32>
    %mul3A_449 = arith.mulf %dot_general3A_448, %convert_element_type3A_88 : vector<128x256xf32>
    %slice3A_450 = vector.extract_strided_slice %get3A_1 {offsets = [11776, 0], sizes = [256, 128], strides = [1, 1]} : vector<12800x128xf32> to vector<256x128xf32>
    %dot_general3A_451 = arith.constant dense<0.000000e+00> : vector<128x128xf32>
    %dot_general3A_452 = tpu.matmul %mul3A_449, %slice3A_450, %dot_general3A_451 {dimension_numbers = #tpu.dot_dimension_numbers<[1], [0], [0], [1], [0, 0, 1, 1], [], []>, transpose_lhs_hint = false} : vector<128x256xf32>, vector<256x128xf32>, vector<128x128xf32> -> vector<128x128xf32>
    %slice3A_453 = vector.extract_strided_slice %mul3A_38 {offsets = [0, 12032], sizes = [16, 256], strides = [1, 1]} : vector<16x12800xf32> to vector<16x256xf32>
    %dot_general3A_454 = arith.constant dense<0.000000e+00> : vector<128x256xf32>
    %dot_general3A_455 = tpu.matmul %convert_element_type3A_124, %slice3A_453, %dot_general3A_454 {dimension_numbers = #tpu.dot_dimension_numbers<[1], [0], [0], [1], [0, 0, 1, 1], [], []>, transpose_lhs_hint = false} : vector<128x16xf32>, vector<16x256xf32>, vector<128x256xf32> -> vector<128x256xf32>
    %mul3A_456 = arith.mulf %dot_general3A_455, %convert_element_type3A_88 : vector<128x256xf32>
    %slice3A_457 = vector.extract_strided_slice %get3A_1 {offsets = [12032, 0], sizes = [256, 128], strides = [1, 1]} : vector<12800x128xf32> to vector<256x128xf32>
    %dot_general3A_458 = arith.constant dense<0.000000e+00> : vector<128x128xf32>
    %dot_general3A_459 = tpu.matmul %mul3A_456, %slice3A_457, %dot_general3A_458 {dimension_numbers = #tpu.dot_dimension_numbers<[1], [0], [0], [1], [0, 0, 1, 1], [], []>, transpose_lhs_hint = false} : vector<128x256xf32>, vector<256x128xf32>, vector<128x128xf32> -> vector<128x128xf32>
    %slice3A_460 = vector.extract_strided_slice %mul3A_38 {offsets = [0, 12288], sizes = [16, 256], strides = [1, 1]} : vector<16x12800xf32> to vector<16x256xf32>
    %dot_general3A_461 = arith.constant dense<0.000000e+00> : vector<128x256xf32>
    %dot_general3A_462 = tpu.matmul %convert_element_type3A_124, %slice3A_460, %dot_general3A_461 {dimension_numbers = #tpu.dot_dimension_numbers<[1], [0], [0], [1], [0, 0, 1, 1], [], []>, transpose_lhs_hint = false} : vector<128x16xf32>, vector<16x256xf32>, vector<128x256xf32> -> vector<128x256xf32>
    %mul3A_463 = arith.mulf %dot_general3A_462, %convert_element_type3A_88 : vector<128x256xf32>
    %slice3A_464 = vector.extract_strided_slice %get3A_1 {offsets = [12288, 0], sizes = [256, 128], strides = [1, 1]} : vector<12800x128xf32> to vector<256x128xf32>
    %dot_general3A_465 = arith.constant dense<0.000000e+00> : vector<128x128xf32>
    %dot_general3A_466 = tpu.matmul %mul3A_463, %slice3A_464, %dot_general3A_465 {dimension_numbers = #tpu.dot_dimension_numbers<[1], [0], [0], [1], [0, 0, 1, 1], [], []>, transpose_lhs_hint = false} : vector<128x256xf32>, vector<256x128xf32>, vector<128x128xf32> -> vector<128x128xf32>
    %slice3A_467 = vector.extract_strided_slice %mul3A_38 {offsets = [0, 12544], sizes = [16, 256], strides = [1, 1]} : vector<16x12800xf32> to vector<16x256xf32>
    %dot_general3A_468 = arith.constant dense<0.000000e+00> : vector<128x256xf32>
    %dot_general3A_469 = tpu.matmul %convert_element_type3A_124, %slice3A_467, %dot_general3A_468 {dimension_numbers = #tpu.dot_dimension_numbers<[1], [0], [0], [1], [0, 0, 1, 1], [], []>, transpose_lhs_hint = false} : vector<128x16xf32>, vector<16x256xf32>, vector<128x256xf32> -> vector<128x256xf32>
    %mul3A_470 = arith.mulf %dot_general3A_469, %convert_element_type3A_88 : vector<128x256xf32>
    %slice3A_471 = vector.extract_strided_slice %get3A_1 {offsets = [12544, 0], sizes = [256, 128], strides = [1, 1]} : vector<12800x128xf32> to vector<256x128xf32>
    %dot_general3A_472 = arith.constant dense<0.000000e+00> : vector<128x128xf32>
    %dot_general3A_473 = tpu.matmul %mul3A_470, %slice3A_471, %dot_general3A_472 {dimension_numbers = #tpu.dot_dimension_numbers<[1], [0], [0], [1], [0, 0, 1, 1], [], []>, transpose_lhs_hint = false} : vector<128x256xf32>, vector<256x128xf32>, vector<128x128xf32> -> vector<128x128xf32>
    %concatenate3A = tpu.concatenate %dot_general3A_130, %dot_general3A_137, %dot_general3A_144, %dot_general3A_151, %dot_general3A_158, %dot_general3A_165, %dot_general3A_172, %dot_general3A_179, %dot_general3A_186, %dot_general3A_193, %dot_general3A_200, %dot_general3A_207, %dot_general3A_214, %dot_general3A_221, %dot_general3A_228, %dot_general3A_235, %dot_general3A_242, %dot_general3A_249, %dot_general3A_256, %dot_general3A_263, %dot_general3A_270, %dot_general3A_277, %dot_general3A_284, %dot_general3A_291, %dot_general3A_298, %dot_general3A_305, %dot_general3A_312, %dot_general3A_319, %dot_general3A_326, %dot_general3A_333, %dot_general3A_340, %dot_general3A_347, %dot_general3A_354, %dot_general3A_361, %dot_general3A_368, %dot_general3A_375, %dot_general3A_382, %dot_general3A_389, %dot_general3A_396, %dot_general3A_403, %dot_general3A_410, %dot_general3A_417, %dot_general3A_424, %dot_general3A_431, %dot_general3A_438, %dot_general3A_445, %dot_general3A_452, %dot_general3A_459, %dot_general3A_466, %dot_general3A_473 in 0 : vector<128x128xf32>, vector<128x128xf32>, vector<128x128xf32>, vector<128x128xf32>, vector<128x128xf32>, vector<128x128xf32>, vector<128x128xf32>, vector<128x128xf32>, vector<128x128xf32>, vector<128x128xf32>, vector<128x128xf32>, vector<128x128xf32>, vector<128x128xf32>, vector<128x128xf32>, vector<128x128xf32>, vector<128x128xf32>, vector<128x128xf32>, vector<128x128xf32>, vector<128x128xf32>, vector<128x128xf32>, vector<128x128xf32>, vector<128x128xf32>, vector<128x128xf32>, vector<128x128xf32>, vector<128x128xf32>, vector<128x128xf32>, vector<128x128xf32>, vector<128x128xf32>, vector<128x128xf32>, vector<128x128xf32>, vector<128x128xf32>, vector<128x128xf32>, vector<128x128xf32>, vector<128x128xf32>, vector<128x128xf32>, vector<128x128xf32>, vector<128x128xf32>, vector<128x128xf32>, vector<128x128xf32>, vector<128x128xf32>, vector<128x128xf32>, vector<128x128xf32>, vector<128x128xf32>, vector<128x128xf32>, vector<128x128xf32>, vector<128x128xf32>, vector<128x128xf32>, vector<128x128xf32>, vector<128x128xf32>, vector<128x128xf32> -> vector<6400x128xf32>
    %reshape3A = vector.shape_cast %concatenate3A : vector<6400x128xf32> to vector<50x16x8x128xf32>
    %broadcast_in_dim3A_474 = arith.constant 0.000000e+00 : f32
    %broadcast_in_dim3A_475 = vector.broadcast %broadcast_in_dim3A_474 : f32 to vector<400x128xf32>
    %slice3A_476 = vector.extract_strided_slice %reshape3A {offsets = [0, 0, 0, 0], sizes = [50, 1, 8, 128], strides = [1, 1, 1, 1]} : vector<50x16x8x128xf32> to vector<50x1x8x128xf32>
    %squeeze3A = vector.shape_cast %slice3A_476 : vector<50x1x8x128xf32> to vector<50x8x128xf32>
    %reshape3A_477 = vector.shape_cast %squeeze3A : vector<50x8x128xf32> to vector<400x128xf32>
    %get3A_478 = arith.constant 0 : index
    %get3A_479 = arith.constant 0 : index
    %get3A_480 = arith.constant 0 : index
    %get3A_481 = vector.load %arg5[%get3A_478, %get3A_479, %get3A_480] : memref<15x128x128xf32, #tpu.memory_space<vmem>>, vector<1x128x128xf32>
    %get3A_482 = vector.shape_cast %get3A_481 : vector<1x128x128xf32> to vector<128x128xf32>
    %dot_general3A_483 = arith.constant dense<0.000000e+00> : vector<400x128xf32>
    %dot_general3A_484 = tpu.matmul %reshape3A_477, %get3A_482, %dot_general3A_483 {dimension_numbers = #tpu.dot_dimension_numbers<[1], [0], [0], [1], [0, 0, 1, 1], [], []>, transpose_lhs_hint = false} : vector<400x128xf32>, vector<128x128xf32>, vector<400x128xf32> -> vector<400x128xf32>
    %add3A_485 = arith.addf %broadcast_in_dim3A_475, %dot_general3A_484 : vector<400x128xf32>
    %slice3A_486 = vector.extract_strided_slice %reshape3A {offsets = [0, 1, 0, 0], sizes = [50, 1, 8, 128], strides = [1, 1, 1, 1]} : vector<50x16x8x128xf32> to vector<50x1x8x128xf32>
    %squeeze3A_487 = vector.shape_cast %slice3A_486 : vector<50x1x8x128xf32> to vector<50x8x128xf32>
    %reshape3A_488 = vector.shape_cast %squeeze3A_487 : vector<50x8x128xf32> to vector<400x128xf32>
    %get3A_489 = arith.constant 1 : index
    %get3A_490 = arith.constant 0 : index
    %get3A_491 = arith.constant 0 : index
    %get3A_492 = vector.load %arg5[%get3A_489, %get3A_490, %get3A_491] : memref<15x128x128xf32, #tpu.memory_space<vmem>>, vector<1x128x128xf32>
    %get3A_493 = vector.shape_cast %get3A_492 : vector<1x128x128xf32> to vector<128x128xf32>
    %dot_general3A_494 = arith.constant dense<0.000000e+00> : vector<400x128xf32>
    %dot_general3A_495 = tpu.matmul %reshape3A_488, %get3A_493, %dot_general3A_494 {dimension_numbers = #tpu.dot_dimension_numbers<[1], [0], [0], [1], [0, 0, 1, 1], [], []>, transpose_lhs_hint = false} : vector<400x128xf32>, vector<128x128xf32>, vector<400x128xf32> -> vector<400x128xf32>
    %add3A_496 = arith.addf %add3A_485, %dot_general3A_495 : vector<400x128xf32>
    %slice3A_497 = vector.extract_strided_slice %reshape3A {offsets = [0, 2, 0, 0], sizes = [50, 1, 8, 128], strides = [1, 1, 1, 1]} : vector<50x16x8x128xf32> to vector<50x1x8x128xf32>
    %squeeze3A_498 = vector.shape_cast %slice3A_497 : vector<50x1x8x128xf32> to vector<50x8x128xf32>
    %reshape3A_499 = vector.shape_cast %squeeze3A_498 : vector<50x8x128xf32> to vector<400x128xf32>
    %get3A_500 = arith.constant 2 : index
    %get3A_501 = arith.constant 0 : index
    %get3A_502 = arith.constant 0 : index
    %get3A_503 = vector.load %arg5[%get3A_500, %get3A_501, %get3A_502] : memref<15x128x128xf32, #tpu.memory_space<vmem>>, vector<1x128x128xf32>
    %get3A_504 = vector.shape_cast %get3A_503 : vector<1x128x128xf32> to vector<128x128xf32>
    %dot_general3A_505 = arith.constant dense<0.000000e+00> : vector<400x128xf32>
    %dot_general3A_506 = tpu.matmul %reshape3A_499, %get3A_504, %dot_general3A_505 {dimension_numbers = #tpu.dot_dimension_numbers<[1], [0], [0], [1], [0, 0, 1, 1], [], []>, transpose_lhs_hint = false} : vector<400x128xf32>, vector<128x128xf32>, vector<400x128xf32> -> vector<400x128xf32>
    %add3A_507 = arith.addf %add3A_496, %dot_general3A_506 : vector<400x128xf32>
    %slice3A_508 = vector.extract_strided_slice %reshape3A {offsets = [0, 3, 0, 0], sizes = [50, 1, 8, 128], strides = [1, 1, 1, 1]} : vector<50x16x8x128xf32> to vector<50x1x8x128xf32>
    %squeeze3A_509 = vector.shape_cast %slice3A_508 : vector<50x1x8x128xf32> to vector<50x8x128xf32>
    %reshape3A_510 = vector.shape_cast %squeeze3A_509 : vector<50x8x128xf32> to vector<400x128xf32>
    %get3A_511 = arith.constant 3 : index
    %get3A_512 = arith.constant 0 : index
    %get3A_513 = arith.constant 0 : index
    %get3A_514 = vector.load %arg5[%get3A_511, %get3A_512, %get3A_513] : memref<15x128x128xf32, #tpu.memory_space<vmem>>, vector<1x128x128xf32>
    %get3A_515 = vector.shape_cast %get3A_514 : vector<1x128x128xf32> to vector<128x128xf32>
    %dot_general3A_516 = arith.constant dense<0.000000e+00> : vector<400x128xf32>
    %dot_general3A_517 = tpu.matmul %reshape3A_510, %get3A_515, %dot_general3A_516 {dimension_numbers = #tpu.dot_dimension_numbers<[1], [0], [0], [1], [0, 0, 1, 1], [], []>, transpose_lhs_hint = false} : vector<400x128xf32>, vector<128x128xf32>, vector<400x128xf32> -> vector<400x128xf32>
    %add3A_518 = arith.addf %add3A_507, %dot_general3A_517 : vector<400x128xf32>
    %slice3A_519 = vector.extract_strided_slice %reshape3A {offsets = [0, 4, 0, 0], sizes = [50, 1, 8, 128], strides = [1, 1, 1, 1]} : vector<50x16x8x128xf32> to vector<50x1x8x128xf32>
    %squeeze3A_520 = vector.shape_cast %slice3A_519 : vector<50x1x8x128xf32> to vector<50x8x128xf32>
    %reshape3A_521 = vector.shape_cast %squeeze3A_520 : vector<50x8x128xf32> to vector<400x128xf32>
    %get3A_522 = arith.constant 4 : index
    %get3A_523 = arith.constant 0 : index
    %get3A_524 = arith.constant 0 : index
    %get3A_525 = vector.load %arg5[%get3A_522, %get3A_523, %get3A_524] : memref<15x128x128xf32, #tpu.memory_space<vmem>>, vector<1x128x128xf32>
    %get3A_526 = vector.shape_cast %get3A_525 : vector<1x128x128xf32> to vector<128x128xf32>
    %dot_general3A_527 = arith.constant dense<0.000000e+00> : vector<400x128xf32>
    %dot_general3A_528 = tpu.matmul %reshape3A_521, %get3A_526, %dot_general3A_527 {dimension_numbers = #tpu.dot_dimension_numbers<[1], [0], [0], [1], [0, 0, 1, 1], [], []>, transpose_lhs_hint = false} : vector<400x128xf32>, vector<128x128xf32>, vector<400x128xf32> -> vector<400x128xf32>
    %add3A_529 = arith.addf %add3A_518, %dot_general3A_528 : vector<400x128xf32>
    %slice3A_530 = vector.extract_strided_slice %reshape3A {offsets = [0, 5, 0, 0], sizes = [50, 1, 8, 128], strides = [1, 1, 1, 1]} : vector<50x16x8x128xf32> to vector<50x1x8x128xf32>
    %squeeze3A_531 = vector.shape_cast %slice3A_530 : vector<50x1x8x128xf32> to vector<50x8x128xf32>
    %reshape3A_532 = vector.shape_cast %squeeze3A_531 : vector<50x8x128xf32> to vector<400x128xf32>
    %get3A_533 = arith.constant 5 : index
    %get3A_534 = arith.constant 0 : index
    %get3A_535 = arith.constant 0 : index
    %get3A_536 = vector.load %arg5[%get3A_533, %get3A_534, %get3A_535] : memref<15x128x128xf32, #tpu.memory_space<vmem>>, vector<1x128x128xf32>
    %get3A_537 = vector.shape_cast %get3A_536 : vector<1x128x128xf32> to vector<128x128xf32>
    %dot_general3A_538 = arith.constant dense<0.000000e+00> : vector<400x128xf32>
    %dot_general3A_539 = tpu.matmul %reshape3A_532, %get3A_537, %dot_general3A_538 {dimension_numbers = #tpu.dot_dimension_numbers<[1], [0], [0], [1], [0, 0, 1, 1], [], []>, transpose_lhs_hint = false} : vector<400x128xf32>, vector<128x128xf32>, vector<400x128xf32> -> vector<400x128xf32>
    %add3A_540 = arith.addf %add3A_529, %dot_general3A_539 : vector<400x128xf32>
    %slice3A_541 = vector.extract_strided_slice %reshape3A {offsets = [0, 6, 0, 0], sizes = [50, 1, 8, 128], strides = [1, 1, 1, 1]} : vector<50x16x8x128xf32> to vector<50x1x8x128xf32>
    %squeeze3A_542 = vector.shape_cast %slice3A_541 : vector<50x1x8x128xf32> to vector<50x8x128xf32>
    %reshape3A_543 = vector.shape_cast %squeeze3A_542 : vector<50x8x128xf32> to vector<400x128xf32>
    %get3A_544 = arith.constant 6 : index
    %get3A_545 = arith.constant 0 : index
    %get3A_546 = arith.constant 0 : index
    %get3A_547 = vector.load %arg5[%get3A_544, %get3A_545, %get3A_546] : memref<15x128x128xf32, #tpu.memory_space<vmem>>, vector<1x128x128xf32>
    %get3A_548 = vector.shape_cast %get3A_547 : vector<1x128x128xf32> to vector<128x128xf32>
    %dot_general3A_549 = arith.constant dense<0.000000e+00> : vector<400x128xf32>
    %dot_general3A_550 = tpu.matmul %reshape3A_543, %get3A_548, %dot_general3A_549 {dimension_numbers = #tpu.dot_dimension_numbers<[1], [0], [0], [1], [0, 0, 1, 1], [], []>, transpose_lhs_hint = false} : vector<400x128xf32>, vector<128x128xf32>, vector<400x128xf32> -> vector<400x128xf32>
    %add3A_551 = arith.addf %add3A_540, %dot_general3A_550 : vector<400x128xf32>
    %slice3A_552 = vector.extract_strided_slice %reshape3A {offsets = [0, 7, 0, 0], sizes = [50, 1, 8, 128], strides = [1, 1, 1, 1]} : vector<50x16x8x128xf32> to vector<50x1x8x128xf32>
    %squeeze3A_553 = vector.shape_cast %slice3A_552 : vector<50x1x8x128xf32> to vector<50x8x128xf32>
    %reshape3A_554 = vector.shape_cast %squeeze3A_553 : vector<50x8x128xf32> to vector<400x128xf32>
    %get3A_555 = arith.constant 7 : index
    %get3A_556 = arith.constant 0 : index
    %get3A_557 = arith.constant 0 : index
    %get3A_558 = vector.load %arg5[%get3A_555, %get3A_556, %get3A_557] : memref<15x128x128xf32, #tpu.memory_space<vmem>>, vector<1x128x128xf32>
    %get3A_559 = vector.shape_cast %get3A_558 : vector<1x128x128xf32> to vector<128x128xf32>
    %dot_general3A_560 = arith.constant dense<0.000000e+00> : vector<400x128xf32>
    %dot_general3A_561 = tpu.matmul %reshape3A_554, %get3A_559, %dot_general3A_560 {dimension_numbers = #tpu.dot_dimension_numbers<[1], [0], [0], [1], [0, 0, 1, 1], [], []>, transpose_lhs_hint = false} : vector<400x128xf32>, vector<128x128xf32>, vector<400x128xf32> -> vector<400x128xf32>
    %add3A_562 = arith.addf %add3A_551, %dot_general3A_561 : vector<400x128xf32>
    %slice3A_563 = vector.extract_strided_slice %reshape3A {offsets = [0, 8, 0, 0], sizes = [50, 1, 8, 128], strides = [1, 1, 1, 1]} : vector<50x16x8x128xf32> to vector<50x1x8x128xf32>
    %squeeze3A_564 = vector.shape_cast %slice3A_563 : vector<50x1x8x128xf32> to vector<50x8x128xf32>
    %reshape3A_565 = vector.shape_cast %squeeze3A_564 : vector<50x8x128xf32> to vector<400x128xf32>
    %get3A_566 = arith.constant 8 : index
    %get3A_567 = arith.constant 0 : index
    %get3A_568 = arith.constant 0 : index
    %get3A_569 = vector.load %arg5[%get3A_566, %get3A_567, %get3A_568] : memref<15x128x128xf32, #tpu.memory_space<vmem>>, vector<1x128x128xf32>
    %get3A_570 = vector.shape_cast %get3A_569 : vector<1x128x128xf32> to vector<128x128xf32>
    %dot_general3A_571 = arith.constant dense<0.000000e+00> : vector<400x128xf32>
    %dot_general3A_572 = tpu.matmul %reshape3A_565, %get3A_570, %dot_general3A_571 {dimension_numbers = #tpu.dot_dimension_numbers<[1], [0], [0], [1], [0, 0, 1, 1], [], []>, transpose_lhs_hint = false} : vector<400x128xf32>, vector<128x128xf32>, vector<400x128xf32> -> vector<400x128xf32>
    %add3A_573 = arith.addf %add3A_562, %dot_general3A_572 : vector<400x128xf32>
    %slice3A_574 = vector.extract_strided_slice %reshape3A {offsets = [0, 9, 0, 0], sizes = [50, 1, 8, 128], strides = [1, 1, 1, 1]} : vector<50x16x8x128xf32> to vector<50x1x8x128xf32>
    %squeeze3A_575 = vector.shape_cast %slice3A_574 : vector<50x1x8x128xf32> to vector<50x8x128xf32>
    %reshape3A_576 = vector.shape_cast %squeeze3A_575 : vector<50x8x128xf32> to vector<400x128xf32>
    %get3A_577 = arith.constant 9 : index
    %get3A_578 = arith.constant 0 : index
    %get3A_579 = arith.constant 0 : index
    %get3A_580 = vector.load %arg5[%get3A_577, %get3A_578, %get3A_579] : memref<15x128x128xf32, #tpu.memory_space<vmem>>, vector<1x128x128xf32>
    %get3A_581 = vector.shape_cast %get3A_580 : vector<1x128x128xf32> to vector<128x128xf32>
    %dot_general3A_582 = arith.constant dense<0.000000e+00> : vector<400x128xf32>
    %dot_general3A_583 = tpu.matmul %reshape3A_576, %get3A_581, %dot_general3A_582 {dimension_numbers = #tpu.dot_dimension_numbers<[1], [0], [0], [1], [0, 0, 1, 1], [], []>, transpose_lhs_hint = false} : vector<400x128xf32>, vector<128x128xf32>, vector<400x128xf32> -> vector<400x128xf32>
    %add3A_584 = arith.addf %add3A_573, %dot_general3A_583 : vector<400x128xf32>
    %slice3A_585 = vector.extract_strided_slice %reshape3A {offsets = [0, 10, 0, 0], sizes = [50, 1, 8, 128], strides = [1, 1, 1, 1]} : vector<50x16x8x128xf32> to vector<50x1x8x128xf32>
    %squeeze3A_586 = vector.shape_cast %slice3A_585 : vector<50x1x8x128xf32> to vector<50x8x128xf32>
    %reshape3A_587 = vector.shape_cast %squeeze3A_586 : vector<50x8x128xf32> to vector<400x128xf32>
    %get3A_588 = arith.constant 10 : index
    %get3A_589 = arith.constant 0 : index
    %get3A_590 = arith.constant 0 : index
    %get3A_591 = vector.load %arg5[%get3A_588, %get3A_589, %get3A_590] : memref<15x128x128xf32, #tpu.memory_space<vmem>>, vector<1x128x128xf32>
    %get3A_592 = vector.shape_cast %get3A_591 : vector<1x128x128xf32> to vector<128x128xf32>
    %dot_general3A_593 = arith.constant dense<0.000000e+00> : vector<400x128xf32>
    %dot_general3A_594 = tpu.matmul %reshape3A_587, %get3A_592, %dot_general3A_593 {dimension_numbers = #tpu.dot_dimension_numbers<[1], [0], [0], [1], [0, 0, 1, 1], [], []>, transpose_lhs_hint = false} : vector<400x128xf32>, vector<128x128xf32>, vector<400x128xf32> -> vector<400x128xf32>
    %add3A_595 = arith.addf %add3A_584, %dot_general3A_594 : vector<400x128xf32>
    %slice3A_596 = vector.extract_strided_slice %reshape3A {offsets = [0, 11, 0, 0], sizes = [50, 1, 8, 128], strides = [1, 1, 1, 1]} : vector<50x16x8x128xf32> to vector<50x1x8x128xf32>
    %squeeze3A_597 = vector.shape_cast %slice3A_596 : vector<50x1x8x128xf32> to vector<50x8x128xf32>
    %reshape3A_598 = vector.shape_cast %squeeze3A_597 : vector<50x8x128xf32> to vector<400x128xf32>
    %get3A_599 = arith.constant 11 : index
    %get3A_600 = arith.constant 0 : index
    %get3A_601 = arith.constant 0 : index
    %get3A_602 = vector.load %arg5[%get3A_599, %get3A_600, %get3A_601] : memref<15x128x128xf32, #tpu.memory_space<vmem>>, vector<1x128x128xf32>
    %get3A_603 = vector.shape_cast %get3A_602 : vector<1x128x128xf32> to vector<128x128xf32>
    %dot_general3A_604 = arith.constant dense<0.000000e+00> : vector<400x128xf32>
    %dot_general3A_605 = tpu.matmul %reshape3A_598, %get3A_603, %dot_general3A_604 {dimension_numbers = #tpu.dot_dimension_numbers<[1], [0], [0], [1], [0, 0, 1, 1], [], []>, transpose_lhs_hint = false} : vector<400x128xf32>, vector<128x128xf32>, vector<400x128xf32> -> vector<400x128xf32>
    %add3A_606 = arith.addf %add3A_595, %dot_general3A_605 : vector<400x128xf32>
    %slice3A_607 = vector.extract_strided_slice %reshape3A {offsets = [0, 12, 0, 0], sizes = [50, 1, 8, 128], strides = [1, 1, 1, 1]} : vector<50x16x8x128xf32> to vector<50x1x8x128xf32>
    %squeeze3A_608 = vector.shape_cast %slice3A_607 : vector<50x1x8x128xf32> to vector<50x8x128xf32>
    %reshape3A_609 = vector.shape_cast %squeeze3A_608 : vector<50x8x128xf32> to vector<400x128xf32>
    %get3A_610 = arith.constant 12 : index
    %get3A_611 = arith.constant 0 : index
    %get3A_612 = arith.constant 0 : index
    %get3A_613 = vector.load %arg5[%get3A_610, %get3A_611, %get3A_612] : memref<15x128x128xf32, #tpu.memory_space<vmem>>, vector<1x128x128xf32>
    %get3A_614 = vector.shape_cast %get3A_613 : vector<1x128x128xf32> to vector<128x128xf32>
    %dot_general3A_615 = arith.constant dense<0.000000e+00> : vector<400x128xf32>
    %dot_general3A_616 = tpu.matmul %reshape3A_609, %get3A_614, %dot_general3A_615 {dimension_numbers = #tpu.dot_dimension_numbers<[1], [0], [0], [1], [0, 0, 1, 1], [], []>, transpose_lhs_hint = false} : vector<400x128xf32>, vector<128x128xf32>, vector<400x128xf32> -> vector<400x128xf32>
    %add3A_617 = arith.addf %add3A_606, %dot_general3A_616 : vector<400x128xf32>
    %slice3A_618 = vector.extract_strided_slice %reshape3A {offsets = [0, 13, 0, 0], sizes = [50, 1, 8, 128], strides = [1, 1, 1, 1]} : vector<50x16x8x128xf32> to vector<50x1x8x128xf32>
    %squeeze3A_619 = vector.shape_cast %slice3A_618 : vector<50x1x8x128xf32> to vector<50x8x128xf32>
    %reshape3A_620 = vector.shape_cast %squeeze3A_619 : vector<50x8x128xf32> to vector<400x128xf32>
    %get3A_621 = arith.constant 13 : index
    %get3A_622 = arith.constant 0 : index
    %get3A_623 = arith.constant 0 : index
    %get3A_624 = vector.load %arg5[%get3A_621, %get3A_622, %get3A_623] : memref<15x128x128xf32, #tpu.memory_space<vmem>>, vector<1x128x128xf32>
    %get3A_625 = vector.shape_cast %get3A_624 : vector<1x128x128xf32> to vector<128x128xf32>
    %dot_general3A_626 = arith.constant dense<0.000000e+00> : vector<400x128xf32>
    %dot_general3A_627 = tpu.matmul %reshape3A_620, %get3A_625, %dot_general3A_626 {dimension_numbers = #tpu.dot_dimension_numbers<[1], [0], [0], [1], [0, 0, 1, 1], [], []>, transpose_lhs_hint = false} : vector<400x128xf32>, vector<128x128xf32>, vector<400x128xf32> -> vector<400x128xf32>
    %add3A_628 = arith.addf %add3A_617, %dot_general3A_627 : vector<400x128xf32>
    %slice3A_629 = vector.extract_strided_slice %reshape3A {offsets = [0, 14, 0, 0], sizes = [50, 1, 8, 128], strides = [1, 1, 1, 1]} : vector<50x16x8x128xf32> to vector<50x1x8x128xf32>
    %squeeze3A_630 = vector.shape_cast %slice3A_629 : vector<50x1x8x128xf32> to vector<50x8x128xf32>
    %reshape3A_631 = vector.shape_cast %squeeze3A_630 : vector<50x8x128xf32> to vector<400x128xf32>
    %get3A_632 = arith.constant 14 : index
    %get3A_633 = arith.constant 0 : index
    %get3A_634 = arith.constant 0 : index
    %get3A_635 = vector.load %arg5[%get3A_632, %get3A_633, %get3A_634] : memref<15x128x128xf32, #tpu.memory_space<vmem>>, vector<1x128x128xf32>
    %get3A_636 = vector.shape_cast %get3A_635 : vector<1x128x128xf32> to vector<128x128xf32>
    %dot_general3A_637 = arith.constant dense<0.000000e+00> : vector<400x128xf32>
    %dot_general3A_638 = tpu.matmul %reshape3A_631, %get3A_636, %dot_general3A_637 {dimension_numbers = #tpu.dot_dimension_numbers<[1], [0], [0], [1], [0, 0, 1, 1], [], []>, transpose_lhs_hint = false} : vector<400x128xf32>, vector<128x128xf32>, vector<400x128xf32> -> vector<400x128xf32>
    %add3A_639 = arith.addf %add3A_628, %dot_general3A_638 : vector<400x128xf32>
    %swap3A = arith.constant 0 : index
    %swap3A_640 = arith.constant 0 : index
    %swap3A_641 = vector.load %arg6[%swap3A, %swap3A_640] : memref<400x128xf32, #tpu.memory_space<vmem>>, vector<400x128xf32>
    tpu.vector_store %arg6[%swap3A, %swap3A_640], %add3A_639 {strides = array<i32>} : memref<400x128xf32, #tpu.memory_space<vmem>>, vector<400x128xf32>,
    return
  }
  func.func @transform_0(%arg0: i32) -> (i32, i32) {
    %c0_i32 = arith.constant 0 : i32
    %c0_i32_0 = arith.constant 0 : i32
    return %arg0, %c0_i32 : i32, i32
  }
  func.func @transform_1(%arg0: i32) -> (i32, i32) {
    %c0_i32 = arith.constant 0 : i32
    %c0_i32_0 = arith.constant 0 : i32
    return %c0_i32, %arg0 : i32, i32
  }
  func.func @transform_2(%arg0: i32) -> (i32, i32) {
    %c0_i32 = arith.constant 0 : i32
    %c0_i32_0 = arith.constant 0 : i32
    return %c0_i32, %arg0 : i32, i32
  }
  func.func @transform_3(%arg0: i32) -> (i32, i32) {
    %c0_i32 = arith.constant 0 : i32
    %c0_i32_0 = arith.constant 0 : i32
    %c0_i32_1 = arith.constant 0 : i32
    return %c0_i32, %c0_i32_0 : i32, i32
  }
  func.func @transform_4(%arg0: i32) -> (i32, i32, i32) {
    %c0_i32 = arith.constant 0 : i32
    %c0_i32_0 = arith.constant 0 : i32
    %c0_i32_1 = arith.constant 0 : i32
    %c0_i32_2 = arith.constant 0 : i32
    return %c0_i32, %c0_i32_0, %c0_i32_1 : i32, i32, i32
  }
  func.func @transform_5(%arg0: i32) -> (i32, i32) {
    %c0_i32 = arith.constant 0 : i32
    %c0_i32_0 = arith.constant 0 : i32
    return %arg0, %c0_i32 : i32, i32
  }
}

module attributes {stable_mosaic.version = 14 : i64} {
  func.func @_bn_body(%arg0: memref<10000x128xf32, #tpu.memory_space<vmem>>, %arg1: memref<1x128xf32, #tpu.memory_space<vmem>>, %arg2: memref<1x128xf32, #tpu.memory_space<vmem>>, %arg3: memref<10000x128xf32, #tpu.memory_space<vmem>>) attributes {dimension_semantics = [], scalar_prefetch = 0 : i64, scratch_operands = 0 : i64, tpu.core_type = #tpu.core_type<tc>} {
    %get3A = arith.constant 0 : index
    %get3A_0 = arith.constant 0 : index
    %get3A_1 = vector.load %arg0[%get3A, %get3A_0] : memref<10000x128xf32, #tpu.memory_space<vmem>>, vector<10000x128xf32>
    %reduce_sum3A = arith.constant dense<0.000000e+00> : vector<128xf32>
    %reduce_sum3A_2 = vector.multi_reduction <add>, %get3A_1, %reduce_sum3A [0] : vector<10000x128xf32> to vector<128xf32>
    %broadcast_in_dim3A = vector.shape_cast %reduce_sum3A_2 : vector<128xf32> to vector<1x128xf32>
    %div3A = arith.constant 1.000000e+04 : f32
    %div3A_3 = vector.broadcast %div3A : f32 to vector<1x128xf32>
    %div3A_4 = arith.divf %broadcast_in_dim3A, %div3A_3 : vector<1x128xf32>
    %sub3A = vector.broadcast %div3A_4 : vector<1x128xf32> to vector<10000x128xf32>
    %sub3A_5 = arith.subf %get3A_1, %sub3A : vector<10000x128xf32>
    %mul3A = arith.mulf %sub3A_5, %sub3A_5 : vector<10000x128xf32>
    %reduce_sum3A_6 = arith.constant dense<0.000000e+00> : vector<128xf32>
    %reduce_sum3A_7 = vector.multi_reduction <add>, %mul3A, %reduce_sum3A_6 [0] : vector<10000x128xf32> to vector<128xf32>
    %broadcast_in_dim3A_8 = vector.shape_cast %reduce_sum3A_7 : vector<128xf32> to vector<1x128xf32>
    %div3A_9 = arith.constant 1.000000e+04 : f32
    %div3A_10 = vector.broadcast %div3A_9 : f32 to vector<1x128xf32>
    %div3A_11 = arith.divf %broadcast_in_dim3A_8, %div3A_10 : vector<1x128xf32>
    %add3A = arith.constant 9.99999974E-6 : f32
    %add3A_12 = vector.broadcast %add3A : f32 to vector<1x128xf32>
    %add3A_13 = arith.addf %div3A_11, %add3A_12 : vector<1x128xf32>
    %rsqrt3A = math.rsqrt %add3A_13 : vector<1x128xf32>
    %mul3A_14 = vector.broadcast %rsqrt3A : vector<1x128xf32> to vector<10000x128xf32>
    %mul3A_15 = arith.mulf %sub3A_5, %mul3A_14 : vector<10000x128xf32>
    %get3A_16 = arith.constant 0 : index
    %get3A_17 = arith.constant 0 : index
    %get3A_18 = vector.load %arg1[%get3A_16, %get3A_17] : memref<1x128xf32, #tpu.memory_space<vmem>>, vector<1x128xf32>
    %mul3A_19 = vector.broadcast %get3A_18 : vector<1x128xf32> to vector<10000x128xf32>
    %mul3A_20 = arith.mulf %mul3A_15, %mul3A_19 : vector<10000x128xf32>
    %get3A_21 = arith.constant 0 : index
    %get3A_22 = arith.constant 0 : index
    %get3A_23 = vector.load %arg2[%get3A_21, %get3A_22] : memref<1x128xf32, #tpu.memory_space<vmem>>, vector<1x128xf32>
    %add3A_24 = vector.broadcast %get3A_23 : vector<1x128xf32> to vector<10000x128xf32>
    %add3A_25 = arith.addf %mul3A_20, %add3A_24 : vector<10000x128xf32>
    %max3A = arith.constant 0.000000e+00 : f32
    %max3A_26 = vector.broadcast %max3A : f32 to vector<10000x128xf32>
    %max3A_27 = arith.maximumf %add3A_25, %max3A_26 : vector<10000x128xf32>
    %swap3A = arith.constant 0 : index
    %swap3A_28 = arith.constant 0 : index
    %swap3A_29 = vector.load %arg3[%swap3A, %swap3A_28] : memref<10000x128xf32, #tpu.memory_space<vmem>>, vector<10000x128xf32>
    tpu.vector_store %arg3[%swap3A, %swap3A_28], %max3A_27 {strides = array<i32>} : memref<10000x128xf32, #tpu.memory_space<vmem>>, vector<10000x128xf32>,
    return
  }
}

</mosaic_0001>

<sc_bundles>
// kernel: kernel.10.cloned.1.call-start
scs
__scs_entry_jumppad:
0x0: {  	(pc) =	sbr.rel $0x88, $3  }
0x1: {  	(tag) =	ssettag $0x0;
	lr =	simm.s32 $0x1  }
0x2: {  	[smem:$0x3F9A] =	sst lr;
	_ =	strace $0xD0000000  }
0x3: {  	_ = 	snop  }
0x4: {  	_ = 	snop  }
0x5: {  	_ = 	snop  }
0x6: {  	_ = 	snop  }
0x7: {  	_ = 	snop  }
__scs_overlays_trampoline_lowered:
0x8: {  	[smem:$0x3FA9] =	sst s0  }
0x9: {  	[smem:$0x3FAA] =	sst s1  }
0xa: {  	[smem:$0x3FAB] =	sst s2  }
0xb: {  	[smem:$0x3FAC] =	sst s3  }
0xc: {  	[smem:$0x3FAD] =	sst s4  }
0xd: {  	[smem:$0x3FAE] =	sst s5  }
0xe: {  	[smem:$0x3FAF] =	sst s6  }
0xf: {  	[smem:$0x3FB0] =	sst s7  }
0x10: {  	[smem:$0x3FB1] =	sst s8  }
0x11: {  	[smem:$0x3FB2] =	sst s9;
	s0 =	simm.s32 @!p0 $0x0  }
0x12: {  	s1 =	sld [smem:$0x3F98];
	s0 =	simm.s32 @p0 $0x1  }
0x13: {  	[smem:$0x3FB3] =	sst s0;
	s0 =	simm.s32 @!p1 $0x0  }
0x14: {  	s2 =	sld [smem:$0x3F97];
	s0 =	simm.s32 @p1 $0x1  }
0x15: {  	[smem:$0x3FB4] =	sst s0;
	s0 =	simm.s32 @!p2 $0x0  }
0x16: {  	s3 =	sld [smem:$0x3FDB];
	s0 =	simm.s32 @p2 $0x1  }
0x17: {  	s4 =	simm.s32 $0x1BF5;
	[smem:$0x3FB6] =	sst s0  }
0x18: {  	s0 =	sld [smem:$0x3F99];
	_ =	swait.ge [sflag:s4], $0x0  }
0x19: {  	s7 =	sld [smem:$0x3F9A]  }
0x1a: {  	s8 =	sadd.s32 $0xFFFFE003, lr  }
0x1b: {  	s9 =	sadd.s32 $0xFFFFFEF7, lr;
	s5 =	simm.s32 $0xFFFFFFFF;
	p2 =	slt.u32 s8, $0xFFFFF086  }
0x1c: {  	p1 =	slt.u32 s9, $0xF7A;
	s5 =	simm.s32 @!p2 $0x0  }
0x1d: {  	s5 =	simm.s32 @p1 $0x1;
	p0 =	seq.s32 s7, s2  }
0x1e: {  	s7 =	smul.u32 @!p0 $0xF7A, s2;
	p2 =	seq.s32 @!p0 s5, $0x0  }
0x1f: {  	s9 =	smul.u32 $0xF7A, s1;
	s8 =	simm.s32 @!p0 $0x1BF5;
	p2 =	por !p2, p0  }
0x20: {  	[sflag:s8] =	ssyncset.s32 @!p0 $0xFFFFF086;
	s6 =	sadd.s32 @!p0 s3, s7;
	s7 =	simm.s32 @!p0 $0x108  }
0x21: {  	s3 =	sadd.s32 s3, s9;
	s6 =	sadd.s32 @!p0 $0x88, s6;
	s7 =	simm.s32 @p2 $0x1082  }
0x22: {  	[simem:s7], [sflag:s8] =	dma.local @!p0 [hbm:s6], $0xF7A  }
0x23: {  	s9 =	sor.u32 $0xD0000000, s2;
	s6 =	simm.s32 $0x108;
	_ =	swait.ge @!p0 [sflag:s8], $0x0  }
0x24: {  	s3 =	sadd.s32 $0x88, s3;
	s6 =	simm.s32 @!p1 $0x1082;
	[sflag:s4] =	ssyncset.s32 $0xFFFFF086  }
0x25: {  	[simem:s6], [sflag:s4] =	dma.local [hbm:s3], $0xF7A  }
0x26: {  	[smem:$0x3F9A] =	sst s1;
	(tag) =	ssettag s2;
	_ =	strace s9  }
0x27: {  	s1 =	sld [smem:$0x3FAA]  }
0x28: {  	s2 =	sld [smem:$0x3FAB]  }
0x29: {  	s4 =	sld [smem:$0x3FAD]  }
0x2a: {  	p0 =	seq.s32 s5, $0x0;
	s5 =	sld [smem:$0x3FAE]  }
0x2b: {  	s6 =	sld [smem:$0x3FAF]  }
0x2c: {  	s7 =	sld [smem:$0x3FB0]  }
0x2d: {  	s3 =	simm.s32 $0x108;
	s8 =	sld [smem:$0x3FB1]  }
0x2e: {  	s3 =	simm.s32 @!p0 $0x1082;
	s9 =	sld [smem:$0x3FB2]  }
0x2f: {  	lr =	sadd.s32 s0, s3;
	s0 =	sld [smem:$0x3FA9]  }
0x30: {  	s3 =	sld [smem:$0x3FAC]  }
0x31: {  	[smem:$0x3FB5] =	sst s10  }
0x32: {  	s10 =	sld [smem:$0x3FB3];
	_ =	sdelay $0x3  }
0x33: {  	p0 =	seq.s32 s10, $0x1;
	s10 =	sld [smem:$0x3FB5];
	_ =	sdelay $0x3  }
0x34: {  	[smem:$0x3FB5] =	sst s10  }
0x35: {  	s10 =	sld [smem:$0x3FB4];
	_ =	sdelay $0x3  }
0x36: {  	p1 =	seq.s32 s10, $0x1;
	s10 =	sld [smem:$0x3FB5];
	_ =	sdelay $0x3  }
0x37: {  	[smem:$0x3FB5] =	sst s10  }
0x38: {  	s10 =	sld [smem:$0x3FB6]  }
0x39: {  	_ = 	snop;
	(pc) =	sbr.ind lr, $3  }
0x3a: {  	_ = 	snop  }
0x3b: {  	_ = 	snop  }
0x3c: {  	p2 =	seq.s32 s10, $0x1;
	s10 =	sld [smem:$0x3FB5]  }
0x3d: {  	_ =	shalt  }
0x3e: {  	_ =	shalt  }
0x3f: {  	_ =	shalt  }
0x40: {  	_ =	shalt  }
0x41: {  	_ =	shalt  }
0x42: {  	_ =	shalt  }
0x43: {  	_ =	shalt  }
0x44: {  	_ =	shalt  }
0x45: {  	_ =	shalt  }
0x46: {  	_ =	shalt  }
0x47: {  	_ =	shalt  }
0x48: {  	_ =	shalt  }
0x49: {  	_ =	shalt  }
0x4a: {  	_ =	shalt  }
0x4b: {  	_ =	shalt  }
0x4c: {  	_ =	shalt  }
0x4d: {  	_ =	shalt  }
0x4e: {  	_ =	shalt  }
0x4f: {  	_ =	shalt  }
0x50: {  	_ =	shalt  }
0x51: {  	_ =	shalt  }
0x52: {  	_ =	shalt  }
0x53: {  	_ =	shalt  }
0x54: {  	_ =	shalt  }
0x55: {  	_ =	shalt  }
0x56: {  	_ =	shalt  }
0x57: {  	_ =	shalt  }
0x58: {  	_ =	shalt  }
0x59: {  	_ =	shalt  }
0x5a: {  	_ =	shalt  }
0x5b: {  	_ =	shalt  }
0x5c: {  	_ =	shalt  }
0x5d: {  	_ =	shalt  }
0x5e: {  	_ =	shalt  }
0x5f: {  	_ =	shalt  }
0x60: {  	_ =	shalt  }
0x61: {  	_ =	shalt  }
0x62: {  	_ =	shalt  }
0x63: {  	_ =	shalt  }
0x64: {  	_ =	shalt  }
0x65: {  	_ =	shalt  }
0x66: {  	_ =	shalt  }
0x67: {  	_ =	shalt  }
0x68: {  	_ =	shalt  }
0x69: {  	_ =	shalt  }
0x6a: {  	_ =	shalt  }
0x6b: {  	_ =	shalt  }
0x6c: {  	_ =	shalt  }
0x6d: {  	_ =	shalt  }
0x6e: {  	_ =	shalt  }
0x6f: {  	_ =	shalt  }
0x70: {  	_ =	shalt  }
0x71: {  	_ =	shalt  }
0x72: {  	_ =	shalt  }
0x73: {  	_ =	shalt  }
0x74: {  	_ =	shalt  }
0x75: {  	_ =	shalt  }
0x76: {  	_ =	shalt  }
0x77: {  	_ =	shalt  }
0x78: {  	_ =	shalt  }
0x79: {  	_ =	shalt  }
0x7a: {  	_ =	shalt  }
0x7b: {  	_ =	shalt  }
0x7c: {  	_ =	shalt  }
0x7d: {  	_ =	shalt  }
0x7e: {  	_ =	shalt  }
0x7f: {  	_ =	shalt  }
0x80: {  	_ =	shalt  }
0x81: {  	_ =	shalt  }
0x82: {  	_ =	shalt  }
0x83: {  	_ =	shalt  }
0x84: {  	_ =	shalt  }
0x85: {  	_ =	shalt  }
0x86: {  	_ =	shalt  }
0x87: {  	_ =	shalt  }
.Lfunc_end0:
.L_simem_size_0:
called_computation.1_lowered:
.L_overlay_start_0:
0x88: {  	s2 =	sld [smem:$0x3FD9]  }
0x89: {  	s3 =	sld [smem:$0x3FFE];
	_ =	sdelay $0x1  }
0x8a: {  	s1 =	srdreg.scid  }
0x8b: {  	s0 =	sand.u32 $0x1, s1  }
0x8c: {  	s17 =	sshll.u32 s0, $0xA;
	s2 =	sadd.s32 s3, s2  }
0x8d: {  	s2 =	sadd.s32 s2, s17  }
0x8e: {  	[smem:$0x3FC1] =	sst s2  }
0x8f: {  	_ = 	snop  }
0x90: {  	s18 =	sld [smem:$0x3FC9];
	(tm) =	ssettm $0x1  }
0x91: {  	s19 =	sld [smem:$0x3FFB];
	_ =	sdelay $0x3  }
0x92: {  	_ =	strace s19  }
0x93: {  	s2 =	sld [smem:$0x3FFC];
	_ =	sdelay $0x3  }
0x94: {  	_ =	strace s2  }
0x95: {  	s2 =	sld [smem:$0x3FFD];
	_ =	sdelay $0x3  }
0x96: {  	_ =	strace s2  }
0x97: {  	_ =	strace $0x8FFFFFFF  }
0x98: {  	s20 =	sld [smem:$0x3FDB];
	_ =	sdelay $0x1  }
0x99: {  	s4 =	simm.s32 $_scs_section_size  }
0x9a: {  	s5 =	simm.s32 $_size__tile_overlayer_lowered;
	s6 =	simm.s32 $_tile_overlayer_lowered  }
0x9b: {  	s7 =	simm.s32 $0x1BFF;
	s21 =	sshll.u32 s6, $0x1;
	s4 =	sadd.s32 s4, s20  }
0x9c: {  	s22 =	simm.s32 $0x0;
	s5 =	sshll.u32 s5, $0x1;
	s6 =	sadd.s32 s21, s4  }
0x9d: {  	[timem:s22], [sflag:s7] =	dma.local [hbm:s6], s5  }
0x9e: {  	_ =	swait.ge [sflag:s7], s5  }
0x9f: {  	s5 =	ssub.s32 $0x0, s5;
	[sflag:s7] =	ssyncset.done $0x0  }
0xa0: {  	[sflag:s7] =	ssyncadd.s32 s5;
	_ =	sdelay $0x1  }
0xa1: {  	s23 =	simm.s32 $0x1B8B  }
0xa2: {  	_ =	swait.ge [sflag:s23], $0x1  }
0xa3: {  	[sflag:s23] =	ssyncset.done $0x0  }
0xa4: {  	[sflag:s23] =	ssyncadd.s32 $0xFFFFFFFF  }
0xa5: {  	s5 =	sld [smem:$0x0]  }
0xa6: {  	s6 =	sand.u32 $0xFFFFFFFE, s1  }
0xa7: {  	p0 =	sne.s32 s1, s6  }
0xa8: {  	s6 =	sshll.u32 @p0 s6, $0xE  }
0xa9: {  	s6 =	sadd.s32 @p0 $0x11B8D, s6;
	s7 =	sshll.u32 @p0 s5, $0x11  }
0xaa: {  	s6 =	sor.u32 @p0 s7, s6  }
0xab: {  	[sflag:s6] =	ssyncadd.remote.s32 @p0 $0x1;
	_ =	sdelay $0x1  }
0xac: {  	s6 =	simm.s32 @p0 $0x1B8D  }
0xad: {  	_ =	swait.eq @p0 [sflag:s6], $0x1  }
0xae: {  	[sflag:s6] =	ssyncadd.s32 @p0 $0xFFFFFFFF  }
0xaf: {  	s7 =	sshll.u32 @!p0 s1, $0xE  }
0xb0: {  	s7 =	sor.u32 @!p0 $0x4000, s7;
	s6 =	simm.s32 @!p0 $0x1B8D  }
0xb1: {  	s5 =	sshll.u32 @!p0 s5, $0x11;
	s7 =	sadd.s32 @!p0 $0x11B8D, s7;
	_ =	swait.eq @!p0 [sflag:s6], $0x1  }
0xb2: {  	s5 =	sor.u32 @!p0 s5, s7;
	[sflag:s6] =	ssyncadd.s32 @!p0 $0xFFFFFFFF  }
0xb3: {  	s25 =	simm.s32 $0x1B8E;
	s24 =	sld [smem:$0x3FFE];
	[sflag:s5] =	ssyncadd.remote.s32 @!p0 $0x1  }
0xb4: {  	s26 =	simm.s32 $execute0_lowered;
	[smem:$0x3FD2] =	sst s25  }
0xb5: {  	s6 =	sshll.u32 s26, $0x1;
	_ =	strace $0x80000049;
	[dreg:$0x1] =	wrdreg $0xFFFFFFFF  }
0xb6: {  	s28 =	simm.s32 $_size_execute0_lowered;
	s4 =	sadd.s32 s4, s6;
	[dreg:$0x0] =	wrdreg $0x0  }
0xb7: {  	s6 =	sshll.u32 s28, $0x1;
	[dreg:$0x2] =	wrdreg s4  }
0xb8: {  	[dreg:$0x3] =	wrdreg s6  }
0xb9: {  	[dreg:$0x4] =	wrdreg $0xC0  }
0xba: {  	_ =	task [dreg:s22], $0x5FFFF  }
0xbb: {  	[dreg:$0x1] =	wrdreg $0xFFFFFFFF  }
0xbc: {  	[dreg:$0x0] =	wrdreg $0x60  }
0xbd: {  	[dreg:$0x2] =	wrdreg s24  }
0xbe: {  	[dreg:$0x3] =	wrdreg s18  }
0xbf: {  	[dreg:$0x4] =	wrdreg $0xA  }
0xc0: {  	_ =	task.clear_ibuf [dreg:s22], $0x5FFFF;
	_ =	strace $0x90000049  }
0xc1: {  	s29 =	simm.s32 $0xA;
	_ =	strace $0x8000004B  }
0xc2: {  	_ =	swait.ge [sflag:s29], $0x1  }
0xc3: {  	[sflag:s29] =	ssyncadd.s32 $0xFFFFFFFF  }
0xc4: {  	_ =	strace $0x9000004B  }
0xc5: {  	_ =	sfence  }
0xc6: {  	s30 =	sld [smem:$0x0];
	_ =	sdelay $0x2  }
0xc7: {  	s31 =	sshll.u32 s1, $0xD;
	s1 =	sshrl.u32 s1, $0x2  }
0xc8: {  	s4 =	sand.u32 $0x4000, s31;
	s1 =	sadd.s32 s1, s30  }
0xc9: {  	s0 =	sor.u32 s4, s0;
	s1 =	sshll.u32 s1, $0x11  }
0xca: {  	s0 =	sor.u32 s1, s0  }
0xcb: {  	s0 =	sadd.s32 $0x8F2B, s0  }
0xcc: {  	[sflag:s0] =	ssyncadd.remote.s32 $0x1  }
0xcd: {  	_ =	sfence.sel $0xFFFF  }
0xce: {  	[dreg:$0x0] =	wrdreg $0xFFFFFFFF;
	(pc) =	sbr.abs _section_cstart, $3  }
0xcf: {  	[dreg:$0x1] =	wrdreg $0xFFFFFFFF  }
0xd0: {  	_ =	task.clear_ibuf [dreg:s22], $0x2FFFF;
	_ =	strace $0x9FFFFFFF  }
0xd1: {  	(tm) =	ssettm $0x7FFFFFFF  }
tec
execute0_lowered:
.L_overlay_start_1:
0x0: {  	(tag) =	ssettag $0x1  }
0x1: {  	s0 =	rddreg [dreg:$0x0]  }
0x2: {  	s1 =	rddreg [dreg:$0x1];
	s2 =	simm.s32 $0x0  }
0x3: {  	s4 =	srdreg.scid;
	s17 =	stileid.u32;
	s28 =	simm.s32 $0x80  }
0x4: {  	s29 =	simm.s32 $0x2900;
	s30 =	simm.s32 $0x5180;
	s31 =	simm.s32 $0x5280  }
0x5: {  	[smem:$0x7FF] =	sst s2;
	s3 =	sadd.s32 $0x301A00, s0;
	s5 =	sadd.s32 $0x1A00, s0  }
0x6: {  	s6 =	sadd.s32 $0x1400, s0;
	s7 =	sadd.s32 $0xE00, s0;
	s8 =	sadd.s32 $0x311A00, s0  }
0x7: {  	s4 =	sand.u32 $0x1, s4;
	s10 =	sadd.s32 $0x305A00, s0;
	s18 =	smul.u32 $0x1F40, s17  }
0x8: {  	s9 =	sshll.u32 s17, $0x1;
	s12 =	sadd.s32 $0x309A00, s0;
	s17 =	smul.u32 $0x1F400, s17  }
0x9: {  	s11 =	ssub.s32 $0x2, s4;
	s9 =	sor.u32 s4, s9;
	s16 =	smul.u32 $0xFA0, s4  }
0xa: {  	s0 =	sadd.s32 $0x30DA00, s0;
	s13 =	sshrl.u32 s11, $0x1;
	s9 =	smul.u32 $0xFA0, s9  }
0xb: {  	_ =	strace $0x8000004A;
	s4 =	smul.u32 $0xFA00, s4;
	s11 =	ssub.s32 s11, s13  }
0xc: {  	s13 =	sadd.s32 s16, s18;
	s16 =	simm.s32 $0x0;
	s14 =	sshrl.u32 s9, $0x3  }
0xd: {  	s15 =	sadd.s32 $0xF00, s9;
	s9 =	sadd.s32 $0xF50, s9;
	s11 =	smax.u32 s11, $0x1  }
0xe: {  	s14 =	sadd.s32 s3, s14;
	s19 =	sshll.u32 s15, $0x4;
	[dreg:$0x14] =	wrdreg s11  }
0xf: {  	s15 =	sshrl.u32 s15, $0x3;
	[dreg:$0xa] =	wrdreg s14;
	s14 =	sadd.s32 s8, s19  }
0x10: {  	s22 =	sadd.s32 $0x50, s13;
	s20 =	sadd.s32 s10, s15;
	[dreg:$0xb] =	wrdreg s14  }
0x11: {  	s23 =	sshrl.u32 s9, $0x3;
	s21 =	sadd.s32 s12, s15;
	[dreg:$0xc] =	wrdreg s20  }
0x12: {  	s9 =	sshll.u32 s9, $0x4;
	s15 =	sadd.s32 s0, s15;
	[dreg:$0xd] =	wrdreg s21  }
0x13: {  	s11 =	simm.s32 $0x5;
	s24 =	sadd.s32 s3, s23;
	[dreg:$0xe] =	wrdreg s15  }
0x14: {  	s9 =	sadd.s32 s8, s9;
	s8 =	sadd.s32 s17, s8;
	[dreg:$0xf] =	wrdreg s24  }
0x15: {  	s19 =	sadd.s32 s10, s23;
	s14 =	sshrl.u32 s22, $0x3;
	[dreg:$0x10] =	wrdreg s9  }
0x16: {  	[dreg:$0x11] =	wrdreg s19;
	s20 =	sadd.s32 s12, s23;
	s21 =	sadd.s32 s0, s23  }
0x17: {  	s23 =	sshrl.u32 s13, $0x3;
	s24 =	sadd.s32 $0xA0, s13;
	[dreg:$0x12] =	wrdreg s20  }
0x18: {  	s4 =	sadd.s32 s4, s8;
	s8 =	simm.s32 $0x2;
	[dreg:$0x13] =	wrdreg s21  }
0x19: {  	s9 =	simm.s32 $0x3;
	s25 =	sadd.s32 s14, s0;
	[dreg:$0x15] =	wrdreg s24  }
0x1a: {  	s13 =	simm.s32 $0x7;
	s26 =	sadd.s32 s14, s12;
	[dreg:$0x3] =	wrdreg s25  }
0x1b: {  	s18 =	sadd.s32 s14, s10;
	s22 =	sadd.s32 s14, s3;
	[dreg:$0x4] =	wrdreg s26  }
0x1c: {  	s0 =	sadd.s32 s23, s0;
	s4 =	sadd.s32 $0x500, s4;
	[dreg:$0x5] =	wrdreg s18  }
0x1d: {  	s21 =	simm.s32 $0x9;
	s24 =	simm.s32 $0x5100;
	[dreg:$0x6] =	wrdreg s22  }
0x1e: {  	s14 =	simm.s32 $0x8;
	[dreg:$0x7] =	wrdreg s0;
	s25 =	sadd.s32 s23, s12  }
0x1f: {  	[dreg:$0x16] =	wrdreg s4;
	s26 =	sadd.s32 s23, s10;
	s22 =	simm.s32 $0x50  }
0x20: {  	s23 =	simm.s32 $0x100;
	s0 =	simm.s32 $0x5380;
	s4 =	simm.s32 $0x1  }
0x21: {  	s10 =	simm.s32 $0x4;
	s12 =	simm.s32 $0x6;
	[dreg:$0x8] =	wrdreg s25  }
0x22: {  	[dreg:$0x9] =	wrdreg s26;
	s25 =	simm.s32 $0x5200;
	s26 =	simm.s32 $0x5300  }
.LBB2_1:
0x23: {  	[dreg:$0x17] =	wrdreg s16  }
0x24: {  	s15 =	rddreg [dreg:$0xa]  }
0x25: {  	[tilespmem:s2], [sflag:$0x9] =	stream.linear.gather [hbm4b:s15+s2], $0x50, $0x38;
	[tilespmem:$0x5400] =	vst v63  }
0x26: {  	_ =	swait.ge [sflag:s21], $0x50  }
0x27: {  	[sflag:s21] =	ssyncset.done $0x0  }
0x28: {  	[sflag:s21] =	ssyncadd.s32 $0xFFFFFFB0  }
0x29: {  	[tilespmem:s23], [sflag:$0x1] =	stream.indirect.gather [hbm4b:s1+s22], $0x80, s2, s22, $0xb8;
	[tilespmem:$0x5400] =	vst v63  }
0x2a: {  	_ = 	snop  }
0x2b: {  	[tilespmem:s24], [sflag:$0x2] =	stream.indirect.gather [hbm4b:s5+s22], $0x1, s2, s22, $0xb8;
	[tilespmem:$0x5400] =	vst v63  }
0x2c: {  	_ = 	snop  }
0x2d: {  	[tilespmem:s25], [sflag:$0x3] =	stream.indirect.gather [hbm4b:s6+s22], $0x1, s2, s22, $0xb8;
	[tilespmem:$0x5400] =	vst v63  }
0x2e: {  	s17 =	rddreg [dreg:$0x6]  }
0x2f: {  	[tilespmem:s26], [sflag:$0x4] =	stream.indirect.gather [hbm4b:s7+s22], $0x1, s2, s22, $0xb8;
	[tilespmem:$0x5400] =	vst v63  }
0x30: {  	s15 =	sadd.s32 $0x0, s17  }
0x31: {  	[tilespmem:s28], [sflag:$0x9] =	stream.linear.gather [hbm4b:s15+s2], $0x50, $0x38;
	[tilespmem:$0x5400] =	vst v63  }
0x32: {  	_ =	swait.ge [sflag:s21], $0x50  }
0x33: {  	[sflag:s21] =	ssyncset.done $0x0  }
0x34: {  	[sflag:s21] =	ssyncadd.s32 $0xFFFFFFB0  }
0x35: {  	[tilespmem:s29], [sflag:$0x5] =	stream.indirect.gather [hbm4b:s1+s22], $0x80, s28, s22, $0xb8;
	[tilespmem:$0x5400] =	vst v63  }
0x36: {  	_ = 	snop  }
0x37: {  	[tilespmem:s30], [sflag:$0x6] =	stream.indirect.gather [hbm4b:s5+s22], $0x1, s28, s22, $0xb8;
	[tilespmem:$0x5400] =	vst v63  }
0x38: {  	_ = 	snop  }
0x39: {  	[tilespmem:s31], [sflag:$0x7] =	stream.indirect.gather [hbm4b:s6+s22], $0x1, s28, s22, $0xb8;
	[tilespmem:$0x5400] =	vst v63  }
0x3a: {  	_ = 	snop  }
0x3b: {  	[tilespmem:s0], [sflag:$0x8] =	stream.indirect.gather [hbm4b:s7+s22], $0x1, s28, s22, $0xb8;
	[tilespmem:$0x5400] =	vst v63  }
0x3c: {  	_ =	swait.ge [sflag:s4], $0x2800  }
0x3d: {  	[sflag:s4] =	ssyncset.done $0x0  }
0x3e: {  	[sflag:s4] =	ssyncadd.s32 $0xFFFFD800  }
0x3f: {  	_ =	swait.ge [sflag:s8], $0x50  }
0x40: {  	[sflag:s8] =	ssyncset.done $0x0  }
0x41: {  	[sflag:s8] =	ssyncadd.s32 $0xFFFFFFB0  }
0x42: {  	_ =	swait.ge [sflag:s9], $0x50  }
0x43: {  	[sflag:s9] =	ssyncset.done $0x0  }
0x44: {  	[sflag:s9] =	ssyncadd.s32 $0xFFFFFFB0  }
0x45: {  	_ =	swait.ge [sflag:s10], $0x50  }
0x46: {  	[sflag:s10] =	ssyncset.done $0x0;
	s20 =	rddreg [dreg:$0x16]  }
0x47: {  	[sflag:s10] =	ssyncadd.s32 $0xFFFFFFB0;
	s18 =	sadd.s32 $0xFFFFFB00, s20  }
0x48: {  	[hbm4b:s18+s2] =	stream.linear.scatter [tilespmem:s23], [sflag:$0x9], $0x2800, $0x38;
	[tilespmem:$0x5400] =	vst v63  }
0x49: {  	_ =	swait.ge [sflag:s21], $0x2800  }
0x4a: {  	s19 =	rddreg [dreg:$0x9];
	[sflag:s21] =	ssyncset.done $0x0  }
0x4b: {  	[sflag:s21] =	ssyncadd.s32 $0xFFFFD800;
	s15 =	sadd.s32 $0x0, s19  }
0x4c: {  	[hbm4b:s15+s2] =	stream.linear.scatter [tilespmem:s24], [sflag:$0x9], $0x50, $0x38;
	[tilespmem:$0x5400] =	vst v63  }
0x4d: {  	_ =	swait.ge [sflag:s21], $0x50  }
0x4e: {  	s16 =	rddreg [dreg:$0x8];
	[sflag:s21] =	ssyncset.done $0x0  }
0x4f: {  	[sflag:s21] =	ssyncadd.s32 $0xFFFFFFB0;
	s15 =	sadd.s32 $0x0, s16  }
0x50: {  	[hbm4b:s15+s2] =	stream.linear.scatter [tilespmem:s25], [sflag:$0x9], $0x50, $0x38;
	[tilespmem:$0x5400] =	vst v63  }
0x51: {  	_ =	swait.ge [sflag:s21], $0x50  }
0x52: {  	s17 =	rddreg [dreg:$0x7];
	[sflag:s21] =	ssyncset.done $0x0  }
0x53: {  	[sflag:s21] =	ssyncadd.s32 $0xFFFFFFB0;
	s15 =	sadd.s32 $0x0, s17  }
0x54: {  	[hbm4b:s15+s2] =	stream.linear.scatter [tilespmem:s26], [sflag:$0x9], $0x50, $0x38;
	[tilespmem:$0x5400] =	vst v63  }
0x55: {  	_ =	swait.ge [sflag:s21], $0x50  }
0x56: {  	s19 =	rddreg [dreg:$0x15]  }
0x57: {  	[sflag:s21] =	ssyncset.done $0x0;
	s18 =	sshrl.u32 s19, $0x3  }
0x58: {  	[sflag:s21] =	ssyncadd.s32 $0xFFFFFFB0;
	s15 =	sadd.s32 s3, s18  }
0x59: {  	[tilespmem:s2], [sflag:$0x9] =	stream.linear.gather [hbm4b:s15+s2], $0x50, $0x38;
	[tilespmem:$0x5400] =	vst v63  }
0x5a: {  	_ =	swait.ge [sflag:s21], $0x50  }
0x5b: {  	[sflag:s21] =	ssyncset.done $0x0  }
0x5c: {  	[sflag:s21] =	ssyncadd.s32 $0xFFFFFFB0  }
0x5d: {  	[tilespmem:s23], [sflag:$0x1] =	stream.indirect.gather [hbm4b:s1+s22], $0x80, s2, s22, $0xb8;
	[tilespmem:$0x5400] =	vst v63  }
0x5e: {  	_ = 	snop  }
0x5f: {  	[tilespmem:s24], [sflag:$0x2] =	stream.indirect.gather [hbm4b:s5+s22], $0x1, s2, s22, $0xb8;
	[tilespmem:$0x5400] =	vst v63  }
0x60: {  	_ = 	snop  }
0x61: {  	[tilespmem:s25], [sflag:$0x3] =	stream.indirect.gather [hbm4b:s6+s22], $0x1, s2, s22, $0xb8;
	[tilespmem:$0x5400] =	vst v63  }
0x62: {  	_ = 	snop  }
0x63: {  	[tilespmem:s26], [sflag:$0x4] =	stream.indirect.gather [hbm4b:s7+s22], $0x1, s2, s22, $0xb8;
	[tilespmem:$0x5400] =	vst v63  }
0x64: {  	_ =	swait.ge [sflag:s11], $0x2800  }
0x65: {  	[sflag:s11] =	ssyncset.done $0x0  }
0x66: {  	[sflag:s11] =	ssyncadd.s32 $0xFFFFD800  }
0x67: {  	_ =	swait.ge [sflag:s12], $0x50  }
0x68: {  	[sflag:s12] =	ssyncset.done $0x0  }
0x69: {  	[sflag:s12] =	ssyncadd.s32 $0xFFFFFFB0  }
0x6a: {  	_ =	swait.ge [sflag:s13], $0x50  }
0x6b: {  	[sflag:s13] =	ssyncset.done $0x0  }
0x6c: {  	[sflag:s13] =	ssyncadd.s32 $0xFFFFFFB0  }
0x6d: {  	_ =	swait.ge [sflag:s14], $0x50  }
0x6e: {  	[sflag:s14] =	ssyncset.done $0x0  }
0x6f: {  	[sflag:s14] =	ssyncadd.s32 $0xFFFFFFB0  }
0x70: {  	[hbm4b:s20+s2] =	stream.linear.scatter [tilespmem:s29], [sflag:$0x9], $0x2800, $0x38;
	[tilespmem:$0x5400] =	vst v63  }
0x71: {  	_ =	swait.ge [sflag:s21], $0x2800  }
0x72: {  	s16 =	rddreg [dreg:$0x5];
	[sflag:s21] =	ssyncset.done $0x0  }
0x73: {  	[sflag:s21] =	ssyncadd.s32 $0xFFFFD800;
	s15 =	sadd.s32 $0x0, s16  }
0x74: {  	[hbm4b:s15+s2] =	stream.linear.scatter [tilespmem:s30], [sflag:$0x9], $0x50, $0x38;
	[tilespmem:$0x5400] =	vst v63  }
0x75: {  	_ =	swait.ge [sflag:s21], $0x50  }
0x76: {  	s17 =	rddreg [dreg:$0x4];
	[sflag:s21] =	ssyncset.done $0x0  }
0x77: {  	[sflag:s21] =	ssyncadd.s32 $0xFFFFFFB0;
	s15 =	sadd.s32 $0x0, s17  }
0x78: {  	[hbm4b:s15+s2] =	stream.linear.scatter [tilespmem:s31], [sflag:$0x9], $0x50, $0x38;
	[tilespmem:$0x5400] =	vst v63  }
0x79: {  	_ =	swait.ge [sflag:s21], $0x50  }
0x7a: {  	s18 =	rddreg [dreg:$0x3];
	[sflag:s21] =	ssyncset.done $0x0  }
0x7b: {  	[sflag:s21] =	ssyncadd.s32 $0xFFFFFFB0;
	s15 =	sadd.s32 $0x0, s18  }
0x7c: {  	[hbm4b:s15+s2] =	stream.linear.scatter [tilespmem:s0], [sflag:$0x9], $0x50, $0x38;
	[tilespmem:$0x5400] =	vst v63  }
0x7d: {  	s16 =	simm.s32 $0x14;
	_ =	swait.ge [sflag:s21], $0x50  }
0x7e: {  	s17 =	simm.s32 $0x28;
	s15 =	rddreg [dreg:$0x6];
	[sflag:s21] =	ssyncset.done $0x0  }
.LBB2_2:
0x7f: {  	[sflag:s21] =	ssyncadd.s32 $0xFFFFFFB0;
	s15 =	sadd.s32 s16, s15  }
0x80: {  	[tilespmem:s28], [sflag:$0x9] =	stream.linear.gather [hbm4b:s15+s2], $0x50, $0x38;
	[tilespmem:$0x5400] =	vst v63  }
0x81: {  	_ =	swait.ge [sflag:s21], $0x50  }
0x82: {  	[sflag:s21] =	ssyncset.done $0x0  }
0x83: {  	[sflag:s21] =	ssyncadd.s32 $0xFFFFFFB0  }
0x84: {  	[tilespmem:s29], [sflag:$0x5] =	stream.indirect.gather [hbm4b:s1+s22], $0x80, s28, s22, $0xb8;
	[tilespmem:$0x5400] =	vst v63  }
0x85: {  	_ = 	snop  }
0x86: {  	[tilespmem:s30], [sflag:$0x6] =	stream.indirect.gather [hbm4b:s5+s22], $0x1, s28, s22, $0xb8;
	[tilespmem:$0x5400] =	vst v63  }
0x87: {  	_ = 	snop  }
0x88: {  	[tilespmem:s31], [sflag:$0x7] =	stream.indirect.gather [hbm4b:s6+s22], $0x1, s28, s22, $0xb8;
	[tilespmem:$0x5400] =	vst v63  }
0x89: {  	_ = 	snop  }
0x8a: {  	[tilespmem:s0], [sflag:$0x8] =	stream.indirect.gather [hbm4b:s7+s22], $0x1, s28, s22, $0xb8;
	[tilespmem:$0x5400] =	vst v63  }
0x8b: {  	_ =	swait.ge [sflag:s4], $0x2800  }
0x8c: {  	[sflag:s4] =	ssyncset.done $0x0  }
0x8d: {  	[sflag:s4] =	ssyncadd.s32 $0xFFFFD800  }
0x8e: {  	_ =	swait.ge [sflag:s8], $0x50  }
0x8f: {  	[sflag:s8] =	ssyncset.done $0x0  }
0x90: {  	[sflag:s8] =	ssyncadd.s32 $0xFFFFFFB0  }
0x91: {  	_ =	swait.ge [sflag:s9], $0x50  }
0x92: {  	[sflag:s9] =	ssyncset.done $0x0  }
0x93: {  	[sflag:s9] =	ssyncadd.s32 $0xFFFFFFB0  }
0x94: {  	_ =	swait.ge [sflag:s10], $0x50  }
0x95: {  	s20 =	sadd.s32 $0xA00, s20;
	[sflag:s10] =	ssyncset.done $0x0  }
0x96: {  	s15 =	sadd.s32 $0xFFFFFB00, s20;
	[sflag:s10] =	ssyncadd.s32 $0xFFFFFFB0  }
0x97: {  	[hbm4b:s15+s2] =	stream.linear.scatter [tilespmem:s23], [sflag:$0x9], $0x2800, $0x38;
	[tilespmem:$0x5400] =	vst v63  }
0x98: {  	_ =	swait.ge [sflag:s21], $0x2800  }
0x99: {  	s15 =	rddreg [dreg:$0x9];
	[sflag:s21] =	ssyncset.done $0x0  }
0x9a: {  	[sflag:s21] =	ssyncadd.s32 $0xFFFFD800;
	s15 =	sadd.s32 s16, s15  }
0x9b: {  	[hbm4b:s15+s2] =	stream.linear.scatter [tilespmem:s24], [sflag:$0x9], $0x50, $0x38;
	[tilespmem:$0x5400] =	vst v63  }
0x9c: {  	_ =	swait.ge [sflag:s21], $0x50  }
0x9d: {  	s15 =	rddreg [dreg:$0x8];
	[sflag:s21] =	ssyncset.done $0x0  }
0x9e: {  	[sflag:s21] =	ssyncadd.s32 $0xFFFFFFB0;
	s15 =	sadd.s32 s16, s15  }
0x9f: {  	[hbm4b:s15+s2] =	stream.linear.scatter [tilespmem:s25], [sflag:$0x9], $0x50, $0x38;
	[tilespmem:$0x5400] =	vst v63  }
0xa0: {  	_ =	swait.ge [sflag:s21], $0x50  }
0xa1: {  	s15 =	rddreg [dreg:$0x7];
	[sflag:s21] =	ssyncset.done $0x0  }
0xa2: {  	[sflag:s21] =	ssyncadd.s32 $0xFFFFFFB0;
	s15 =	sadd.s32 s16, s15  }
0xa3: {  	[hbm4b:s15+s2] =	stream.linear.scatter [tilespmem:s26], [sflag:$0x9], $0x50, $0x38;
	[tilespmem:$0x5400] =	vst v63  }
0xa4: {  	s19 =	sadd.s32 $0xA0, s19;
	_ =	swait.ge [sflag:s21], $0x50  }
0xa5: {  	s15 =	sshrl.u32 s19, $0x3;
	[sflag:s21] =	ssyncset.done $0x0  }
0xa6: {  	s15 =	sadd.s32 s3, s15;
	[sflag:s21] =	ssyncadd.s32 $0xFFFFFFB0  }
0xa7: {  	[tilespmem:s2], [sflag:$0x9] =	stream.linear.gather [hbm4b:s15+s2], $0x50, $0x38;
	[tilespmem:$0x5400] =	vst v63  }
0xa8: {  	_ =	swait.ge [sflag:s21], $0x50  }
0xa9: {  	[sflag:s21] =	ssyncset.done $0x0  }
0xaa: {  	[sflag:s21] =	ssyncadd.s32 $0xFFFFFFB0  }
0xab: {  	[tilespmem:s23], [sflag:$0x1] =	stream.indirect.gather [hbm4b:s1+s22], $0x80, s2, s22, $0xb8;
	[tilespmem:$0x5400] =	vst v63  }
0xac: {  	_ = 	snop  }
0xad: {  	[tilespmem:s24], [sflag:$0x2] =	stream.indirect.gather [hbm4b:s5+s22], $0x1, s2, s22, $0xb8;
	[tilespmem:$0x5400] =	vst v63  }
0xae: {  	_ = 	snop  }
0xaf: {  	[tilespmem:s25], [sflag:$0x3] =	stream.indirect.gather [hbm4b:s6+s22], $0x1, s2, s22, $0xb8;
	[tilespmem:$0x5400] =	vst v63  }
0xb0: {  	_ = 	snop  }
0xb1: {  	[tilespmem:s26], [sflag:$0x4] =	stream.indirect.gather [hbm4b:s7+s22], $0x1, s2, s22, $0xb8;
	[tilespmem:$0x5400] =	vst v63  }
0xb2: {  	_ =	swait.ge [sflag:s11], $0x2800  }
0xb3: {  	[sflag:s11] =	ssyncset.done $0x0  }
0xb4: {  	[sflag:s11] =	ssyncadd.s32 $0xFFFFD800  }
0xb5: {  	_ =	swait.ge [sflag:s12], $0x50  }
0xb6: {  	[sflag:s12] =	ssyncset.done $0x0  }
0xb7: {  	[sflag:s12] =	ssyncadd.s32 $0xFFFFFFB0  }
0xb8: {  	_ =	swait.ge [sflag:s13], $0x50  }
0xb9: {  	[sflag:s13] =	ssyncset.done $0x0  }
0xba: {  	[sflag:s13] =	ssyncadd.s32 $0xFFFFFFB0  }
0xbb: {  	_ =	swait.ge [sflag:s14], $0x50  }
0xbc: {  	[sflag:s14] =	ssyncset.done $0x0  }
0xbd: {  	[sflag:s14] =	ssyncadd.s32 $0xFFFFFFB0  }
0xbe: {  	[hbm4b:s20+s2] =	stream.linear.scatter [tilespmem:s29], [sflag:$0x9], $0x2800, $0x38;
	[tilespmem:$0x5400] =	vst v63  }
0xbf: {  	_ =	swait.ge [sflag:s21], $0x2800  }
0xc0: {  	s15 =	rddreg [dreg:$0x5];
	[sflag:s21] =	ssyncset.done $0x0  }
0xc1: {  	[sflag:s21] =	ssyncadd.s32 $0xFFFFD800;
	s15 =	sadd.s32 s16, s15  }
0xc2: {  	[hbm4b:s15+s2] =	stream.linear.scatter [tilespmem:s30], [sflag:$0x9], $0x50, $0x38;
	[tilespmem:$0x5400] =	vst v63  }
0xc3: {  	_ =	swait.ge [sflag:s21], $0x50  }
0xc4: {  	s15 =	rddreg [dreg:$0x4];
	[sflag:s21] =	ssyncset.done $0x0  }
0xc5: {  	[sflag:s21] =	ssyncadd.s32 $0xFFFFFFB0;
	s15 =	sadd.s32 s16, s15  }
0xc6: {  	[hbm4b:s15+s2] =	stream.linear.scatter [tilespmem:s31], [sflag:$0x9], $0x50, $0x38;
	[tilespmem:$0x5400] =	vst v63  }
0xc7: {  	p0 =	sne.s32 s17, $0x1CC;
	_ =	swait.ge [sflag:s21], $0x50  }
.Ltmp0:
0xc8: {  	s15 =	rddreg [dreg:$0x3];
	[sflag:s21] =	ssyncset.done $0x0;
	(pc) =	sbr.rel @p0 .LBB2_2-.Ltmp0, $4  }
0xc9: {  	[sflag:s21] =	ssyncadd.s32 $0xFFFFFFB0;
	s15 =	sadd.s32 s16, s15  }
0xca: {  	[hbm4b:s15+s2] =	stream.linear.scatter [tilespmem:s0], [sflag:$0x9], $0x50, $0x38;
	[tilespmem:$0x5400] =	vst v63  }
0xcb: {  	s18 =	smov.u32 s17;
	s17 =	sadd.s32 $0x14, s17;
	_ =	swait.ge [sflag:s21], $0x50  }
0xcc: {  	s16 =	smov.u32 s18;
	s15 =	rddreg [dreg:$0x6];
	[sflag:s21] =	ssyncset.done $0x0  }
0xcd: {  	[sflag:s21] =	ssyncadd.s32 $0xFFFFFFB0;
	s15 =	sadd.s32 s16, s15  }
0xce: {  	[tilespmem:s28], [sflag:$0x9] =	stream.linear.gather [hbm4b:s15+s2], $0x50, $0x38;
	[tilespmem:$0x5400] =	vst v63  }
0xcf: {  	_ =	swait.ge [sflag:s21], $0x50  }
0xd0: {  	[sflag:s21] =	ssyncset.done $0x0  }
0xd1: {  	[sflag:s21] =	ssyncadd.s32 $0xFFFFFFB0  }
0xd2: {  	[tilespmem:s29], [sflag:$0x5] =	stream.indirect.gather [hbm4b:s1+s22], $0x80, s28, s22, $0xb8;
	[tilespmem:$0x5400] =	vst v63  }
0xd3: {  	_ = 	snop  }
0xd4: {  	[tilespmem:s30], [sflag:$0x6] =	stream.indirect.gather [hbm4b:s5+s22], $0x1, s28, s22, $0xb8;
	[tilespmem:$0x5400] =	vst v63  }
0xd5: {  	_ = 	snop  }
0xd6: {  	[tilespmem:s31], [sflag:$0x7] =	stream.indirect.gather [hbm4b:s6+s22], $0x1, s28, s22, $0xb8;
	[tilespmem:$0x5400] =	vst v63  }
0xd7: {  	_ = 	snop  }
0xd8: {  	[tilespmem:s0], [sflag:$0x8] =	stream.indirect.gather [hbm4b:s7+s22], $0x1, s28, s22, $0xb8;
	[tilespmem:$0x5400] =	vst v63  }
0xd9: {  	_ =	swait.ge [sflag:s4], $0x2800  }
0xda: {  	[sflag:s4] =	ssyncset.done $0x0  }
0xdb: {  	[sflag:s4] =	ssyncadd.s32 $0xFFFFD800  }
0xdc: {  	_ =	swait.ge [sflag:s8], $0x50  }
0xdd: {  	[sflag:s8] =	ssyncset.done $0x0  }
0xde: {  	[sflag:s8] =	ssyncadd.s32 $0xFFFFFFB0  }
0xdf: {  	_ =	swait.ge [sflag:s9], $0x50  }
0xe0: {  	[sflag:s9] =	ssyncset.done $0x0  }
0xe1: {  	[sflag:s9] =	ssyncadd.s32 $0xFFFFFFB0  }
0xe2: {  	_ =	swait.ge [sflag:s10], $0x50  }
0xe3: {  	s15 =	sadd.s32 $0xA00, s20;
	[sflag:s10] =	ssyncset.done $0x0  }
0xe4: {  	s17 =	sadd.s32 $0xFFFFFB00, s15;
	[sflag:s10] =	ssyncadd.s32 $0xFFFFFFB0  }
0xe5: {  	[hbm4b:s17+s2] =	stream.linear.scatter [tilespmem:s23], [sflag:$0x9], $0x2800, $0x38;
	[tilespmem:$0x5400] =	vst v63  }
0xe6: {  	_ =	swait.ge [sflag:s21], $0x2800  }
0xe7: {  	s18 =	rddreg [dreg:$0x9];
	[sflag:s21] =	ssyncset.done $0x0  }
0xe8: {  	[sflag:s21] =	ssyncadd.s32 $0xFFFFD800;
	s17 =	sadd.s32 s16, s18  }
0xe9: {  	[hbm4b:s17+s2] =	stream.linear.scatter [tilespmem:s24], [sflag:$0x9], $0x50, $0x38;
	[tilespmem:$0x5400] =	vst v63  }
0xea: {  	_ =	swait.ge [sflag:s21], $0x50  }
0xeb: {  	s20 =	rddreg [dreg:$0x8];
	[sflag:s21] =	ssyncset.done $0x0  }
0xec: {  	[sflag:s21] =	ssyncadd.s32 $0xFFFFFFB0;
	s17 =	sadd.s32 s16, s20  }
0xed: {  	[hbm4b:s17+s2] =	stream.linear.scatter [tilespmem:s25], [sflag:$0x9], $0x50, $0x38;
	[tilespmem:$0x5400] =	vst v63  }
0xee: {  	_ =	swait.ge [sflag:s21], $0x50  }
0xef: {  	s18 =	rddreg [dreg:$0x7];
	[sflag:s21] =	ssyncset.done $0x0  }
0xf0: {  	[sflag:s21] =	ssyncadd.s32 $0xFFFFFFB0;
	s17 =	sadd.s32 s16, s18  }
0xf1: {  	[hbm4b:s17+s2] =	stream.linear.scatter [tilespmem:s26], [sflag:$0x9], $0x50, $0x38;
	[tilespmem:$0x5400] =	vst v63  }
0xf2: {  	s20 =	sadd.s32 $0xA0, s19;
	_ =	swait.ge [sflag:s21], $0x50  }
0xf3: {  	s17 =	sshrl.u32 s20, $0x3;
	[sflag:s21] =	ssyncset.done $0x0  }
0xf4: {  	s17 =	sadd.s32 s3, s17;
	[sflag:s21] =	ssyncadd.s32 $0xFFFFFFB0  }
0xf5: {  	[tilespmem:s2], [sflag:$0x9] =	stream.linear.gather [hbm4b:s17+s2], $0x50, $0x38;
	[tilespmem:$0x5400] =	vst v63  }
0xf6: {  	_ =	swait.ge [sflag:s21], $0x50  }
0xf7: {  	[sflag:s21] =	ssyncset.done $0x0  }
0xf8: {  	[sflag:s21] =	ssyncadd.s32 $0xFFFFFFB0  }
0xf9: {  	[tilespmem:s23], [sflag:$0x1] =	stream.indirect.gather [hbm4b:s1+s22], $0x80, s2, s22, $0xb8;
	[tilespmem:$0x5400] =	vst v63  }
0xfa: {  	_ = 	snop  }
0xfb: {  	[tilespmem:s24], [sflag:$0x2] =	stream.indirect.gather [hbm4b:s5+s22], $0x1, s2, s22, $0xb8;
	[tilespmem:$0x5400] =	vst v63  }
0xfc: {  	_ = 	snop  }
0xfd: {  	[tilespmem:s25], [sflag:$0x3] =	stream.indirect.gather [hbm4b:s6+s22], $0x1, s2, s22, $0xb8;
	[tilespmem:$0x5400] =	vst v63  }
0xfe: {  	_ = 	snop  }
0xff: {  	[tilespmem:s26], [sflag:$0x4] =	stream.indirect.gather [hbm4b:s7+s22], $0x1, s2, s22, $0xb8;
	[tilespmem:$0x5400] =	vst v63  }
0x100: {  	_ =	swait.ge [sflag:s11], $0x2800  }
0x101: {  	[sflag:s11] =	ssyncset.done $0x0  }
0x102: {  	[sflag:s11] =	ssyncadd.s32 $0xFFFFD800  }
0x103: {  	_ =	swait.ge [sflag:s12], $0x50  }
0x104: {  	[sflag:s12] =	ssyncset.done $0x0  }
0x105: {  	[sflag:s12] =	ssyncadd.s32 $0xFFFFFFB0  }
0x106: {  	_ =	swait.ge [sflag:s13], $0x50  }
0x107: {  	[sflag:s13] =	ssyncset.done $0x0  }
0x108: {  	[sflag:s13] =	ssyncadd.s32 $0xFFFFFFB0  }
0x109: {  	_ =	swait.ge [sflag:s14], $0x50  }
0x10a: {  	[sflag:s14] =	ssyncset.done $0x0  }
0x10b: {  	[sflag:s14] =	ssyncadd.s32 $0xFFFFFFB0  }
0x10c: {  	[hbm4b:s15+s2] =	stream.linear.scatter [tilespmem:s29], [sflag:$0x9], $0x2800, $0x38;
	[tilespmem:$0x5400] =	vst v63  }
0x10d: {  	_ =	swait.ge [sflag:s21], $0x2800  }
0x10e: {  	s17 =	rddreg [dreg:$0x5];
	[sflag:s21] =	ssyncset.done $0x0  }
0x10f: {  	[sflag:s21] =	ssyncadd.s32 $0xFFFFD800;
	s15 =	sadd.s32 s16, s17  }
0x110: {  	[hbm4b:s15+s2] =	stream.linear.scatter [tilespmem:s30], [sflag:$0x9], $0x50, $0x38;
	[tilespmem:$0x5400] =	vst v63  }
0x111: {  	_ =	swait.ge [sflag:s21], $0x50  }
0x112: {  	s18 =	rddreg [dreg:$0x4];
	[sflag:s21] =	ssyncset.done $0x0  }
0x113: {  	[sflag:s21] =	ssyncadd.s32 $0xFFFFFFB0;
	s15 =	sadd.s32 s16, s18  }
0x114: {  	[hbm4b:s15+s2] =	stream.linear.scatter [tilespmem:s31], [sflag:$0x9], $0x50, $0x38;
	[tilespmem:$0x5400] =	vst v63  }
0x115: {  	_ =	swait.ge [sflag:s21], $0x50  }
0x116: {  	s19 =	rddreg [dreg:$0x3];
	[sflag:s21] =	ssyncset.done $0x0  }
0x117: {  	s15 =	sadd.s32 s16, s19;
	[sflag:s21] =	ssyncadd.s32 $0xFFFFFFB0  }
0x118: {  	[hbm4b:s15+s2] =	stream.linear.scatter [tilespmem:s0], [sflag:$0x9], $0x50, $0x38;
	[tilespmem:$0x5400] =	vst v63  }
0x119: {  	_ =	swait.ge [sflag:s21], $0x50  }
0x11a: {  	[sflag:s21] =	ssyncset.done $0x0  }
0x11b: {  	[sflag:s21] =	ssyncadd.s32 $0xFFFFFFB0  }
0x11c: {  	_ =	swait.ge [sflag:s4], $0x2800  }
0x11d: {  	[sflag:s4] =	ssyncset.done $0x0  }
0x11e: {  	[sflag:s4] =	ssyncadd.s32 $0xFFFFD800  }
0x11f: {  	_ =	swait.ge [sflag:s8], $0x50  }
0x120: {  	[sflag:s8] =	ssyncset.done $0x0  }
0x121: {  	[sflag:s8] =	ssyncadd.s32 $0xFFFFFFB0  }
0x122: {  	_ =	swait.ge [sflag:s9], $0x50  }
0x123: {  	[sflag:s9] =	ssyncset.done $0x0  }
0x124: {  	[sflag:s9] =	ssyncadd.s32 $0xFFFFFFB0  }
0x125: {  	_ =	swait.ge [sflag:s10], $0x50  }
0x126: {  	[sflag:s10] =	ssyncset.done $0x0  }
0x127: {  	s20 =	rddreg [dreg:$0xb];
	[sflag:s10] =	ssyncadd.s32 $0xFFFFFFB0  }
0x128: {  	[hbm4b:s20+s2] =	stream.linear.scatter [tilespmem:s23], [sflag:$0x9], $0x2800, $0x38;
	[tilespmem:$0x5400] =	vst v63  }
0x129: {  	_ =	swait.ge [sflag:s21], $0x2800  }
0x12a: {  	[sflag:s21] =	ssyncset.done $0x0  }
0x12b: {  	s16 =	rddreg [dreg:$0xc];
	[sflag:s21] =	ssyncadd.s32 $0xFFFFD800  }
0x12c: {  	[hbm4b:s16+s2] =	stream.linear.scatter [tilespmem:s24], [sflag:$0x9], $0x50, $0x38;
	[tilespmem:$0x5400] =	vst v63  }
0x12d: {  	_ =	swait.ge [sflag:s21], $0x50  }
0x12e: {  	[sflag:s21] =	ssyncset.done $0x0  }
0x12f: {  	s17 =	rddreg [dreg:$0xd];
	[sflag:s21] =	ssyncadd.s32 $0xFFFFFFB0  }
0x130: {  	[hbm4b:s17+s2] =	stream.linear.scatter [tilespmem:s25], [sflag:$0x9], $0x50, $0x38;
	[tilespmem:$0x5400] =	vst v63  }
0x131: {  	_ =	swait.ge [sflag:s21], $0x50  }
0x132: {  	[sflag:s21] =	ssyncset.done $0x0  }
0x133: {  	s18 =	rddreg [dreg:$0xe];
	[sflag:s21] =	ssyncadd.s32 $0xFFFFFFB0  }
0x134: {  	[hbm4b:s18+s2] =	stream.linear.scatter [tilespmem:s26], [sflag:$0x9], $0x50, $0x38;
	[tilespmem:$0x5400] =	vst v63  }
0x135: {  	_ =	swait.ge [sflag:s21], $0x50  }
0x136: {  	[sflag:s21] =	ssyncset.done $0x0  }
0x137: {  	s19 =	rddreg [dreg:$0xf];
	[sflag:s21] =	ssyncadd.s32 $0xFFFFFFB0  }
0x138: {  	[tilespmem:s28], [sflag:$0x9] =	stream.linear.gather [hbm4b:s19+s2], $0x50, $0x38;
	[tilespmem:$0x5400] =	vst v63  }
0x139: {  	_ =	swait.ge [sflag:s21], $0x50  }
0x13a: {  	[sflag:s21] =	ssyncset.done $0x0  }
0x13b: {  	[sflag:s21] =	ssyncadd.s32 $0xFFFFFFB0  }
0x13c: {  	[tilespmem:s29], [sflag:$0x5] =	stream.indirect.gather [hbm4b:s1+s22], $0x80, s28, s22, $0xb8;
	[tilespmem:$0x5400] =	vst v63  }
0x13d: {  	_ = 	snop  }
0x13e: {  	[tilespmem:s30], [sflag:$0x6] =	stream.indirect.gather [hbm4b:s5+s22], $0x1, s28, s22, $0xb8;
	[tilespmem:$0x5400] =	vst v63  }
0x13f: {  	_ = 	snop  }
0x140: {  	[tilespmem:s31], [sflag:$0x7] =	stream.indirect.gather [hbm4b:s6+s22], $0x1, s28, s22, $0xb8;
	[tilespmem:$0x5400] =	vst v63  }
0x141: {  	_ = 	snop  }
0x142: {  	[tilespmem:s0], [sflag:$0x8] =	stream.indirect.gather [hbm4b:s7+s22], $0x1, s28, s22, $0xb8;
	[tilespmem:$0x5400] =	vst v63  }
0x143: {  	_ =	swait.ge [sflag:s11], $0x2800  }
0x144: {  	[sflag:s11] =	ssyncset.done $0x0  }
0x145: {  	[sflag:s11] =	ssyncadd.s32 $0xFFFFD800  }
0x146: {  	_ =	swait.ge [sflag:s12], $0x50  }
0x147: {  	[sflag:s12] =	ssyncset.done $0x0  }
0x148: {  	[sflag:s12] =	ssyncadd.s32 $0xFFFFFFB0  }
0x149: {  	_ =	swait.ge [sflag:s13], $0x50  }
0x14a: {  	[sflag:s13] =	ssyncset.done $0x0  }
0x14b: {  	[sflag:s13] =	ssyncadd.s32 $0xFFFFFFB0  }
0x14c: {  	_ =	swait.ge [sflag:s14], $0x50  }
0x14d: {  	[sflag:s14] =	ssyncset.done $0x0  }
0x14e: {  	s20 =	rddreg [dreg:$0x10];
	[sflag:s14] =	ssyncadd.s32 $0xFFFFFFB0  }
0x14f: {  	[hbm4b:s20+s2] =	stream.linear.scatter [tilespmem:s29], [sflag:$0x9], $0x2800, $0x38;
	[tilespmem:$0x5400] =	vst v63  }
0x150: {  	_ =	swait.ge [sflag:s21], $0x2800  }
0x151: {  	[sflag:s21] =	ssyncset.done $0x0  }
0x152: {  	s16 =	rddreg [dreg:$0x11];
	[sflag:s21] =	ssyncadd.s32 $0xFFFFD800  }
0x153: {  	[hbm4b:s16+s2] =	stream.linear.scatter [tilespmem:s30], [sflag:$0x9], $0x50, $0x38;
	[tilespmem:$0x5400] =	vst v63  }
0x154: {  	_ =	swait.ge [sflag:s21], $0x50  }
0x155: {  	[sflag:s21] =	ssyncset.done $0x0  }
0x156: {  	s17 =	rddreg [dreg:$0x12];
	[sflag:s21] =	ssyncadd.s32 $0xFFFFFFB0  }
0x157: {  	[hbm4b:s17+s2] =	stream.linear.scatter [tilespmem:s31], [sflag:$0x9], $0x50, $0x38;
	[tilespmem:$0x5400] =	vst v63  }
0x158: {  	_ =	swait.ge [sflag:s21], $0x50  }
0x159: {  	[sflag:s21] =	ssyncset.done $0x0  }
0x15a: {  	s18 =	rddreg [dreg:$0x13];
	[sflag:s21] =	ssyncadd.s32 $0xFFFFFFB0  }
0x15b: {  	[hbm4b:s18+s2] =	stream.linear.scatter [tilespmem:s0], [sflag:$0x9], $0x50, $0x38;
	[tilespmem:$0x5400] =	vst v63  }
0x15c: {  	_ =	swait.ge [sflag:s21], $0x50  }
0x15d: {  	s19 =	rddreg [dreg:$0x17]  }
0x15e: {  	s20 =	rddreg [dreg:$0x14];
	s16 =	sadd.s32 $0x1, s19  }
0x15f: {  	p0 =	sne.s32 s16, s20  }
.Ltmp1:
0x160: {  	_ = 	snop;
	(pc) =	sbr.rel @p0 .LBB2_1-.Ltmp1, $3  }
0x161: {  	_ =	sdelay $0x1  }
0x162: {  	[sflag:s21] =	ssyncset.done $0x0  }
0x163: {  	[sflag:s21] =	ssyncadd.s32 $0xFFFFFFB0  }
0x164: {  	_ =	sfence.sel $0x180000  }
0x165: {  	[bflag:$0x0] =	sbarrier.arrive $0xFFFF  }
0x166: {  	_ =	strace $0x9000004A  }
0x167: {  	s0 =	stileid.u32;
	[bflag:$0x2] =	sbarrier.arrive $0xFFFF  }
0x168: {  	p0 =	sne.s32 s0, $0x0;
	s0 =	rddreg [dreg:$0x2]  }
0x169: {  	s0 =	sadd.s32 @!p0 $0x100000, s0  }
0x16a: {  	[sflag:s0] =	ssyncadd.tile.s32 @!p0 $0x1;
	_ =	shalt  }
.Lfunc_end2:
_tile_overlayer_lowered:
.L_overlay_start_2:
0x16b: {  	(tag) =	ssettag $0x2  }
0x16c: {  	s0 =	rddreg [dreg:$0x0];
	s2 =	stileid.u32  }
0x16d: {  	s1 =	rddreg [dreg:$0x1];
	p0 =	sne.s32 s2, $0x0  }
0x16e: {  	s3 =	rddreg [dreg:$0x2];
	[bflag:$0x3] =	sbarrier.arrive $0xFFFF;
	s2 =	simm.s32 @!p0 $0x1C09  }
0x16f: {  	[timem:s3], [sflag:s2] =	dma.local @!p0 [hbm:s0], s1  }
0x170: {  	s0 =	simm.s32 @!p0 $0x9  }
0x171: {  	_ =	swait.ge @!p0 [sflag:s0], s1  }
0x172: {  	s1 =	ssub.s32 @!p0 $0x0, s1;
	[sflag:s0] =	ssyncset.done @!p0 $0x0  }
0x173: {  	[sflag:s0] =	ssyncadd.s32 @!p0 s1  }
0x174: {  	[bflag:$0x3] =	sbarrier.arrive $0xFFFF  }
0x175: {  	_ =	shalt  }

// kernel: kernel.7.cloned.1.call-start
scs
__scs_entry_jumppad:
0x0: {  	(pc) =	sbr.rel $0x88, $3  }
0x1: {  	(tag) =	ssettag $0x0;
	lr =	simm.s32 $0x1  }
0x2: {  	[smem:$0x3F9A] =	sst lr;
	_ =	strace $0xD0000000  }
0x3: {  	_ = 	snop  }
0x4: {  	_ = 	snop  }
0x5: {  	_ = 	snop  }
0x6: {  	_ = 	snop  }
0x7: {  	_ = 	snop  }
__scs_overlays_trampoline_lowered:
0x8: {  	[smem:$0x3FA9] =	sst s0  }
0x9: {  	[smem:$0x3FAA] =	sst s1  }
0xa: {  	[smem:$0x3FAB] =	sst s2  }
0xb: {  	[smem:$0x3FAC] =	sst s3  }
0xc: {  	[smem:$0x3FAD] =	sst s4  }
0xd: {  	[smem:$0x3FAE] =	sst s5  }
0xe: {  	[smem:$0x3FAF] =	sst s6  }
0xf: {  	[smem:$0x3FB0] =	sst s7  }
0x10: {  	[smem:$0x3FB1] =	sst s8  }
0x11: {  	[smem:$0x3FB2] =	sst s9;
	s0 =	simm.s32 @!p0 $0x0  }
0x12: {  	s1 =	sld [smem:$0x3F98];
	s0 =	simm.s32 @p0 $0x1  }
0x13: {  	[smem:$0x3FB3] =	sst s0;
	s0 =	simm.s32 @!p1 $0x0  }
0x14: {  	s2 =	sld [smem:$0x3F97];
	s0 =	simm.s32 @p1 $0x1  }
0x15: {  	[smem:$0x3FB4] =	sst s0;
	s0 =	simm.s32 @!p2 $0x0  }
0x16: {  	s3 =	sld [smem:$0x3FDB];
	s0 =	simm.s32 @p2 $0x1  }
0x17: {  	s4 =	simm.s32 $0x1BF5;
	[smem:$0x3FB6] =	sst s0  }
0x18: {  	s0 =	sld [smem:$0x3F99];
	_ =	swait.ge [sflag:s4], $0x0  }
0x19: {  	s7 =	sld [smem:$0x3F9A]  }
0x1a: {  	s8 =	sadd.s32 $0xFFFFE003, lr  }
0x1b: {  	s9 =	sadd.s32 $0xFFFFFEF7, lr;
	s5 =	simm.s32 $0xFFFFFFFF;
	p2 =	slt.u32 s8, $0xFFFFF086  }
0x1c: {  	p1 =	slt.u32 s9, $0xF7A;
	s5 =	simm.s32 @!p2 $0x0  }
0x1d: {  	s5 =	simm.s32 @p1 $0x1;
	p0 =	seq.s32 s7, s2  }
0x1e: {  	s7 =	smul.u32 @!p0 $0xF7A, s2;
	p2 =	seq.s32 @!p0 s5, $0x0  }
0x1f: {  	s9 =	smul.u32 $0xF7A, s1;
	s8 =	simm.s32 @!p0 $0x1BF5;
	p2 =	por !p2, p0  }
0x20: {  	[sflag:s8] =	ssyncset.s32 @!p0 $0xFFFFF086;
	s6 =	sadd.s32 @!p0 s3, s7;
	s7 =	simm.s32 @!p0 $0x108  }
0x21: {  	s3 =	sadd.s32 s3, s9;
	s6 =	sadd.s32 @!p0 $0x88, s6;
	s7 =	simm.s32 @p2 $0x1082  }
0x22: {  	[simem:s7], [sflag:s8] =	dma.local @!p0 [hbm:s6], $0xF7A  }
0x23: {  	s9 =	sor.u32 $0xD0000000, s2;
	s6 =	simm.s32 $0x108;
	_ =	swait.ge @!p0 [sflag:s8], $0x0  }
0x24: {  	s3 =	sadd.s32 $0x88, s3;
	s6 =	simm.s32 @!p1 $0x1082;
	[sflag:s4] =	ssyncset.s32 $0xFFFFF086  }
0x25: {  	[simem:s6], [sflag:s4] =	dma.local [hbm:s3], $0xF7A  }
0x26: {  	[smem:$0x3F9A] =	sst s1;
	(tag) =	ssettag s2;
	_ =	strace s9  }
0x27: {  	s1 =	sld [smem:$0x3FAA]  }
0x28: {  	s2 =	sld [smem:$0x3FAB]  }
0x29: {  	s4 =	sld [smem:$0x3FAD]  }
0x2a: {  	p0 =	seq.s32 s5, $0x0;
	s5 =	sld [smem:$0x3FAE]  }
0x2b: {  	s6 =	sld [smem:$0x3FAF]  }
0x2c: {  	s7 =	sld [smem:$0x3FB0]  }
0x2d: {  	s3 =	simm.s32 $0x108;
	s8 =	sld [smem:$0x3FB1]  }
0x2e: {  	s3 =	simm.s32 @!p0 $0x1082;
	s9 =	sld [smem:$0x3FB2]  }
0x2f: {  	lr =	sadd.s32 s0, s3;
	s0 =	sld [smem:$0x3FA9]  }
0x30: {  	s3 =	sld [smem:$0x3FAC]  }
0x31: {  	[smem:$0x3FB5] =	sst s10  }
0x32: {  	s10 =	sld [smem:$0x3FB3];
	_ =	sdelay $0x3  }
0x33: {  	p0 =	seq.s32 s10, $0x1;
	s10 =	sld [smem:$0x3FB5];
	_ =	sdelay $0x3  }
0x34: {  	[smem:$0x3FB5] =	sst s10  }
0x35: {  	s10 =	sld [smem:$0x3FB4];
	_ =	sdelay $0x3  }
0x36: {  	p1 =	seq.s32 s10, $0x1;
	s10 =	sld [smem:$0x3FB5];
	_ =	sdelay $0x3  }
0x37: {  	[smem:$0x3FB5] =	sst s10  }
0x38: {  	s10 =	sld [smem:$0x3FB6]  }
0x39: {  	_ = 	snop;
	(pc) =	sbr.ind lr, $3  }
0x3a: {  	_ = 	snop  }
0x3b: {  	_ = 	snop  }
0x3c: {  	p2 =	seq.s32 s10, $0x1;
	s10 =	sld [smem:$0x3FB5]  }
0x3d: {  	_ =	shalt  }
0x3e: {  	_ =	shalt  }
0x3f: {  	_ =	shalt  }
0x40: {  	_ =	shalt  }
0x41: {  	_ =	shalt  }
0x42: {  	_ =	shalt  }
0x43: {  	_ =	shalt  }
0x44: {  	_ =	shalt  }
0x45: {  	_ =	shalt  }
0x46: {  	_ =	shalt  }
0x47: {  	_ =	shalt  }
0x48: {  	_ =	shalt  }
0x49: {  	_ =	shalt  }
0x4a: {  	_ =	shalt  }
0x4b: {  	_ =	shalt  }
0x4c: {  	_ =	shalt  }
0x4d: {  	_ =	shalt  }
0x4e: {  	_ =	shalt  }
0x4f: {  	_ =	shalt  }
0x50: {  	_ =	shalt  }
0x51: {  	_ =	shalt  }
0x52: {  	_ =	shalt  }
0x53: {  	_ =	shalt  }
0x54: {  	_ =	shalt  }
0x55: {  	_ =	shalt  }
0x56: {  	_ =	shalt  }
0x57: {  	_ =	shalt  }
0x58: {  	_ =	shalt  }
0x59: {  	_ =	shalt  }
0x5a: {  	_ =	shalt  }
0x5b: {  	_ =	shalt  }
0x5c: {  	_ =	shalt  }
0x5d: {  	_ =	shalt  }
0x5e: {  	_ =	shalt  }
0x5f: {  	_ =	shalt  }
0x60: {  	_ =	shalt  }
0x61: {  	_ =	shalt  }
0x62: {  	_ =	shalt  }
0x63: {  	_ =	shalt  }
0x64: {  	_ =	shalt  }
0x65: {  	_ =	shalt  }
0x66: {  	_ =	shalt  }
0x67: {  	_ =	shalt  }
0x68: {  	_ =	shalt  }
0x69: {  	_ =	shalt  }
0x6a: {  	_ =	shalt  }
0x6b: {  	_ =	shalt  }
0x6c: {  	_ =	shalt  }
0x6d: {  	_ =	shalt  }
0x6e: {  	_ =	shalt  }
0x6f: {  	_ =	shalt  }
0x70: {  	_ =	shalt  }
0x71: {  	_ =	shalt  }
0x72: {  	_ =	shalt  }
0x73: {  	_ =	shalt  }
0x74: {  	_ =	shalt  }
0x75: {  	_ =	shalt  }
0x76: {  	_ =	shalt  }
0x77: {  	_ =	shalt  }
0x78: {  	_ =	shalt  }
0x79: {  	_ =	shalt  }
0x7a: {  	_ =	shalt  }
0x7b: {  	_ =	shalt  }
0x7c: {  	_ =	shalt  }
0x7d: {  	_ =	shalt  }
0x7e: {  	_ =	shalt  }
0x7f: {  	_ =	shalt  }
0x80: {  	_ =	shalt  }
0x81: {  	_ =	shalt  }
0x82: {  	_ =	shalt  }
0x83: {  	_ =	shalt  }
0x84: {  	_ =	shalt  }
0x85: {  	_ =	shalt  }
0x86: {  	_ =	shalt  }
0x87: {  	_ =	shalt  }
.Lfunc_end0:
.L_simem_size_0:
called_computation_lowered:
.L_overlay_start_0:
0x88: {  	s2 =	sld [smem:$0x3FD9]  }
0x89: {  	s3 =	sld [smem:$0x3FFE];
	_ =	sdelay $0x1  }
0x8a: {  	s1 =	srdreg.scid  }
0x8b: {  	s0 =	sand.u32 $0x1, s1  }
0x8c: {  	s17 =	sshll.u32 s0, $0xA;
	s2 =	sadd.s32 s3, s2  }
0x8d: {  	s2 =	sadd.s32 s2, s17  }
0x8e: {  	[smem:$0x3FC1] =	sst s2  }
0x8f: {  	_ = 	snop  }
0x90: {  	s2 =	sld [smem:$0x3FC9]  }
0x91: {  	s18 =	sld [smem:$0x3FD0];
	(tm) =	ssettm $0x1  }
0x92: {  	s4 =	sld [smem:$0x3FFB];
	_ =	sdelay $0x3  }
0x93: {  	_ =	strace s4  }
0x94: {  	s4 =	sld [smem:$0x3FFC];
	_ =	sdelay $0x3  }
0x95: {  	_ =	strace s4  }
0x96: {  	s4 =	sld [smem:$0x3FFD];
	_ =	sdelay $0x3  }
0x97: {  	_ =	strace s4  }
0x98: {  	_ =	strace $0x8FFFFFFF  }
0x99: {  	s19 =	sld [smem:$0x3FDB];
	_ =	sdelay $0x1  }
0x9a: {  	s5 =	simm.s32 $_scs_section_size  }
0x9b: {  	s6 =	simm.s32 $_size__tile_overlayer_lowered;
	s7 =	simm.s32 $_tile_overlayer_lowered  }
0x9c: {  	s22 =	simm.s32 $0x1BFF;
	s21 =	sshll.u32 s7, $0x1;
	s4 =	sadd.s32 s5, s19  }
0x9d: {  	s8 =	simm.s32 $0x0;
	s20 =	sshll.u32 s6, $0x1;
	s6 =	sadd.s32 s21, s4  }
0x9e: {  	[timem:s8], [sflag:s22] =	dma.local [hbm:s6], s20  }
0x9f: {  	_ =	swait.ge [sflag:s22], s20  }
0xa0: {  	s5 =	ssub.s32 $0x0, s20;
	[sflag:s22] =	ssyncset.done $0x0  }
0xa1: {  	[sflag:s22] =	ssyncadd.s32 s5;
	_ =	sdelay $0x1  }
0xa2: {  	s23 =	simm.s32 $0x1B8B  }
0xa3: {  	_ =	swait.ge [sflag:s23], $0x1  }
0xa4: {  	[sflag:s23] =	ssyncset.done $0x0  }
0xa5: {  	s25 =	simm.s32 $0x1B8E;
	s24 =	sld [smem:$0x3FFE];
	[sflag:s23] =	ssyncadd.s32 $0xFFFFFFFF  }
0xa6: {  	s26 =	simm.s32 $execute0_lowered;
	[smem:$0x3FD2] =	sst s25  }
0xa7: {  	s6 =	sshll.u32 s26, $0x1;
	_ =	strace $0x80000046;
	[dreg:$0x1] =	wrdreg $0xFFFFFFFF  }
0xa8: {  	s28 =	simm.s32 $_size_execute0_lowered;
	s4 =	sadd.s32 s4, s6;
	[dreg:$0x0] =	wrdreg $0x0  }
0xa9: {  	s6 =	sshll.u32 s28, $0x1;
	[dreg:$0x2] =	wrdreg s4  }
0xaa: {  	[dreg:$0x3] =	wrdreg s6  }
0xab: {  	[dreg:$0x4] =	wrdreg $0xC0  }
0xac: {  	_ =	task [dreg:s8], $0x5FFFF  }
0xad: {  	[dreg:$0x1] =	wrdreg $0xFFFFFFFF  }
0xae: {  	[dreg:$0x0] =	wrdreg $0x60  }
0xaf: {  	[dreg:$0x2] =	wrdreg s18  }
0xb0: {  	[dreg:$0x3] =	wrdreg s2  }
0xb1: {  	[dreg:$0x4] =	wrdreg s24  }
0xb2: {  	[dreg:$0x5] =	wrdreg $0x9  }
0xb3: {  	_ =	task.clear_ibuf [dreg:s8], $0x6FFFF;
	_ =	strace $0x90000046  }
0xb4: {  	s29 =	simm.s32 $0x9;
	_ =	strace $0x80000048  }
0xb5: {  	_ =	swait.ge [sflag:s29], $0x1  }
0xb6: {  	[sflag:s29] =	ssyncadd.s32 $0xFFFFFFFF  }
0xb7: {  	_ =	strace $0x90000048  }
0xb8: {  	_ =	sfence  }
0xb9: {  	s30 =	sld [smem:$0x0];
	_ =	sdelay $0x2  }
0xba: {  	s31 =	sshll.u32 s1, $0xD;
	s1 =	sshrl.u32 s1, $0x2  }
0xbb: {  	s3 =	sand.u32 $0x4000, s31;
	s1 =	sadd.s32 s1, s30  }
0xbc: {  	s0 =	sor.u32 s3, s0;
	s1 =	sshll.u32 s1, $0x11  }
0xbd: {  	s0 =	sor.u32 s1, s0  }
0xbe: {  	s0 =	sadd.s32 $0x8F2B, s0  }
0xbf: {  	[sflag:s0] =	ssyncadd.remote.s32 $0x1  }
0xc0: {  	_ =	sfence.sel $0xFFFF  }
0xc1: {  	[dreg:$0x0] =	wrdreg $0xFFFFFFFF;
	(pc) =	sbr.abs _section_cstart, $3  }
0xc2: {  	[dreg:$0x1] =	wrdreg $0xFFFFFFFF  }
0xc3: {  	_ =	task.clear_ibuf [dreg:s8], $0x2FFFF;
	_ =	strace $0x9FFFFFFF  }
0xc4: {  	(tm) =	ssettm $0x7FFFFFFF  }
0xc5: {  	_ =	shalt  }
tec
execute0_lowered:
.L_overlay_start_1:
0x0: {  	(tag) =	ssettag $0x1  }
0x1: {  	s1 =	rddreg [dreg:$0x0]  }
0x2: {  	s2 =	rddreg [dreg:$0x1]  }
0x3: {  	s0 =	rddreg [dreg:$0x2];
	s3 =	simm.s32 $0x0;
	s4 =	srdreg.scid  }
0x4: {  	s17 =	stileid.u32;
	s28 =	simm.s32 $0x1;
	s29 =	simm.s32 $0x2  }
0x5: {  	s30 =	simm.s32 $0x3;
	s31 =	simm.s32 $0x4;
	[smem:$0x7FF] =	sst s3  }
0x6: {  	s5 =	sadd.s32 $0x1A00, s0;
	s6 =	sadd.s32 $0x1400, s0;
	s4 =	sand.u32 $0x1, s4  }
0x7: {  	s8 =	sshll.u32 s17, $0x1;
	s7 =	sadd.s32 $0xE00, s0;
	s9 =	sadd.s32 $0x13A00, s0  }
0x8: {  	s10 =	sadd.s32 $0x2000, s0;
	s11 =	sadd.s32 $0x7E00, s0;
	s13 =	smul.u32 $0x2EE0, s17  }
0x9: {  	s8 =	sor.u32 s4, s8;
	s12 =	ssub.s32 $0x2, s4;
	s16 =	smul.u32 $0x1770, s4  }
0xa: {  	s0 =	sadd.s32 $0xDC00, s0;
	s8 =	smul.u32 $0x1770, s8;
	s14 =	sshrl.u32 s12, $0x1  }
0xb: {  	s21 =	smul.u32 $0x2EE00, s17;
	_ =	strace $0x80000047;
	s12 =	ssub.s32 s12, s14  }
0xc: {  	s13 =	sadd.s32 s16, s13;
	s15 =	sshrl.u32 s8, $0x3;
	s12 =	smax.u32 s12, $0x1  }
0xd: {  	s8 =	sadd.s32 $0x1720, s8;
	s19 =	sadd.s32 $0xA0, s13;
	[dreg:$0x10] =	wrdreg s12  }
0xe: {  	s23 =	sadd.s32 s1, s15;
	s24 =	sshll.u32 s8, $0x4;
	[dreg:$0x11] =	wrdreg s19  }
0xf: {  	s8 =	sshrl.u32 s8, $0x3;
	[dreg:$0xb] =	wrdreg s23;
	s14 =	sadd.s32 s9, s24  }
0x10: {  	s17 =	simm.s32 $0x50;
	s25 =	sadd.s32 s10, s8;
	[dreg:$0xc] =	wrdreg s14  }
0x11: {  	s26 =	sadd.s32 $0x50, s13;
	s16 =	sadd.s32 s11, s8;
	[dreg:$0xd] =	wrdreg s25  }
0x12: {  	s18 =	sshrl.u32 s26, $0x3;
	s8 =	sadd.s32 s0, s8;
	[dreg:$0xe] =	wrdreg s16  }
0x13: {  	s4 =	smul.u32 $0x17700, s4;
	s20 =	sadd.s32 s18, s0;
	[dreg:$0xf] =	wrdreg s8  }
0x14: {  	s19 =	simm.s32 $0x5100;
	s22 =	sadd.s32 s18, s11;
	[dreg:$0x4] =	wrdreg s20  }
0x15: {  	s23 =	sadd.s32 s18, s10;
	s24 =	sshrl.u32 s13, $0x3;
	[dreg:$0x5] =	wrdreg s22  }
0x16: {  	s9 =	sadd.s32 s21, s9;
	s21 =	simm.s32 $0x5300;
	[dreg:$0x6] =	wrdreg s23  }
0x17: {  	s8 =	sadd.s32 s18, s1;
	s0 =	sadd.s32 s24, s0;
	s4 =	sadd.s32 s4, s9  }
0x18: {  	s25 =	sadd.s32 s24, s11;
	s26 =	sadd.s32 s24, s10;
	s16 =	simm.s32 $0x9  }
0x19: {  	s18 =	simm.s32 $0x100;
	s20 =	simm.s32 $0x5200;
	[dreg:$0x7] =	wrdreg s8  }
0x1a: {  	s22 =	simm.s32 $0x80;
	s23 =	simm.s32 $0x2900;
	[dreg:$0x8] =	wrdreg s0  }
0x1b: {  	s24 =	simm.s32 $0x5180;
	s9 =	simm.s32 $0x8;
	[dreg:$0x9] =	wrdreg s25  }
0x1c: {  	s11 =	simm.s32 $0x0;
	s4 =	sadd.s32 $0x500, s4;
	[dreg:$0xa] =	wrdreg s26  }
0x1d: {  	s25 =	simm.s32 $0x5280;
	s26 =	simm.s32 $0x5380;
	s0 =	simm.s32 $0x5  }
0x1e: {  	s8 =	simm.s32 $0x7;
	[dreg:$0x12] =	wrdreg s4;
	s4 =	simm.s32 $0x6  }
.LBB2_1:
0x1f: {  	[dreg:$0x13] =	wrdreg s11  }
0x20: {  	s10 =	rddreg [dreg:$0xb]  }
0x21: {  	[tilespmem:s3], [sflag:$0x9] =	stream.linear.gather [hbm4b:s10+s3], $0x50, $0x38;
	[tilespmem:$0x5400] =	vst v63  }
0x22: {  	_ =	swait.ge [sflag:s16], $0x50  }
0x23: {  	[sflag:s16] =	ssyncset.done $0x0  }
0x24: {  	[sflag:s16] =	ssyncadd.s32 $0xFFFFFFB0  }
0x25: {  	[tilespmem:s18], [sflag:$0x1] =	stream.indirect.gather [hbm4b:s2+s17], $0x80, s3, s17, $0xb8;
	[tilespmem:$0x5400] =	vst v63  }
0x26: {  	_ = 	snop  }
0x27: {  	[tilespmem:s19], [sflag:$0x2] =	stream.indirect.gather [hbm4b:s5+s17], $0x1, s3, s17, $0xb8;
	[tilespmem:$0x5400] =	vst v63  }
0x28: {  	_ = 	snop  }
0x29: {  	[tilespmem:s20], [sflag:$0x3] =	stream.indirect.gather [hbm4b:s6+s17], $0x1, s3, s17, $0xb8;
	[tilespmem:$0x5400] =	vst v63  }
0x2a: {  	s12 =	rddreg [dreg:$0x7]  }
0x2b: {  	[tilespmem:s21], [sflag:$0x4] =	stream.indirect.gather [hbm4b:s7+s17], $0x1, s3, s17, $0xb8;
	[tilespmem:$0x5400] =	vst v63  }
0x2c: {  	s10 =	sadd.s32 $0x0, s12  }
0x2d: {  	[tilespmem:s22], [sflag:$0x9] =	stream.linear.gather [hbm4b:s10+s3], $0x50, $0x38;
	[tilespmem:$0x5400] =	vst v63  }
0x2e: {  	_ =	swait.ge [sflag:s16], $0x50  }
0x2f: {  	[sflag:s16] =	ssyncset.done $0x0  }
0x30: {  	[sflag:s16] =	ssyncadd.s32 $0xFFFFFFB0  }
0x31: {  	[tilespmem:s23], [sflag:$0x5] =	stream.indirect.gather [hbm4b:s2+s17], $0x80, s22, s17, $0xb8;
	[tilespmem:$0x5400] =	vst v63  }
0x32: {  	_ = 	snop  }
0x33: {  	[tilespmem:s24], [sflag:$0x6] =	stream.indirect.gather [hbm4b:s5+s17], $0x1, s22, s17, $0xb8;
	[tilespmem:$0x5400] =	vst v63  }
0x34: {  	_ = 	snop  }
0x35: {  	[tilespmem:s25], [sflag:$0x7] =	stream.indirect.gather [hbm4b:s6+s17], $0x1, s22, s17, $0xb8;
	[tilespmem:$0x5400] =	vst v63  }
0x36: {  	_ = 	snop  }
0x37: {  	[tilespmem:s26], [sflag:$0x8] =	stream.indirect.gather [hbm4b:s7+s17], $0x1, s22, s17, $0xb8;
	[tilespmem:$0x5400] =	vst v63  }
0x38: {  	_ =	swait.ge [sflag:s28], $0x2800  }
0x39: {  	[sflag:s28] =	ssyncset.done $0x0  }
0x3a: {  	[sflag:s28] =	ssyncadd.s32 $0xFFFFD800  }
0x3b: {  	_ =	swait.ge [sflag:s29], $0x50  }
0x3c: {  	[sflag:s29] =	ssyncset.done $0x0  }
0x3d: {  	[sflag:s29] =	ssyncadd.s32 $0xFFFFFFB0  }
0x3e: {  	_ =	swait.ge [sflag:s30], $0x50  }
0x3f: {  	[sflag:s30] =	ssyncset.done $0x0  }
0x40: {  	[sflag:s30] =	ssyncadd.s32 $0xFFFFFFB0  }
0x41: {  	_ =	swait.ge [sflag:s31], $0x50  }
0x42: {  	[sflag:s31] =	ssyncset.done $0x0;
	s15 =	rddreg [dreg:$0x12]  }
0x43: {  	[sflag:s31] =	ssyncadd.s32 $0xFFFFFFB0;
	s13 =	sadd.s32 $0xFFFFFB00, s15  }
0x44: {  	[hbm4b:s13+s3] =	stream.linear.scatter [tilespmem:s18], [sflag:$0x9], $0x2800, $0x38;
	[tilespmem:$0x5400] =	vst v63  }
0x45: {  	_ =	swait.ge [sflag:s16], $0x2800  }
0x46: {  	s14 =	rddreg [dreg:$0xa];
	[sflag:s16] =	ssyncset.done $0x0  }
0x47: {  	[sflag:s16] =	ssyncadd.s32 $0xFFFFD800;
	s10 =	sadd.s32 $0x0, s14  }
0x48: {  	[hbm4b:s10+s3] =	stream.linear.scatter [tilespmem:s19], [sflag:$0x9], $0x50, $0x38;
	[tilespmem:$0x5400] =	vst v63  }
0x49: {  	_ =	swait.ge [sflag:s16], $0x50  }
0x4a: {  	s11 =	rddreg [dreg:$0x9];
	[sflag:s16] =	ssyncset.done $0x0  }
0x4b: {  	[sflag:s16] =	ssyncadd.s32 $0xFFFFFFB0;
	s10 =	sadd.s32 $0x0, s11  }
0x4c: {  	[hbm4b:s10+s3] =	stream.linear.scatter [tilespmem:s20], [sflag:$0x9], $0x50, $0x38;
	[tilespmem:$0x5400] =	vst v63  }
0x4d: {  	_ =	swait.ge [sflag:s16], $0x50  }
0x4e: {  	s12 =	rddreg [dreg:$0x8];
	[sflag:s16] =	ssyncset.done $0x0  }
0x4f: {  	[sflag:s16] =	ssyncadd.s32 $0xFFFFFFB0;
	s10 =	sadd.s32 $0x0, s12  }
0x50: {  	[hbm4b:s10+s3] =	stream.linear.scatter [tilespmem:s21], [sflag:$0x9], $0x50, $0x38;
	[tilespmem:$0x5400] =	vst v63  }
0x51: {  	_ =	swait.ge [sflag:s16], $0x50  }
0x52: {  	s14 =	rddreg [dreg:$0x11]  }
0x53: {  	[sflag:s16] =	ssyncset.done $0x0;
	s13 =	sshrl.u32 s14, $0x3  }
0x54: {  	[sflag:s16] =	ssyncadd.s32 $0xFFFFFFB0;
	s10 =	sadd.s32 s1, s13  }
0x55: {  	[tilespmem:s3], [sflag:$0x9] =	stream.linear.gather [hbm4b:s10+s3], $0x50, $0x38;
	[tilespmem:$0x5400] =	vst v63  }
0x56: {  	_ =	swait.ge [sflag:s16], $0x50  }
0x57: {  	[sflag:s16] =	ssyncset.done $0x0  }
0x58: {  	[sflag:s16] =	ssyncadd.s32 $0xFFFFFFB0  }
0x59: {  	[tilespmem:s18], [sflag:$0x1] =	stream.indirect.gather [hbm4b:s2+s17], $0x80, s3, s17, $0xb8;
	[tilespmem:$0x5400] =	vst v63  }
0x5a: {  	_ = 	snop  }
0x5b: {  	[tilespmem:s19], [sflag:$0x2] =	stream.indirect.gather [hbm4b:s5+s17], $0x1, s3, s17, $0xb8;
	[tilespmem:$0x5400] =	vst v63  }
0x5c: {  	_ = 	snop  }
0x5d: {  	[tilespmem:s20], [sflag:$0x3] =	stream.indirect.gather [hbm4b:s6+s17], $0x1, s3, s17, $0xb8;
	[tilespmem:$0x5400] =	vst v63  }
0x5e: {  	_ = 	snop  }
0x5f: {  	[tilespmem:s21], [sflag:$0x4] =	stream.indirect.gather [hbm4b:s7+s17], $0x1, s3, s17, $0xb8;
	[tilespmem:$0x5400] =	vst v63  }
0x60: {  	_ =	swait.ge [sflag:s0], $0x2800  }
0x61: {  	[sflag:s0] =	ssyncset.done $0x0  }
0x62: {  	[sflag:s0] =	ssyncadd.s32 $0xFFFFD800  }
0x63: {  	_ =	swait.ge [sflag:s4], $0x50  }
0x64: {  	[sflag:s4] =	ssyncset.done $0x0  }
0x65: {  	[sflag:s4] =	ssyncadd.s32 $0xFFFFFFB0  }
0x66: {  	_ =	swait.ge [sflag:s8], $0x50  }
0x67: {  	[sflag:s8] =	ssyncset.done $0x0  }
0x68: {  	[sflag:s8] =	ssyncadd.s32 $0xFFFFFFB0  }
0x69: {  	_ =	swait.ge [sflag:s9], $0x50  }
0x6a: {  	[sflag:s9] =	ssyncset.done $0x0  }
0x6b: {  	[sflag:s9] =	ssyncadd.s32 $0xFFFFFFB0  }
0x6c: {  	[hbm4b:s15+s3] =	stream.linear.scatter [tilespmem:s23], [sflag:$0x9], $0x2800, $0x38;
	[tilespmem:$0x5400] =	vst v63  }
0x6d: {  	_ =	swait.ge [sflag:s16], $0x2800  }
0x6e: {  	s11 =	rddreg [dreg:$0x6];
	[sflag:s16] =	ssyncset.done $0x0  }
0x6f: {  	[sflag:s16] =	ssyncadd.s32 $0xFFFFD800;
	s10 =	sadd.s32 $0x0, s11  }
0x70: {  	[hbm4b:s10+s3] =	stream.linear.scatter [tilespmem:s24], [sflag:$0x9], $0x50, $0x38;
	[tilespmem:$0x5400] =	vst v63  }
0x71: {  	_ =	swait.ge [sflag:s16], $0x50  }
0x72: {  	s12 =	rddreg [dreg:$0x5];
	[sflag:s16] =	ssyncset.done $0x0  }
0x73: {  	[sflag:s16] =	ssyncadd.s32 $0xFFFFFFB0;
	s10 =	sadd.s32 $0x0, s12  }
0x74: {  	[hbm4b:s10+s3] =	stream.linear.scatter [tilespmem:s25], [sflag:$0x9], $0x50, $0x38;
	[tilespmem:$0x5400] =	vst v63  }
0x75: {  	_ =	swait.ge [sflag:s16], $0x50  }
0x76: {  	s13 =	rddreg [dreg:$0x4];
	[sflag:s16] =	ssyncset.done $0x0  }
0x77: {  	[sflag:s16] =	ssyncadd.s32 $0xFFFFFFB0;
	s10 =	sadd.s32 $0x0, s13  }
0x78: {  	[hbm4b:s10+s3] =	stream.linear.scatter [tilespmem:s26], [sflag:$0x9], $0x50, $0x38;
	[tilespmem:$0x5400] =	vst v63  }
0x79: {  	s11 =	simm.s32 $0x14;
	_ =	swait.ge [sflag:s16], $0x50  }
0x7a: {  	s12 =	simm.s32 $0x28;
	s10 =	rddreg [dreg:$0x7];
	[sflag:s16] =	ssyncset.done $0x0  }
.LBB2_2:
0x7b: {  	[sflag:s16] =	ssyncadd.s32 $0xFFFFFFB0;
	s10 =	sadd.s32 s11, s10  }
0x7c: {  	[tilespmem:s22], [sflag:$0x9] =	stream.linear.gather [hbm4b:s10+s3], $0x50, $0x38;
	[tilespmem:$0x5400] =	vst v63  }
0x7d: {  	_ =	swait.ge [sflag:s16], $0x50  }
0x7e: {  	[sflag:s16] =	ssyncset.done $0x0  }
0x7f: {  	[sflag:s16] =	ssyncadd.s32 $0xFFFFFFB0  }
0x80: {  	[tilespmem:s23], [sflag:$0x5] =	stream.indirect.gather [hbm4b:s2+s17], $0x80, s22, s17, $0xb8;
	[tilespmem:$0x5400] =	vst v63  }
0x81: {  	_ = 	snop  }
0x82: {  	[tilespmem:s24], [sflag:$0x6] =	stream.indirect.gather [hbm4b:s5+s17], $0x1, s22, s17, $0xb8;
	[tilespmem:$0x5400] =	vst v63  }
0x83: {  	_ = 	snop  }
0x84: {  	[tilespmem:s25], [sflag:$0x7] =	stream.indirect.gather [hbm4b:s6+s17], $0x1, s22, s17, $0xb8;
	[tilespmem:$0x5400] =	vst v63  }
0x85: {  	_ = 	snop  }
0x86: {  	[tilespmem:s26], [sflag:$0x8] =	stream.indirect.gather [hbm4b:s7+s17], $0x1, s22, s17, $0xb8;
	[tilespmem:$0x5400] =	vst v63  }
0x87: {  	_ =	swait.ge [sflag:s28], $0x2800  }
0x88: {  	[sflag:s28] =	ssyncset.done $0x0  }
0x89: {  	[sflag:s28] =	ssyncadd.s32 $0xFFFFD800  }
0x8a: {  	_ =	swait.ge [sflag:s29], $0x50  }
0x8b: {  	[sflag:s29] =	ssyncset.done $0x0  }
0x8c: {  	[sflag:s29] =	ssyncadd.s32 $0xFFFFFFB0  }
0x8d: {  	_ =	swait.ge [sflag:s30], $0x50  }
0x8e: {  	[sflag:s30] =	ssyncset.done $0x0  }
0x8f: {  	[sflag:s30] =	ssyncadd.s32 $0xFFFFFFB0  }
0x90: {  	_ =	swait.ge [sflag:s31], $0x50  }
0x91: {  	s15 =	sadd.s32 $0xA00, s15;
	[sflag:s31] =	ssyncset.done $0x0  }
0x92: {  	s10 =	sadd.s32 $0xFFFFFB00, s15;
	[sflag:s31] =	ssyncadd.s32 $0xFFFFFFB0  }
0x93: {  	[hbm4b:s10+s3] =	stream.linear.scatter [tilespmem:s18], [sflag:$0x9], $0x2800, $0x38;
	[tilespmem:$0x5400] =	vst v63  }
0x94: {  	_ =	swait.ge [sflag:s16], $0x2800  }
0x95: {  	s10 =	rddreg [dreg:$0xa];
	[sflag:s16] =	ssyncset.done $0x0  }
0x96: {  	[sflag:s16] =	ssyncadd.s32 $0xFFFFD800;
	s10 =	sadd.s32 s11, s10  }
0x97: {  	[hbm4b:s10+s3] =	stream.linear.scatter [tilespmem:s19], [sflag:$0x9], $0x50, $0x38;
	[tilespmem:$0x5400] =	vst v63  }
0x98: {  	_ =	swait.ge [sflag:s16], $0x50  }
0x99: {  	s10 =	rddreg [dreg:$0x9];
	[sflag:s16] =	ssyncset.done $0x0  }
0x9a: {  	[sflag:s16] =	ssyncadd.s32 $0xFFFFFFB0;
	s10 =	sadd.s32 s11, s10  }
0x9b: {  	[hbm4b:s10+s3] =	stream.linear.scatter [tilespmem:s20], [sflag:$0x9], $0x50, $0x38;
	[tilespmem:$0x5400] =	vst v63  }
0x9c: {  	_ =	swait.ge [sflag:s16], $0x50  }
0x9d: {  	s10 =	rddreg [dreg:$0x8];
	[sflag:s16] =	ssyncset.done $0x0  }
0x9e: {  	[sflag:s16] =	ssyncadd.s32 $0xFFFFFFB0;
	s10 =	sadd.s32 s11, s10  }
0x9f: {  	[hbm4b:s10+s3] =	stream.linear.scatter [tilespmem:s21], [sflag:$0x9], $0x50, $0x38;
	[tilespmem:$0x5400] =	vst v63  }
0xa0: {  	s14 =	sadd.s32 $0xA0, s14;
	_ =	swait.ge [sflag:s16], $0x50  }
0xa1: {  	s10 =	sshrl.u32 s14, $0x3;
	[sflag:s16] =	ssyncset.done $0x0  }
0xa2: {  	s10 =	sadd.s32 s1, s10;
	[sflag:s16] =	ssyncadd.s32 $0xFFFFFFB0  }
0xa3: {  	[tilespmem:s3], [sflag:$0x9] =	stream.linear.gather [hbm4b:s10+s3], $0x50, $0x38;
	[tilespmem:$0x5400] =	vst v63  }
0xa4: {  	_ =	swait.ge [sflag:s16], $0x50  }
0xa5: {  	[sflag:s16] =	ssyncset.done $0x0  }
0xa6: {  	[sflag:s16] =	ssyncadd.s32 $0xFFFFFFB0  }
0xa7: {  	[tilespmem:s18], [sflag:$0x1] =	stream.indirect.gather [hbm4b:s2+s17], $0x80, s3, s17, $0xb8;
	[tilespmem:$0x5400] =	vst v63  }
0xa8: {  	_ = 	snop  }
0xa9: {  	[tilespmem:s19], [sflag:$0x2] =	stream.indirect.gather [hbm4b:s5+s17], $0x1, s3, s17, $0xb8;
	[tilespmem:$0x5400] =	vst v63  }
0xaa: {  	_ = 	snop  }
0xab: {  	[tilespmem:s20], [sflag:$0x3] =	stream.indirect.gather [hbm4b:s6+s17], $0x1, s3, s17, $0xb8;
	[tilespmem:$0x5400] =	vst v63  }
0xac: {  	_ = 	snop  }
0xad: {  	[tilespmem:s21], [sflag:$0x4] =	stream.indirect.gather [hbm4b:s7+s17], $0x1, s3, s17, $0xb8;
	[tilespmem:$0x5400] =	vst v63  }
0xae: {  	_ =	swait.ge [sflag:s0], $0x2800  }
0xaf: {  	[sflag:s0] =	ssyncset.done $0x0  }
0xb0: {  	[sflag:s0] =	ssyncadd.s32 $0xFFFFD800  }
0xb1: {  	_ =	swait.ge [sflag:s4], $0x50  }
0xb2: {  	[sflag:s4] =	ssyncset.done $0x0  }
0xb3: {  	[sflag:s4] =	ssyncadd.s32 $0xFFFFFFB0  }
0xb4: {  	_ =	swait.ge [sflag:s8], $0x50  }
0xb5: {  	[sflag:s8] =	ssyncset.done $0x0  }
0xb6: {  	[sflag:s8] =	ssyncadd.s32 $0xFFFFFFB0  }
0xb7: {  	_ =	swait.ge [sflag:s9], $0x50  }
0xb8: {  	[sflag:s9] =	ssyncset.done $0x0  }
0xb9: {  	[sflag:s9] =	ssyncadd.s32 $0xFFFFFFB0  }
0xba: {  	[hbm4b:s15+s3] =	stream.linear.scatter [tilespmem:s23], [sflag:$0x9], $0x2800, $0x38;
	[tilespmem:$0x5400] =	vst v63  }
0xbb: {  	_ =	swait.ge [sflag:s16], $0x2800  }
0xbc: {  	s10 =	rddreg [dreg:$0x6];
	[sflag:s16] =	ssyncset.done $0x0  }
0xbd: {  	[sflag:s16] =	ssyncadd.s32 $0xFFFFD800;
	s10 =	sadd.s32 s11, s10  }
0xbe: {  	[hbm4b:s10+s3] =	stream.linear.scatter [tilespmem:s24], [sflag:$0x9], $0x50, $0x38;
	[tilespmem:$0x5400] =	vst v63  }
0xbf: {  	_ =	swait.ge [sflag:s16], $0x50  }
0xc0: {  	s10 =	rddreg [dreg:$0x5];
	[sflag:s16] =	ssyncset.done $0x0  }
0xc1: {  	[sflag:s16] =	ssyncadd.s32 $0xFFFFFFB0;
	s10 =	sadd.s32 s11, s10  }
0xc2: {  	[hbm4b:s10+s3] =	stream.linear.scatter [tilespmem:s25], [sflag:$0x9], $0x50, $0x38;
	[tilespmem:$0x5400] =	vst v63  }
0xc3: {  	p0 =	sne.s32 s12, $0x2D0;
	_ =	swait.ge [sflag:s16], $0x50  }
.Ltmp0:
0xc4: {  	s10 =	rddreg [dreg:$0x4];
	[sflag:s16] =	ssyncset.done $0x0;
	(pc) =	sbr.rel @p0 .LBB2_2-.Ltmp0, $4  }
0xc5: {  	[sflag:s16] =	ssyncadd.s32 $0xFFFFFFB0;
	s10 =	sadd.s32 s11, s10  }
0xc6: {  	[hbm4b:s10+s3] =	stream.linear.scatter [tilespmem:s26], [sflag:$0x9], $0x50, $0x38;
	[tilespmem:$0x5400] =	vst v63  }
0xc7: {  	s13 =	smov.u32 s12;
	s12 =	sadd.s32 $0x14, s12;
	_ =	swait.ge [sflag:s16], $0x50  }
0xc8: {  	s11 =	smov.u32 s13;
	s10 =	rddreg [dreg:$0x7];
	[sflag:s16] =	ssyncset.done $0x0  }
0xc9: {  	[sflag:s16] =	ssyncadd.s32 $0xFFFFFFB0;
	s10 =	sadd.s32 s11, s10  }
0xca: {  	[tilespmem:s22], [sflag:$0x9] =	stream.linear.gather [hbm4b:s10+s3], $0x50, $0x38;
	[tilespmem:$0x5400] =	vst v63  }
0xcb: {  	_ =	swait.ge [sflag:s16], $0x50  }
0xcc: {  	[sflag:s16] =	ssyncset.done $0x0  }
0xcd: {  	[sflag:s16] =	ssyncadd.s32 $0xFFFFFFB0  }
0xce: {  	[tilespmem:s23], [sflag:$0x5] =	stream.indirect.gather [hbm4b:s2+s17], $0x80, s22, s17, $0xb8;
	[tilespmem:$0x5400] =	vst v63  }
0xcf: {  	_ = 	snop  }
0xd0: {  	[tilespmem:s24], [sflag:$0x6] =	stream.indirect.gather [hbm4b:s5+s17], $0x1, s22, s17, $0xb8;
	[tilespmem:$0x5400] =	vst v63  }
0xd1: {  	_ = 	snop  }
0xd2: {  	[tilespmem:s25], [sflag:$0x7] =	stream.indirect.gather [hbm4b:s6+s17], $0x1, s22, s17, $0xb8;
	[tilespmem:$0x5400] =	vst v63  }
0xd3: {  	_ = 	snop  }
0xd4: {  	[tilespmem:s26], [sflag:$0x8] =	stream.indirect.gather [hbm4b:s7+s17], $0x1, s22, s17, $0xb8;
	[tilespmem:$0x5400] =	vst v63  }
0xd5: {  	_ =	swait.ge [sflag:s28], $0x2800  }
0xd6: {  	[sflag:s28] =	ssyncset.done $0x0  }
0xd7: {  	[sflag:s28] =	ssyncadd.s32 $0xFFFFD800  }
0xd8: {  	_ =	swait.ge [sflag:s29], $0x50  }
0xd9: {  	[sflag:s29] =	ssyncset.done $0x0  }
0xda: {  	[sflag:s29] =	ssyncadd.s32 $0xFFFFFFB0  }
0xdb: {  	_ =	swait.ge [sflag:s30], $0x50  }
0xdc: {  	[sflag:s30] =	ssyncset.done $0x0  }
0xdd: {  	[sflag:s30] =	ssyncadd.s32 $0xFFFFFFB0  }
0xde: {  	_ =	swait.ge [sflag:s31], $0x50  }
0xdf: {  	s10 =	sadd.s32 $0xA00, s15;
	[sflag:s31] =	ssyncset.done $0x0  }
0xe0: {  	s12 =	sadd.s32 $0xFFFFFB00, s10;
	[sflag:s31] =	ssyncadd.s32 $0xFFFFFFB0  }
0xe1: {  	[hbm4b:s12+s3] =	stream.linear.scatter [tilespmem:s18], [sflag:$0x9], $0x2800, $0x38;
	[tilespmem:$0x5400] =	vst v63  }
0xe2: {  	_ =	swait.ge [sflag:s16], $0x2800  }
0xe3: {  	s13 =	rddreg [dreg:$0xa];
	[sflag:s16] =	ssyncset.done $0x0  }
0xe4: {  	[sflag:s16] =	ssyncadd.s32 $0xFFFFD800;
	s12 =	sadd.s32 s11, s13  }
0xe5: {  	[hbm4b:s12+s3] =	stream.linear.scatter [tilespmem:s19], [sflag:$0x9], $0x50, $0x38;
	[tilespmem:$0x5400] =	vst v63  }
0xe6: {  	_ =	swait.ge [sflag:s16], $0x50  }
0xe7: {  	s15 =	rddreg [dreg:$0x9];
	[sflag:s16] =	ssyncset.done $0x0  }
0xe8: {  	[sflag:s16] =	ssyncadd.s32 $0xFFFFFFB0;
	s12 =	sadd.s32 s11, s15  }
0xe9: {  	[hbm4b:s12+s3] =	stream.linear.scatter [tilespmem:s20], [sflag:$0x9], $0x50, $0x38;
	[tilespmem:$0x5400] =	vst v63  }
0xea: {  	_ =	swait.ge [sflag:s16], $0x50  }
0xeb: {  	s13 =	rddreg [dreg:$0x8];
	[sflag:s16] =	ssyncset.done $0x0  }
0xec: {  	[sflag:s16] =	ssyncadd.s32 $0xFFFFFFB0;
	s12 =	sadd.s32 s11, s13  }
0xed: {  	[hbm4b:s12+s3] =	stream.linear.scatter [tilespmem:s21], [sflag:$0x9], $0x50, $0x38;
	[tilespmem:$0x5400] =	vst v63  }
0xee: {  	s15 =	sadd.s32 $0xA0, s14;
	_ =	swait.ge [sflag:s16], $0x50  }
0xef: {  	s12 =	sshrl.u32 s15, $0x3;
	[sflag:s16] =	ssyncset.done $0x0  }
0xf0: {  	s12 =	sadd.s32 s1, s12;
	[sflag:s16] =	ssyncadd.s32 $0xFFFFFFB0  }
0xf1: {  	[tilespmem:s3], [sflag:$0x9] =	stream.linear.gather [hbm4b:s12+s3], $0x50, $0x38;
	[tilespmem:$0x5400] =	vst v63  }
0xf2: {  	_ =	swait.ge [sflag:s16], $0x50  }
0xf3: {  	[sflag:s16] =	ssyncset.done $0x0  }
0xf4: {  	[sflag:s16] =	ssyncadd.s32 $0xFFFFFFB0  }
0xf5: {  	[tilespmem:s18], [sflag:$0x1] =	stream.indirect.gather [hbm4b:s2+s17], $0x80, s3, s17, $0xb8;
	[tilespmem:$0x5400] =	vst v63  }
0xf6: {  	_ = 	snop  }
0xf7: {  	[tilespmem:s19], [sflag:$0x2] =	stream.indirect.gather [hbm4b:s5+s17], $0x1, s3, s17, $0xb8;
	[tilespmem:$0x5400] =	vst v63  }
0xf8: {  	_ = 	snop  }
0xf9: {  	[tilespmem:s20], [sflag:$0x3] =	stream.indirect.gather [hbm4b:s6+s17], $0x1, s3, s17, $0xb8;
	[tilespmem:$0x5400] =	vst v63  }
0xfa: {  	_ = 	snop  }
0xfb: {  	[tilespmem:s21], [sflag:$0x4] =	stream.indirect.gather [hbm4b:s7+s17], $0x1, s3, s17, $0xb8;
	[tilespmem:$0x5400] =	vst v63  }
0xfc: {  	_ =	swait.ge [sflag:s0], $0x2800  }
0xfd: {  	[sflag:s0] =	ssyncset.done $0x0  }
0xfe: {  	[sflag:s0] =	ssyncadd.s32 $0xFFFFD800  }
0xff: {  	_ =	swait.ge [sflag:s4], $0x50  }
0x100: {  	[sflag:s4] =	ssyncset.done $0x0  }
0x101: {  	[sflag:s4] =	ssyncadd.s32 $0xFFFFFFB0  }
0x102: {  	_ =	swait.ge [sflag:s8], $0x50  }
0x103: {  	[sflag:s8] =	ssyncset.done $0x0  }
0x104: {  	[sflag:s8] =	ssyncadd.s32 $0xFFFFFFB0  }
0x105: {  	_ =	swait.ge [sflag:s9], $0x50  }
0x106: {  	[sflag:s9] =	ssyncset.done $0x0  }
0x107: {  	[sflag:s9] =	ssyncadd.s32 $0xFFFFFFB0  }
0x108: {  	[hbm4b:s10+s3] =	stream.linear.scatter [tilespmem:s23], [sflag:$0x9], $0x2800, $0x38;
	[tilespmem:$0x5400] =	vst v63  }
0x109: {  	_ =	swait.ge [sflag:s16], $0x2800  }
0x10a: {  	s12 =	rddreg [dreg:$0x6];
	[sflag:s16] =	ssyncset.done $0x0  }
0x10b: {  	[sflag:s16] =	ssyncadd.s32 $0xFFFFD800;
	s10 =	sadd.s32 s11, s12  }
0x10c: {  	[hbm4b:s10+s3] =	stream.linear.scatter [tilespmem:s24], [sflag:$0x9], $0x50, $0x38;
	[tilespmem:$0x5400] =	vst v63  }
0x10d: {  	_ =	swait.ge [sflag:s16], $0x50  }
0x10e: {  	s13 =	rddreg [dreg:$0x5];
	[sflag:s16] =	ssyncset.done $0x0  }
0x10f: {  	[sflag:s16] =	ssyncadd.s32 $0xFFFFFFB0;
	s10 =	sadd.s32 s11, s13  }
0x110: {  	[hbm4b:s10+s3] =	stream.linear.scatter [tilespmem:s25], [sflag:$0x9], $0x50, $0x38;
	[tilespmem:$0x5400] =	vst v63  }
0x111: {  	_ =	swait.ge [sflag:s16], $0x50  }
0x112: {  	s14 =	rddreg [dreg:$0x4];
	[sflag:s16] =	ssyncset.done $0x0  }
0x113: {  	s10 =	sadd.s32 s11, s14;
	[sflag:s16] =	ssyncadd.s32 $0xFFFFFFB0  }
0x114: {  	[hbm4b:s10+s3] =	stream.linear.scatter [tilespmem:s26], [sflag:$0x9], $0x50, $0x38;
	[tilespmem:$0x5400] =	vst v63  }
0x115: {  	_ =	swait.ge [sflag:s16], $0x50  }
0x116: {  	[sflag:s16] =	ssyncset.done $0x0  }
0x117: {  	[sflag:s16] =	ssyncadd.s32 $0xFFFFFFB0  }
0x118: {  	_ =	swait.ge [sflag:s28], $0x2800  }
0x119: {  	[sflag:s28] =	ssyncset.done $0x0  }
0x11a: {  	[sflag:s28] =	ssyncadd.s32 $0xFFFFD800  }
0x11b: {  	_ =	swait.ge [sflag:s29], $0x50  }
0x11c: {  	[sflag:s29] =	ssyncset.done $0x0  }
0x11d: {  	[sflag:s29] =	ssyncadd.s32 $0xFFFFFFB0  }
0x11e: {  	_ =	swait.ge [sflag:s30], $0x50  }
0x11f: {  	[sflag:s30] =	ssyncset.done $0x0  }
0x120: {  	[sflag:s30] =	ssyncadd.s32 $0xFFFFFFB0  }
0x121: {  	_ =	swait.ge [sflag:s31], $0x50  }
0x122: {  	[sflag:s31] =	ssyncset.done $0x0  }
0x123: {  	s15 =	rddreg [dreg:$0xc];
	[sflag:s31] =	ssyncadd.s32 $0xFFFFFFB0  }
0x124: {  	[hbm4b:s15+s3] =	stream.linear.scatter [tilespmem:s18], [sflag:$0x9], $0x2800, $0x38;
	[tilespmem:$0x5400] =	vst v63  }
0x125: {  	_ =	swait.ge [sflag:s16], $0x2800  }
0x126: {  	[sflag:s16] =	ssyncset.done $0x0  }
0x127: {  	s11 =	rddreg [dreg:$0xd];
	[sflag:s16] =	ssyncadd.s32 $0xFFFFD800  }
0x128: {  	[hbm4b:s11+s3] =	stream.linear.scatter [tilespmem:s19], [sflag:$0x9], $0x50, $0x38;
	[tilespmem:$0x5400] =	vst v63  }
0x129: {  	_ =	swait.ge [sflag:s16], $0x50  }
0x12a: {  	[sflag:s16] =	ssyncset.done $0x0  }
0x12b: {  	s12 =	rddreg [dreg:$0xe];
	[sflag:s16] =	ssyncadd.s32 $0xFFFFFFB0  }
0x12c: {  	[hbm4b:s12+s3] =	stream.linear.scatter [tilespmem:s20], [sflag:$0x9], $0x50, $0x38;
	[tilespmem:$0x5400] =	vst v63  }
0x12d: {  	_ =	swait.ge [sflag:s16], $0x50  }
0x12e: {  	[sflag:s16] =	ssyncset.done $0x0  }
0x12f: {  	s13 =	rddreg [dreg:$0xf];
	[sflag:s16] =	ssyncadd.s32 $0xFFFFFFB0  }
0x130: {  	[hbm4b:s13+s3] =	stream.linear.scatter [tilespmem:s21], [sflag:$0x9], $0x50, $0x38;
	[tilespmem:$0x5400] =	vst v63  }
0x131: {  	_ =	swait.ge [sflag:s16], $0x50  }
0x132: {  	s14 =	rddreg [dreg:$0x13]  }
0x133: {  	s15 =	rddreg [dreg:$0x10];
	s11 =	sadd.s32 $0x1, s14  }
0x134: {  	p0 =	sne.s32 s11, s15  }
.Ltmp1:
0x135: {  	_ = 	snop;
	(pc) =	sbr.rel @p0 .LBB2_1-.Ltmp1, $3  }
0x136: {  	_ =	sdelay $0x1  }
0x137: {  	[sflag:s16] =	ssyncset.done $0x0  }
0x138: {  	[sflag:s16] =	ssyncadd.s32 $0xFFFFFFB0  }
0x139: {  	_ =	sfence.sel $0x180000  }
0x13a: {  	[bflag:$0x0] =	sbarrier.arrive $0xFFFF  }
0x13b: {  	_ =	strace $0x90000047  }
0x13c: {  	s0 =	stileid.u32;
	[bflag:$0x2] =	sbarrier.arrive $0xFFFF  }
0x13d: {  	p0 =	sne.s32 s0, $0x0;
	s0 =	rddreg [dreg:$0x3]  }
0x13e: {  	s0 =	sadd.s32 @!p0 $0x100000, s0  }
0x13f: {  	[sflag:s0] =	ssyncadd.tile.s32 @!p0 $0x1;
	_ =	shalt  }
.Lfunc_end2:
_tile_overlayer_lowered:
.L_overlay_start_2:
0x140: {  	(tag) =	ssettag $0x2  }
0x141: {  	s0 =	rddreg [dreg:$0x0];
	s2 =	stileid.u32  }
0x142: {  	s1 =	rddreg [dreg:$0x1];
	p0 =	sne.s32 s2, $0x0  }
0x143: {  	s3 =	rddreg [dreg:$0x2];
	[bflag:$0x3] =	sbarrier.arrive $0xFFFF;
	s2 =	simm.s32 @!p0 $0x1C09  }
0x144: {  	[timem:s3], [sflag:s2] =	dma.local @!p0 [hbm:s0], s1  }
0x145: {  	s0 =	simm.s32 @!p0 $0x9  }
0x146: {  	_ =	swait.ge @!p0 [sflag:s0], s1  }
0x147: {  	s1 =	ssub.s32 @!p0 $0x0, s1;
	[sflag:s0] =	ssyncset.done @!p0 $0x0  }
0x148: {  	[sflag:s0] =	ssyncadd.s32 @!p0 s1  }
0x149: {  	[bflag:$0x3] =	sbarrier.arrive $0xFFFF  }
0x14a: {  	_ =	shalt  }

</sc_bundles>
